<compile_context>
chip_gen: v7x
topology: tpu7x:2x2x1
jax: 0.10.2.dev20260603
libtpu: 0.0.44.dev20260713+nightly
codegen_flags: <defaults>
</compile_context>

<pallas_src>
import jax
import jax.numpy as jnp
from jax import lax
from jax.experimental import pallas as pl
from jax.experimental.pallas import tpu as pltpu
from jax.experimental.pallas import tpu_sc as plsc

C = 1024
K = 8192
NUM_OPS = 64
NUM_CLASSES = 1000
BASELINE_DECAY = 0.99

NC = 2
NS = 16
NW = NC * NS
EPW = K // NW
CB = 64
NB = C // CB
LANES = 16


def _bfly(v, op):
    iota = lax.iota(jnp.int32, LANES)
    for d in (1, 2, 4, 8):
        v = op(v, v.at[iota ^ d].get(mode="promise_in_bounds",
                                     unique_indices=True))
    return v


def _body(an_hbm, ar_hbm, ea_hbm, idxn_hbm, idxr_hbm, outn_hbm, outr_hbm,
          ea_v, rew_v, idx_b, acc_v, row_v, sem0, sem1, sem2):
    wid = lax.axis_index("s") * NC + lax.axis_index("c")
    e0 = wid * EPW

    pltpu.sync_copy(ea_hbm, ea_v)

    def _sum_step(i, s):
        return s + ea_v[pl.ds(i * LANES, LANES)]
    tot = _bfly(lax.fori_loop(0, C // LANES, _sum_step,
                              jnp.zeros((LANES,), jnp.float32)), jnp.add)
    base0 = jnp.float32(1.0 / NUM_CLASSES)
    baseline = base0 + jnp.float32(BASELINE_DECAY) * (tot * jnp.float32(1.0 / C) - base0)
    rew_sum = tot - jnp.float32(C) * baseline

    def _rew_step(i, _):
        rew_v[pl.ds(i * LANES, LANES)] = ea_v[pl.ds(i * LANES, LANES)] - baseline
        return 0
    lax.fori_loop(0, C // LANES, _rew_step, 0)

    iota = lax.iota(jnp.int32, LANES)
    offs = [iota * NUM_OPS + j * (LANES * NUM_OPS) for j in range(EPW // LANES)]
    zero16 = jnp.zeros((LANES,), jnp.float32)

    for a_hbm, idx_hbm, out_hbm in ((an_hbm, idxn_hbm, outn_hbm),
                                    (ar_hbm, idxr_hbm, outr_hbm)):
        a_cp = pltpu.async_copy(a_hbm.at[pl.ds(e0, EPW)], row_v, sem2)

        def _start(b, buf):
            src = idx_hbm.at[pl.ds(b * CB, CB), pl.ds(e0, EPW)]
            if buf == 0:
                pltpu.async_copy(src, idx_b.at[0], sem0)
            else:
                pltpu.async_copy(src, idx_b.at[1], sem1)

        def _wait(buf):
            if buf == 0:
                pltpu.make_async_copy(idx_hbm.at[pl.ds(0, CB), pl.ds(e0, EPW)],
                                      idx_b.at[0], sem0).wait()
            else:
                pltpu.make_async_copy(idx_hbm.at[pl.ds(0, CB), pl.ds(e0, EPW)],
                                      idx_b.at[1], sem1).wait()

        _start(0, 0)

        @plsc.parallel_loop(0, EPW * NUM_OPS // LANES, 1, unroll=8)
        def _zero_step(i):
            acc_v[pl.ds(i * LANES, LANES)] = zero16

        def _block(b, _):
            cur = lax.rem(b, 2)

            @pl.when(b + 1 < NB)
            def _prefetch():
                @pl.when(cur == 0)
                def _p0():
                    _start(b + 1, 1)

                @pl.when(cur == 1)
                def _p1():
                    _start(b + 1, 0)

            def _clients(buf):
                @plsc.parallel_loop(0, CB, 1, unroll=8)
                def _client(ci):
                    rv = plsc.load_gather(
                        rew_v, [jnp.full((LANES,), b * CB + ci, jnp.int32)])
                    for j in range(EPW // LANES):
                        iv = idx_b[buf, ci, pl.ds(j * LANES, LANES)]
                        plsc.addupdate_scatter(acc_v, [iv + offs[j]], rv)

            @pl.when(cur == 0)
            def _c0():
                _wait(0)
                _clients(0)

            @pl.when(cur == 1)
            def _c1():
                _wait(1)
                _clients(1)
            return 0
        with jax.named_scope("scatter_phase"):
            lax.fori_loop(0, NB, _block, 0)

        a_cp.wait()

        with jax.named_scope("softmax_phase"):
            @plsc.parallel_loop(0, EPW, 1, unroll=4)
            def _row(e):
                xs = [row_v[e, pl.ds(i * LANES, LANES)] for i in range(NUM_OPS // LANES)]
                es = [jnp.exp(x) for x in xs]
                ssum = _bfly((es[0] + es[1]) + (es[2] + es[3]), jnp.add)
                k1 = rew_sum / (jnp.float32(C) * ssum)
                for i in range(NUM_OPS // LANES):
                    a = acc_v[pl.ds(e * NUM_OPS + i * LANES, LANES)]
                    row_v[e, pl.ds(i * LANES, LANES)] = es[i] * k1 - a * jnp.float32(1.0 / C)

        pltpu.sync_copy(row_v, out_hbm.at[pl.ds(e0, EPW)])


@jax.jit
def _grad_kernel(an, ar, ea, idxn, idxr):
    f = pl.kernel(
        _body,
        out_type=(jax.ShapeDtypeStruct((K, NUM_OPS), jnp.float32),
                  jax.ShapeDtypeStruct((K, NUM_OPS), jnp.float32)),
        mesh=plsc.VectorSubcoreMesh(core_axis_name="c", subcore_axis_name="s"),
        scratch_types=[
            pltpu.VMEM((C,), jnp.float32),
            pltpu.VMEM((C,), jnp.float32),
            pltpu.VMEM((2, CB, EPW), jnp.int32),
            pltpu.VMEM((EPW * NUM_OPS,), jnp.float32),
            pltpu.VMEM((EPW, NUM_OPS), jnp.float32),
            pltpu.SemaphoreType.DMA,
            pltpu.SemaphoreType.DMA,
            pltpu.SemaphoreType.DMA,
        ],
        compiler_params=pltpu.CompilerParams(needs_layout_passes=False),
    )
    return f(an, ar, ea, idxn, idxr)


def kernel(alphas_normal, alphas_reduce, epoch_acc, epoch_index_normal, epoch_index_reduce):
    idxn = epoch_index_normal.astype(jnp.int32)
    idxr = epoch_index_reduce.astype(jnp.int32)
    return _grad_kernel(alphas_normal, alphas_reduce, epoch_acc, idxn, idxr)

# --- scband reference (transcript-rebuilt; emitter-appended) ---
"""Pipeline reference for scband-architect-67920612819125 (READ-ONLY COPY).

The authoritative reference and input builder live on the scoring server;
editing this copy changes nothing except your own understanding.
"""

import jax, jax.numpy as jnp
import numpy as np

C = 1024          # total_clients
K = 8192          # number of supernet edges (rows of alphas)
NUM_OPS = 64      # len(PRIMITIVES)
NUM_CLASSES = 1000
BASELINE_DECAY = 0.99


def setup_inputs(seed: int = 0) -> dict:
    key = jax.random.key(seed)
    k1, k2, k3, k4, k5 = jax.random.split(key, 5)
    alphas_normal = 0.001 * jax.random.normal(k1, (K, NUM_OPS), dtype=jnp.float32)
    alphas_reduce = 0.001 * jax.random.normal(k2, (K, NUM_OPS), dtype=jnp.float32)
    epoch_acc = jax.random.uniform(k3, (C,), dtype=jnp.float32)
    epoch_index_normal = jax.random.randint(k4, (C, K), 0, NUM_OPS, dtype=jnp.int64 if jax.config.jax_enable_x64 else jnp.int32)
    epoch_index_reduce = jax.random.randint(k5, (C, K), 0, NUM_OPS, dtype=jnp.int64 if jax.config.jax_enable_x64 else jnp.int32)
    return {
        "alphas_normal": alphas_normal,
        "alphas_reduce": alphas_reduce,
        "epoch_acc": epoch_acc,
        "epoch_index_normal": epoch_index_normal,
        "epoch_index_reduce": epoch_index_reduce,
    }


def _compute_grad(alphas, rewards, index_list):
    # prob = softmax(alphas); per client: grad_c = prob with prob[e, idx_c[e]] -= 1,
    # accumulated as grad = mean_c reward_c * (prob - onehot(idx_c))
    #                     = (sum(rewards) * prob - scatter_add(reward_c at (e, idx))) / C
    prob = jax.nn.softmax(alphas, axis=-1)
    n_clients = rewards.shape[0]
    rows = jnp.broadcast_to(jnp.arange(alphas.shape[0])[None, :], index_list.shape)
    rew = jnp.broadcast_to(rewards[:, None], index_list.shape)
    scatter = jnp.zeros(alphas.shape, dtype=alphas.dtype).at[rows, index_list].add(rew)
    grad = (jnp.sum(rewards) * prob - scatter) / n_clients
    return grad


def reference(alphas_normal, alphas_reduce, epoch_acc, epoch_index_normal, epoch_index_reduce):
    # _compute_reward with fresh baseline = 1 / num_classes
    baseline = 1.0 / NUM_CLASSES
    avg_acc = jnp.mean(epoch_acc)
    baseline = baseline + BASELINE_DECAY * (avg_acc - baseline)
    rewards = epoch_acc - baseline
    normal_grad = _compute_grad(alphas_normal, rewards, epoch_index_normal)
    reduce_grad = _compute_grad(alphas_reduce, rewards, epoch_index_reduce)
    return normal_grad, reduce_grad


if False:  # reference __main__ guard neutralized (emitter)
    inp = setup_inputs()
    out = reference(**inp)
    print(out[0].shape, out[1].shape)

if __name__ == "__main__":
    import jax
    _d = setup_inputs()
    print(jax.jit(kernel)(*tuple(_d.values())))

</pallas_src>

<mosaic_0001>
#map = affine_map<(d0, d1) -> (0, 0)>
#map1 = affine_map<(d0, d1) -> (0)>
module attributes {stable_mosaic.version = 14 : i64} {
  func.func @_body(%arg0: i32, %arg1: i32, %arg2: memref<8192x64xf32, #tpu.memory_space<hbm>>, %arg3: memref<8192x64xf32, #tpu.memory_space<hbm>>, %arg4: memref<1024xf32, #tpu.memory_space<hbm>>, %arg5: memref<1024x8192xi32, #tpu.memory_space<hbm>>, %arg6: memref<1024x8192xi32, #tpu.memory_space<hbm>>, %arg7: memref<8192x64xf32, #tpu.memory_space<hbm>>, %arg8: memref<8192x64xf32, #tpu.memory_space<hbm>>, %arg9: memref<1024xf32, #tpu.memory_space<vmem>>, %arg10: memref<1024xf32, #tpu.memory_space<vmem>>, %arg11: memref<2x64x256xi32, #tpu.memory_space<vmem>>, %arg12: memref<16384xf32, #tpu.memory_space<vmem>>, %arg13: memref<256x64xf32, #tpu.memory_space<vmem>>, %arg14: memref<!tpu.dma_semaphore, #tpu.memory_space<semaphore_mem>>, %arg15: memref<!tpu.dma_semaphore, #tpu.memory_space<semaphore_mem>>, %arg16: memref<!tpu.dma_semaphore, #tpu.memory_space<semaphore_mem>>) attributes {dimension_semantics = [#tpu.dimension_semantics<core_parallel>, #tpu.dimension_semantics<subcore_parallel>], iteration_bounds = array<i64: 2, 16>, scalar_prefetch = 0 : i64, scratch_operands = 8 : i64, tpu.core_type = #tpu.core_type<sc_vector_subcore>, window_params = [{transform_indices = #map}, {transform_indices = #map}, {transform_indices = #map1}, {transform_indices = #map}, {transform_indices = #map}, {transform_indices = #map}, {transform_indices = #map}]} {
    %mul3A = arith.constant 2 : i32
    %mul3A_0 = arith.muli %arg1, %mul3A : i32
    %add3A = arith.addi %mul3A_0, %arg0 : i32
    %mul3A_1 = arith.constant 256 : i32
    %mul3A_2 = arith.muli %add3A, %mul3A_1 : i32
    "tpu.region"() ({
      %run_scoped3A = tpu.sem_alloc : memref<!tpu.dma_semaphore, #tpu.memory_space<semaphore_mem>>
      tpu.enqueue_dma source(%arg4 : memref<1024xf32, #tpu.memory_space<hbm>>) target(%arg9 : memref<1024xf32, #tpu.memory_space<vmem>>) target_semaphore(%run_scoped3A : memref<!tpu.dma_semaphore, #tpu.memory_space<semaphore_mem>>)
      tpu.wait_dma2 semaphore(%run_scoped3A : memref<!tpu.dma_semaphore, #tpu.memory_space<semaphore_mem>>) src(%arg4 : memref<1024xf32, #tpu.memory_space<hbm>>) dst(%arg9 : memref<1024xf32, #tpu.memory_space<vmem>>)
      tpu.yield
    }) : () -> ()
    %broadcast_in_dim3A = arith.constant 0.000000e+00 : f32
    %broadcast_in_dim3A_3 = vector.broadcast %broadcast_in_dim3A : f32 to vector<16xf32>
    %scan3A = arith.constant 0 : i32
    %scan3A_4 = arith.constant 64 : i32
    %scan3A_5 = arith.addi %scan3A, %scan3A_4 : i32
    %scan3A_6 = arith.constant 1 : i32
    %scan3A_7 = scf.for %scan3A_247 = %scan3A to %scan3A_5 step %scan3A_6 iter_args(%scan3A_248 = %broadcast_in_dim3A_3) -> (vector<16xf32>)  : i32 {
      %mul3A_249 = arith.constant 16 : i32
      %mul3A_250 = arith.muli %scan3A_247, %mul3A_249 : i32
      %get3A = arith.index_cast %mul3A_250 : i32 to index
      %get3A_251 = tpu.vector_load %arg9[%get3A] {strides = array<i32>} : memref<1024xf32, #tpu.memory_space<vmem>>, vector<16xf32>,
      %add3A_252 = arith.addf %scan3A_248, %get3A_251 : vector<16xf32>
      scf.yield %add3A_252 : vector<16xf32>
    }
    %scan3A_8 = arith.constant 64 : i32
    %iota3A = tpu.iota {dimensions = array<i32: 0>} : vector<16xi32>
    %xor3A = arith.constant 1 : i32
    %xor3A_9 = vector.broadcast %xor3A : i32 to vector<16xi32>
    %xor3A_10 = arith.xori %iota3A, %xor3A_9 : vector<16xi32>
    %lt3A = arith.constant 0 : i32
    %lt3A_11 = vector.broadcast %lt3A : i32 to vector<16xi32>
    %lt3A_12 = arith.cmpi slt, %xor3A_10, %lt3A_11 : vector<16xi32>
    %add3A_13 = arith.constant 16 : i32
    %add3A_14 = vector.broadcast %add3A_13 : i32 to vector<16xi32>
    %add3A_15 = arith.addi %xor3A_10, %add3A_14 : vector<16xi32>
    %select_n3A = arith.select %lt3A_12, %add3A_15, %xor3A_10 : vector<16xi1>, vector<16xi32>
    %broadcast_in_dim3A_16 = vector.shape_cast %select_n3A : vector<16xi32> to vector<16x1xi32>
    %gather3A = vector.shape_cast %broadcast_in_dim3A_16 : vector<16x1xi32> to vector<16xi32>
    %gather3A_17 = tpu.dynamic_gather %scan3A_7[%gather3A] in [0] : vector<16xf32>, vector<16xi32> -> vector<16xf32>
    %add3A_18 = arith.addf %scan3A_7, %gather3A_17 : vector<16xf32>
    %xor3A_19 = arith.constant 2 : i32
    %xor3A_20 = vector.broadcast %xor3A_19 : i32 to vector<16xi32>
    %xor3A_21 = arith.xori %iota3A, %xor3A_20 : vector<16xi32>
    %lt3A_22 = arith.constant 0 : i32
    %lt3A_23 = vector.broadcast %lt3A_22 : i32 to vector<16xi32>
    %lt3A_24 = arith.cmpi slt, %xor3A_21, %lt3A_23 : vector<16xi32>
    %add3A_25 = arith.constant 16 : i32
    %add3A_26 = vector.broadcast %add3A_25 : i32 to vector<16xi32>
    %add3A_27 = arith.addi %xor3A_21, %add3A_26 : vector<16xi32>
    %select_n3A_28 = arith.select %lt3A_24, %add3A_27, %xor3A_21 : vector<16xi1>, vector<16xi32>
    %broadcast_in_dim3A_29 = vector.shape_cast %select_n3A_28 : vector<16xi32> to vector<16x1xi32>
    %gather3A_30 = vector.shape_cast %broadcast_in_dim3A_29 : vector<16x1xi32> to vector<16xi32>
    %gather3A_31 = tpu.dynamic_gather %add3A_18[%gather3A_30] in [0] : vector<16xf32>, vector<16xi32> -> vector<16xf32>
    %add3A_32 = arith.addf %add3A_18, %gather3A_31 : vector<16xf32>
    %xor3A_33 = arith.constant 4 : i32
    %xor3A_34 = vector.broadcast %xor3A_33 : i32 to vector<16xi32>
    %xor3A_35 = arith.xori %iota3A, %xor3A_34 : vector<16xi32>
    %lt3A_36 = arith.constant 0 : i32
    %lt3A_37 = vector.broadcast %lt3A_36 : i32 to vector<16xi32>
    %lt3A_38 = arith.cmpi slt, %xor3A_35, %lt3A_37 : vector<16xi32>
    %add3A_39 = arith.constant 16 : i32
    %add3A_40 = vector.broadcast %add3A_39 : i32 to vector<16xi32>
    %add3A_41 = arith.addi %xor3A_35, %add3A_40 : vector<16xi32>
    %select_n3A_42 = arith.select %lt3A_38, %add3A_41, %xor3A_35 : vector<16xi1>, vector<16xi32>
    %broadcast_in_dim3A_43 = vector.shape_cast %select_n3A_42 : vector<16xi32> to vector<16x1xi32>
    %gather3A_44 = vector.shape_cast %broadcast_in_dim3A_43 : vector<16x1xi32> to vector<16xi32>
    %gather3A_45 = tpu.dynamic_gather %add3A_32[%gather3A_44] in [0] : vector<16xf32>, vector<16xi32> -> vector<16xf32>
    %add3A_46 = arith.addf %add3A_32, %gather3A_45 : vector<16xf32>
    %xor3A_47 = arith.constant 8 : i32
    %xor3A_48 = vector.broadcast %xor3A_47 : i32 to vector<16xi32>
    %xor3A_49 = arith.xori %iota3A, %xor3A_48 : vector<16xi32>
    %lt3A_50 = arith.constant 0 : i32
    %lt3A_51 = vector.broadcast %lt3A_50 : i32 to vector<16xi32>
    %lt3A_52 = arith.cmpi slt, %xor3A_49, %lt3A_51 : vector<16xi32>
    %add3A_53 = arith.constant 16 : i32
    %add3A_54 = vector.broadcast %add3A_53 : i32 to vector<16xi32>
    %add3A_55 = arith.addi %xor3A_49, %add3A_54 : vector<16xi32>
    %select_n3A_56 = arith.select %lt3A_52, %add3A_55, %xor3A_49 : vector<16xi1>, vector<16xi32>
    %broadcast_in_dim3A_57 = vector.shape_cast %select_n3A_56 : vector<16xi32> to vector<16x1xi32>
    %gather3A_58 = vector.shape_cast %broadcast_in_dim3A_57 : vector<16x1xi32> to vector<16xi32>
    %gather3A_59 = tpu.dynamic_gather %add3A_46[%gather3A_58] in [0] : vector<16xf32>, vector<16xi32> -> vector<16xf32>
    %add3A_60 = arith.addf %add3A_46, %gather3A_59 : vector<16xf32>
    %mul3A_61 = arith.constant 9.765625E-4 : f32
    %mul3A_62 = vector.broadcast %mul3A_61 : f32 to vector<16xf32>
    %mul3A_63 = arith.mulf %add3A_60, %mul3A_62 : vector<16xf32>
    %sub3A = arith.constant 1.000000e-03 : f32
    %sub3A_64 = vector.broadcast %sub3A : f32 to vector<16xf32>
    %sub3A_65 = arith.subf %mul3A_63, %sub3A_64 : vector<16xf32>
    %mul3A_66 = arith.constant 9.900000e-01 : f32
    %mul3A_67 = vector.broadcast %mul3A_66 : f32 to vector<16xf32>
    %mul3A_68 = arith.mulf %mul3A_67, %sub3A_65 : vector<16xf32>
    %add3A_69 = arith.constant 1.000000e-03 : f32
    %add3A_70 = vector.broadcast %add3A_69 : f32 to vector<16xf32>
    %add3A_71 = arith.addf %add3A_70, %mul3A_68 : vector<16xf32>
    %mul3A_72 = arith.constant 1.024000e+03 : f32
    %mul3A_73 = vector.broadcast %mul3A_72 : f32 to vector<16xf32>
    %mul3A_74 = arith.mulf %mul3A_73, %add3A_71 : vector<16xf32>
    %sub3A_75 = arith.subf %add3A_60, %mul3A_74 : vector<16xf32>
    %scan3A_76 = arith.constant 0 : i32
    %scan3A_77 = arith.constant 0 : i32
    %scan3A_78 = arith.constant 64 : i32
    %scan3A_79 = arith.addi %scan3A_77, %scan3A_78 : i32
    %scan3A_80 = arith.constant 1 : i32
    %scan3A_81 = scf.for %scan3A_247 = %scan3A_77 to %scan3A_79 step %scan3A_80 iter_args(%scan3A_248 = %scan3A_76) -> (i32)  : i32 {
      %mul3A_249 = arith.constant 16 : i32
      %mul3A_250 = arith.muli %scan3A_247, %mul3A_249 : i32
      %get3A = arith.index_cast %mul3A_250 : i32 to index
      %get3A_251 = tpu.vector_load %arg9[%get3A] {strides = array<i32>} : memref<1024xf32, #tpu.memory_space<vmem>>, vector<16xf32>,
      %sub3A_252 = arith.subf %get3A_251, %add3A_71 : vector<16xf32>
      %mul3A_253 = arith.constant 16 : i32
      %mul3A_254 = arith.muli %scan3A_247, %mul3A_253 : i32
      %swap3A = arith.index_cast %mul3A_254 : i32 to index
      %swap3A_255 = tpu.vector_load %arg10[%swap3A] {strides = array<i32>} : memref<1024xf32, #tpu.memory_space<vmem>>, vector<16xf32>,
      tpu.vector_store %arg10[%swap3A], %sub3A_252 {strides = array<i32>} : memref<1024xf32, #tpu.memory_space<vmem>>, vector<16xf32>,
      %scan3A_256 = arith.constant 0 : i32
      scf.yield %scan3A_256 : i32
    }
    %scan3A_82 = arith.constant 64 : i32
    %iota3A_83 = tpu.iota {dimensions = array<i32: 0>} : vector<16xi32>
    %mul3A_84 = arith.constant 64 : i32
    %mul3A_85 = vector.broadcast %mul3A_84 : i32 to vector<16xi32>
    %mul3A_86 = arith.muli %iota3A_83, %mul3A_85 : vector<16xi32>
    %add3A_87 = arith.constant 0 : i32
    %add3A_88 = vector.broadcast %add3A_87 : i32 to vector<16xi32>
    %add3A_89 = arith.addi %mul3A_86, %add3A_88 : vector<16xi32>
    %mul3A_90 = arith.constant 64 : i32
    %mul3A_91 = vector.broadcast %mul3A_90 : i32 to vector<16xi32>
    %mul3A_92 = arith.muli %iota3A_83, %mul3A_91 : vector<16xi32>
    %add3A_93 = arith.constant 1024 : i32
    %add3A_94 = vector.broadcast %add3A_93 : i32 to vector<16xi32>
    %add3A_95 = arith.addi %mul3A_92, %add3A_94 : vector<16xi32>
    %mul3A_96 = arith.constant 64 : i32
    %mul3A_97 = vector.broadcast %mul3A_96 : i32 to vector<16xi32>
    %mul3A_98 = arith.muli %iota3A_83, %mul3A_97 : vector<16xi32>
    %add3A_99 = arith.constant 2048 : i32
    %add3A_100 = vector.broadcast %add3A_99 : i32 to vector<16xi32>
    %add3A_101 = arith.addi %mul3A_98, %add3A_100 : vector<16xi32>
    %mul3A_102 = arith.constant 64 : i32
    %mul3A_103 = vector.broadcast %mul3A_102 : i32 to vector<16xi32>
    %mul3A_104 = arith.muli %iota3A_83, %mul3A_103 : vector<16xi32>
    %add3A_105 = arith.constant 3072 : i32
    %add3A_106 = vector.broadcast %add3A_105 : i32 to vector<16xi32>
    %add3A_107 = arith.addi %mul3A_104, %add3A_106 : vector<16xi32>
    %mul3A_108 = arith.constant 64 : i32
    %mul3A_109 = vector.broadcast %mul3A_108 : i32 to vector<16xi32>
    %mul3A_110 = arith.muli %iota3A_83, %mul3A_109 : vector<16xi32>
    %add3A_111 = arith.constant 4096 : i32
    %add3A_112 = vector.broadcast %add3A_111 : i32 to vector<16xi32>
    %add3A_113 = arith.addi %mul3A_110, %add3A_112 : vector<16xi32>
    %mul3A_114 = arith.constant 64 : i32
    %mul3A_115 = vector.broadcast %mul3A_114 : i32 to vector<16xi32>
    %mul3A_116 = arith.muli %iota3A_83, %mul3A_115 : vector<16xi32>
    %add3A_117 = arith.constant 5120 : i32
    %add3A_118 = vector.broadcast %add3A_117 : i32 to vector<16xi32>
    %add3A_119 = arith.addi %mul3A_116, %add3A_118 : vector<16xi32>
    %mul3A_120 = arith.constant 64 : i32
    %mul3A_121 = vector.broadcast %mul3A_120 : i32 to vector<16xi32>
    %mul3A_122 = arith.muli %iota3A_83, %mul3A_121 : vector<16xi32>
    %add3A_123 = arith.constant 6144 : i32
    %add3A_124 = vector.broadcast %add3A_123 : i32 to vector<16xi32>
    %add3A_125 = arith.addi %mul3A_122, %add3A_124 : vector<16xi32>
    %mul3A_126 = arith.constant 64 : i32
    %mul3A_127 = vector.broadcast %mul3A_126 : i32 to vector<16xi32>
    %mul3A_128 = arith.muli %iota3A_83, %mul3A_127 : vector<16xi32>
    %add3A_129 = arith.constant 7168 : i32
    %add3A_130 = vector.broadcast %add3A_129 : i32 to vector<16xi32>
    %add3A_131 = arith.addi %mul3A_128, %add3A_130 : vector<16xi32>
    %mul3A_132 = arith.constant 64 : i32
    %mul3A_133 = vector.broadcast %mul3A_132 : i32 to vector<16xi32>
    %mul3A_134 = arith.muli %iota3A_83, %mul3A_133 : vector<16xi32>
    %add3A_135 = arith.constant 8192 : i32
    %add3A_136 = vector.broadcast %add3A_135 : i32 to vector<16xi32>
    %add3A_137 = arith.addi %mul3A_134, %add3A_136 : vector<16xi32>
    %mul3A_138 = arith.constant 64 : i32
    %mul3A_139 = vector.broadcast %mul3A_138 : i32 to vector<16xi32>
    %mul3A_140 = arith.muli %iota3A_83, %mul3A_139 : vector<16xi32>
    %add3A_141 = arith.constant 9216 : i32
    %add3A_142 = vector.broadcast %add3A_141 : i32 to vector<16xi32>
    %add3A_143 = arith.addi %mul3A_140, %add3A_142 : vector<16xi32>
    %mul3A_144 = arith.constant 64 : i32
    %mul3A_145 = vector.broadcast %mul3A_144 : i32 to vector<16xi32>
    %mul3A_146 = arith.muli %iota3A_83, %mul3A_145 : vector<16xi32>
    %add3A_147 = arith.constant 10240 : i32
    %add3A_148 = vector.broadcast %add3A_147 : i32 to vector<16xi32>
    %add3A_149 = arith.addi %mul3A_146, %add3A_148 : vector<16xi32>
    %mul3A_150 = arith.constant 64 : i32
    %mul3A_151 = vector.broadcast %mul3A_150 : i32 to vector<16xi32>
    %mul3A_152 = arith.muli %iota3A_83, %mul3A_151 : vector<16xi32>
    %add3A_153 = arith.constant 11264 : i32
    %add3A_154 = vector.broadcast %add3A_153 : i32 to vector<16xi32>
    %add3A_155 = arith.addi %mul3A_152, %add3A_154 : vector<16xi32>
    %mul3A_156 = arith.constant 64 : i32
    %mul3A_157 = vector.broadcast %mul3A_156 : i32 to vector<16xi32>
    %mul3A_158 = arith.muli %iota3A_83, %mul3A_157 : vector<16xi32>
    %add3A_159 = arith.constant 12288 : i32
    %add3A_160 = vector.broadcast %add3A_159 : i32 to vector<16xi32>
    %add3A_161 = arith.addi %mul3A_158, %add3A_160 : vector<16xi32>
    %mul3A_162 = arith.constant 64 : i32
    %mul3A_163 = vector.broadcast %mul3A_162 : i32 to vector<16xi32>
    %mul3A_164 = arith.muli %iota3A_83, %mul3A_163 : vector<16xi32>
    %add3A_165 = arith.constant 13312 : i32
    %add3A_166 = vector.broadcast %add3A_165 : i32 to vector<16xi32>
    %add3A_167 = arith.addi %mul3A_164, %add3A_166 : vector<16xi32>
    %mul3A_168 = arith.constant 64 : i32
    %mul3A_169 = vector.broadcast %mul3A_168 : i32 to vector<16xi32>
    %mul3A_170 = arith.muli %iota3A_83, %mul3A_169 : vector<16xi32>
    %add3A_171 = arith.constant 14336 : i32
    %add3A_172 = vector.broadcast %add3A_171 : i32 to vector<16xi32>
    %add3A_173 = arith.addi %mul3A_170, %add3A_172 : vector<16xi32>
    %mul3A_174 = arith.constant 64 : i32
    %mul3A_175 = vector.broadcast %mul3A_174 : i32 to vector<16xi32>
    %mul3A_176 = arith.muli %iota3A_83, %mul3A_175 : vector<16xi32>
    %add3A_177 = arith.constant 15360 : i32
    %add3A_178 = vector.broadcast %add3A_177 : i32 to vector<16xi32>
    %add3A_179 = arith.addi %mul3A_176, %add3A_178 : vector<16xi32>
    %broadcast_in_dim3A_180 = arith.constant 0.000000e+00 : f32
    %broadcast_in_dim3A_181 = vector.broadcast %broadcast_in_dim3A_180 : f32 to vector<16xf32>
    %dma_start3A = arith.constant 0 : i32
    %dma_start3A_182 = tpu.memref_slice %arg2[%mul3A_2, %dma_start3A] : memref<8192x64xf32, #tpu.memory_space<hbm>> -> memref<256x64xf32, #tpu.memory_space<hbm>>
    %dma_start3A_183 = arith.constant 0 : i32
    %dma_start3A_184 = tpu.memref_slice %arg2[%mul3A_2, %dma_start3A_183] : memref<8192x64xf32, #tpu.memory_space<hbm>> -> memref<256x64xf32, #tpu.memory_space<hbm>>
    tpu.enqueue_dma source(%dma_start3A_184 : memref<256x64xf32, #tpu.memory_space<hbm>>) target(%arg13 : memref<256x64xf32, #tpu.memory_space<vmem>>) target_semaphore(%arg16 : memref<!tpu.dma_semaphore, #tpu.memory_space<semaphore_mem>>)
    %dma_start3A_185 = arith.constant 0 : i32
    %dma_start3A_186 = arith.constant 0 : i32
    %dma_start3A_187 = arith.constant 0 : i32
    %dma_start3A_188 = tpu.memref_slice %arg11[%dma_start3A_185, %dma_start3A_186, %dma_start3A_187] : memref<2x64x256xi32, #tpu.memory_space<vmem>> -> memref<1x64x256xi32, #tpu.memory_space<vmem>>
    %dma_start3A_189 = tpu.memref_squeeze %dma_start3A_188 : memref<1x64x256xi32, #tpu.memory_space<vmem>> -> memref<64x256xi32, #tpu.memory_space<vmem>>
    %dma_start3A_190 = arith.constant 0 : i32
    %dma_start3A_191 = tpu.memref_slice %arg5[%dma_start3A_190, %mul3A_2] : memref<1024x8192xi32, #tpu.memory_space<hbm>> -> memref<64x256xi32, #tpu.memory_space<hbm>>
    %dma_start3A_192 = arith.constant 0 : i32
    %dma_start3A_193 = arith.constant 0 : i32
    %dma_start3A_194 = tpu.memref_slice %arg11[%dma_start3A_185, %dma_start3A_192, %dma_start3A_193] : memref<2x64x256xi32, #tpu.memory_space<vmem>> -> memref<1x64x256xi32, #tpu.memory_space<vmem>>
    %dma_start3A_195 = tpu.memref_squeeze %dma_start3A_194 : memref<1x64x256xi32, #tpu.memory_space<vmem>> -> memref<64x256xi32, #tpu.memory_space<vmem>>
    %dma_start3A_196 = arith.constant 0 : i32
    %dma_start3A_197 = tpu.memref_slice %arg5[%dma_start3A_196, %mul3A_2] : memref<1024x8192xi32, #tpu.memory_space<hbm>> -> memref<64x256xi32, #tpu.memory_space<hbm>>
    tpu.enqueue_dma source(%dma_start3A_197 : memref<64x256xi32, #tpu.memory_space<hbm>>) target(%dma_start3A_195 : memref<64x256xi32, #tpu.memory_space<vmem>>) target_semaphore(%arg14 : memref<!tpu.dma_semaphore, #tpu.memory_space<semaphore_mem>>)
    %parallel_loop3A = arith.constant 0 : i32
    %parallel_loop3A_198 = arith.constant 1024 : i32
    %parallel_loop3A_199 = arith.constant 1 : i32
    scf.for %parallel_loop3A_247 = %parallel_loop3A to %parallel_loop3A_198 step %parallel_loop3A_199  : i32 {
      %parallel_loop3A_248 = arith.constant 16 : i32
      %parallel_loop3A_249 = arith.muli %parallel_loop3A_247, %parallel_loop3A_248 : i32
      %parallel_loop3A_250 = arith.index_cast %parallel_loop3A_249 : i32 to index
      %parallel_loop3A_251 = tpu.vector_load %arg12[%parallel_loop3A_250] {strides = array<i32>} : memref<16384xf32, #tpu.memory_space<vmem>>, vector<16xf32>,
      tpu.vector_store %arg12[%parallel_loop3A_250], %broadcast_in_dim3A_181 {strides = array<i32>} : memref<16384xf32, #tpu.memory_space<vmem>>, vector<16xf32>,
    } {sc.loop_unroll_factor = 8 : i64, sc.parallel_access}
    "tpu.trace_start"() <{level = 10 : i32, message = "scatter_phase"}> : () -> ()
    %scan3A_200 = arith.constant 0 : i32
    %scan3A_201 = arith.constant 0 : i32
    %scan3A_202 = arith.constant 16 : i32
    %scan3A_203 = arith.addi %scan3A_201, %scan3A_202 : i32
    %scan3A_204 = arith.constant 1 : i32
    %scan3A_205 = scf.for %scan3A_247 = %scan3A_201 to %scan3A_203 step %scan3A_204 iter_args(%scan3A_248 = %scan3A_200) -> (i32)  : i32 {
      %rem3A = arith.constant 2 : i32
      %rem3A_249 = arith.remsi %scan3A_247, %rem3A : i32
      %add3A_250 = arith.constant 1 : i32
      %add3A_251 = arith.addi %scan3A_247, %add3A_250 : i32
      %lt3A_252 = arith.constant 16 : i32
      %lt3A_253 = arith.cmpi slt, %add3A_251, %lt3A_252 : i32
      %convert_element_type3A = arith.extui %lt3A_253 : i1 to i32
      %cond3A = arith.constant 0 : i32
      %cond3A_254 = arith.cmpi ne, %convert_element_type3A, %cond3A : i32
      scf.if %cond3A_254 {
        %eq3A_265 = arith.constant 0 : i32
        %eq3A_266 = arith.cmpi eq, %rem3A_249, %eq3A_265 : i32
        %convert_element_type3A_267 = arith.extui %eq3A_266 : i1 to i32
        %cond3A_268 = arith.constant 0 : i32
        %cond3A_269 = arith.cmpi ne, %convert_element_type3A_267, %cond3A_268 : i32
        scf.if %cond3A_269 {
          %add3A_275 = arith.constant 1 : i32
          %add3A_276 = arith.addi %scan3A_247, %add3A_275 : i32
          %mul3A_277 = arith.constant 64 : i32
          %mul3A_278 = arith.muli %add3A_276, %mul3A_277 : i32
          %dma_start3A_279 = arith.constant 1 : i32
          %dma_start3A_280 = arith.constant 0 : i32
          %dma_start3A_281 = arith.constant 0 : i32
          %dma_start3A_282 = tpu.memref_slice %arg11[%dma_start3A_279, %dma_start3A_280, %dma_start3A_281] : memref<2x64x256xi32, #tpu.memory_space<vmem>> -> memref<1x64x256xi32, #tpu.memory_space<vmem>>
          %dma_start3A_283 = tpu.memref_squeeze %dma_start3A_282 : memref<1x64x256xi32, #tpu.memory_space<vmem>> -> memref<64x256xi32, #tpu.memory_space<vmem>>
          %dma_start3A_284 = tpu.memref_slice %arg5[%mul3A_278, %mul3A_2] : memref<1024x8192xi32, #tpu.memory_space<hbm>> -> memref<64x256xi32, #tpu.memory_space<hbm>>
          %dma_start3A_285 = arith.constant 0 : i32
          %dma_start3A_286 = arith.constant 0 : i32
          %dma_start3A_287 = tpu.memref_slice %arg11[%dma_start3A_279, %dma_start3A_285, %dma_start3A_286] : memref<2x64x256xi32, #tpu.memory_space<vmem>> -> memref<1x64x256xi32, #tpu.memory_space<vmem>>
          %dma_start3A_288 = tpu.memref_squeeze %dma_start3A_287 : memref<1x64x256xi32, #tpu.memory_space<vmem>> -> memref<64x256xi32, #tpu.memory_space<vmem>>
          %dma_start3A_289 = tpu.memref_slice %arg5[%mul3A_278, %mul3A_2] : memref<1024x8192xi32, #tpu.memory_space<hbm>> -> memref<64x256xi32, #tpu.memory_space<hbm>>
          tpu.enqueue_dma source(%dma_start3A_289 : memref<64x256xi32, #tpu.memory_space<hbm>>) target(%dma_start3A_288 : memref<64x256xi32, #tpu.memory_space<vmem>>) target_semaphore(%arg15 : memref<!tpu.dma_semaphore, #tpu.memory_space<semaphore_mem>>)
        } else {
        }
        %eq3A_270 = arith.constant 1 : i32
        %eq3A_271 = arith.cmpi eq, %rem3A_249, %eq3A_270 : i32
        %convert_element_type3A_272 = arith.extui %eq3A_271 : i1 to i32
        %cond3A_273 = arith.constant 0 : i32
        %cond3A_274 = arith.cmpi ne, %convert_element_type3A_272, %cond3A_273 : i32
        scf.if %cond3A_274 {
          %add3A_275 = arith.constant 1 : i32
          %add3A_276 = arith.addi %scan3A_247, %add3A_275 : i32
          %mul3A_277 = arith.constant 64 : i32
          %mul3A_278 = arith.muli %add3A_276, %mul3A_277 : i32
          %dma_start3A_279 = arith.constant 0 : i32
          %dma_start3A_280 = arith.constant 0 : i32
          %dma_start3A_281 = arith.constant 0 : i32
          %dma_start3A_282 = tpu.memref_slice %arg11[%dma_start3A_279, %dma_start3A_280, %dma_start3A_281] : memref<2x64x256xi32, #tpu.memory_space<vmem>> -> memref<1x64x256xi32, #tpu.memory_space<vmem>>
          %dma_start3A_283 = tpu.memref_squeeze %dma_start3A_282 : memref<1x64x256xi32, #tpu.memory_space<vmem>> -> memref<64x256xi32, #tpu.memory_space<vmem>>
          %dma_start3A_284 = tpu.memref_slice %arg5[%mul3A_278, %mul3A_2] : memref<1024x8192xi32, #tpu.memory_space<hbm>> -> memref<64x256xi32, #tpu.memory_space<hbm>>
          %dma_start3A_285 = arith.constant 0 : i32
          %dma_start3A_286 = arith.constant 0 : i32
          %dma_start3A_287 = tpu.memref_slice %arg11[%dma_start3A_279, %dma_start3A_285, %dma_start3A_286] : memref<2x64x256xi32, #tpu.memory_space<vmem>> -> memref<1x64x256xi32, #tpu.memory_space<vmem>>
          %dma_start3A_288 = tpu.memref_squeeze %dma_start3A_287 : memref<1x64x256xi32, #tpu.memory_space<vmem>> -> memref<64x256xi32, #tpu.memory_space<vmem>>
          %dma_start3A_289 = tpu.memref_slice %arg5[%mul3A_278, %mul3A_2] : memref<1024x8192xi32, #tpu.memory_space<hbm>> -> memref<64x256xi32, #tpu.memory_space<hbm>>
          tpu.enqueue_dma source(%dma_start3A_289 : memref<64x256xi32, #tpu.memory_space<hbm>>) target(%dma_start3A_288 : memref<64x256xi32, #tpu.memory_space<vmem>>) target_semaphore(%arg14 : memref<!tpu.dma_semaphore, #tpu.memory_space<semaphore_mem>>)
        } else {
        }
      } else {
      }
      %eq3A = arith.constant 0 : i32
      %eq3A_255 = arith.cmpi eq, %rem3A_249, %eq3A : i32
      %convert_element_type3A_256 = arith.extui %eq3A_255 : i1 to i32
      %cond3A_257 = arith.constant 0 : i32
      %cond3A_258 = arith.cmpi ne, %convert_element_type3A_256, %cond3A_257 : i32
      scf.if %cond3A_258 {
        %dma_wait3A_265 = arith.constant 0 : i32
        %dma_wait3A_266 = arith.constant 0 : i32
        %dma_wait3A_267 = arith.constant 0 : i32
        %dma_wait3A_268 = tpu.memref_slice %arg11[%dma_wait3A_265, %dma_wait3A_266, %dma_wait3A_267] : memref<2x64x256xi32, #tpu.memory_space<vmem>> -> memref<1x64x256xi32, #tpu.memory_space<vmem>>
        %dma_wait3A_269 = tpu.memref_squeeze %dma_wait3A_268 : memref<1x64x256xi32, #tpu.memory_space<vmem>> -> memref<64x256xi32, #tpu.memory_space<vmem>>
        %dma_wait3A_270 = arith.constant 0 : i32
        %dma_wait3A_271 = tpu.memref_slice %arg5[%dma_wait3A_270, %mul3A_2] : memref<1024x8192xi32, #tpu.memory_space<hbm>> -> memref<64x256xi32, #tpu.memory_space<hbm>>
        %dma_wait3A_272 = arith.constant 0 : i32
        %dma_wait3A_273 = arith.constant 0 : i32
        %dma_wait3A_274 = tpu.memref_slice %arg11[%dma_wait3A_265, %dma_wait3A_272, %dma_wait3A_273] : memref<2x64x256xi32, #tpu.memory_space<vmem>> -> memref<1x64x256xi32, #tpu.memory_space<vmem>>
        %dma_wait3A_275 = tpu.memref_squeeze %dma_wait3A_274 : memref<1x64x256xi32, #tpu.memory_space<vmem>> -> memref<64x256xi32, #tpu.memory_space<vmem>>
        %dma_wait3A_276 = arith.constant 0 : i32
        %dma_wait3A_277 = tpu.memref_slice %arg5[%dma_wait3A_276, %mul3A_2] : memref<1024x8192xi32, #tpu.memory_space<hbm>> -> memref<64x256xi32, #tpu.memory_space<hbm>>
        tpu.wait_dma2 semaphore(%arg14 : memref<!tpu.dma_semaphore, #tpu.memory_space<semaphore_mem>>) src(%dma_wait3A_277 : memref<64x256xi32, #tpu.memory_space<hbm>>) dst(%dma_wait3A_275 : memref<64x256xi32, #tpu.memory_space<vmem>>)
        %parallel_loop3A_278 = arith.constant 0 : i32
        %parallel_loop3A_279 = arith.constant 64 : i32
        %parallel_loop3A_280 = arith.constant 1 : i32
        scf.for %parallel_loop3A_281 = %parallel_loop3A_278 to %parallel_loop3A_279 step %parallel_loop3A_280  : i32 {
          %parallel_loop3A_282 = arith.constant 64 : i32
          %parallel_loop3A_283 = arith.muli %scan3A_247, %parallel_loop3A_282 : i32
          %parallel_loop3A_284 = arith.addi %parallel_loop3A_283, %parallel_loop3A_281 : i32
          %parallel_loop3A_285 = vector.broadcast %parallel_loop3A_284 : i32 to vector<16xi32>
          %parallel_loop3A_286 = tpu.vector_load_idx %arg10[%parallel_loop3A_285] : memref<1024xf32, #tpu.memory_space<vmem>>[vector<16xi32>], vector<16xf32>,
          %parallel_loop3A_287 = arith.constant 0 : i32
          %parallel_loop3A_288 = arith.index_cast %parallel_loop3A_287 : i32 to index
          %parallel_loop3A_289 = arith.index_cast %parallel_loop3A_281 : i32 to index
          %parallel_loop3A_290 = arith.constant 0 : index
          %parallel_loop3A_291 = tpu.vector_load %arg11[%parallel_loop3A_288, %parallel_loop3A_289, %parallel_loop3A_290] {strides = array<i32>} : memref<2x64x256xi32, #tpu.memory_space<vmem>>, vector<16xi32>,
          %parallel_loop3A_292 = arith.addi %parallel_loop3A_291, %add3A_89 : vector<16xi32>
          tpu.vector_store_idx %arg12[%parallel_loop3A_292], %parallel_loop3A_286 {add = true} : memref<16384xf32, #tpu.memory_space<vmem>>[vector<16xi32>], vector<16xf32>,
          %parallel_loop3A_293 = arith.constant 0 : i32
          %parallel_loop3A_294 = arith.index_cast %parallel_loop3A_293 : i32 to index
          %parallel_loop3A_295 = arith.index_cast %parallel_loop3A_281 : i32 to index
          %parallel_loop3A_296 = arith.constant 16 : index
          %parallel_loop3A_297 = tpu.vector_load %arg11[%parallel_loop3A_294, %parallel_loop3A_295, %parallel_loop3A_296] {strides = array<i32>} : memref<2x64x256xi32, #tpu.memory_space<vmem>>, vector<16xi32>,
          %parallel_loop3A_298 = arith.addi %parallel_loop3A_297, %add3A_95 : vector<16xi32>
          tpu.vector_store_idx %arg12[%parallel_loop3A_298], %parallel_loop3A_286 {add = true} : memref<16384xf32, #tpu.memory_space<vmem>>[vector<16xi32>], vector<16xf32>,
          %parallel_loop3A_299 = arith.constant 0 : i32
          %parallel_loop3A_300 = arith.index_cast %parallel_loop3A_299 : i32 to index
          %parallel_loop3A_301 = arith.index_cast %parallel_loop3A_281 : i32 to index
          %parallel_loop3A_302 = arith.constant 32 : index
          %parallel_loop3A_303 = tpu.vector_load %arg11[%parallel_loop3A_300, %parallel_loop3A_301, %parallel_loop3A_302] {strides = array<i32>} : memref<2x64x256xi32, #tpu.memory_space<vmem>>, vector<16xi32>,
          %parallel_loop3A_304 = arith.addi %parallel_loop3A_303, %add3A_101 : vector<16xi32>
          tpu.vector_store_idx %arg12[%parallel_loop3A_304], %parallel_loop3A_286 {add = true} : memref<16384xf32, #tpu.memory_space<vmem>>[vector<16xi32>], vector<16xf32>,
          %parallel_loop3A_305 = arith.constant 0 : i32
          %parallel_loop3A_306 = arith.index_cast %parallel_loop3A_305 : i32 to index
          %parallel_loop3A_307 = arith.index_cast %parallel_loop3A_281 : i32 to index
          %parallel_loop3A_308 = arith.constant 48 : index
          %parallel_loop3A_309 = tpu.vector_load %arg11[%parallel_loop3A_306, %parallel_loop3A_307, %parallel_loop3A_308] {strides = array<i32>} : memref<2x64x256xi32, #tpu.memory_space<vmem>>, vector<16xi32>,
          %parallel_loop3A_310 = arith.addi %parallel_loop3A_309, %add3A_107 : vector<16xi32>
          tpu.vector_store_idx %arg12[%parallel_loop3A_310], %parallel_loop3A_286 {add = true} : memref<16384xf32, #tpu.memory_space<vmem>>[vector<16xi32>], vector<16xf32>,
          %parallel_loop3A_311 = arith.constant 0 : i32
          %parallel_loop3A_312 = arith.index_cast %parallel_loop3A_311 : i32 to index
          %parallel_loop3A_313 = arith.index_cast %parallel_loop3A_281 : i32 to index
          %parallel_loop3A_314 = arith.constant 64 : index
          %parallel_loop3A_315 = tpu.vector_load %arg11[%parallel_loop3A_312, %parallel_loop3A_313, %parallel_loop3A_314] {strides = array<i32>} : memref<2x64x256xi32, #tpu.memory_space<vmem>>, vector<16xi32>,
          %parallel_loop3A_316 = arith.addi %parallel_loop3A_315, %add3A_113 : vector<16xi32>
          tpu.vector_store_idx %arg12[%parallel_loop3A_316], %parallel_loop3A_286 {add = true} : memref<16384xf32, #tpu.memory_space<vmem>>[vector<16xi32>], vector<16xf32>,
          %parallel_loop3A_317 = arith.constant 0 : i32
          %parallel_loop3A_318 = arith.index_cast %parallel_loop3A_317 : i32 to index
          %parallel_loop3A_319 = arith.index_cast %parallel_loop3A_281 : i32 to index
          %parallel_loop3A_320 = arith.constant 80 : index
          %parallel_loop3A_321 = tpu.vector_load %arg11[%parallel_loop3A_318, %parallel_loop3A_319, %parallel_loop3A_320] {strides = array<i32>} : memref<2x64x256xi32, #tpu.memory_space<vmem>>, vector<16xi32>,
          %parallel_loop3A_322 = arith.addi %parallel_loop3A_321, %add3A_119 : vector<16xi32>
          tpu.vector_store_idx %arg12[%parallel_loop3A_322], %parallel_loop3A_286 {add = true} : memref<16384xf32, #tpu.memory_space<vmem>>[vector<16xi32>], vector<16xf32>,
          %parallel_loop3A_323 = arith.constant 0 : i32
          %parallel_loop3A_324 = arith.index_cast %parallel_loop3A_323 : i32 to index
          %parallel_loop3A_325 = arith.index_cast %parallel_loop3A_281 : i32 to index
          %parallel_loop3A_326 = arith.constant 96 : index
          %parallel_loop3A_327 = tpu.vector_load %arg11[%parallel_loop3A_324, %parallel_loop3A_325, %parallel_loop3A_326] {strides = array<i32>} : memref<2x64x256xi32, #tpu.memory_space<vmem>>, vector<16xi32>,
          %parallel_loop3A_328 = arith.addi %parallel_loop3A_327, %add3A_125 : vector<16xi32>
          tpu.vector_store_idx %arg12[%parallel_loop3A_328], %parallel_loop3A_286 {add = true} : memref<16384xf32, #tpu.memory_space<vmem>>[vector<16xi32>], vector<16xf32>,
          %parallel_loop3A_329 = arith.constant 0 : i32
          %parallel_loop3A_330 = arith.index_cast %parallel_loop3A_329 : i32 to index
          %parallel_loop3A_331 = arith.index_cast %parallel_loop3A_281 : i32 to index
          %parallel_loop3A_332 = arith.constant 112 : index
          %parallel_loop3A_333 = tpu.vector_load %arg11[%parallel_loop3A_330, %parallel_loop3A_331, %parallel_loop3A_332] {strides = array<i32>} : memref<2x64x256xi32, #tpu.memory_space<vmem>>, vector<16xi32>,
          %parallel_loop3A_334 = arith.addi %parallel_loop3A_333, %add3A_131 : vector<16xi32>
          tpu.vector_store_idx %arg12[%parallel_loop3A_334], %parallel_loop3A_286 {add = true} : memref<16384xf32, #tpu.memory_space<vmem>>[vector<16xi32>], vector<16xf32>,
          %parallel_loop3A_335 = arith.constant 0 : i32
          %parallel_loop3A_336 = arith.index_cast %parallel_loop3A_335 : i32 to index
          %parallel_loop3A_337 = arith.index_cast %parallel_loop3A_281 : i32 to index
          %parallel_loop3A_338 = arith.constant 128 : index
          %parallel_loop3A_339 = tpu.vector_load %arg11[%parallel_loop3A_336, %parallel_loop3A_337, %parallel_loop3A_338] {strides = array<i32>} : memref<2x64x256xi32, #tpu.memory_space<vmem>>, vector<16xi32>,
          %parallel_loop3A_340 = arith.addi %parallel_loop3A_339, %add3A_137 : vector<16xi32>
          tpu.vector_store_idx %arg12[%parallel_loop3A_340], %parallel_loop3A_286 {add = true} : memref<16384xf32, #tpu.memory_space<vmem>>[vector<16xi32>], vector<16xf32>,
          %parallel_loop3A_341 = arith.constant 0 : i32
          %parallel_loop3A_342 = arith.index_cast %parallel_loop3A_341 : i32 to index
          %parallel_loop3A_343 = arith.index_cast %parallel_loop3A_281 : i32 to index
          %parallel_loop3A_344 = arith.constant 144 : index
          %parallel_loop3A_345 = tpu.vector_load %arg11[%parallel_loop3A_342, %parallel_loop3A_343, %parallel_loop3A_344] {strides = array<i32>} : memref<2x64x256xi32, #tpu.memory_space<vmem>>, vector<16xi32>,
          %parallel_loop3A_346 = arith.addi %parallel_loop3A_345, %add3A_143 : vector<16xi32>
          tpu.vector_store_idx %arg12[%parallel_loop3A_346], %parallel_loop3A_286 {add = true} : memref<16384xf32, #tpu.memory_space<vmem>>[vector<16xi32>], vector<16xf32>,
          %parallel_loop3A_347 = arith.constant 0 : i32
          %parallel_loop3A_348 = arith.index_cast %parallel_loop3A_347 : i32 to index
          %parallel_loop3A_349 = arith.index_cast %parallel_loop3A_281 : i32 to index
          %parallel_loop3A_350 = arith.constant 160 : index
          %parallel_loop3A_351 = tpu.vector_load %arg11[%parallel_loop3A_348, %parallel_loop3A_349, %parallel_loop3A_350] {strides = array<i32>} : memref<2x64x256xi32, #tpu.memory_space<vmem>>, vector<16xi32>,
          %parallel_loop3A_352 = arith.addi %parallel_loop3A_351, %add3A_149 : vector<16xi32>
          tpu.vector_store_idx %arg12[%parallel_loop3A_352], %parallel_loop3A_286 {add = true} : memref<16384xf32, #tpu.memory_space<vmem>>[vector<16xi32>], vector<16xf32>,
          %parallel_loop3A_353 = arith.constant 0 : i32
          %parallel_loop3A_354 = arith.index_cast %parallel_loop3A_353 : i32 to index
          %parallel_loop3A_355 = arith.index_cast %parallel_loop3A_281 : i32 to index
          %parallel_loop3A_356 = arith.constant 176 : index
          %parallel_loop3A_357 = tpu.vector_load %arg11[%parallel_loop3A_354, %parallel_loop3A_355, %parallel_loop3A_356] {strides = array<i32>} : memref<2x64x256xi32, #tpu.memory_space<vmem>>, vector<16xi32>,
          %parallel_loop3A_358 = arith.addi %parallel_loop3A_357, %add3A_155 : vector<16xi32>
          tpu.vector_store_idx %arg12[%parallel_loop3A_358], %parallel_loop3A_286 {add = true} : memref<16384xf32, #tpu.memory_space<vmem>>[vector<16xi32>], vector<16xf32>,
          %parallel_loop3A_359 = arith.constant 0 : i32
          %parallel_loop3A_360 = arith.index_cast %parallel_loop3A_359 : i32 to index
          %parallel_loop3A_361 = arith.index_cast %parallel_loop3A_281 : i32 to index
          %parallel_loop3A_362 = arith.constant 192 : index
          %parallel_loop3A_363 = tpu.vector_load %arg11[%parallel_loop3A_360, %parallel_loop3A_361, %parallel_loop3A_362] {strides = array<i32>} : memref<2x64x256xi32, #tpu.memory_space<vmem>>, vector<16xi32>,
          %parallel_loop3A_364 = arith.addi %parallel_loop3A_363, %add3A_161 : vector<16xi32>
          tpu.vector_store_idx %arg12[%parallel_loop3A_364], %parallel_loop3A_286 {add = true} : memref<16384xf32, #tpu.memory_space<vmem>>[vector<16xi32>], vector<16xf32>,
          %parallel_loop3A_365 = arith.constant 0 : i32
          %parallel_loop3A_366 = arith.index_cast %parallel_loop3A_365 : i32 to index
          %parallel_loop3A_367 = arith.index_cast %parallel_loop3A_281 : i32 to index
          %parallel_loop3A_368 = arith.constant 208 : index
          %parallel_loop3A_369 = tpu.vector_load %arg11[%parallel_loop3A_366, %parallel_loop3A_367, %parallel_loop3A_368] {strides = array<i32>} : memref<2x64x256xi32, #tpu.memory_space<vmem>>, vector<16xi32>,
          %parallel_loop3A_370 = arith.addi %parallel_loop3A_369, %add3A_167 : vector<16xi32>
          tpu.vector_store_idx %arg12[%parallel_loop3A_370], %parallel_loop3A_286 {add = true} : memref<16384xf32, #tpu.memory_space<vmem>>[vector<16xi32>], vector<16xf32>,
          %parallel_loop3A_371 = arith.constant 0 : i32
          %parallel_loop3A_372 = arith.index_cast %parallel_loop3A_371 : i32 to index
          %parallel_loop3A_373 = arith.index_cast %parallel_loop3A_281 : i32 to index
          %parallel_loop3A_374 = arith.constant 224 : index
          %parallel_loop3A_375 = tpu.vector_load %arg11[%parallel_loop3A_372, %parallel_loop3A_373, %parallel_loop3A_374] {strides = array<i32>} : memref<2x64x256xi32, #tpu.memory_space<vmem>>, vector<16xi32>,
          %parallel_loop3A_376 = arith.addi %parallel_loop3A_375, %add3A_173 : vector<16xi32>
          tpu.vector_store_idx %arg12[%parallel_loop3A_376], %parallel_loop3A_286 {add = true} : memref<16384xf32, #tpu.memory_space<vmem>>[vector<16xi32>], vector<16xf32>,
          %parallel_loop3A_377 = arith.constant 0 : i32
          %parallel_loop3A_378 = arith.index_cast %parallel_loop3A_377 : i32 to index
          %parallel_loop3A_379 = arith.index_cast %parallel_loop3A_281 : i32 to index
          %parallel_loop3A_380 = arith.constant 240 : index
          %parallel_loop3A_381 = tpu.vector_load %arg11[%parallel_loop3A_378, %parallel_loop3A_379, %parallel_loop3A_380] {strides = array<i32>} : memref<2x64x256xi32, #tpu.memory_space<vmem>>, vector<16xi32>,
          %parallel_loop3A_382 = arith.addi %parallel_loop3A_381, %add3A_179 : vector<16xi32>
          tpu.vector_store_idx %arg12[%parallel_loop3A_382], %parallel_loop3A_286 {add = true} : memref<16384xf32, #tpu.memory_space<vmem>>[vector<16xi32>], vector<16xf32>,
        } {sc.loop_unroll_factor = 8 : i64, sc.parallel_access}
      } else {
      }
      %eq3A_259 = arith.constant 1 : i32
      %eq3A_260 = arith.cmpi eq, %rem3A_249, %eq3A_259 : i32
      %convert_element_type3A_261 = arith.extui %eq3A_260 : i1 to i32
      %cond3A_262 = arith.constant 0 : i32
      %cond3A_263 = arith.cmpi ne, %convert_element_type3A_261, %cond3A_262 : i32
      scf.if %cond3A_263 {
        %dma_wait3A_265 = arith.constant 1 : i32
        %dma_wait3A_266 = arith.constant 0 : i32
        %dma_wait3A_267 = arith.constant 0 : i32
        %dma_wait3A_268 = tpu.memref_slice %arg11[%dma_wait3A_265, %dma_wait3A_266, %dma_wait3A_267] : memref<2x64x256xi32, #tpu.memory_space<vmem>> -> memref<1x64x256xi32, #tpu.memory_space<vmem>>
        %dma_wait3A_269 = tpu.memref_squeeze %dma_wait3A_268 : memref<1x64x256xi32, #tpu.memory_space<vmem>> -> memref<64x256xi32, #tpu.memory_space<vmem>>
        %dma_wait3A_270 = arith.constant 0 : i32
        %dma_wait3A_271 = tpu.memref_slice %arg5[%dma_wait3A_270, %mul3A_2] : memref<1024x8192xi32, #tpu.memory_space<hbm>> -> memref<64x256xi32, #tpu.memory_space<hbm>>
        %dma_wait3A_272 = arith.constant 0 : i32
        %dma_wait3A_273 = arith.constant 0 : i32
        %dma_wait3A_274 = tpu.memref_slice %arg11[%dma_wait3A_265, %dma_wait3A_272, %dma_wait3A_273] : memref<2x64x256xi32, #tpu.memory_space<vmem>> -> memref<1x64x256xi32, #tpu.memory_space<vmem>>
        %dma_wait3A_275 = tpu.memref_squeeze %dma_wait3A_274 : memref<1x64x256xi32, #tpu.memory_space<vmem>> -> memref<64x256xi32, #tpu.memory_space<vmem>>
        %dma_wait3A_276 = arith.constant 0 : i32
        %dma_wait3A_277 = tpu.memref_slice %arg5[%dma_wait3A_276, %mul3A_2] : memref<1024x8192xi32, #tpu.memory_space<hbm>> -> memref<64x256xi32, #tpu.memory_space<hbm>>
        tpu.wait_dma2 semaphore(%arg15 : memref<!tpu.dma_semaphore, #tpu.memory_space<semaphore_mem>>) src(%dma_wait3A_277 : memref<64x256xi32, #tpu.memory_space<hbm>>) dst(%dma_wait3A_275 : memref<64x256xi32, #tpu.memory_space<vmem>>)
        %parallel_loop3A_278 = arith.constant 0 : i32
        %parallel_loop3A_279 = arith.constant 64 : i32
        %parallel_loop3A_280 = arith.constant 1 : i32
        scf.for %parallel_loop3A_281 = %parallel_loop3A_278 to %parallel_loop3A_279 step %parallel_loop3A_280  : i32 {
          %parallel_loop3A_282 = arith.constant 64 : i32
          %parallel_loop3A_283 = arith.muli %scan3A_247, %parallel_loop3A_282 : i32
          %parallel_loop3A_284 = arith.addi %parallel_loop3A_283, %parallel_loop3A_281 : i32
          %parallel_loop3A_285 = vector.broadcast %parallel_loop3A_284 : i32 to vector<16xi32>
          %parallel_loop3A_286 = tpu.vector_load_idx %arg10[%parallel_loop3A_285] : memref<1024xf32, #tpu.memory_space<vmem>>[vector<16xi32>], vector<16xf32>,
          %parallel_loop3A_287 = arith.constant 1 : i32
          %parallel_loop3A_288 = arith.index_cast %parallel_loop3A_287 : i32 to index
          %parallel_loop3A_289 = arith.index_cast %parallel_loop3A_281 : i32 to index
          %parallel_loop3A_290 = arith.constant 0 : index
          %parallel_loop3A_291 = tpu.vector_load %arg11[%parallel_loop3A_288, %parallel_loop3A_289, %parallel_loop3A_290] {strides = array<i32>} : memref<2x64x256xi32, #tpu.memory_space<vmem>>, vector<16xi32>,
          %parallel_loop3A_292 = arith.addi %parallel_loop3A_291, %add3A_89 : vector<16xi32>
          tpu.vector_store_idx %arg12[%parallel_loop3A_292], %parallel_loop3A_286 {add = true} : memref<16384xf32, #tpu.memory_space<vmem>>[vector<16xi32>], vector<16xf32>,
          %parallel_loop3A_293 = arith.constant 1 : i32
          %parallel_loop3A_294 = arith.index_cast %parallel_loop3A_293 : i32 to index
          %parallel_loop3A_295 = arith.index_cast %parallel_loop3A_281 : i32 to index
          %parallel_loop3A_296 = arith.constant 16 : index
          %parallel_loop3A_297 = tpu.vector_load %arg11[%parallel_loop3A_294, %parallel_loop3A_295, %parallel_loop3A_296] {strides = array<i32>} : memref<2x64x256xi32, #tpu.memory_space<vmem>>, vector<16xi32>,
          %parallel_loop3A_298 = arith.addi %parallel_loop3A_297, %add3A_95 : vector<16xi32>
          tpu.vector_store_idx %arg12[%parallel_loop3A_298], %parallel_loop3A_286 {add = true} : memref<16384xf32, #tpu.memory_space<vmem>>[vector<16xi32>], vector<16xf32>,
          %parallel_loop3A_299 = arith.constant 1 : i32
          %parallel_loop3A_300 = arith.index_cast %parallel_loop3A_299 : i32 to index
          %parallel_loop3A_301 = arith.index_cast %parallel_loop3A_281 : i32 to index
          %parallel_loop3A_302 = arith.constant 32 : index
          %parallel_loop3A_303 = tpu.vector_load %arg11[%parallel_loop3A_300, %parallel_loop3A_301, %parallel_loop3A_302] {strides = array<i32>} : memref<2x64x256xi32, #tpu.memory_space<vmem>>, vector<16xi32>,
          %parallel_loop3A_304 = arith.addi %parallel_loop3A_303, %add3A_101 : vector<16xi32>
          tpu.vector_store_idx %arg12[%parallel_loop3A_304], %parallel_loop3A_286 {add = true} : memref<16384xf32, #tpu.memory_space<vmem>>[vector<16xi32>], vector<16xf32>,
          %parallel_loop3A_305 = arith.constant 1 : i32
          %parallel_loop3A_306 = arith.index_cast %parallel_loop3A_305 : i32 to index
          %parallel_loop3A_307 = arith.index_cast %parallel_loop3A_281 : i32 to index
          %parallel_loop3A_308 = arith.constant 48 : index
          %parallel_loop3A_309 = tpu.vector_load %arg11[%parallel_loop3A_306, %parallel_loop3A_307, %parallel_loop3A_308] {strides = array<i32>} : memref<2x64x256xi32, #tpu.memory_space<vmem>>, vector<16xi32>,
          %parallel_loop3A_310 = arith.addi %parallel_loop3A_309, %add3A_107 : vector<16xi32>
          tpu.vector_store_idx %arg12[%parallel_loop3A_310], %parallel_loop3A_286 {add = true} : memref<16384xf32, #tpu.memory_space<vmem>>[vector<16xi32>], vector<16xf32>,
          %parallel_loop3A_311 = arith.constant 1 : i32
          %parallel_loop3A_312 = arith.index_cast %parallel_loop3A_311 : i32 to index
          %parallel_loop3A_313 = arith.index_cast %parallel_loop3A_281 : i32 to index
          %parallel_loop3A_314 = arith.constant 64 : index
          %parallel_loop3A_315 = tpu.vector_load %arg11[%parallel_loop3A_312, %parallel_loop3A_313, %parallel_loop3A_314] {strides = array<i32>} : memref<2x64x256xi32, #tpu.memory_space<vmem>>, vector<16xi32>,
          %parallel_loop3A_316 = arith.addi %parallel_loop3A_315, %add3A_113 : vector<16xi32>
          tpu.vector_store_idx %arg12[%parallel_loop3A_316], %parallel_loop3A_286 {add = true} : memref<16384xf32, #tpu.memory_space<vmem>>[vector<16xi32>], vector<16xf32>,
          %parallel_loop3A_317 = arith.constant 1 : i32
          %parallel_loop3A_318 = arith.index_cast %parallel_loop3A_317 : i32 to index
          %parallel_loop3A_319 = arith.index_cast %parallel_loop3A_281 : i32 to index
          %parallel_loop3A_320 = arith.constant 80 : index
          %parallel_loop3A_321 = tpu.vector_load %arg11[%parallel_loop3A_318, %parallel_loop3A_319, %parallel_loop3A_320] {strides = array<i32>} : memref<2x64x256xi32, #tpu.memory_space<vmem>>, vector<16xi32>,
          %parallel_loop3A_322 = arith.addi %parallel_loop3A_321, %add3A_119 : vector<16xi32>
          tpu.vector_store_idx %arg12[%parallel_loop3A_322], %parallel_loop3A_286 {add = true} : memref<16384xf32, #tpu.memory_space<vmem>>[vector<16xi32>], vector<16xf32>,
          %parallel_loop3A_323 = arith.constant 1 : i32
          %parallel_loop3A_324 = arith.index_cast %parallel_loop3A_323 : i32 to index
          %parallel_loop3A_325 = arith.index_cast %parallel_loop3A_281 : i32 to index
          %parallel_loop3A_326 = arith.constant 96 : index
          %parallel_loop3A_327 = tpu.vector_load %arg11[%parallel_loop3A_324, %parallel_loop3A_325, %parallel_loop3A_326] {strides = array<i32>} : memref<2x64x256xi32, #tpu.memory_space<vmem>>, vector<16xi32>,
          %parallel_loop3A_328 = arith.addi %parallel_loop3A_327, %add3A_125 : vector<16xi32>
          tpu.vector_store_idx %arg12[%parallel_loop3A_328], %parallel_loop3A_286 {add = true} : memref<16384xf32, #tpu.memory_space<vmem>>[vector<16xi32>], vector<16xf32>,
          %parallel_loop3A_329 = arith.constant 1 : i32
          %parallel_loop3A_330 = arith.index_cast %parallel_loop3A_329 : i32 to index
          %parallel_loop3A_331 = arith.index_cast %parallel_loop3A_281 : i32 to index
          %parallel_loop3A_332 = arith.constant 112 : index
          %parallel_loop3A_333 = tpu.vector_load %arg11[%parallel_loop3A_330, %parallel_loop3A_331, %parallel_loop3A_332] {strides = array<i32>} : memref<2x64x256xi32, #tpu.memory_space<vmem>>, vector<16xi32>,
          %parallel_loop3A_334 = arith.addi %parallel_loop3A_333, %add3A_131 : vector<16xi32>
          tpu.vector_store_idx %arg12[%parallel_loop3A_334], %parallel_loop3A_286 {add = true} : memref<16384xf32, #tpu.memory_space<vmem>>[vector<16xi32>], vector<16xf32>,
          %parallel_loop3A_335 = arith.constant 1 : i32
          %parallel_loop3A_336 = arith.index_cast %parallel_loop3A_335 : i32 to index
          %parallel_loop3A_337 = arith.index_cast %parallel_loop3A_281 : i32 to index
          %parallel_loop3A_338 = arith.constant 128 : index
          %parallel_loop3A_339 = tpu.vector_load %arg11[%parallel_loop3A_336, %parallel_loop3A_337, %parallel_loop3A_338] {strides = array<i32>} : memref<2x64x256xi32, #tpu.memory_space<vmem>>, vector<16xi32>,
          %parallel_loop3A_340 = arith.addi %parallel_loop3A_339, %add3A_137 : vector<16xi32>
          tpu.vector_store_idx %arg12[%parallel_loop3A_340], %parallel_loop3A_286 {add = true} : memref<16384xf32, #tpu.memory_space<vmem>>[vector<16xi32>], vector<16xf32>,
          %parallel_loop3A_341 = arith.constant 1 : i32
          %parallel_loop3A_342 = arith.index_cast %parallel_loop3A_341 : i32 to index
          %parallel_loop3A_343 = arith.index_cast %parallel_loop3A_281 : i32 to index
          %parallel_loop3A_344 = arith.constant 144 : index
          %parallel_loop3A_345 = tpu.vector_load %arg11[%parallel_loop3A_342, %parallel_loop3A_343, %parallel_loop3A_344] {strides = array<i32>} : memref<2x64x256xi32, #tpu.memory_space<vmem>>, vector<16xi32>,
          %parallel_loop3A_346 = arith.addi %parallel_loop3A_345, %add3A_143 : vector<16xi32>
          tpu.vector_store_idx %arg12[%parallel_loop3A_346], %parallel_loop3A_286 {add = true} : memref<16384xf32, #tpu.memory_space<vmem>>[vector<16xi32>], vector<16xf32>,
          %parallel_loop3A_347 = arith.constant 1 : i32
          %parallel_loop3A_348 = arith.index_cast %parallel_loop3A_347 : i32 to index
          %parallel_loop3A_349 = arith.index_cast %parallel_loop3A_281 : i32 to index
          %parallel_loop3A_350 = arith.constant 160 : index
          %parallel_loop3A_351 = tpu.vector_load %arg11[%parallel_loop3A_348, %parallel_loop3A_349, %parallel_loop3A_350] {strides = array<i32>} : memref<2x64x256xi32, #tpu.memory_space<vmem>>, vector<16xi32>,
          %parallel_loop3A_352 = arith.addi %parallel_loop3A_351, %add3A_149 : vector<16xi32>
          tpu.vector_store_idx %arg12[%parallel_loop3A_352], %parallel_loop3A_286 {add = true} : memref<16384xf32, #tpu.memory_space<vmem>>[vector<16xi32>], vector<16xf32>,
          %parallel_loop3A_353 = arith.constant 1 : i32
          %parallel_loop3A_354 = arith.index_cast %parallel_loop3A_353 : i32 to index
          %parallel_loop3A_355 = arith.index_cast %parallel_loop3A_281 : i32 to index
          %parallel_loop3A_356 = arith.constant 176 : index
          %parallel_loop3A_357 = tpu.vector_load %arg11[%parallel_loop3A_354, %parallel_loop3A_355, %parallel_loop3A_356] {strides = array<i32>} : memref<2x64x256xi32, #tpu.memory_space<vmem>>, vector<16xi32>,
          %parallel_loop3A_358 = arith.addi %parallel_loop3A_357, %add3A_155 : vector<16xi32>
          tpu.vector_store_idx %arg12[%parallel_loop3A_358], %parallel_loop3A_286 {add = true} : memref<16384xf32, #tpu.memory_space<vmem>>[vector<16xi32>], vector<16xf32>,
          %parallel_loop3A_359 = arith.constant 1 : i32
          %parallel_loop3A_360 = arith.index_cast %parallel_loop3A_359 : i32 to index
          %parallel_loop3A_361 = arith.index_cast %parallel_loop3A_281 : i32 to index
          %parallel_loop3A_362 = arith.constant 192 : index
          %parallel_loop3A_363 = tpu.vector_load %arg11[%parallel_loop3A_360, %parallel_loop3A_361, %parallel_loop3A_362] {strides = array<i32>} : memref<2x64x256xi32, #tpu.memory_space<vmem>>, vector<16xi32>,
          %parallel_loop3A_364 = arith.addi %parallel_loop3A_363, %add3A_161 : vector<16xi32>
          tpu.vector_store_idx %arg12[%parallel_loop3A_364], %parallel_loop3A_286 {add = true} : memref<16384xf32, #tpu.memory_space<vmem>>[vector<16xi32>], vector<16xf32>,
          %parallel_loop3A_365 = arith.constant 1 : i32
          %parallel_loop3A_366 = arith.index_cast %parallel_loop3A_365 : i32 to index
          %parallel_loop3A_367 = arith.index_cast %parallel_loop3A_281 : i32 to index
          %parallel_loop3A_368 = arith.constant 208 : index
          %parallel_loop3A_369 = tpu.vector_load %arg11[%parallel_loop3A_366, %parallel_loop3A_367, %parallel_loop3A_368] {strides = array<i32>} : memref<2x64x256xi32, #tpu.memory_space<vmem>>, vector<16xi32>,
          %parallel_loop3A_370 = arith.addi %parallel_loop3A_369, %add3A_167 : vector<16xi32>
          tpu.vector_store_idx %arg12[%parallel_loop3A_370], %parallel_loop3A_286 {add = true} : memref<16384xf32, #tpu.memory_space<vmem>>[vector<16xi32>], vector<16xf32>,
          %parallel_loop3A_371 = arith.constant 1 : i32
          %parallel_loop3A_372 = arith.index_cast %parallel_loop3A_371 : i32 to index
          %parallel_loop3A_373 = arith.index_cast %parallel_loop3A_281 : i32 to index
          %parallel_loop3A_374 = arith.constant 224 : index
          %parallel_loop3A_375 = tpu.vector_load %arg11[%parallel_loop3A_372, %parallel_loop3A_373, %parallel_loop3A_374] {strides = array<i32>} : memref<2x64x256xi32, #tpu.memory_space<vmem>>, vector<16xi32>,
          %parallel_loop3A_376 = arith.addi %parallel_loop3A_375, %add3A_173 : vector<16xi32>
          tpu.vector_store_idx %arg12[%parallel_loop3A_376], %parallel_loop3A_286 {add = true} : memref<16384xf32, #tpu.memory_space<vmem>>[vector<16xi32>], vector<16xf32>,
          %parallel_loop3A_377 = arith.constant 1 : i32
          %parallel_loop3A_378 = arith.index_cast %parallel_loop3A_377 : i32 to index
          %parallel_loop3A_379 = arith.index_cast %parallel_loop3A_281 : i32 to index
          %parallel_loop3A_380 = arith.constant 240 : index
          %parallel_loop3A_381 = tpu.vector_load %arg11[%parallel_loop3A_378, %parallel_loop3A_379, %parallel_loop3A_380] {strides = array<i32>} : memref<2x64x256xi32, #tpu.memory_space<vmem>>, vector<16xi32>,
          %parallel_loop3A_382 = arith.addi %parallel_loop3A_381, %add3A_179 : vector<16xi32>
          tpu.vector_store_idx %arg12[%parallel_loop3A_382], %parallel_loop3A_286 {add = true} : memref<16384xf32, #tpu.memory_space<vmem>>[vector<16xi32>], vector<16xf32>,
        } {sc.loop_unroll_factor = 8 : i64, sc.parallel_access}
      } else {
      }
      %scan3A_264 = arith.constant 0 : i32
      scf.yield %scan3A_264 : i32
    }
    %scan3A_206 = arith.constant 16 : i32
    "tpu.trace_stop"() : () -> ()
    %dma_wait3A = arith.constant 0 : i32
    %dma_wait3A_207 = tpu.memref_slice %arg2[%mul3A_2, %dma_wait3A] : memref<8192x64xf32, #tpu.memory_space<hbm>> -> memref<256x64xf32, #tpu.memory_space<hbm>>
    %dma_wait3A_208 = arith.constant 0 : i32
    %dma_wait3A_209 = tpu.memref_slice %arg2[%mul3A_2, %dma_wait3A_208] : memref<8192x64xf32, #tpu.memory_space<hbm>> -> memref<256x64xf32, #tpu.memory_space<hbm>>
    tpu.wait_dma2 semaphore(%arg16 : memref<!tpu.dma_semaphore, #tpu.memory_space<semaphore_mem>>) src(%dma_wait3A_209 : memref<256x64xf32, #tpu.memory_space<hbm>>) dst(%arg13 : memref<256x64xf32, #tpu.memory_space<vmem>>)
    %parallel_loop3A_210 = arith.constant 0 : i32
    %parallel_loop3A_211 = arith.constant 256 : i32
    %parallel_loop3A_212 = arith.constant 1 : i32
    "tpu.trace_start"() <{level = 10 : i32, message = "softmax_phase"}> : () -> ()
    scf.for %parallel_loop3A_247 = %parallel_loop3A_210 to %parallel_loop3A_211 step %parallel_loop3A_212  : i32 {
      %parallel_loop3A_248 = arith.index_cast %parallel_loop3A_247 : i32 to index
      %parallel_loop3A_249 = arith.constant 0 : index
      %parallel_loop3A_250 = tpu.vector_load %arg13[%parallel_loop3A_248, %parallel_loop3A_249] {strides = array<i32>} : memref<256x64xf32, #tpu.memory_space<vmem>>, vector<16xf32>,
      %parallel_loop3A_251 = arith.index_cast %parallel_loop3A_247 : i32 to index
      %parallel_loop3A_252 = arith.constant 16 : index
      %parallel_loop3A_253 = tpu.vector_load %arg13[%parallel_loop3A_251, %parallel_loop3A_252] {strides = array<i32>} : memref<256x64xf32, #tpu.memory_space<vmem>>, vector<16xf32>,
      %parallel_loop3A_254 = arith.index_cast %parallel_loop3A_247 : i32 to index
      %parallel_loop3A_255 = arith.constant 32 : index
      %parallel_loop3A_256 = tpu.vector_load %arg13[%parallel_loop3A_254, %parallel_loop3A_255] {strides = array<i32>} : memref<256x64xf32, #tpu.memory_space<vmem>>, vector<16xf32>,
      %parallel_loop3A_257 = arith.index_cast %parallel_loop3A_247 : i32 to index
      %parallel_loop3A_258 = arith.constant 48 : index
      %parallel_loop3A_259 = tpu.vector_load %arg13[%parallel_loop3A_257, %parallel_loop3A_258] {strides = array<i32>} : memref<256x64xf32, #tpu.memory_space<vmem>>, vector<16xf32>,
      %parallel_loop3A_260 = math.exp %parallel_loop3A_250 : vector<16xf32>
      %parallel_loop3A_261 = math.exp %parallel_loop3A_253 : vector<16xf32>
      %parallel_loop3A_262 = math.exp %parallel_loop3A_256 : vector<16xf32>
      %parallel_loop3A_263 = math.exp %parallel_loop3A_259 : vector<16xf32>
      %parallel_loop3A_264 = arith.addf %parallel_loop3A_260, %parallel_loop3A_261 : vector<16xf32>
      %parallel_loop3A_265 = arith.addf %parallel_loop3A_262, %parallel_loop3A_263 : vector<16xf32>
      %parallel_loop3A_266 = arith.addf %parallel_loop3A_264, %parallel_loop3A_265 : vector<16xf32>
      %parallel_loop3A_267 = tpu.iota {dimensions = array<i32: 0>} : vector<16xi32>
      %parallel_loop3A_268 = arith.constant 1 : i32
      %parallel_loop3A_269 = vector.broadcast %parallel_loop3A_268 : i32 to vector<16xi32>
      %parallel_loop3A_270 = arith.xori %parallel_loop3A_267, %parallel_loop3A_269 : vector<16xi32>
      %parallel_loop3A_271 = arith.constant 0 : i32
      %parallel_loop3A_272 = vector.broadcast %parallel_loop3A_271 : i32 to vector<16xi32>
      %parallel_loop3A_273 = arith.cmpi slt, %parallel_loop3A_270, %parallel_loop3A_272 : vector<16xi32>
      %parallel_loop3A_274 = arith.constant 16 : i32
      %parallel_loop3A_275 = vector.broadcast %parallel_loop3A_274 : i32 to vector<16xi32>
      %parallel_loop3A_276 = arith.addi %parallel_loop3A_270, %parallel_loop3A_275 : vector<16xi32>
      %parallel_loop3A_277 = arith.select %parallel_loop3A_273, %parallel_loop3A_276, %parallel_loop3A_270 : vector<16xi1>, vector<16xi32>
      %parallel_loop3A_278 = vector.shape_cast %parallel_loop3A_277 : vector<16xi32> to vector<16x1xi32>
      %parallel_loop3A_279 = vector.shape_cast %parallel_loop3A_278 : vector<16x1xi32> to vector<16xi32>
      %parallel_loop3A_280 = tpu.dynamic_gather %parallel_loop3A_266[%parallel_loop3A_279] in [0] : vector<16xf32>, vector<16xi32> -> vector<16xf32>
      %parallel_loop3A_281 = arith.addf %parallel_loop3A_266, %parallel_loop3A_280 : vector<16xf32>
      %parallel_loop3A_282 = arith.constant 2 : i32
      %parallel_loop3A_283 = vector.broadcast %parallel_loop3A_282 : i32 to vector<16xi32>
      %parallel_loop3A_284 = arith.xori %parallel_loop3A_267, %parallel_loop3A_283 : vector<16xi32>
      %parallel_loop3A_285 = arith.constant 0 : i32
      %parallel_loop3A_286 = vector.broadcast %parallel_loop3A_285 : i32 to vector<16xi32>
      %parallel_loop3A_287 = arith.cmpi slt, %parallel_loop3A_284, %parallel_loop3A_286 : vector<16xi32>
      %parallel_loop3A_288 = arith.constant 16 : i32
      %parallel_loop3A_289 = vector.broadcast %parallel_loop3A_288 : i32 to vector<16xi32>
      %parallel_loop3A_290 = arith.addi %parallel_loop3A_284, %parallel_loop3A_289 : vector<16xi32>
      %parallel_loop3A_291 = arith.select %parallel_loop3A_287, %parallel_loop3A_290, %parallel_loop3A_284 : vector<16xi1>, vector<16xi32>
      %parallel_loop3A_292 = vector.shape_cast %parallel_loop3A_291 : vector<16xi32> to vector<16x1xi32>
      %parallel_loop3A_293 = vector.shape_cast %parallel_loop3A_292 : vector<16x1xi32> to vector<16xi32>
      %parallel_loop3A_294 = tpu.dynamic_gather %parallel_loop3A_281[%parallel_loop3A_293] in [0] : vector<16xf32>, vector<16xi32> -> vector<16xf32>
      %parallel_loop3A_295 = arith.addf %parallel_loop3A_281, %parallel_loop3A_294 : vector<16xf32>
      %parallel_loop3A_296 = arith.constant 4 : i32
      %parallel_loop3A_297 = vector.broadcast %parallel_loop3A_296 : i32 to vector<16xi32>
      %parallel_loop3A_298 = arith.xori %parallel_loop3A_267, %parallel_loop3A_297 : vector<16xi32>
      %parallel_loop3A_299 = arith.constant 0 : i32
      %parallel_loop3A_300 = vector.broadcast %parallel_loop3A_299 : i32 to vector<16xi32>
      %parallel_loop3A_301 = arith.cmpi slt, %parallel_loop3A_298, %parallel_loop3A_300 : vector<16xi32>
      %parallel_loop3A_302 = arith.constant 16 : i32
      %parallel_loop3A_303 = vector.broadcast %parallel_loop3A_302 : i32 to vector<16xi32>
      %parallel_loop3A_304 = arith.addi %parallel_loop3A_298, %parallel_loop3A_303 : vector<16xi32>
      %parallel_loop3A_305 = arith.select %parallel_loop3A_301, %parallel_loop3A_304, %parallel_loop3A_298 : vector<16xi1>, vector<16xi32>
      %parallel_loop3A_306 = vector.shape_cast %parallel_loop3A_305 : vector<16xi32> to vector<16x1xi32>
      %parallel_loop3A_307 = vector.shape_cast %parallel_loop3A_306 : vector<16x1xi32> to vector<16xi32>
      %parallel_loop3A_308 = tpu.dynamic_gather %parallel_loop3A_295[%parallel_loop3A_307] in [0] : vector<16xf32>, vector<16xi32> -> vector<16xf32>
      %parallel_loop3A_309 = arith.addf %parallel_loop3A_295, %parallel_loop3A_308 : vector<16xf32>
      %parallel_loop3A_310 = arith.constant 8 : i32
      %parallel_loop3A_311 = vector.broadcast %parallel_loop3A_310 : i32 to vector<16xi32>
      %parallel_loop3A_312 = arith.xori %parallel_loop3A_267, %parallel_loop3A_311 : vector<16xi32>
      %parallel_loop3A_313 = arith.constant 0 : i32
      %parallel_loop3A_314 = vector.broadcast %parallel_loop3A_313 : i32 to vector<16xi32>
      %parallel_loop3A_315 = arith.cmpi slt, %parallel_loop3A_312, %parallel_loop3A_314 : vector<16xi32>
      %parallel_loop3A_316 = arith.constant 16 : i32
      %parallel_loop3A_317 = vector.broadcast %parallel_loop3A_316 : i32 to vector<16xi32>
      %parallel_loop3A_318 = arith.addi %parallel_loop3A_312, %parallel_loop3A_317 : vector<16xi32>
      %parallel_loop3A_319 = arith.select %parallel_loop3A_315, %parallel_loop3A_318, %parallel_loop3A_312 : vector<16xi1>, vector<16xi32>
      %parallel_loop3A_320 = vector.shape_cast %parallel_loop3A_319 : vector<16xi32> to vector<16x1xi32>
      %parallel_loop3A_321 = vector.shape_cast %parallel_loop3A_320 : vector<16x1xi32> to vector<16xi32>
      %parallel_loop3A_322 = tpu.dynamic_gather %parallel_loop3A_309[%parallel_loop3A_321] in [0] : vector<16xf32>, vector<16xi32> -> vector<16xf32>
      %parallel_loop3A_323 = arith.addf %parallel_loop3A_309, %parallel_loop3A_322 : vector<16xf32>
      %parallel_loop3A_324 = arith.constant 1.024000e+03 : f32
      %parallel_loop3A_325 = vector.broadcast %parallel_loop3A_324 : f32 to vector<16xf32>
      %parallel_loop3A_326 = arith.mulf %parallel_loop3A_325, %parallel_loop3A_323 : vector<16xf32>
      %parallel_loop3A_327 = arith.divf %sub3A_75, %parallel_loop3A_326 : vector<16xf32>
      %parallel_loop3A_328 = arith.constant 64 : i32
      %parallel_loop3A_329 = arith.muli %parallel_loop3A_247, %parallel_loop3A_328 : i32
      %parallel_loop3A_330 = arith.constant 0 : i32
      %parallel_loop3A_331 = arith.addi %parallel_loop3A_329, %parallel_loop3A_330 : i32
      %parallel_loop3A_332 = arith.index_cast %parallel_loop3A_331 : i32 to index
      %parallel_loop3A_333 = tpu.vector_load %arg12[%parallel_loop3A_332] {strides = array<i32>} : memref<16384xf32, #tpu.memory_space<vmem>>, vector<16xf32>,
      %parallel_loop3A_334 = arith.mulf %parallel_loop3A_260, %parallel_loop3A_327 : vector<16xf32>
      %parallel_loop3A_335 = arith.constant 9.765625E-4 : f32
      %parallel_loop3A_336 = vector.broadcast %parallel_loop3A_335 : f32 to vector<16xf32>
      %parallel_loop3A_337 = arith.mulf %parallel_loop3A_333, %parallel_loop3A_336 : vector<16xf32>
      %parallel_loop3A_338 = arith.subf %parallel_loop3A_334, %parallel_loop3A_337 : vector<16xf32>
      %parallel_loop3A_339 = arith.index_cast %parallel_loop3A_247 : i32 to index
      %parallel_loop3A_340 = arith.constant 0 : index
      %parallel_loop3A_341 = tpu.vector_load %arg13[%parallel_loop3A_339, %parallel_loop3A_340] {strides = array<i32>} : memref<256x64xf32, #tpu.memory_space<vmem>>, vector<16xf32>,
      tpu.vector_store %arg13[%parallel_loop3A_339, %parallel_loop3A_340], %parallel_loop3A_338 {strides = array<i32>} : memref<256x64xf32, #tpu.memory_space<vmem>>, vector<16xf32>,
      %parallel_loop3A_342 = arith.constant 64 : i32
      %parallel_loop3A_343 = arith.muli %parallel_loop3A_247, %parallel_loop3A_342 : i32
      %parallel_loop3A_344 = arith.constant 16 : i32
      %parallel_loop3A_345 = arith.addi %parallel_loop3A_343, %parallel_loop3A_344 : i32
      %parallel_loop3A_346 = arith.index_cast %parallel_loop3A_345 : i32 to index
      %parallel_loop3A_347 = tpu.vector_load %arg12[%parallel_loop3A_346] {strides = array<i32>} : memref<16384xf32, #tpu.memory_space<vmem>>, vector<16xf32>,
      %parallel_loop3A_348 = arith.mulf %parallel_loop3A_261, %parallel_loop3A_327 : vector<16xf32>
      %parallel_loop3A_349 = arith.constant 9.765625E-4 : f32
      %parallel_loop3A_350 = vector.broadcast %parallel_loop3A_349 : f32 to vector<16xf32>
      %parallel_loop3A_351 = arith.mulf %parallel_loop3A_347, %parallel_loop3A_350 : vector<16xf32>
      %parallel_loop3A_352 = arith.subf %parallel_loop3A_348, %parallel_loop3A_351 : vector<16xf32>
      %parallel_loop3A_353 = arith.index_cast %parallel_loop3A_247 : i32 to index
      %parallel_loop3A_354 = arith.constant 16 : index
      %parallel_loop3A_355 = tpu.vector_load %arg13[%parallel_loop3A_353, %parallel_loop3A_354] {strides = array<i32>} : memref<256x64xf32, #tpu.memory_space<vmem>>, vector<16xf32>,
      tpu.vector_store %arg13[%parallel_loop3A_353, %parallel_loop3A_354], %parallel_loop3A_352 {strides = array<i32>} : memref<256x64xf32, #tpu.memory_space<vmem>>, vector<16xf32>,
      %parallel_loop3A_356 = arith.constant 64 : i32
      %parallel_loop3A_357 = arith.muli %parallel_loop3A_247, %parallel_loop3A_356 : i32
      %parallel_loop3A_358 = arith.constant 32 : i32
      %parallel_loop3A_359 = arith.addi %parallel_loop3A_357, %parallel_loop3A_358 : i32
      %parallel_loop3A_360 = arith.index_cast %parallel_loop3A_359 : i32 to index
      %parallel_loop3A_361 = tpu.vector_load %arg12[%parallel_loop3A_360] {strides = array<i32>} : memref<16384xf32, #tpu.memory_space<vmem>>, vector<16xf32>,
      %parallel_loop3A_362 = arith.mulf %parallel_loop3A_262, %parallel_loop3A_327 : vector<16xf32>
      %parallel_loop3A_363 = arith.constant 9.765625E-4 : f32
      %parallel_loop3A_364 = vector.broadcast %parallel_loop3A_363 : f32 to vector<16xf32>
      %parallel_loop3A_365 = arith.mulf %parallel_loop3A_361, %parallel_loop3A_364 : vector<16xf32>
      %parallel_loop3A_366 = arith.subf %parallel_loop3A_362, %parallel_loop3A_365 : vector<16xf32>
      %parallel_loop3A_367 = arith.index_cast %parallel_loop3A_247 : i32 to index
      %parallel_loop3A_368 = arith.constant 32 : index
      %parallel_loop3A_369 = tpu.vector_load %arg13[%parallel_loop3A_367, %parallel_loop3A_368] {strides = array<i32>} : memref<256x64xf32, #tpu.memory_space<vmem>>, vector<16xf32>,
      tpu.vector_store %arg13[%parallel_loop3A_367, %parallel_loop3A_368], %parallel_loop3A_366 {strides = array<i32>} : memref<256x64xf32, #tpu.memory_space<vmem>>, vector<16xf32>,
      %parallel_loop3A_370 = arith.constant 64 : i32
      %parallel_loop3A_371 = arith.muli %parallel_loop3A_247, %parallel_loop3A_370 : i32
      %parallel_loop3A_372 = arith.constant 48 : i32
      %parallel_loop3A_373 = arith.addi %parallel_loop3A_371, %parallel_loop3A_372 : i32
      %parallel_loop3A_374 = arith.index_cast %parallel_loop3A_373 : i32 to index
      %parallel_loop3A_375 = tpu.vector_load %arg12[%parallel_loop3A_374] {strides = array<i32>} : memref<16384xf32, #tpu.memory_space<vmem>>, vector<16xf32>,
      %parallel_loop3A_376 = arith.mulf %parallel_loop3A_263, %parallel_loop3A_327 : vector<16xf32>
      %parallel_loop3A_377 = arith.constant 9.765625E-4 : f32
      %parallel_loop3A_378 = vector.broadcast %parallel_loop3A_377 : f32 to vector<16xf32>
      %parallel_loop3A_379 = arith.mulf %parallel_loop3A_375, %parallel_loop3A_378 : vector<16xf32>
      %parallel_loop3A_380 = arith.subf %parallel_loop3A_376, %parallel_loop3A_379 : vector<16xf32>
      %parallel_loop3A_381 = arith.index_cast %parallel_loop3A_247 : i32 to index
      %parallel_loop3A_382 = arith.constant 48 : index
      %parallel_loop3A_383 = tpu.vector_load %arg13[%parallel_loop3A_381, %parallel_loop3A_382] {strides = array<i32>} : memref<256x64xf32, #tpu.memory_space<vmem>>, vector<16xf32>,
      tpu.vector_store %arg13[%parallel_loop3A_381, %parallel_loop3A_382], %parallel_loop3A_380 {strides = array<i32>} : memref<256x64xf32, #tpu.memory_space<vmem>>, vector<16xf32>,
    } {sc.loop_unroll_factor = 4 : i64, sc.parallel_access}
    "tpu.trace_stop"() : () -> ()
    "tpu.region"() ({
      %run_scoped3A = tpu.sem_alloc : memref<!tpu.dma_semaphore, #tpu.memory_space<semaphore_mem>>
      %dma_start3A_247 = arith.constant 0 : i32
      %dma_start3A_248 = tpu.memref_slice %arg7[%mul3A_2, %dma_start3A_247] : memref<8192x64xf32, #tpu.memory_space<hbm>> -> memref<256x64xf32, #tpu.memory_space<hbm>>
      %dma_start3A_249 = arith.constant 0 : i32
      %dma_start3A_250 = tpu.memref_slice %arg7[%mul3A_2, %dma_start3A_249] : memref<8192x64xf32, #tpu.memory_space<hbm>> -> memref<256x64xf32, #tpu.memory_space<hbm>>
      tpu.enqueue_dma source(%arg13 : memref<256x64xf32, #tpu.memory_space<vmem>>) target(%dma_start3A_250 : memref<256x64xf32, #tpu.memory_space<hbm>>) target_semaphore(%run_scoped3A : memref<!tpu.dma_semaphore, #tpu.memory_space<semaphore_mem>>)
      %dma_wait3A_251 = arith.constant 0 : i32
      %dma_wait3A_252 = tpu.memref_slice %arg7[%mul3A_2, %dma_wait3A_251] : memref<8192x64xf32, #tpu.memory_space<hbm>> -> memref<256x64xf32, #tpu.memory_space<hbm>>
      %dma_wait3A_253 = arith.constant 0 : i32
      %dma_wait3A_254 = tpu.memref_slice %arg7[%mul3A_2, %dma_wait3A_253] : memref<8192x64xf32, #tpu.memory_space<hbm>> -> memref<256x64xf32, #tpu.memory_space<hbm>>
      tpu.wait_dma2 semaphore(%run_scoped3A : memref<!tpu.dma_semaphore, #tpu.memory_space<semaphore_mem>>) src(%arg13 : memref<256x64xf32, #tpu.memory_space<vmem>>) dst(%dma_wait3A_254 : memref<256x64xf32, #tpu.memory_space<hbm>>)
      tpu.yield
    }) : () -> ()
    %dma_start3A_213 = arith.constant 0 : i32
    %dma_start3A_214 = tpu.memref_slice %arg3[%mul3A_2, %dma_start3A_213] : memref<8192x64xf32, #tpu.memory_space<hbm>> -> memref<256x64xf32, #tpu.memory_space<hbm>>
    %dma_start3A_215 = arith.constant 0 : i32
    %dma_start3A_216 = tpu.memref_slice %arg3[%mul3A_2, %dma_start3A_215] : memref<8192x64xf32, #tpu.memory_space<hbm>> -> memref<256x64xf32, #tpu.memory_space<hbm>>
    tpu.enqueue_dma source(%dma_start3A_216 : memref<256x64xf32, #tpu.memory_space<hbm>>) target(%arg13 : memref<256x64xf32, #tpu.memory_space<vmem>>) target_semaphore(%arg16 : memref<!tpu.dma_semaphore, #tpu.memory_space<semaphore_mem>>)
    %dma_start3A_217 = arith.constant 0 : i32
    %dma_start3A_218 = arith.constant 0 : i32
    %dma_start3A_219 = arith.constant 0 : i32
    %dma_start3A_220 = tpu.memref_slice %arg11[%dma_start3A_217, %dma_start3A_218, %dma_start3A_219] : memref<2x64x256xi32, #tpu.memory_space<vmem>> -> memref<1x64x256xi32, #tpu.memory_space<vmem>>
    %dma_start3A_221 = tpu.memref_squeeze %dma_start3A_220 : memref<1x64x256xi32, #tpu.memory_space<vmem>> -> memref<64x256xi32, #tpu.memory_space<vmem>>
    %dma_start3A_222 = arith.constant 0 : i32
    %dma_start3A_223 = tpu.memref_slice %arg6[%dma_start3A_222, %mul3A_2] : memref<1024x8192xi32, #tpu.memory_space<hbm>> -> memref<64x256xi32, #tpu.memory_space<hbm>>
    %dma_start3A_224 = arith.constant 0 : i32
    %dma_start3A_225 = arith.constant 0 : i32
    %dma_start3A_226 = tpu.memref_slice %arg11[%dma_start3A_217, %dma_start3A_224, %dma_start3A_225] : memref<2x64x256xi32, #tpu.memory_space<vmem>> -> memref<1x64x256xi32, #tpu.memory_space<vmem>>
    %dma_start3A_227 = tpu.memref_squeeze %dma_start3A_226 : memref<1x64x256xi32, #tpu.memory_space<vmem>> -> memref<64x256xi32, #tpu.memory_space<vmem>>
    %dma_start3A_228 = arith.constant 0 : i32
    %dma_start3A_229 = tpu.memref_slice %arg6[%dma_start3A_228, %mul3A_2] : memref<1024x8192xi32, #tpu.memory_space<hbm>> -> memref<64x256xi32, #tpu.memory_space<hbm>>
    tpu.enqueue_dma source(%dma_start3A_229 : memref<64x256xi32, #tpu.memory_space<hbm>>) target(%dma_start3A_227 : memref<64x256xi32, #tpu.memory_space<vmem>>) target_semaphore(%arg14 : memref<!tpu.dma_semaphore, #tpu.memory_space<semaphore_mem>>)
    %parallel_loop3A_230 = arith.constant 0 : i32
    %parallel_loop3A_231 = arith.constant 1024 : i32
    %parallel_loop3A_232 = arith.constant 1 : i32
    scf.for %parallel_loop3A_247 = %parallel_loop3A_230 to %parallel_loop3A_231 step %parallel_loop3A_232  : i32 {
      %parallel_loop3A_248 = arith.constant 16 : i32
      %parallel_loop3A_249 = arith.muli %parallel_loop3A_247, %parallel_loop3A_248 : i32
      %parallel_loop3A_250 = arith.index_cast %parallel_loop3A_249 : i32 to index
      %parallel_loop3A_251 = tpu.vector_load %arg12[%parallel_loop3A_250] {strides = array<i32>} : memref<16384xf32, #tpu.memory_space<vmem>>, vector<16xf32>,
      tpu.vector_store %arg12[%parallel_loop3A_250], %broadcast_in_dim3A_181 {strides = array<i32>} : memref<16384xf32, #tpu.memory_space<vmem>>, vector<16xf32>,
    } {sc.loop_unroll_factor = 8 : i64, sc.parallel_access}
    "tpu.trace_start"() <{level = 10 : i32, message = "scatter_phase"}> : () -> ()
    %scan3A_233 = arith.constant 0 : i32
    %scan3A_234 = arith.constant 0 : i32
    %scan3A_235 = arith.constant 16 : i32
    %scan3A_236 = arith.addi %scan3A_234, %scan3A_235 : i32
    %scan3A_237 = arith.constant 1 : i32
    %scan3A_238 = scf.for %scan3A_247 = %scan3A_234 to %scan3A_236 step %scan3A_237 iter_args(%scan3A_248 = %scan3A_233) -> (i32)  : i32 {
      %rem3A = arith.constant 2 : i32
      %rem3A_249 = arith.remsi %scan3A_247, %rem3A : i32
      %add3A_250 = arith.constant 1 : i32
      %add3A_251 = arith.addi %scan3A_247, %add3A_250 : i32
      %lt3A_252 = arith.constant 16 : i32
      %lt3A_253 = arith.cmpi slt, %add3A_251, %lt3A_252 : i32
      %convert_element_type3A = arith.extui %lt3A_253 : i1 to i32
      %cond3A = arith.constant 0 : i32
      %cond3A_254 = arith.cmpi ne, %convert_element_type3A, %cond3A : i32
      scf.if %cond3A_254 {
        %eq3A_265 = arith.constant 0 : i32
        %eq3A_266 = arith.cmpi eq, %rem3A_249, %eq3A_265 : i32
        %convert_element_type3A_267 = arith.extui %eq3A_266 : i1 to i32
        %cond3A_268 = arith.constant 0 : i32
        %cond3A_269 = arith.cmpi ne, %convert_element_type3A_267, %cond3A_268 : i32
        scf.if %cond3A_269 {
          %add3A_275 = arith.constant 1 : i32
          %add3A_276 = arith.addi %scan3A_247, %add3A_275 : i32
          %mul3A_277 = arith.constant 64 : i32
          %mul3A_278 = arith.muli %add3A_276, %mul3A_277 : i32
          %dma_start3A_279 = arith.constant 1 : i32
          %dma_start3A_280 = arith.constant 0 : i32
          %dma_start3A_281 = arith.constant 0 : i32
          %dma_start3A_282 = tpu.memref_slice %arg11[%dma_start3A_279, %dma_start3A_280, %dma_start3A_281] : memref<2x64x256xi32, #tpu.memory_space<vmem>> -> memref<1x64x256xi32, #tpu.memory_space<vmem>>
          %dma_start3A_283 = tpu.memref_squeeze %dma_start3A_282 : memref<1x64x256xi32, #tpu.memory_space<vmem>> -> memref<64x256xi32, #tpu.memory_space<vmem>>
          %dma_start3A_284 = tpu.memref_slice %arg6[%mul3A_278, %mul3A_2] : memref<1024x8192xi32, #tpu.memory_space<hbm>> -> memref<64x256xi32, #tpu.memory_space<hbm>>
          %dma_start3A_285 = arith.constant 0 : i32
          %dma_start3A_286 = arith.constant 0 : i32
          %dma_start3A_287 = tpu.memref_slice %arg11[%dma_start3A_279, %dma_start3A_285, %dma_start3A_286] : memref<2x64x256xi32, #tpu.memory_space<vmem>> -> memref<1x64x256xi32, #tpu.memory_space<vmem>>
          %dma_start3A_288 = tpu.memref_squeeze %dma_start3A_287 : memref<1x64x256xi32, #tpu.memory_space<vmem>> -> memref<64x256xi32, #tpu.memory_space<vmem>>
          %dma_start3A_289 = tpu.memref_slice %arg6[%mul3A_278, %mul3A_2] : memref<1024x8192xi32, #tpu.memory_space<hbm>> -> memref<64x256xi32, #tpu.memory_space<hbm>>
          tpu.enqueue_dma source(%dma_start3A_289 : memref<64x256xi32, #tpu.memory_space<hbm>>) target(%dma_start3A_288 : memref<64x256xi32, #tpu.memory_space<vmem>>) target_semaphore(%arg15 : memref<!tpu.dma_semaphore, #tpu.memory_space<semaphore_mem>>)
        } else {
        }
        %eq3A_270 = arith.constant 1 : i32
        %eq3A_271 = arith.cmpi eq, %rem3A_249, %eq3A_270 : i32
        %convert_element_type3A_272 = arith.extui %eq3A_271 : i1 to i32
        %cond3A_273 = arith.constant 0 : i32
        %cond3A_274 = arith.cmpi ne, %convert_element_type3A_272, %cond3A_273 : i32
        scf.if %cond3A_274 {
          %add3A_275 = arith.constant 1 : i32
          %add3A_276 = arith.addi %scan3A_247, %add3A_275 : i32
          %mul3A_277 = arith.constant 64 : i32
          %mul3A_278 = arith.muli %add3A_276, %mul3A_277 : i32
          %dma_start3A_279 = arith.constant 0 : i32
          %dma_start3A_280 = arith.constant 0 : i32
          %dma_start3A_281 = arith.constant 0 : i32
          %dma_start3A_282 = tpu.memref_slice %arg11[%dma_start3A_279, %dma_start3A_280, %dma_start3A_281] : memref<2x64x256xi32, #tpu.memory_space<vmem>> -> memref<1x64x256xi32, #tpu.memory_space<vmem>>
          %dma_start3A_283 = tpu.memref_squeeze %dma_start3A_282 : memref<1x64x256xi32, #tpu.memory_space<vmem>> -> memref<64x256xi32, #tpu.memory_space<vmem>>
          %dma_start3A_284 = tpu.memref_slice %arg6[%mul3A_278, %mul3A_2] : memref<1024x8192xi32, #tpu.memory_space<hbm>> -> memref<64x256xi32, #tpu.memory_space<hbm>>
          %dma_start3A_285 = arith.constant 0 : i32
          %dma_start3A_286 = arith.constant 0 : i32
          %dma_start3A_287 = tpu.memref_slice %arg11[%dma_start3A_279, %dma_start3A_285, %dma_start3A_286] : memref<2x64x256xi32, #tpu.memory_space<vmem>> -> memref<1x64x256xi32, #tpu.memory_space<vmem>>
          %dma_start3A_288 = tpu.memref_squeeze %dma_start3A_287 : memref<1x64x256xi32, #tpu.memory_space<vmem>> -> memref<64x256xi32, #tpu.memory_space<vmem>>
          %dma_start3A_289 = tpu.memref_slice %arg6[%mul3A_278, %mul3A_2] : memref<1024x8192xi32, #tpu.memory_space<hbm>> -> memref<64x256xi32, #tpu.memory_space<hbm>>
          tpu.enqueue_dma source(%dma_start3A_289 : memref<64x256xi32, #tpu.memory_space<hbm>>) target(%dma_start3A_288 : memref<64x256xi32, #tpu.memory_space<vmem>>) target_semaphore(%arg14 : memref<!tpu.dma_semaphore, #tpu.memory_space<semaphore_mem>>)
        } else {
        }
      } else {
      }
      %eq3A = arith.constant 0 : i32
      %eq3A_255 = arith.cmpi eq, %rem3A_249, %eq3A : i32
      %convert_element_type3A_256 = arith.extui %eq3A_255 : i1 to i32
      %cond3A_257 = arith.constant 0 : i32
      %cond3A_258 = arith.cmpi ne, %convert_element_type3A_256, %cond3A_257 : i32
      scf.if %cond3A_258 {
        %dma_wait3A_265 = arith.constant 0 : i32
        %dma_wait3A_266 = arith.constant 0 : i32
        %dma_wait3A_267 = arith.constant 0 : i32
        %dma_wait3A_268 = tpu.memref_slice %arg11[%dma_wait3A_265, %dma_wait3A_266, %dma_wait3A_267] : memref<2x64x256xi32, #tpu.memory_space<vmem>> -> memref<1x64x256xi32, #tpu.memory_space<vmem>>
        %dma_wait3A_269 = tpu.memref_squeeze %dma_wait3A_268 : memref<1x64x256xi32, #tpu.memory_space<vmem>> -> memref<64x256xi32, #tpu.memory_space<vmem>>
        %dma_wait3A_270 = arith.constant 0 : i32
        %dma_wait3A_271 = tpu.memref_slice %arg6[%dma_wait3A_270, %mul3A_2] : memref<1024x8192xi32, #tpu.memory_space<hbm>> -> memref<64x256xi32, #tpu.memory_space<hbm>>
        %dma_wait3A_272 = arith.constant 0 : i32
        %dma_wait3A_273 = arith.constant 0 : i32
        %dma_wait3A_274 = tpu.memref_slice %arg11[%dma_wait3A_265, %dma_wait3A_272, %dma_wait3A_273] : memref<2x64x256xi32, #tpu.memory_space<vmem>> -> memref<1x64x256xi32, #tpu.memory_space<vmem>>
        %dma_wait3A_275 = tpu.memref_squeeze %dma_wait3A_274 : memref<1x64x256xi32, #tpu.memory_space<vmem>> -> memref<64x256xi32, #tpu.memory_space<vmem>>
        %dma_wait3A_276 = arith.constant 0 : i32
        %dma_wait3A_277 = tpu.memref_slice %arg6[%dma_wait3A_276, %mul3A_2] : memref<1024x8192xi32, #tpu.memory_space<hbm>> -> memref<64x256xi32, #tpu.memory_space<hbm>>
        tpu.wait_dma2 semaphore(%arg14 : memref<!tpu.dma_semaphore, #tpu.memory_space<semaphore_mem>>) src(%dma_wait3A_277 : memref<64x256xi32, #tpu.memory_space<hbm>>) dst(%dma_wait3A_275 : memref<64x256xi32, #tpu.memory_space<vmem>>)
        %parallel_loop3A_278 = arith.constant 0 : i32
        %parallel_loop3A_279 = arith.constant 64 : i32
        %parallel_loop3A_280 = arith.constant 1 : i32
        scf.for %parallel_loop3A_281 = %parallel_loop3A_278 to %parallel_loop3A_279 step %parallel_loop3A_280  : i32 {
          %parallel_loop3A_282 = arith.constant 64 : i32
          %parallel_loop3A_283 = arith.muli %scan3A_247, %parallel_loop3A_282 : i32
          %parallel_loop3A_284 = arith.addi %parallel_loop3A_283, %parallel_loop3A_281 : i32
          %parallel_loop3A_285 = vector.broadcast %parallel_loop3A_284 : i32 to vector<16xi32>
          %parallel_loop3A_286 = tpu.vector_load_idx %arg10[%parallel_loop3A_285] : memref<1024xf32, #tpu.memory_space<vmem>>[vector<16xi32>], vector<16xf32>,
          %parallel_loop3A_287 = arith.constant 0 : i32
          %parallel_loop3A_288 = arith.index_cast %parallel_loop3A_287 : i32 to index
          %parallel_loop3A_289 = arith.index_cast %parallel_loop3A_281 : i32 to index
          %parallel_loop3A_290 = arith.constant 0 : index
          %parallel_loop3A_291 = tpu.vector_load %arg11[%parallel_loop3A_288, %parallel_loop3A_289, %parallel_loop3A_290] {strides = array<i32>} : memref<2x64x256xi32, #tpu.memory_space<vmem>>, vector<16xi32>,
          %parallel_loop3A_292 = arith.addi %parallel_loop3A_291, %add3A_89 : vector<16xi32>
          tpu.vector_store_idx %arg12[%parallel_loop3A_292], %parallel_loop3A_286 {add = true} : memref<16384xf32, #tpu.memory_space<vmem>>[vector<16xi32>], vector<16xf32>,
          %parallel_loop3A_293 = arith.constant 0 : i32
          %parallel_loop3A_294 = arith.index_cast %parallel_loop3A_293 : i32 to index
          %parallel_loop3A_295 = arith.index_cast %parallel_loop3A_281 : i32 to index
          %parallel_loop3A_296 = arith.constant 16 : index
          %parallel_loop3A_297 = tpu.vector_load %arg11[%parallel_loop3A_294, %parallel_loop3A_295, %parallel_loop3A_296] {strides = array<i32>} : memref<2x64x256xi32, #tpu.memory_space<vmem>>, vector<16xi32>,
          %parallel_loop3A_298 = arith.addi %parallel_loop3A_297, %add3A_95 : vector<16xi32>
          tpu.vector_store_idx %arg12[%parallel_loop3A_298], %parallel_loop3A_286 {add = true} : memref<16384xf32, #tpu.memory_space<vmem>>[vector<16xi32>], vector<16xf32>,
          %parallel_loop3A_299 = arith.constant 0 : i32
          %parallel_loop3A_300 = arith.index_cast %parallel_loop3A_299 : i32 to index
          %parallel_loop3A_301 = arith.index_cast %parallel_loop3A_281 : i32 to index
          %parallel_loop3A_302 = arith.constant 32 : index
          %parallel_loop3A_303 = tpu.vector_load %arg11[%parallel_loop3A_300, %parallel_loop3A_301, %parallel_loop3A_302] {strides = array<i32>} : memref<2x64x256xi32, #tpu.memory_space<vmem>>, vector<16xi32>,
          %parallel_loop3A_304 = arith.addi %parallel_loop3A_303, %add3A_101 : vector<16xi32>
          tpu.vector_store_idx %arg12[%parallel_loop3A_304], %parallel_loop3A_286 {add = true} : memref<16384xf32, #tpu.memory_space<vmem>>[vector<16xi32>], vector<16xf32>,
          %parallel_loop3A_305 = arith.constant 0 : i32
          %parallel_loop3A_306 = arith.index_cast %parallel_loop3A_305 : i32 to index
          %parallel_loop3A_307 = arith.index_cast %parallel_loop3A_281 : i32 to index
          %parallel_loop3A_308 = arith.constant 48 : index
          %parallel_loop3A_309 = tpu.vector_load %arg11[%parallel_loop3A_306, %parallel_loop3A_307, %parallel_loop3A_308] {strides = array<i32>} : memref<2x64x256xi32, #tpu.memory_space<vmem>>, vector<16xi32>,
          %parallel_loop3A_310 = arith.addi %parallel_loop3A_309, %add3A_107 : vector<16xi32>
          tpu.vector_store_idx %arg12[%parallel_loop3A_310], %parallel_loop3A_286 {add = true} : memref<16384xf32, #tpu.memory_space<vmem>>[vector<16xi32>], vector<16xf32>,
          %parallel_loop3A_311 = arith.constant 0 : i32
          %parallel_loop3A_312 = arith.index_cast %parallel_loop3A_311 : i32 to index
          %parallel_loop3A_313 = arith.index_cast %parallel_loop3A_281 : i32 to index
          %parallel_loop3A_314 = arith.constant 64 : index
          %parallel_loop3A_315 = tpu.vector_load %arg11[%parallel_loop3A_312, %parallel_loop3A_313, %parallel_loop3A_314] {strides = array<i32>} : memref<2x64x256xi32, #tpu.memory_space<vmem>>, vector<16xi32>,
          %parallel_loop3A_316 = arith.addi %parallel_loop3A_315, %add3A_113 : vector<16xi32>
          tpu.vector_store_idx %arg12[%parallel_loop3A_316], %parallel_loop3A_286 {add = true} : memref<16384xf32, #tpu.memory_space<vmem>>[vector<16xi32>], vector<16xf32>,
          %parallel_loop3A_317 = arith.constant 0 : i32
          %parallel_loop3A_318 = arith.index_cast %parallel_loop3A_317 : i32 to index
          %parallel_loop3A_319 = arith.index_cast %parallel_loop3A_281 : i32 to index
          %parallel_loop3A_320 = arith.constant 80 : index
          %parallel_loop3A_321 = tpu.vector_load %arg11[%parallel_loop3A_318, %parallel_loop3A_319, %parallel_loop3A_320] {strides = array<i32>} : memref<2x64x256xi32, #tpu.memory_space<vmem>>, vector<16xi32>,
          %parallel_loop3A_322 = arith.addi %parallel_loop3A_321, %add3A_119 : vector<16xi32>
          tpu.vector_store_idx %arg12[%parallel_loop3A_322], %parallel_loop3A_286 {add = true} : memref<16384xf32, #tpu.memory_space<vmem>>[vector<16xi32>], vector<16xf32>,
          %parallel_loop3A_323 = arith.constant 0 : i32
          %parallel_loop3A_324 = arith.index_cast %parallel_loop3A_323 : i32 to index
          %parallel_loop3A_325 = arith.index_cast %parallel_loop3A_281 : i32 to index
          %parallel_loop3A_326 = arith.constant 96 : index
          %parallel_loop3A_327 = tpu.vector_load %arg11[%parallel_loop3A_324, %parallel_loop3A_325, %parallel_loop3A_326] {strides = array<i32>} : memref<2x64x256xi32, #tpu.memory_space<vmem>>, vector<16xi32>,
          %parallel_loop3A_328 = arith.addi %parallel_loop3A_327, %add3A_125 : vector<16xi32>
          tpu.vector_store_idx %arg12[%parallel_loop3A_328], %parallel_loop3A_286 {add = true} : memref<16384xf32, #tpu.memory_space<vmem>>[vector<16xi32>], vector<16xf32>,
          %parallel_loop3A_329 = arith.constant 0 : i32
          %parallel_loop3A_330 = arith.index_cast %parallel_loop3A_329 : i32 to index
          %parallel_loop3A_331 = arith.index_cast %parallel_loop3A_281 : i32 to index
          %parallel_loop3A_332 = arith.constant 112 : index
          %parallel_loop3A_333 = tpu.vector_load %arg11[%parallel_loop3A_330, %parallel_loop3A_331, %parallel_loop3A_332] {strides = array<i32>} : memref<2x64x256xi32, #tpu.memory_space<vmem>>, vector<16xi32>,
          %parallel_loop3A_334 = arith.addi %parallel_loop3A_333, %add3A_131 : vector<16xi32>
          tpu.vector_store_idx %arg12[%parallel_loop3A_334], %parallel_loop3A_286 {add = true} : memref<16384xf32, #tpu.memory_space<vmem>>[vector<16xi32>], vector<16xf32>,
          %parallel_loop3A_335 = arith.constant 0 : i32
          %parallel_loop3A_336 = arith.index_cast %parallel_loop3A_335 : i32 to index
          %parallel_loop3A_337 = arith.index_cast %parallel_loop3A_281 : i32 to index
          %parallel_loop3A_338 = arith.constant 128 : index
          %parallel_loop3A_339 = tpu.vector_load %arg11[%parallel_loop3A_336, %parallel_loop3A_337, %parallel_loop3A_338] {strides = array<i32>} : memref<2x64x256xi32, #tpu.memory_space<vmem>>, vector<16xi32>,
          %parallel_loop3A_340 = arith.addi %parallel_loop3A_339, %add3A_137 : vector<16xi32>
          tpu.vector_store_idx %arg12[%parallel_loop3A_340], %parallel_loop3A_286 {add = true} : memref<16384xf32, #tpu.memory_space<vmem>>[vector<16xi32>], vector<16xf32>,
          %parallel_loop3A_341 = arith.constant 0 : i32
          %parallel_loop3A_342 = arith.index_cast %parallel_loop3A_341 : i32 to index
          %parallel_loop3A_343 = arith.index_cast %parallel_loop3A_281 : i32 to index
          %parallel_loop3A_344 = arith.constant 144 : index
          %parallel_loop3A_345 = tpu.vector_load %arg11[%parallel_loop3A_342, %parallel_loop3A_343, %parallel_loop3A_344] {strides = array<i32>} : memref<2x64x256xi32, #tpu.memory_space<vmem>>, vector<16xi32>,
          %parallel_loop3A_346 = arith.addi %parallel_loop3A_345, %add3A_143 : vector<16xi32>
          tpu.vector_store_idx %arg12[%parallel_loop3A_346], %parallel_loop3A_286 {add = true} : memref<16384xf32, #tpu.memory_space<vmem>>[vector<16xi32>], vector<16xf32>,
          %parallel_loop3A_347 = arith.constant 0 : i32
          %parallel_loop3A_348 = arith.index_cast %parallel_loop3A_347 : i32 to index
          %parallel_loop3A_349 = arith.index_cast %parallel_loop3A_281 : i32 to index
          %parallel_loop3A_350 = arith.constant 160 : index
          %parallel_loop3A_351 = tpu.vector_load %arg11[%parallel_loop3A_348, %parallel_loop3A_349, %parallel_loop3A_350] {strides = array<i32>} : memref<2x64x256xi32, #tpu.memory_space<vmem>>, vector<16xi32>,
          %parallel_loop3A_352 = arith.addi %parallel_loop3A_351, %add3A_149 : vector<16xi32>
          tpu.vector_store_idx %arg12[%parallel_loop3A_352], %parallel_loop3A_286 {add = true} : memref<16384xf32, #tpu.memory_space<vmem>>[vector<16xi32>], vector<16xf32>,
          %parallel_loop3A_353 = arith.constant 0 : i32
          %parallel_loop3A_354 = arith.index_cast %parallel_loop3A_353 : i32 to index
          %parallel_loop3A_355 = arith.index_cast %parallel_loop3A_281 : i32 to index
          %parallel_loop3A_356 = arith.constant 176 : index
          %parallel_loop3A_357 = tpu.vector_load %arg11[%parallel_loop3A_354, %parallel_loop3A_355, %parallel_loop3A_356] {strides = array<i32>} : memref<2x64x256xi32, #tpu.memory_space<vmem>>, vector<16xi32>,
          %parallel_loop3A_358 = arith.addi %parallel_loop3A_357, %add3A_155 : vector<16xi32>
          tpu.vector_store_idx %arg12[%parallel_loop3A_358], %parallel_loop3A_286 {add = true} : memref<16384xf32, #tpu.memory_space<vmem>>[vector<16xi32>], vector<16xf32>,
          %parallel_loop3A_359 = arith.constant 0 : i32
          %parallel_loop3A_360 = arith.index_cast %parallel_loop3A_359 : i32 to index
          %parallel_loop3A_361 = arith.index_cast %parallel_loop3A_281 : i32 to index
          %parallel_loop3A_362 = arith.constant 192 : index
          %parallel_loop3A_363 = tpu.vector_load %arg11[%parallel_loop3A_360, %parallel_loop3A_361, %parallel_loop3A_362] {strides = array<i32>} : memref<2x64x256xi32, #tpu.memory_space<vmem>>, vector<16xi32>,
          %parallel_loop3A_364 = arith.addi %parallel_loop3A_363, %add3A_161 : vector<16xi32>
          tpu.vector_store_idx %arg12[%parallel_loop3A_364], %parallel_loop3A_286 {add = true} : memref<16384xf32, #tpu.memory_space<vmem>>[vector<16xi32>], vector<16xf32>,
          %parallel_loop3A_365 = arith.constant 0 : i32
          %parallel_loop3A_366 = arith.index_cast %parallel_loop3A_365 : i32 to index
          %parallel_loop3A_367 = arith.index_cast %parallel_loop3A_281 : i32 to index
          %parallel_loop3A_368 = arith.constant 208 : index
          %parallel_loop3A_369 = tpu.vector_load %arg11[%parallel_loop3A_366, %parallel_loop3A_367, %parallel_loop3A_368] {strides = array<i32>} : memref<2x64x256xi32, #tpu.memory_space<vmem>>, vector<16xi32>,
          %parallel_loop3A_370 = arith.addi %parallel_loop3A_369, %add3A_167 : vector<16xi32>
          tpu.vector_store_idx %arg12[%parallel_loop3A_370], %parallel_loop3A_286 {add = true} : memref<16384xf32, #tpu.memory_space<vmem>>[vector<16xi32>], vector<16xf32>,
          %parallel_loop3A_371 = arith.constant 0 : i32
          %parallel_loop3A_372 = arith.index_cast %parallel_loop3A_371 : i32 to index
          %parallel_loop3A_373 = arith.index_cast %parallel_loop3A_281 : i32 to index
          %parallel_loop3A_374 = arith.constant 224 : index
          %parallel_loop3A_375 = tpu.vector_load %arg11[%parallel_loop3A_372, %parallel_loop3A_373, %parallel_loop3A_374] {strides = array<i32>} : memref<2x64x256xi32, #tpu.memory_space<vmem>>, vector<16xi32>,
          %parallel_loop3A_376 = arith.addi %parallel_loop3A_375, %add3A_173 : vector<16xi32>
          tpu.vector_store_idx %arg12[%parallel_loop3A_376], %parallel_loop3A_286 {add = true} : memref<16384xf32, #tpu.memory_space<vmem>>[vector<16xi32>], vector<16xf32>,
          %parallel_loop3A_377 = arith.constant 0 : i32
          %parallel_loop3A_378 = arith.index_cast %parallel_loop3A_377 : i32 to index
          %parallel_loop3A_379 = arith.index_cast %parallel_loop3A_281 : i32 to index
          %parallel_loop3A_380 = arith.constant 240 : index
          %parallel_loop3A_381 = tpu.vector_load %arg11[%parallel_loop3A_378, %parallel_loop3A_379, %parallel_loop3A_380] {strides = array<i32>} : memref<2x64x256xi32, #tpu.memory_space<vmem>>, vector<16xi32>,
          %parallel_loop3A_382 = arith.addi %parallel_loop3A_381, %add3A_179 : vector<16xi32>
          tpu.vector_store_idx %arg12[%parallel_loop3A_382], %parallel_loop3A_286 {add = true} : memref<16384xf32, #tpu.memory_space<vmem>>[vector<16xi32>], vector<16xf32>,
        } {sc.loop_unroll_factor = 8 : i64, sc.parallel_access}
      } else {
      }
      %eq3A_259 = arith.constant 1 : i32
      %eq3A_260 = arith.cmpi eq, %rem3A_249, %eq3A_259 : i32
      %convert_element_type3A_261 = arith.extui %eq3A_260 : i1 to i32
      %cond3A_262 = arith.constant 0 : i32
      %cond3A_263 = arith.cmpi ne, %convert_element_type3A_261, %cond3A_262 : i32
      scf.if %cond3A_263 {
        %dma_wait3A_265 = arith.constant 1 : i32
        %dma_wait3A_266 = arith.constant 0 : i32
        %dma_wait3A_267 = arith.constant 0 : i32
        %dma_wait3A_268 = tpu.memref_slice %arg11[%dma_wait3A_265, %dma_wait3A_266, %dma_wait3A_267] : memref<2x64x256xi32, #tpu.memory_space<vmem>> -> memref<1x64x256xi32, #tpu.memory_space<vmem>>
        %dma_wait3A_269 = tpu.memref_squeeze %dma_wait3A_268 : memref<1x64x256xi32, #tpu.memory_space<vmem>> -> memref<64x256xi32, #tpu.memory_space<vmem>>
        %dma_wait3A_270 = arith.constant 0 : i32
        %dma_wait3A_271 = tpu.memref_slice %arg6[%dma_wait3A_270, %mul3A_2] : memref<1024x8192xi32, #tpu.memory_space<hbm>> -> memref<64x256xi32, #tpu.memory_space<hbm>>
        %dma_wait3A_272 = arith.constant 0 : i32
        %dma_wait3A_273 = arith.constant 0 : i32
        %dma_wait3A_274 = tpu.memref_slice %arg11[%dma_wait3A_265, %dma_wait3A_272, %dma_wait3A_273] : memref<2x64x256xi32, #tpu.memory_space<vmem>> -> memref<1x64x256xi32, #tpu.memory_space<vmem>>
        %dma_wait3A_275 = tpu.memref_squeeze %dma_wait3A_274 : memref<1x64x256xi32, #tpu.memory_space<vmem>> -> memref<64x256xi32, #tpu.memory_space<vmem>>
        %dma_wait3A_276 = arith.constant 0 : i32
        %dma_wait3A_277 = tpu.memref_slice %arg6[%dma_wait3A_276, %mul3A_2] : memref<1024x8192xi32, #tpu.memory_space<hbm>> -> memref<64x256xi32, #tpu.memory_space<hbm>>
        tpu.wait_dma2 semaphore(%arg15 : memref<!tpu.dma_semaphore, #tpu.memory_space<semaphore_mem>>) src(%dma_wait3A_277 : memref<64x256xi32, #tpu.memory_space<hbm>>) dst(%dma_wait3A_275 : memref<64x256xi32, #tpu.memory_space<vmem>>)
        %parallel_loop3A_278 = arith.constant 0 : i32
        %parallel_loop3A_279 = arith.constant 64 : i32
        %parallel_loop3A_280 = arith.constant 1 : i32
        scf.for %parallel_loop3A_281 = %parallel_loop3A_278 to %parallel_loop3A_279 step %parallel_loop3A_280  : i32 {
          %parallel_loop3A_282 = arith.constant 64 : i32
          %parallel_loop3A_283 = arith.muli %scan3A_247, %parallel_loop3A_282 : i32
          %parallel_loop3A_284 = arith.addi %parallel_loop3A_283, %parallel_loop3A_281 : i32
          %parallel_loop3A_285 = vector.broadcast %parallel_loop3A_284 : i32 to vector<16xi32>
          %parallel_loop3A_286 = tpu.vector_load_idx %arg10[%parallel_loop3A_285] : memref<1024xf32, #tpu.memory_space<vmem>>[vector<16xi32>], vector<16xf32>,
          %parallel_loop3A_287 = arith.constant 1 : i32
          %parallel_loop3A_288 = arith.index_cast %parallel_loop3A_287 : i32 to index
          %parallel_loop3A_289 = arith.index_cast %parallel_loop3A_281 : i32 to index
          %parallel_loop3A_290 = arith.constant 0 : index
          %parallel_loop3A_291 = tpu.vector_load %arg11[%parallel_loop3A_288, %parallel_loop3A_289, %parallel_loop3A_290] {strides = array<i32>} : memref<2x64x256xi32, #tpu.memory_space<vmem>>, vector<16xi32>,
          %parallel_loop3A_292 = arith.addi %parallel_loop3A_291, %add3A_89 : vector<16xi32>
          tpu.vector_store_idx %arg12[%parallel_loop3A_292], %parallel_loop3A_286 {add = true} : memref<16384xf32, #tpu.memory_space<vmem>>[vector<16xi32>], vector<16xf32>,
          %parallel_loop3A_293 = arith.constant 1 : i32
          %parallel_loop3A_294 = arith.index_cast %parallel_loop3A_293 : i32 to index
          %parallel_loop3A_295 = arith.index_cast %parallel_loop3A_281 : i32 to index
          %parallel_loop3A_296 = arith.constant 16 : index
          %parallel_loop3A_297 = tpu.vector_load %arg11[%parallel_loop3A_294, %parallel_loop3A_295, %parallel_loop3A_296] {strides = array<i32>} : memref<2x64x256xi32, #tpu.memory_space<vmem>>, vector<16xi32>,
          %parallel_loop3A_298 = arith.addi %parallel_loop3A_297, %add3A_95 : vector<16xi32>
          tpu.vector_store_idx %arg12[%parallel_loop3A_298], %parallel_loop3A_286 {add = true} : memref<16384xf32, #tpu.memory_space<vmem>>[vector<16xi32>], vector<16xf32>,
          %parallel_loop3A_299 = arith.constant 1 : i32
          %parallel_loop3A_300 = arith.index_cast %parallel_loop3A_299 : i32 to index
          %parallel_loop3A_301 = arith.index_cast %parallel_loop3A_281 : i32 to index
          %parallel_loop3A_302 = arith.constant 32 : index
          %parallel_loop3A_303 = tpu.vector_load %arg11[%parallel_loop3A_300, %parallel_loop3A_301, %parallel_loop3A_302] {strides = array<i32>} : memref<2x64x256xi32, #tpu.memory_space<vmem>>, vector<16xi32>,
          %parallel_loop3A_304 = arith.addi %parallel_loop3A_303, %add3A_101 : vector<16xi32>
          tpu.vector_store_idx %arg12[%parallel_loop3A_304], %parallel_loop3A_286 {add = true} : memref<16384xf32, #tpu.memory_space<vmem>>[vector<16xi32>], vector<16xf32>,
          %parallel_loop3A_305 = arith.constant 1 : i32
          %parallel_loop3A_306 = arith.index_cast %parallel_loop3A_305 : i32 to index
          %parallel_loop3A_307 = arith.index_cast %parallel_loop3A_281 : i32 to index
          %parallel_loop3A_308 = arith.constant 48 : index
          %parallel_loop3A_309 = tpu.vector_load %arg11[%parallel_loop3A_306, %parallel_loop3A_307, %parallel_loop3A_308] {strides = array<i32>} : memref<2x64x256xi32, #tpu.memory_space<vmem>>, vector<16xi32>,
          %parallel_loop3A_310 = arith.addi %parallel_loop3A_309, %add3A_107 : vector<16xi32>
          tpu.vector_store_idx %arg12[%parallel_loop3A_310], %parallel_loop3A_286 {add = true} : memref<16384xf32, #tpu.memory_space<vmem>>[vector<16xi32>], vector<16xf32>,
          %parallel_loop3A_311 = arith.constant 1 : i32
          %parallel_loop3A_312 = arith.index_cast %parallel_loop3A_311 : i32 to index
          %parallel_loop3A_313 = arith.index_cast %parallel_loop3A_281 : i32 to index
          %parallel_loop3A_314 = arith.constant 64 : index
          %parallel_loop3A_315 = tpu.vector_load %arg11[%parallel_loop3A_312, %parallel_loop3A_313, %parallel_loop3A_314] {strides = array<i32>} : memref<2x64x256xi32, #tpu.memory_space<vmem>>, vector<16xi32>,
          %parallel_loop3A_316 = arith.addi %parallel_loop3A_315, %add3A_113 : vector<16xi32>
          tpu.vector_store_idx %arg12[%parallel_loop3A_316], %parallel_loop3A_286 {add = true} : memref<16384xf32, #tpu.memory_space<vmem>>[vector<16xi32>], vector<16xf32>,
          %parallel_loop3A_317 = arith.constant 1 : i32
          %parallel_loop3A_318 = arith.index_cast %parallel_loop3A_317 : i32 to index
          %parallel_loop3A_319 = arith.index_cast %parallel_loop3A_281 : i32 to index
          %parallel_loop3A_320 = arith.constant 80 : index
          %parallel_loop3A_321 = tpu.vector_load %arg11[%parallel_loop3A_318, %parallel_loop3A_319, %parallel_loop3A_320] {strides = array<i32>} : memref<2x64x256xi32, #tpu.memory_space<vmem>>, vector<16xi32>,
          %parallel_loop3A_322 = arith.addi %parallel_loop3A_321, %add3A_119 : vector<16xi32>
          tpu.vector_store_idx %arg12[%parallel_loop3A_322], %parallel_loop3A_286 {add = true} : memref<16384xf32, #tpu.memory_space<vmem>>[vector<16xi32>], vector<16xf32>,
          %parallel_loop3A_323 = arith.constant 1 : i32
          %parallel_loop3A_324 = arith.index_cast %parallel_loop3A_323 : i32 to index
          %parallel_loop3A_325 = arith.index_cast %parallel_loop3A_281 : i32 to index
          %parallel_loop3A_326 = arith.constant 96 : index
          %parallel_loop3A_327 = tpu.vector_load %arg11[%parallel_loop3A_324, %parallel_loop3A_325, %parallel_loop3A_326] {strides = array<i32>} : memref<2x64x256xi32, #tpu.memory_space<vmem>>, vector<16xi32>,
          %parallel_loop3A_328 = arith.addi %parallel_loop3A_327, %add3A_125 : vector<16xi32>
          tpu.vector_store_idx %arg12[%parallel_loop3A_328], %parallel_loop3A_286 {add = true} : memref<16384xf32, #tpu.memory_space<vmem>>[vector<16xi32>], vector<16xf32>,
          %parallel_loop3A_329 = arith.constant 1 : i32
          %parallel_loop3A_330 = arith.index_cast %parallel_loop3A_329 : i32 to index
          %parallel_loop3A_331 = arith.index_cast %parallel_loop3A_281 : i32 to index
          %parallel_loop3A_332 = arith.constant 112 : index
          %parallel_loop3A_333 = tpu.vector_load %arg11[%parallel_loop3A_330, %parallel_loop3A_331, %parallel_loop3A_332] {strides = array<i32>} : memref<2x64x256xi32, #tpu.memory_space<vmem>>, vector<16xi32>,
          %parallel_loop3A_334 = arith.addi %parallel_loop3A_333, %add3A_131 : vector<16xi32>
          tpu.vector_store_idx %arg12[%parallel_loop3A_334], %parallel_loop3A_286 {add = true} : memref<16384xf32, #tpu.memory_space<vmem>>[vector<16xi32>], vector<16xf32>,
          %parallel_loop3A_335 = arith.constant 1 : i32
          %parallel_loop3A_336 = arith.index_cast %parallel_loop3A_335 : i32 to index
          %parallel_loop3A_337 = arith.index_cast %parallel_loop3A_281 : i32 to index
          %parallel_loop3A_338 = arith.constant 128 : index
          %parallel_loop3A_339 = tpu.vector_load %arg11[%parallel_loop3A_336, %parallel_loop3A_337, %parallel_loop3A_338] {strides = array<i32>} : memref<2x64x256xi32, #tpu.memory_space<vmem>>, vector<16xi32>,
          %parallel_loop3A_340 = arith.addi %parallel_loop3A_339, %add3A_137 : vector<16xi32>
          tpu.vector_store_idx %arg12[%parallel_loop3A_340], %parallel_loop3A_286 {add = true} : memref<16384xf32, #tpu.memory_space<vmem>>[vector<16xi32>], vector<16xf32>,
          %parallel_loop3A_341 = arith.constant 1 : i32
          %parallel_loop3A_342 = arith.index_cast %parallel_loop3A_341 : i32 to index
          %parallel_loop3A_343 = arith.index_cast %parallel_loop3A_281 : i32 to index
          %parallel_loop3A_344 = arith.constant 144 : index
          %parallel_loop3A_345 = tpu.vector_load %arg11[%parallel_loop3A_342, %parallel_loop3A_343, %parallel_loop3A_344] {strides = array<i32>} : memref<2x64x256xi32, #tpu.memory_space<vmem>>, vector<16xi32>,
          %parallel_loop3A_346 = arith.addi %parallel_loop3A_345, %add3A_143 : vector<16xi32>
          tpu.vector_store_idx %arg12[%parallel_loop3A_346], %parallel_loop3A_286 {add = true} : memref<16384xf32, #tpu.memory_space<vmem>>[vector<16xi32>], vector<16xf32>,
          %parallel_loop3A_347 = arith.constant 1 : i32
          %parallel_loop3A_348 = arith.index_cast %parallel_loop3A_347 : i32 to index
          %parallel_loop3A_349 = arith.index_cast %parallel_loop3A_281 : i32 to index
          %parallel_loop3A_350 = arith.constant 160 : index
          %parallel_loop3A_351 = tpu.vector_load %arg11[%parallel_loop3A_348, %parallel_loop3A_349, %parallel_loop3A_350] {strides = array<i32>} : memref<2x64x256xi32, #tpu.memory_space<vmem>>, vector<16xi32>,
          %parallel_loop3A_352 = arith.addi %parallel_loop3A_351, %add3A_149 : vector<16xi32>
          tpu.vector_store_idx %arg12[%parallel_loop3A_352], %parallel_loop3A_286 {add = true} : memref<16384xf32, #tpu.memory_space<vmem>>[vector<16xi32>], vector<16xf32>,
          %parallel_loop3A_353 = arith.constant 1 : i32
          %parallel_loop3A_354 = arith.index_cast %parallel_loop3A_353 : i32 to index
          %parallel_loop3A_355 = arith.index_cast %parallel_loop3A_281 : i32 to index
          %parallel_loop3A_356 = arith.constant 176 : index
          %parallel_loop3A_357 = tpu.vector_load %arg11[%parallel_loop3A_354, %parallel_loop3A_355, %parallel_loop3A_356] {strides = array<i32>} : memref<2x64x256xi32, #tpu.memory_space<vmem>>, vector<16xi32>,
          %parallel_loop3A_358 = arith.addi %parallel_loop3A_357, %add3A_155 : vector<16xi32>
          tpu.vector_store_idx %arg12[%parallel_loop3A_358], %parallel_loop3A_286 {add = true} : memref<16384xf32, #tpu.memory_space<vmem>>[vector<16xi32>], vector<16xf32>,
          %parallel_loop3A_359 = arith.constant 1 : i32
          %parallel_loop3A_360 = arith.index_cast %parallel_loop3A_359 : i32 to index
          %parallel_loop3A_361 = arith.index_cast %parallel_loop3A_281 : i32 to index
          %parallel_loop3A_362 = arith.constant 192 : index
          %parallel_loop3A_363 = tpu.vector_load %arg11[%parallel_loop3A_360, %parallel_loop3A_361, %parallel_loop3A_362] {strides = array<i32>} : memref<2x64x256xi32, #tpu.memory_space<vmem>>, vector<16xi32>,
          %parallel_loop3A_364 = arith.addi %parallel_loop3A_363, %add3A_161 : vector<16xi32>
          tpu.vector_store_idx %arg12[%parallel_loop3A_364], %parallel_loop3A_286 {add = true} : memref<16384xf32, #tpu.memory_space<vmem>>[vector<16xi32>], vector<16xf32>,
          %parallel_loop3A_365 = arith.constant 1 : i32
          %parallel_loop3A_366 = arith.index_cast %parallel_loop3A_365 : i32 to index
          %parallel_loop3A_367 = arith.index_cast %parallel_loop3A_281 : i32 to index
          %parallel_loop3A_368 = arith.constant 208 : index
          %parallel_loop3A_369 = tpu.vector_load %arg11[%parallel_loop3A_366, %parallel_loop3A_367, %parallel_loop3A_368] {strides = array<i32>} : memref<2x64x256xi32, #tpu.memory_space<vmem>>, vector<16xi32>,
          %parallel_loop3A_370 = arith.addi %parallel_loop3A_369, %add3A_167 : vector<16xi32>
          tpu.vector_store_idx %arg12[%parallel_loop3A_370], %parallel_loop3A_286 {add = true} : memref<16384xf32, #tpu.memory_space<vmem>>[vector<16xi32>], vector<16xf32>,
          %parallel_loop3A_371 = arith.constant 1 : i32
          %parallel_loop3A_372 = arith.index_cast %parallel_loop3A_371 : i32 to index
          %parallel_loop3A_373 = arith.index_cast %parallel_loop3A_281 : i32 to index
          %parallel_loop3A_374 = arith.constant 224 : index
          %parallel_loop3A_375 = tpu.vector_load %arg11[%parallel_loop3A_372, %parallel_loop3A_373, %parallel_loop3A_374] {strides = array<i32>} : memref<2x64x256xi32, #tpu.memory_space<vmem>>, vector<16xi32>,
          %parallel_loop3A_376 = arith.addi %parallel_loop3A_375, %add3A_173 : vector<16xi32>
          tpu.vector_store_idx %arg12[%parallel_loop3A_376], %parallel_loop3A_286 {add = true} : memref<16384xf32, #tpu.memory_space<vmem>>[vector<16xi32>], vector<16xf32>,
          %parallel_loop3A_377 = arith.constant 1 : i32
          %parallel_loop3A_378 = arith.index_cast %parallel_loop3A_377 : i32 to index
          %parallel_loop3A_379 = arith.index_cast %parallel_loop3A_281 : i32 to index
          %parallel_loop3A_380 = arith.constant 240 : index
          %parallel_loop3A_381 = tpu.vector_load %arg11[%parallel_loop3A_378, %parallel_loop3A_379, %parallel_loop3A_380] {strides = array<i32>} : memref<2x64x256xi32, #tpu.memory_space<vmem>>, vector<16xi32>,
          %parallel_loop3A_382 = arith.addi %parallel_loop3A_381, %add3A_179 : vector<16xi32>
          tpu.vector_store_idx %arg12[%parallel_loop3A_382], %parallel_loop3A_286 {add = true} : memref<16384xf32, #tpu.memory_space<vmem>>[vector<16xi32>], vector<16xf32>,
        } {sc.loop_unroll_factor = 8 : i64, sc.parallel_access}
      } else {
      }
      %scan3A_264 = arith.constant 0 : i32
      scf.yield %scan3A_264 : i32
    }
    %scan3A_239 = arith.constant 16 : i32
    "tpu.trace_stop"() : () -> ()
    %dma_wait3A_240 = arith.constant 0 : i32
    %dma_wait3A_241 = tpu.memref_slice %arg3[%mul3A_2, %dma_wait3A_240] : memref<8192x64xf32, #tpu.memory_space<hbm>> -> memref<256x64xf32, #tpu.memory_space<hbm>>
    %dma_wait3A_242 = arith.constant 0 : i32
    %dma_wait3A_243 = tpu.memref_slice %arg3[%mul3A_2, %dma_wait3A_242] : memref<8192x64xf32, #tpu.memory_space<hbm>> -> memref<256x64xf32, #tpu.memory_space<hbm>>
    tpu.wait_dma2 semaphore(%arg16 : memref<!tpu.dma_semaphore, #tpu.memory_space<semaphore_mem>>) src(%dma_wait3A_243 : memref<256x64xf32, #tpu.memory_space<hbm>>) dst(%arg13 : memref<256x64xf32, #tpu.memory_space<vmem>>)
    %parallel_loop3A_244 = arith.constant 0 : i32
    %parallel_loop3A_245 = arith.constant 256 : i32
    %parallel_loop3A_246 = arith.constant 1 : i32
    "tpu.trace_start"() <{level = 10 : i32, message = "softmax_phase"}> : () -> ()
    scf.for %parallel_loop3A_247 = %parallel_loop3A_244 to %parallel_loop3A_245 step %parallel_loop3A_246  : i32 {
      %parallel_loop3A_248 = arith.index_cast %parallel_loop3A_247 : i32 to index
      %parallel_loop3A_249 = arith.constant 0 : index
      %parallel_loop3A_250 = tpu.vector_load %arg13[%parallel_loop3A_248, %parallel_loop3A_249] {strides = array<i32>} : memref<256x64xf32, #tpu.memory_space<vmem>>, vector<16xf32>,
      %parallel_loop3A_251 = arith.index_cast %parallel_loop3A_247 : i32 to index
      %parallel_loop3A_252 = arith.constant 16 : index
      %parallel_loop3A_253 = tpu.vector_load %arg13[%parallel_loop3A_251, %parallel_loop3A_252] {strides = array<i32>} : memref<256x64xf32, #tpu.memory_space<vmem>>, vector<16xf32>,
      %parallel_loop3A_254 = arith.index_cast %parallel_loop3A_247 : i32 to index
      %parallel_loop3A_255 = arith.constant 32 : index
      %parallel_loop3A_256 = tpu.vector_load %arg13[%parallel_loop3A_254, %parallel_loop3A_255] {strides = array<i32>} : memref<256x64xf32, #tpu.memory_space<vmem>>, vector<16xf32>,
      %parallel_loop3A_257 = arith.index_cast %parallel_loop3A_247 : i32 to index
      %parallel_loop3A_258 = arith.constant 48 : index
      %parallel_loop3A_259 = tpu.vector_load %arg13[%parallel_loop3A_257, %parallel_loop3A_258] {strides = array<i32>} : memref<256x64xf32, #tpu.memory_space<vmem>>, vector<16xf32>,
      %parallel_loop3A_260 = math.exp %parallel_loop3A_250 : vector<16xf32>
      %parallel_loop3A_261 = math.exp %parallel_loop3A_253 : vector<16xf32>
      %parallel_loop3A_262 = math.exp %parallel_loop3A_256 : vector<16xf32>
      %parallel_loop3A_263 = math.exp %parallel_loop3A_259 : vector<16xf32>
      %parallel_loop3A_264 = arith.addf %parallel_loop3A_260, %parallel_loop3A_261 : vector<16xf32>
      %parallel_loop3A_265 = arith.addf %parallel_loop3A_262, %parallel_loop3A_263 : vector<16xf32>
      %parallel_loop3A_266 = arith.addf %parallel_loop3A_264, %parallel_loop3A_265 : vector<16xf32>
      %parallel_loop3A_267 = tpu.iota {dimensions = array<i32: 0>} : vector<16xi32>
      %parallel_loop3A_268 = arith.constant 1 : i32
      %parallel_loop3A_269 = vector.broadcast %parallel_loop3A_268 : i32 to vector<16xi32>
      %parallel_loop3A_270 = arith.xori %parallel_loop3A_267, %parallel_loop3A_269 : vector<16xi32>
      %parallel_loop3A_271 = arith.constant 0 : i32
      %parallel_loop3A_272 = vector.broadcast %parallel_loop3A_271 : i32 to vector<16xi32>
      %parallel_loop3A_273 = arith.cmpi slt, %parallel_loop3A_270, %parallel_loop3A_272 : vector<16xi32>
      %parallel_loop3A_274 = arith.constant 16 : i32
      %parallel_loop3A_275 = vector.broadcast %parallel_loop3A_274 : i32 to vector<16xi32>
      %parallel_loop3A_276 = arith.addi %parallel_loop3A_270, %parallel_loop3A_275 : vector<16xi32>
      %parallel_loop3A_277 = arith.select %parallel_loop3A_273, %parallel_loop3A_276, %parallel_loop3A_270 : vector<16xi1>, vector<16xi32>
      %parallel_loop3A_278 = vector.shape_cast %parallel_loop3A_277 : vector<16xi32> to vector<16x1xi32>
      %parallel_loop3A_279 = vector.shape_cast %parallel_loop3A_278 : vector<16x1xi32> to vector<16xi32>
      %parallel_loop3A_280 = tpu.dynamic_gather %parallel_loop3A_266[%parallel_loop3A_279] in [0] : vector<16xf32>, vector<16xi32> -> vector<16xf32>
      %parallel_loop3A_281 = arith.addf %parallel_loop3A_266, %parallel_loop3A_280 : vector<16xf32>
      %parallel_loop3A_282 = arith.constant 2 : i32
      %parallel_loop3A_283 = vector.broadcast %parallel_loop3A_282 : i32 to vector<16xi32>
      %parallel_loop3A_284 = arith.xori %parallel_loop3A_267, %parallel_loop3A_283 : vector<16xi32>
      %parallel_loop3A_285 = arith.constant 0 : i32
      %parallel_loop3A_286 = vector.broadcast %parallel_loop3A_285 : i32 to vector<16xi32>
      %parallel_loop3A_287 = arith.cmpi slt, %parallel_loop3A_284, %parallel_loop3A_286 : vector<16xi32>
      %parallel_loop3A_288 = arith.constant 16 : i32
      %parallel_loop3A_289 = vector.broadcast %parallel_loop3A_288 : i32 to vector<16xi32>
      %parallel_loop3A_290 = arith.addi %parallel_loop3A_284, %parallel_loop3A_289 : vector<16xi32>
      %parallel_loop3A_291 = arith.select %parallel_loop3A_287, %parallel_loop3A_290, %parallel_loop3A_284 : vector<16xi1>, vector<16xi32>
      %parallel_loop3A_292 = vector.shape_cast %parallel_loop3A_291 : vector<16xi32> to vector<16x1xi32>
      %parallel_loop3A_293 = vector.shape_cast %parallel_loop3A_292 : vector<16x1xi32> to vector<16xi32>
      %parallel_loop3A_294 = tpu.dynamic_gather %parallel_loop3A_281[%parallel_loop3A_293] in [0] : vector<16xf32>, vector<16xi32> -> vector<16xf32>
      %parallel_loop3A_295 = arith.addf %parallel_loop3A_281, %parallel_loop3A_294 : vector<16xf32>
      %parallel_loop3A_296 = arith.constant 4 : i32
      %parallel_loop3A_297 = vector.broadcast %parallel_loop3A_296 : i32 to vector<16xi32>
      %parallel_loop3A_298 = arith.xori %parallel_loop3A_267, %parallel_loop3A_297 : vector<16xi32>
      %parallel_loop3A_299 = arith.constant 0 : i32
      %parallel_loop3A_300 = vector.broadcast %parallel_loop3A_299 : i32 to vector<16xi32>
      %parallel_loop3A_301 = arith.cmpi slt, %parallel_loop3A_298, %parallel_loop3A_300 : vector<16xi32>
      %parallel_loop3A_302 = arith.constant 16 : i32
      %parallel_loop3A_303 = vector.broadcast %parallel_loop3A_302 : i32 to vector<16xi32>
      %parallel_loop3A_304 = arith.addi %parallel_loop3A_298, %parallel_loop3A_303 : vector<16xi32>
      %parallel_loop3A_305 = arith.select %parallel_loop3A_301, %parallel_loop3A_304, %parallel_loop3A_298 : vector<16xi1>, vector<16xi32>
      %parallel_loop3A_306 = vector.shape_cast %parallel_loop3A_305 : vector<16xi32> to vector<16x1xi32>
      %parallel_loop3A_307 = vector.shape_cast %parallel_loop3A_306 : vector<16x1xi32> to vector<16xi32>
      %parallel_loop3A_308 = tpu.dynamic_gather %parallel_loop3A_295[%parallel_loop3A_307] in [0] : vector<16xf32>, vector<16xi32> -> vector<16xf32>
      %parallel_loop3A_309 = arith.addf %parallel_loop3A_295, %parallel_loop3A_308 : vector<16xf32>
      %parallel_loop3A_310 = arith.constant 8 : i32
      %parallel_loop3A_311 = vector.broadcast %parallel_loop3A_310 : i32 to vector<16xi32>
      %parallel_loop3A_312 = arith.xori %parallel_loop3A_267, %parallel_loop3A_311 : vector<16xi32>
      %parallel_loop3A_313 = arith.constant 0 : i32
      %parallel_loop3A_314 = vector.broadcast %parallel_loop3A_313 : i32 to vector<16xi32>
      %parallel_loop3A_315 = arith.cmpi slt, %parallel_loop3A_312, %parallel_loop3A_314 : vector<16xi32>
      %parallel_loop3A_316 = arith.constant 16 : i32
      %parallel_loop3A_317 = vector.broadcast %parallel_loop3A_316 : i32 to vector<16xi32>
      %parallel_loop3A_318 = arith.addi %parallel_loop3A_312, %parallel_loop3A_317 : vector<16xi32>
      %parallel_loop3A_319 = arith.select %parallel_loop3A_315, %parallel_loop3A_318, %parallel_loop3A_312 : vector<16xi1>, vector<16xi32>
      %parallel_loop3A_320 = vector.shape_cast %parallel_loop3A_319 : vector<16xi32> to vector<16x1xi32>
      %parallel_loop3A_321 = vector.shape_cast %parallel_loop3A_320 : vector<16x1xi32> to vector<16xi32>
      %parallel_loop3A_322 = tpu.dynamic_gather %parallel_loop3A_309[%parallel_loop3A_321] in [0] : vector<16xf32>, vector<16xi32> -> vector<16xf32>
      %parallel_loop3A_323 = arith.addf %parallel_loop3A_309, %parallel_loop3A_322 : vector<16xf32>
      %parallel_loop3A_324 = arith.constant 1.024000e+03 : f32
      %parallel_loop3A_325 = vector.broadcast %parallel_loop3A_324 : f32 to vector<16xf32>
      %parallel_loop3A_326 = arith.mulf %parallel_loop3A_325, %parallel_loop3A_323 : vector<16xf32>
      %parallel_loop3A_327 = arith.divf %sub3A_75, %parallel_loop3A_326 : vector<16xf32>
      %parallel_loop3A_328 = arith.constant 64 : i32
      %parallel_loop3A_329 = arith.muli %parallel_loop3A_247, %parallel_loop3A_328 : i32
      %parallel_loop3A_330 = arith.constant 0 : i32
      %parallel_loop3A_331 = arith.addi %parallel_loop3A_329, %parallel_loop3A_330 : i32
      %parallel_loop3A_332 = arith.index_cast %parallel_loop3A_331 : i32 to index
      %parallel_loop3A_333 = tpu.vector_load %arg12[%parallel_loop3A_332] {strides = array<i32>} : memref<16384xf32, #tpu.memory_space<vmem>>, vector<16xf32>,
      %parallel_loop3A_334 = arith.mulf %parallel_loop3A_260, %parallel_loop3A_327 : vector<16xf32>
      %parallel_loop3A_335 = arith.constant 9.765625E-4 : f32
      %parallel_loop3A_336 = vector.broadcast %parallel_loop3A_335 : f32 to vector<16xf32>
      %parallel_loop3A_337 = arith.mulf %parallel_loop3A_333, %parallel_loop3A_336 : vector<16xf32>
      %parallel_loop3A_338 = arith.subf %parallel_loop3A_334, %parallel_loop3A_337 : vector<16xf32>
      %parallel_loop3A_339 = arith.index_cast %parallel_loop3A_247 : i32 to index
      %parallel_loop3A_340 = arith.constant 0 : index
      %parallel_loop3A_341 = tpu.vector_load %arg13[%parallel_loop3A_339, %parallel_loop3A_340] {strides = array<i32>} : memref<256x64xf32, #tpu.memory_space<vmem>>, vector<16xf32>,
      tpu.vector_store %arg13[%parallel_loop3A_339, %parallel_loop3A_340], %parallel_loop3A_338 {strides = array<i32>} : memref<256x64xf32, #tpu.memory_space<vmem>>, vector<16xf32>,
      %parallel_loop3A_342 = arith.constant 64 : i32
      %parallel_loop3A_343 = arith.muli %parallel_loop3A_247, %parallel_loop3A_342 : i32
      %parallel_loop3A_344 = arith.constant 16 : i32
      %parallel_loop3A_345 = arith.addi %parallel_loop3A_343, %parallel_loop3A_344 : i32
      %parallel_loop3A_346 = arith.index_cast %parallel_loop3A_345 : i32 to index
      %parallel_loop3A_347 = tpu.vector_load %arg12[%parallel_loop3A_346] {strides = array<i32>} : memref<16384xf32, #tpu.memory_space<vmem>>, vector<16xf32>,
      %parallel_loop3A_348 = arith.mulf %parallel_loop3A_261, %parallel_loop3A_327 : vector<16xf32>
      %parallel_loop3A_349 = arith.constant 9.765625E-4 : f32
      %parallel_loop3A_350 = vector.broadcast %parallel_loop3A_349 : f32 to vector<16xf32>
      %parallel_loop3A_351 = arith.mulf %parallel_loop3A_347, %parallel_loop3A_350 : vector<16xf32>
      %parallel_loop3A_352 = arith.subf %parallel_loop3A_348, %parallel_loop3A_351 : vector<16xf32>
      %parallel_loop3A_353 = arith.index_cast %parallel_loop3A_247 : i32 to index
      %parallel_loop3A_354 = arith.constant 16 : index
      %parallel_loop3A_355 = tpu.vector_load %arg13[%parallel_loop3A_353, %parallel_loop3A_354] {strides = array<i32>} : memref<256x64xf32, #tpu.memory_space<vmem>>, vector<16xf32>,
      tpu.vector_store %arg13[%parallel_loop3A_353, %parallel_loop3A_354], %parallel_loop3A_352 {strides = array<i32>} : memref<256x64xf32, #tpu.memory_space<vmem>>, vector<16xf32>,
      %parallel_loop3A_356 = arith.constant 64 : i32
      %parallel_loop3A_357 = arith.muli %parallel_loop3A_247, %parallel_loop3A_356 : i32
      %parallel_loop3A_358 = arith.constant 32 : i32
      %parallel_loop3A_359 = arith.addi %parallel_loop3A_357, %parallel_loop3A_358 : i32
      %parallel_loop3A_360 = arith.index_cast %parallel_loop3A_359 : i32 to index
      %parallel_loop3A_361 = tpu.vector_load %arg12[%parallel_loop3A_360] {strides = array<i32>} : memref<16384xf32, #tpu.memory_space<vmem>>, vector<16xf32>,
      %parallel_loop3A_362 = arith.mulf %parallel_loop3A_262, %parallel_loop3A_327 : vector<16xf32>
      %parallel_loop3A_363 = arith.constant 9.765625E-4 : f32
      %parallel_loop3A_364 = vector.broadcast %parallel_loop3A_363 : f32 to vector<16xf32>
      %parallel_loop3A_365 = arith.mulf %parallel_loop3A_361, %parallel_loop3A_364 : vector<16xf32>
      %parallel_loop3A_366 = arith.subf %parallel_loop3A_362, %parallel_loop3A_365 : vector<16xf32>
      %parallel_loop3A_367 = arith.index_cast %parallel_loop3A_247 : i32 to index
      %parallel_loop3A_368 = arith.constant 32 : index
      %parallel_loop3A_369 = tpu.vector_load %arg13[%parallel_loop3A_367, %parallel_loop3A_368] {strides = array<i32>} : memref<256x64xf32, #tpu.memory_space<vmem>>, vector<16xf32>,
      tpu.vector_store %arg13[%parallel_loop3A_367, %parallel_loop3A_368], %parallel_loop3A_366 {strides = array<i32>} : memref<256x64xf32, #tpu.memory_space<vmem>>, vector<16xf32>,
      %parallel_loop3A_370 = arith.constant 64 : i32
      %parallel_loop3A_371 = arith.muli %parallel_loop3A_247, %parallel_loop3A_370 : i32
      %parallel_loop3A_372 = arith.constant 48 : i32
      %parallel_loop3A_373 = arith.addi %parallel_loop3A_371, %parallel_loop3A_372 : i32
      %parallel_loop3A_374 = arith.index_cast %parallel_loop3A_373 : i32 to index
      %parallel_loop3A_375 = tpu.vector_load %arg12[%parallel_loop3A_374] {strides = array<i32>} : memref<16384xf32, #tpu.memory_space<vmem>>, vector<16xf32>,
      %parallel_loop3A_376 = arith.mulf %parallel_loop3A_263, %parallel_loop3A_327 : vector<16xf32>
      %parallel_loop3A_377 = arith.constant 9.765625E-4 : f32
      %parallel_loop3A_378 = vector.broadcast %parallel_loop3A_377 : f32 to vector<16xf32>
      %parallel_loop3A_379 = arith.mulf %parallel_loop3A_375, %parallel_loop3A_378 : vector<16xf32>
      %parallel_loop3A_380 = arith.subf %parallel_loop3A_376, %parallel_loop3A_379 : vector<16xf32>
      %parallel_loop3A_381 = arith.index_cast %parallel_loop3A_247 : i32 to index
      %parallel_loop3A_382 = arith.constant 48 : index
      %parallel_loop3A_383 = tpu.vector_load %arg13[%parallel_loop3A_381, %parallel_loop3A_382] {strides = array<i32>} : memref<256x64xf32, #tpu.memory_space<vmem>>, vector<16xf32>,
      tpu.vector_store %arg13[%parallel_loop3A_381, %parallel_loop3A_382], %parallel_loop3A_380 {strides = array<i32>} : memref<256x64xf32, #tpu.memory_space<vmem>>, vector<16xf32>,
    } {sc.loop_unroll_factor = 4 : i64, sc.parallel_access}
    "tpu.trace_stop"() : () -> ()
    "tpu.region"() ({
      %run_scoped3A = tpu.sem_alloc : memref<!tpu.dma_semaphore, #tpu.memory_space<semaphore_mem>>
      %dma_start3A_247 = arith.constant 0 : i32
      %dma_start3A_248 = tpu.memref_slice %arg8[%mul3A_2, %dma_start3A_247] : memref<8192x64xf32, #tpu.memory_space<hbm>> -> memref<256x64xf32, #tpu.memory_space<hbm>>
      %dma_start3A_249 = arith.constant 0 : i32
      %dma_start3A_250 = tpu.memref_slice %arg8[%mul3A_2, %dma_start3A_249] : memref<8192x64xf32, #tpu.memory_space<hbm>> -> memref<256x64xf32, #tpu.memory_space<hbm>>
      tpu.enqueue_dma source(%arg13 : memref<256x64xf32, #tpu.memory_space<vmem>>) target(%dma_start3A_250 : memref<256x64xf32, #tpu.memory_space<hbm>>) target_semaphore(%run_scoped3A : memref<!tpu.dma_semaphore, #tpu.memory_space<semaphore_mem>>)
      %dma_wait3A_251 = arith.constant 0 : i32
      %dma_wait3A_252 = tpu.memref_slice %arg8[%mul3A_2, %dma_wait3A_251] : memref<8192x64xf32, #tpu.memory_space<hbm>> -> memref<256x64xf32, #tpu.memory_space<hbm>>
      %dma_wait3A_253 = arith.constant 0 : i32
      %dma_wait3A_254 = tpu.memref_slice %arg8[%mul3A_2, %dma_wait3A_253] : memref<8192x64xf32, #tpu.memory_space<hbm>> -> memref<256x64xf32, #tpu.memory_space<hbm>>
      tpu.wait_dma2 semaphore(%run_scoped3A : memref<!tpu.dma_semaphore, #tpu.memory_space<semaphore_mem>>) src(%arg13 : memref<256x64xf32, #tpu.memory_space<vmem>>) dst(%dma_wait3A_254 : memref<256x64xf32, #tpu.memory_space<hbm>>)
      tpu.yield
    }) : () -> ()
    return
  }
}

</mosaic_0001>

<sc_bundles>
// kernel: _grad_kernel.3.cloned.1.call-start
scs
__scs_entry_jumppad:
0x0: {  	(pc) =	sbr.rel $0x88, $3  }
0x1: {  	(tag) =	ssettag $0x0;
	lr =	simm.s32 $0x1  }
0x2: {  	[smem:$0x3F9C] =	sst lr;
	_ =	strace $0xD0000000  }
0x3: {  	_ = 	snop  }
0x4: {  	_ = 	snop  }
0x5: {  	_ = 	snop  }
0x6: {  	_ = 	snop  }
0x7: {  	_ = 	snop  }
__scs_overlays_trampoline_lowered:
0x8: {  	[smem:$0x3FAB] =	sst s0  }
0x9: {  	[smem:$0x3FAC] =	sst s1  }
0xa: {  	[smem:$0x3FAD] =	sst s2  }
0xb: {  	[smem:$0x3FAE] =	sst s3  }
0xc: {  	[smem:$0x3FAF] =	sst s4  }
0xd: {  	[smem:$0x3FB0] =	sst s5  }
0xe: {  	[smem:$0x3FB1] =	sst s6  }
0xf: {  	[smem:$0x3FB2] =	sst s7  }
0x10: {  	[smem:$0x3FB3] =	sst s8  }
0x11: {  	[smem:$0x3FB4] =	sst s9;
	s0 =	simm.s32 @!p0 $0x0  }
0x12: {  	s1 =	sld [smem:$0x3F9A];
	s0 =	simm.s32 @p0 $0x1  }
0x13: {  	[smem:$0x3FB5] =	sst s0;
	s0 =	simm.s32 @!p1 $0x0  }
0x14: {  	s2 =	sld [smem:$0x3F99];
	s0 =	simm.s32 @p1 $0x1  }
0x15: {  	[smem:$0x3FB6] =	sst s0;
	s0 =	simm.s32 @!p2 $0x0  }
0x16: {  	s3 =	sld [smem:$0x3FDB];
	s0 =	simm.s32 @p2 $0x1  }
0x17: {  	s4 =	simm.s32 $0x1BF5;
	[smem:$0x3FB8] =	sst s0  }
0x18: {  	s0 =	sld [smem:$0x3F9B];
	_ =	swait.ge [sflag:s4], $0x0  }
0x19: {  	s7 =	sld [smem:$0x3F9C]  }
0x1a: {  	s8 =	sadd.s32 $0xFFFFE003, lr  }
0x1b: {  	s9 =	sadd.s32 $0xFFFFFEF7, lr;
	s5 =	simm.s32 $0xFFFFFFFF;
	p2 =	slt.u32 s8, $0xFFFFF086  }
0x1c: {  	p1 =	slt.u32 s9, $0xF7A;
	s5 =	simm.s32 @!p2 $0x0  }
0x1d: {  	s5 =	simm.s32 @p1 $0x1;
	p0 =	seq.s32 s7, s2  }
0x1e: {  	s7 =	smul.u32 @!p0 $0xF7A, s2;
	p2 =	seq.s32 @!p0 s5, $0x0  }
0x1f: {  	s9 =	smul.u32 $0xF7A, s1;
	s8 =	simm.s32 @!p0 $0x1BF5;
	p2 =	por !p2, p0  }
0x20: {  	[sflag:s8] =	ssyncset.s32 @!p0 $0xFFFFF086;
	s6 =	sadd.s32 @!p0 s3, s7;
	s7 =	simm.s32 @!p0 $0x108  }
0x21: {  	s3 =	sadd.s32 s3, s9;
	s6 =	sadd.s32 @!p0 $0x88, s6;
	s7 =	simm.s32 @p2 $0x1082  }
0x22: {  	[simem:s7], [sflag:s8] =	dma.local @!p0 [hbm:s6], $0xF7A  }
0x23: {  	s9 =	sor.u32 $0xD0000000, s2;
	s6 =	simm.s32 $0x108;
	_ =	swait.ge @!p0 [sflag:s8], $0x0  }
0x24: {  	s3 =	sadd.s32 $0x88, s3;
	s6 =	simm.s32 @!p1 $0x1082;
	[sflag:s4] =	ssyncset.s32 $0xFFFFF086  }
0x25: {  	[simem:s6], [sflag:s4] =	dma.local [hbm:s3], $0xF7A  }
0x26: {  	[smem:$0x3F9C] =	sst s1;
	(tag) =	ssettag s2;
	_ =	strace s9  }
0x27: {  	s1 =	sld [smem:$0x3FAC]  }
0x28: {  	s2 =	sld [smem:$0x3FAD]  }
0x29: {  	s4 =	sld [smem:$0x3FAF]  }
0x2a: {  	p0 =	seq.s32 s5, $0x0;
	s5 =	sld [smem:$0x3FB0]  }
0x2b: {  	s6 =	sld [smem:$0x3FB1]  }
0x2c: {  	s7 =	sld [smem:$0x3FB2]  }
0x2d: {  	s3 =	simm.s32 $0x108;
	s8 =	sld [smem:$0x3FB3]  }
0x2e: {  	s3 =	simm.s32 @!p0 $0x1082;
	s9 =	sld [smem:$0x3FB4]  }
0x2f: {  	lr =	sadd.s32 s0, s3;
	s0 =	sld [smem:$0x3FAB]  }
0x30: {  	s3 =	sld [smem:$0x3FAE]  }
0x31: {  	[smem:$0x3FB7] =	sst s10  }
0x32: {  	s10 =	sld [smem:$0x3FB5];
	_ =	sdelay $0x3  }
0x33: {  	p0 =	seq.s32 s10, $0x1;
	s10 =	sld [smem:$0x3FB7];
	_ =	sdelay $0x3  }
0x34: {  	[smem:$0x3FB7] =	sst s10  }
0x35: {  	s10 =	sld [smem:$0x3FB6];
	_ =	sdelay $0x3  }
0x36: {  	p1 =	seq.s32 s10, $0x1;
	s10 =	sld [smem:$0x3FB7];
	_ =	sdelay $0x3  }
0x37: {  	[smem:$0x3FB7] =	sst s10  }
0x38: {  	s10 =	sld [smem:$0x3FB8]  }
0x39: {  	_ = 	snop;
	(pc) =	sbr.ind lr, $3  }
0x3a: {  	_ = 	snop  }
0x3b: {  	_ = 	snop  }
0x3c: {  	p2 =	seq.s32 s10, $0x1;
	s10 =	sld [smem:$0x3FB7]  }
0x3d: {  	_ =	shalt  }
0x3e: {  	_ =	shalt  }
0x3f: {  	_ =	shalt  }
0x40: {  	_ =	shalt  }
0x41: {  	_ =	shalt  }
0x42: {  	_ =	shalt  }
0x43: {  	_ =	shalt  }
0x44: {  	_ =	shalt  }
0x45: {  	_ =	shalt  }
0x46: {  	_ =	shalt  }
0x47: {  	_ =	shalt  }
0x48: {  	_ =	shalt  }
0x49: {  	_ =	shalt  }
0x4a: {  	_ =	shalt  }
0x4b: {  	_ =	shalt  }
0x4c: {  	_ =	shalt  }
0x4d: {  	_ =	shalt  }
0x4e: {  	_ =	shalt  }
0x4f: {  	_ =	shalt  }
0x50: {  	_ =	shalt  }
0x51: {  	_ =	shalt  }
0x52: {  	_ =	shalt  }
0x53: {  	_ =	shalt  }
0x54: {  	_ =	shalt  }
0x55: {  	_ =	shalt  }
0x56: {  	_ =	shalt  }
0x57: {  	_ =	shalt  }
0x58: {  	_ =	shalt  }
0x59: {  	_ =	shalt  }
0x5a: {  	_ =	shalt  }
0x5b: {  	_ =	shalt  }
0x5c: {  	_ =	shalt  }
0x5d: {  	_ =	shalt  }
0x5e: {  	_ =	shalt  }
0x5f: {  	_ =	shalt  }
0x60: {  	_ =	shalt  }
0x61: {  	_ =	shalt  }
0x62: {  	_ =	shalt  }
0x63: {  	_ =	shalt  }
0x64: {  	_ =	shalt  }
0x65: {  	_ =	shalt  }
0x66: {  	_ =	shalt  }
0x67: {  	_ =	shalt  }
0x68: {  	_ =	shalt  }
0x69: {  	_ =	shalt  }
0x6a: {  	_ =	shalt  }
0x6b: {  	_ =	shalt  }
0x6c: {  	_ =	shalt  }
0x6d: {  	_ =	shalt  }
0x6e: {  	_ =	shalt  }
0x6f: {  	_ =	shalt  }
0x70: {  	_ =	shalt  }
0x71: {  	_ =	shalt  }
0x72: {  	_ =	shalt  }
0x73: {  	_ =	shalt  }
0x74: {  	_ =	shalt  }
0x75: {  	_ =	shalt  }
0x76: {  	_ =	shalt  }
0x77: {  	_ =	shalt  }
0x78: {  	_ =	shalt  }
0x79: {  	_ =	shalt  }
0x7a: {  	_ =	shalt  }
0x7b: {  	_ =	shalt  }
0x7c: {  	_ =	shalt  }
0x7d: {  	_ =	shalt  }
0x7e: {  	_ =	shalt  }
0x7f: {  	_ =	shalt  }
0x80: {  	_ =	shalt  }
0x81: {  	_ =	shalt  }
0x82: {  	_ =	shalt  }
0x83: {  	_ =	shalt  }
0x84: {  	_ =	shalt  }
0x85: {  	_ =	shalt  }
0x86: {  	_ =	shalt  }
0x87: {  	_ =	shalt  }
.Lfunc_end0:
.L_simem_size_0:
called_computation_lowered:
.L_overlay_start_0:
0x88: {  	s2 =	sld [smem:$0x3FD9]  }
0x89: {  	s3 =	sld [smem:$0x3FFE];
	_ =	sdelay $0x1  }
0x8a: {  	s1 =	srdreg.scid  }
0x8b: {  	s0 =	sand.u32 $0x1, s1  }
0x8c: {  	s17 =	sshll.u32 s0, $0xA;
	s2 =	sadd.s32 s3, s2  }
0x8d: {  	s2 =	sadd.s32 s2, s17  }
0x8e: {  	[smem:$0x3FC3] =	sst s2  }
0x8f: {  	_ = 	snop  }
0x90: {  	s2 =	sld [smem:$0x3FC7]  }
0x91: {  	s18 =	sld [smem:$0x3FC6]  }
0x92: {  	s4 =	sld [smem:$0x3FC5];
	(tm) =	ssettm $0x1  }
0x93: {  	s5 =	sld [smem:$0x3FFB];
	_ =	sdelay $0x3  }
0x94: {  	_ =	strace s5  }
0x95: {  	s5 =	sld [smem:$0x3FFC];
	_ =	sdelay $0x3  }
0x96: {  	_ =	strace s5  }
0x97: {  	s5 =	sld [smem:$0x3FFD];
	_ =	sdelay $0x3  }
0x98: {  	_ =	strace s5  }
0x99: {  	_ =	strace $0x8FFFFFFF  }
0x9a: {  	s19 =	sld [smem:$0x3FDB];
	_ =	sdelay $0x1  }
0x9b: {  	s6 =	simm.s32 $_scs_section_size  }
0x9c: {  	s7 =	simm.s32 $_size__tile_overlayer_lowered;
	s8 =	simm.s32 $_tile_overlayer_lowered  }
0x9d: {  	s22 =	simm.s32 $0x1BFF;
	s21 =	sshll.u32 s8, $0x1;
	s5 =	sadd.s32 s6, s19  }
0x9e: {  	s9 =	simm.s32 $0x0;
	s20 =	sshll.u32 s7, $0x1;
	s7 =	sadd.s32 s21, s5  }
0x9f: {  	[timem:s9], [sflag:s22] =	dma.local [hbm:s7], s20  }
0xa0: {  	_ =	swait.ge [sflag:s22], s20  }
0xa1: {  	s6 =	ssub.s32 $0x0, s20;
	[sflag:s22] =	ssyncset.done $0x0  }
0xa2: {  	[sflag:s22] =	ssyncadd.s32 s6;
	_ =	sdelay $0x1  }
0xa3: {  	s23 =	simm.s32 $0x1B8B  }
0xa4: {  	_ =	swait.ge [sflag:s23], $0x1  }
0xa5: {  	[sflag:s23] =	ssyncset.done $0x0  }
0xa6: {  	s25 =	simm.s32 $0x1B8E;
	s24 =	sld [smem:$0x3FFE];
	[sflag:s23] =	ssyncadd.s32 $0xFFFFFFFF  }
0xa7: {  	s26 =	simm.s32 $execute0_lowered;
	[smem:$0x3FD2] =	sst s25  }
0xa8: {  	s7 =	sshll.u32 s26, $0x1;
	_ =	strace $0x80000046;
	[dreg:$0x1] =	wrdreg $0xFFFFFFFF  }
0xa9: {  	s28 =	simm.s32 $_size_execute0_lowered;
	s5 =	sadd.s32 s5, s7;
	[dreg:$0x0] =	wrdreg $0x0  }
0xaa: {  	s7 =	sshll.u32 s28, $0x1;
	[dreg:$0x2] =	wrdreg s5  }
0xab: {  	[dreg:$0x3] =	wrdreg s7  }
0xac: {  	[dreg:$0x4] =	wrdreg $0xC0  }
0xad: {  	_ =	task [dreg:s9], $0x5FFFF  }
0xae: {  	[dreg:$0x1] =	wrdreg $0xFFFFFFFF  }
0xaf: {  	[dreg:$0x0] =	wrdreg $0x60  }
0xb0: {  	[dreg:$0x2] =	wrdreg s24  }
0xb1: {  	[dreg:$0x3] =	wrdreg s2  }
0xb2: {  	[dreg:$0x4] =	wrdreg s18  }
0xb3: {  	[dreg:$0x5] =	wrdreg s4  }
0xb4: {  	[dreg:$0x6] =	wrdreg $0x9  }
0xb5: {  	_ =	task.clear_ibuf [dreg:s9], $0x7FFFF;
	_ =	strace $0x90000046  }
0xb6: {  	s29 =	simm.s32 $0x9;
	_ =	strace $0x8000004C  }
0xb7: {  	_ =	swait.ge [sflag:s29], $0x1  }
0xb8: {  	[sflag:s29] =	ssyncadd.s32 $0xFFFFFFFF  }
0xb9: {  	_ =	strace $0x9000004C  }
0xba: {  	_ =	sfence  }
0xbb: {  	s30 =	sld [smem:$0x0];
	_ =	sdelay $0x2  }
0xbc: {  	s31 =	sshll.u32 s1, $0xD;
	s1 =	sshrl.u32 s1, $0x2  }
0xbd: {  	s3 =	sand.u32 $0x4000, s31;
	s1 =	sadd.s32 s1, s30  }
0xbe: {  	s0 =	sor.u32 s3, s0;
	s1 =	sshll.u32 s1, $0x11  }
0xbf: {  	s0 =	sor.u32 s1, s0  }
0xc0: {  	s0 =	sadd.s32 $0x8F2B, s0  }
0xc1: {  	[sflag:s0] =	ssyncadd.remote.s32 $0x1  }
0xc2: {  	_ =	sfence.sel $0xFFFF  }
0xc3: {  	[dreg:$0x0] =	wrdreg $0xFFFFFFFF;
	(pc) =	sbr.abs _section_cstart, $3  }
0xc4: {  	[dreg:$0x1] =	wrdreg $0xFFFFFFFF  }
0xc5: {  	_ =	task.clear_ibuf [dreg:s9], $0x2FFFF;
	_ =	strace $0x9FFFFFFF  }
0xc6: {  	(tm) =	ssettm $0x7FFFFFFF  }
0xc7: {  	_ =	shalt  }
tec
execute0_lowered:
.L_overlay_start_1:
0x0: {  	(tag) =	ssettag $0x1  }
0x1: {  	v0 =	vimm.s32 $0xEFCDAB89;
	v1 =	vimm.s32 $0x67452301  }
0x2: {  	v0 =	vunpack.c.l.s4.s8 v0;
	v1 =	vunpack.c.l.s4.s8 v1  }
0x3: {  	v2 =	vimm.s32 $0xBA98FEDC;
	v3 =	vimm.s32 $0xFEDCBA98;
	v4 =	vimm.s32 $0x32107654  }
0x4: {  	v5 =	vimm.s32 $0x76543210;
	v0 =	vunpack.c.0.s8.s32 v0;
	v1 =	vunpack.c.0.s8.s32 v1  }
0x5: {  	v2 =	vunpack.c.l.s4.s8 v2;
	v3 =	vunpack.c.l.s4.s8 v3;
	v4 =	vunpack.c.l.s4.s8 v4  }
0x6: {  	s0 =	rddreg [dreg:$0x0];
	v21 =	vcombine.low v1, v0;
	v0 =	vimm.s32 $0xDCFE98BA;
	v1 =	vimm.s32 $0x54761032  }
0x7: {  	s1 =	rddreg [dreg:$0x2];
	s2 =	srdreg.scid;
	v5 =	vunpack.c.l.s4.s8 v5;
	v0 =	vunpack.c.l.s4.s8 v0;
	v1 =	vunpack.c.l.s4.s8 v1  }
0x8: {  	s8 =	rddreg [dreg:$0x3];
	s3 =	stileid.u32;
	s11 =	simm.s32 $0x4;
	v6 =	vunpack.c.0.s8.s32 v2;
	v2 =	vunpack.c.0.s8.s32 v3;
	v3 =	vunpack.c.0.s8.s32 v4  }
0x9: {  	s12 =	simm.s32 $0xC800;
	s13 =	simm.s32 $0x10000;
	s14 =	simm.s32 $0x800;
	v0 =	vunpack.c.0.s8.s32 v0;
	v1 =	vunpack.c.0.s8.s32 v1  }
0xa: {  	s15 =	simm.s32 $0x2;
	s4 =	sshll.u32 s3, $0x9;
	s3 =	simm.s32 $0x0;
	v4 =	vunpack.c.0.s8.s32 v5;
	v5 =	vlaneseq.u32;
	v3 =	vcombine.low v3, v6  }
0xb: {  	s16 =	simm.s32 $0x400;
	s17 =	simm.s32 $0x8800;
	[smem:$0x7FF] =	sst s3;
	v1 =	vcombine.low v1, v0;
	v0 =	vand.u32 $0xF, v2;
	v2 =	vmul.u32 $0x40, v5  }
0xc: {  	s18 =	simm.s32 $0x3;
	s2 =	sand.u32 $0x1, s2;
	_ =	strace $0x80000047;
	[tilespmem:$0x1FF90] =	vst v21;
	v5 =	vand.u32 $0xF, v21;
	v36 =	vcombine.low v0, v4  }
0xd: {  	s19 =	simm.s32 $0x4800;
	s5 =	sshll.u32 s2, $0x8;
	s2 =	ssub.s32 $0x2, s2;
	[tilespmem:$0x1FFC0] =	vst v3;
	v4 =	vimm.f32 $0.0e+00;
	v6 =	vor.u32 $0x400, v2;
	v7 =	vor.u32 $0x800, v2  }
0xe: {  	s20 =	simm.s32 $0x1;
	s9 =	sor.u32 s5, s4;
	s31 =	sshrl.u32 s2, $0x1;
	[tilespmem:$0x1FFF0] =	vst v5;
	v8 =	vor.u32 $0xC00, v2;
	v9 =	vor.u32 $0x1000, v2;
	v10 =	vor.u32 $0x1400, v2  }
0xf: {  	s21 =	simm.s32 $0x0;
	s4 =	sshll.u32 s9, $0x4;
	s2 =	ssub.s32 s2, s31;
	v11 =	vor.u32 $0x1800, v2;
	v12 =	vor.u32 $0x1C00, v2;
	[tilespmem:$0x1FFA0] =	vst v1;
	v0 =	vand.u32 $0xF, v1  }
0x10: {  	s5 =	sadd.s32 s1, s9;
	s8 =	sadd.s32 s8, s9;
	s0 =	sadd.s32 s4, s0;
	v13 =	vor.u32 $0x2000, v2;
	v14 =	vor.u32 $0x2400, v2;
	v15 =	vor.u32 $0x2800, v2;
	[tilespmem:$0x1FFB0] =	vst v0  }
0x11: {  	s10 =	smax.u32 s2, $0x1;
	s4 =	sadd.s32 $0xC00, s0;
	s6 =	sadd.s32 $0x40C00, s0;
	v16 =	vor.u32 $0x2C00, v2;
	v17 =	vor.u32 $0x3000, v2;
	v0 =	vand.u32 $0xF, v3;
	[tilespmem:$0x1FFE0] =	vst v36  }
0x12: {  	s7 =	sadd.s32 $0x20C00, s0;
	s9 =	sadd.s32 $0x60C00, s0;
	[dreg:$0x5] =	wrdreg s4;
	v18 =	vor.u32 $0x3400, v2;
	v19 =	vor.u32 $0x3800, v2;
	v20 =	vor.u32 $0x3C00, v2;
	[tilespmem:$0x1FFD0] =	vst v0  }
.LBB2_1:
0x13: {  	s0 =	rddreg [dreg:$0x1]  }
0x14: {  	[tilespmem:s3], [sflag:$0x4] =	stream.linear.gather [hbm4b:s0+s3], $0x400, $0x38;
	[tilespmem:$0x14800] =	vst v63  }
0x15: {  	_ =	swait.ge [sflag:s11], $0x400  }
0x16: {  	[sflag:s11] =	ssyncset.done $0x0  }
0x17: {  	s1 =	simm.s32 $0x0;
	[sflag:s11] =	ssyncadd.s32 $0xFFFFFC00  }
0x18: {  	v0 =	vimm.f32 $0.0e+00;
	s0 =	simm.s32 $0x40;
	v1 =	vld [tilespmem:s1+$0x0]  }
.LBB2_2:
0x19: {  	p0 =	sne.s32 s0, $0xFC0  }
.Ltmp0:
0x1a: {  	_ = 	snop;
	(pc) =	sbr.rel @p0 .LBB2_2-.Ltmp0, $3  }
0x1b: {  	_ =	sdelay $0x1  }
0x1c: {  	s1 =	sshra.s32 s0, $0x2;
	s0 =	sadd.s32 $0x40, s0;
	v0 =	vadd.f32 v1, v0  }
0x1d: {  	v1 =	vld [tilespmem:s1+$0x0]  }
0x1e: {  	_ =	sdelay $0x3  }
0x1f: {  	v0 =	vadd.f32 v1, v0;
	v1 =	vld [tilespmem:$0x1FF90];
	_ =	sdelay $0x4  }
0x20: {  	v1 =	vperm.xlane v0, v1;
	_ =	sdelay $0x1  }
0x21: {  	v0 =	vadd.f32 v1, v0;
	v1 =	vld [tilespmem:$0x1FFA0];
	_ =	sdelay $0x4  }
0x22: {  	v1 =	vperm.xlane v0, v1;
	_ =	sdelay $0x1  }
0x23: {  	v0 =	vadd.f32 v1, v0;
	v1 =	vld [tilespmem:$0x1FFC0];
	_ =	sdelay $0x4  }
0x24: {  	v1 =	vperm.xlane v0, v1;
	_ =	sdelay $0x1  }
0x25: {  	v0 =	vadd.f32 v1, v0;
	_ =	sdelay $0x1  }
0x26: {  	v1 =	vperm.xlane v0, v36;
	_ =	sdelay $0x1  }
0x27: {  	v24 =	vadd.f32 v1, v0;
	_ =	sdelay $0x1  }
0x28: {  	v0 =	vmul.f32 $9.765625000e-04, v24;
	_ =	sdelay $0x1  }
0x29: {  	v0 =	vadd.f32 $-1.000000050e-03, v0;
	_ =	sdelay $0x1  }
0x2a: {  	v0 =	vmul.f32 $9.900000090e-01, v0  }
0x2b: {  	s0 =	simm.s32 $0x0  }
0x2c: {  	v25 =	vadd.f32 $1.000000050e-03, v0;
	v0 =	vld [tilespmem:s0+$0x0]  }
0x2d: {  	s1 =	simm.s32 $0x40;
	v55 =	vld [tilespmem:$0x1FFD0]  }
.LBB2_4:
0x2e: {  	p0 =	sne.s32 s1, $0xFC0  }
.Ltmp1:
0x2f: {  	_ = 	snop;
	(pc) =	sbr.rel @p0 .LBB2_4-.Ltmp1, $4  }
0x30: {  	_ = 	snop  }
0x31: {  	s2 =	sshra.s32 s1, $0x2;
	s1 =	sadd.s32 $0x40, s1;
	v1 =	vsub.f32 v0, v25  }
0x32: {  	v0 =	vld [tilespmem:s2+$0x0]  }
0x33: {  	[tilespmem:s0+$0x400] =	vst v1;
	s0 =	smov.u32 s2  }
0x34: {  	_ =	sdelay $0x2  }
0x35: {  	v0 =	vsub.f32 v0, v25;
	_ =	sdelay $0x1  }
0x36: {  	s31 =	rddreg [dreg:$0x5];
	[tilespmem:s0+$0x400] =	vst v0  }
0x37: {  	[tilespmem:s12], [sflag:$0x3] =	stream.linear.gather [hbm4b:s31+s3], $0x8000, $0x38;
	[tilespmem:$0x14800] =	vst v63  }
0x38: {  	s0 =	simm.s32 $0x8840  }
0x39: {  	[tilespmem:s14], [sflag:$0x1] =	stream.strided.gather [hbm4b:s5+s14], $0x4000, s13, s14, $0x38;
	[tilespmem:$0x14800] =	vst v63  }
0x3a: {  	[tilespmem:s0+$0xFFFFFFC0] =	vst v4  }
0x3b: {  	[tilespmem:s0+$0x30] =	vst v4  }
0x3c: {  	[tilespmem:s0+$0x20] =	vst v4  }
0x3d: {  	[tilespmem:s0+$0x10] =	vst v4  }
0x3e: {  	[tilespmem:s0+$0x0] =	vst v4  }
0x3f: {  	[tilespmem:s0+$0xFFFFFFF0] =	vst v4  }
0x40: {  	s1 =	simm.s32 $0x0;
	[tilespmem:s0+$0xFFFFFFE0] =	vst v4  }
.LBB2_6:
0x41: {  	s1 =	sadd.s32 $0x8, s1;
	[tilespmem:s0+$0xFFFFFFD0] =	vst v4;
	s0 =	sadd.s32 $0x80, s0  }
0x42: {  	[tilespmem:s0+$0xFFFFFFC0] =	vst v4;
	p0 =	slt.u32 s1, $0x3F8  }
0x43: {  	[tilespmem:s0+$0x30] =	vst v4  }
.Ltmp2:
0x44: {  	[tilespmem:s0+$0x20] =	vst v4;
	(pc) =	sbr.rel @p0 .LBB2_6-.Ltmp2, $4  }
0x45: {  	[tilespmem:s0+$0x10] =	vst v4  }
0x46: {  	[tilespmem:s0+$0x0] =	vst v4  }
0x47: {  	[tilespmem:s0+$0xFFFFFFF0] =	vst v4  }
0x48: {  	[tilespmem:s0+$0xFFFFFFE0] =	vst v4  }
.Ltmp3:
0x49: {  	(pc) =	sbr.rel .LBB2_8-.Ltmp3, $3  }
0x4a: {  	_ =	sdelay $0x1  }
0x4b: {  	[tilespmem:s0+$0xFFFFFFD0] =	vst v4  }
0x4c: {  	s0 =	simm.s32 $0x0;
	s22 =	simm.s32 $0x0;
	_ =	strace $0x80000048  }
.LBB2_16:
0x4d: {  	p0 =	sne.s32 s23, $0x10  }
.Ltmp4:
0x4e: {  	_ = 	snop;
	(pc) =	sbr.rel @!p0 .LBB2_17-.Ltmp4, $2  }
0x4f: {  	_ =	sdelay $0x2  }
0x50: {  	s22 =	sadd.s32 $0x40, s22;
	s0 =	smov.u32 s23  }
.LBB2_8:
0x51: {  	p0 =	seq.s32 s0, $0xF  }
.Ltmp5:
0x52: {  	_ = 	snop;
	(pc) =	sbr.rel @p0 .LBB2_13-.Ltmp5, $2  }
0x53: {  	_ =	sdelay $0x2  }
0x54: {  	s23 =	sadd.s32 $0x1, s0  }
0x55: {  	s24 =	sand.u32 $0x1, s0  }
0x56: {  	p0 =	seq.s32 s24, $0x1  }
.Ltmp6:
0x57: {  	_ = 	snop;
	(pc) =	sbr.rel @!p0 .LBB2_10-.Ltmp6, $3  }
0x58: {  	_ =	sdelay $0x1  }
0x59: {  	s31 =	sshll.u32 s23, $0x10  }
0x5a: {  	s0 =	sadd.s32 s31, s5  }
.Ltmp7:
0x5b: {  	(pc) =	sbr.rel .LBB2_13-.Ltmp7, $2  }
0x5c: {  	_ =	sdelay $0x2  }
0x5d: {  	[tilespmem:s14], [sflag:$0x1] =	stream.strided.gather [hbm4b:s0+s14], $0x4000, s13, s14, $0x200038;
	[tilespmem:$0x14800] =	vst v63  }
.LBB2_10:
0x5e: {  	[tilespmem:s19], [sflag:$0x2] =	stream.strided.gather [hbm4b:s0+s14], $0x4000, s13, s14, $0x200038;
	[tilespmem:$0x14800] =	vst v63  }
0x5f: {  	s4 =	sadd.s32 $0xFFFFFFF8, s22  }
0x60: {  	s1 =	sadd.s32 $0xE, s4  }
0x61: {  	_ =	swait.ge [sflag:s20], $0x4000;
	v0 =	vmov s1  }
0x62: {  	[sflag:s20] =	ssyncset.done $0x0;
	v0 =	vand.u32 $0xFFFFFFFE, v0  }
0x63: {  	s25 =	simm.s32 $0xC00;
	[sflag:s20] =	ssyncadd.s32 $0xFFFFC000;
	v0 =	vbroadcast v0, $0x0  }
0x64: {  	v1 =	vld [tilespmem:s25+$0xFFFFFF00];
	_ =	sdelay $0x1  }
0x65: {  	v3 =	vld [tilespmem:s25+$0xFFFFFC00]  }
0x66: {  	s26 =	sadd.s32 $0x8, s4;
	v4 =	vld [tilespmem:s25+$0xFFFFFC80]  }
0x67: {  	s29 =	sadd.s32 $0xB, s4;
	v5 =	vmov s26;
	v21 =	vld [tilespmem:s25+$0xFFFFFD00]  }
0x68: {  	s28 =	sadd.s32 $0x9, s4;
	v26 =	vmov s29;
	v5 =	vand.u32 $0xFFFFFFF8, v5;
	v33 =	vld.idx.msk [tilespmem:v0+s16+$0x0], $0xffff;
	v0 =	vadd.s32 v2, v1  }
0x69: {  	s2 =	sadd.s32 $0xA, s4;
	v22 =	vmov s28;
	v26 =	vand.u32 $0xFFFFFFFB, v26;
	v5 =	vbroadcast v5, $0x0;
	v23 =	vld [tilespmem:s25+$0xFFFFFD80]  }
0x6a: {  	s30 =	sadd.s32 $0xC, s4;
	v22 =	vand.u32 $0xFFFFFFF9, v22;
	v34 =	vld [tilespmem:s25+$0xFFFFFE00];
	v29 =	vbroadcast v26, $0x0;
	v1 =	vmov s2  }
0x6b: {  	v27 =	vmov s30;
	v22 =	vbroadcast v22, $0x0;
	v35 =	vld [tilespmem:s25+$0xFFFFFE80];
	v1 =	vand.u32 $0xFFFFFFFA, v1  }
0x6c: {  	s31 =	sadd.s32 $0xD, s4;
	v27 =	vand.u32 $0xFFFFFFFC, v27;
	v36 =	vld [tilespmem:s25+$0xFFFFFF80];
	v1 =	vbroadcast v1, $0x0  }
0x6d: {  	v28 =	vmov s31;
	v30 =	vbroadcast v27, $0x0;
	[tilespmem:v0+s17+$0x0] =	vst.idx.add.f32.msk $0xffff, v33  }
0x6e: {  	v26 =	vand.u32 $0xFFFFFFFD, v28;
	v31 =	vld [tilespmem:s25+$0xFFFFFF10]  }
0x6f: {  	v3 =	vadd.s32 v2, v3;
	v32 =	vld.idx.msk [tilespmem:v5+s16+$0x0], $0xffff;
	v0 =	vbroadcast v26, $0x0  }
0x70: {  	s0 =	sadd.s32 $0xF, s4;
	v28 =	vld.idx.msk [tilespmem:v29+s16+$0x0], $0xffff  }
0x71: {  	v5 =	vmov s0;
	v26 =	vld.idx.msk [tilespmem:v22+s16+$0x0], $0xffff  }
0x72: {  	v27 =	vld.idx.msk [tilespmem:v1+s16+$0x0], $0xffff;
	v1 =	vadd.s32 v2, v4  }
0x73: {  	v29 =	vld.idx.msk [tilespmem:v30+s16+$0x0], $0xffff;
	v4 =	vadd.s32 v6, v31  }
0x74: {  	[tilespmem:v3+s17+$0x0] =	vst.idx.add.f32.msk $0xffff, v32  }
0x75: {  	v3 =	vadd.s32 v2, v34;
	v30 =	vld.idx.msk [tilespmem:v0+s16+$0x0], $0xffff  }
0x76: {  	v31 =	vld.idx.msk [tilespmem:v5+s16+$0x0], $0xffff  }
0x77: {  	v0 =	vadd.s32 v2, v21;
	[tilespmem:v1+s17+$0x0] =	vst.idx.add.f32.msk $0xffff, v26  }
0x78: {  	v5 =	vadd.s32 v2, v23;
	[tilespmem:v4+s17+$0x0] =	vst.idx.add.f32.msk $0xffff, v33  }
0x79: {  	v1 =	vadd.s32 v2, v35;
	v4 =	vld [tilespmem:s25+$0xFFFFFF20]  }
0x7a: {  	[tilespmem:v3+s17+$0x0] =	vst.idx.add.f32.msk $0xffff, v29  }
0x7b: {  	v3 =	vld [tilespmem:s25+$0xFFFFFC90]  }
0x7c: {  	[tilespmem:v0+s17+$0x0] =	vst.idx.add.f32.msk $0xffff, v27  }
0x7d: {  	[tilespmem:v5+s17+$0x0] =	vst.idx.add.f32.msk $0xffff, v28  }
0x7e: {  	[tilespmem:v1+s17+$0x0] =	vst.idx.add.f32.msk $0xffff, v30;
	v1 =	vadd.s32 v7, v4  }
0x7f: {  	v0 =	vld [tilespmem:s25+$0xFFFFFC10];
	v4 =	vadd.s32 v2, v36  }
0x80: {  	v5 =	vld [tilespmem:s25+$0xFFFFFD10]  }
0x81: {  	v21 =	vld [tilespmem:s25+$0xFFFFFD90];
	_ =	sdelay $0x1  }
0x82: {  	[tilespmem:v1+s17+$0x0] =	vst.idx.add.f32.msk $0xffff, v33  }
0x83: {  	v0 =	vadd.s32 v6, v0;
	[tilespmem:v4+s17+$0x0] =	vst.idx.add.f32.msk $0xffff, v31  }
0x84: {  	v1 =	vadd.s32 v6, v3;
	v4 =	vadd.s32 v6, v5;
	v5 =	vld [tilespmem:s25+$0xFFFFFE90]  }
0x85: {  	v21 =	vadd.s32 v6, v21;
	v3 =	vld [tilespmem:s25+$0xFFFFFF30]  }
0x86: {  	v23 =	vld [tilespmem:s25+$0xFFFFFF90]  }
0x87: {  	v22 =	vld [tilespmem:s25+$0xFFFFFE10]  }
0x88: {  	[tilespmem:v0+s17+$0x0] =	vst.idx.add.f32.msk $0xffff, v32  }
0x89: {  	[tilespmem:v1+s17+$0x0] =	vst.idx.add.f32.msk $0xffff, v26;
	v1 =	vadd.s32 v6, v5  }
0x8a: {  	[tilespmem:v21+s17+$0x0] =	vst.idx.add.f32.msk $0xffff, v28  }
0x8b: {  	[tilespmem:v4+s17+$0x0] =	vst.idx.add.f32.msk $0xffff, v27;
	v0 =	vadd.s32 v8, v3;
	v3 =	vadd.s32 v6, v23  }
0x8c: {  	v4 =	vld [tilespmem:s25+$0xFFFFFC20]  }
0x8d: {  	v5 =	vld [tilespmem:s25+$0xFFFFFDA0]  }
0x8e: {  	[tilespmem:v1+s17+$0x0] =	vst.idx.add.f32.msk $0xffff, v30  }
0x8f: {  	v22 =	vadd.s32 v6, v22;
	v1 =	vld [tilespmem:s25+$0xFFFFFCA0]  }
0x90: {  	[tilespmem:v3+s17+$0x0] =	vst.idx.add.f32.msk $0xffff, v31  }
0x91: {  	v3 =	vadd.s32 v7, v4;
	v4 =	vld [tilespmem:s25+$0xFFFFFD20]  }
0x92: {  	[tilespmem:v0+s17+$0x0] =	vst.idx.add.f32.msk $0xffff, v33  }
0x93: {  	v0 =	vld [tilespmem:s25+$0xFFFFFF40]  }
0x94: {  	[tilespmem:v22+s17+$0x0] =	vst.idx.add.f32.msk $0xffff, v29  }
0x95: {  	v22 =	vld [tilespmem:s25+$0xFFFFFEA0];
	v1 =	vadd.s32 v7, v1  }
0x96: {  	[tilespmem:v3+s17+$0x0] =	vst.idx.add.f32.msk $0xffff, v32;
	v3 =	vadd.s32 v7, v4  }
0x97: {  	v4 =	vadd.s32 v7, v5  }
0x98: {  	v23 =	vld [tilespmem:s25+$0xFFFFFFA0];
	v0 =	vadd.s32 v9, v0  }
0x99: {  	v21 =	vld [tilespmem:s25+$0xFFFFFE20]  }
0x9a: {  	[tilespmem:v1+s17+$0x0] =	vst.idx.add.f32.msk $0xffff, v26  }
0x9b: {  	v22 =	vadd.s32 v7, v22;
	[tilespmem:v3+s17+$0x0] =	vst.idx.add.f32.msk $0xffff, v27  }
0x9c: {  	[tilespmem:v4+s17+$0x0] =	vst.idx.add.f32.msk $0xffff, v28  }
0x9d: {  	v1 =	vadd.s32 v7, v23;
	[tilespmem:v0+s17+$0x0] =	vst.idx.add.f32.msk $0xffff, v33  }
0x9e: {  	v3 =	vld [tilespmem:s25+$0xFFFFFD30]  }
0x9f: {  	v0 =	vadd.s32 v7, v21;
	v5 =	vld [tilespmem:s25+$0xFFFFFF50]  }
0xa0: {  	[tilespmem:v22+s17+$0x0] =	vst.idx.add.f32.msk $0xffff, v30  }
0xa1: {  	v22 =	vld [tilespmem:s25+$0xFFFFFEB0]  }
0xa2: {  	[tilespmem:v1+s17+$0x0] =	vst.idx.add.f32.msk $0xffff, v31  }
0xa3: {  	v1 =	vld [tilespmem:s25+$0xFFFFFCB0];
	v3 =	vadd.s32 v8, v3  }
0xa4: {  	[tilespmem:v0+s17+$0x0] =	vst.idx.add.f32.msk $0xffff, v29;
	v0 =	vadd.s32 v10, v5  }
0xa5: {  	v21 =	vld [tilespmem:s25+$0xFFFFFC30]  }
0xa6: {  	v23 =	vld [tilespmem:s25+$0xFFFFFFB0]  }
0xa7: {  	v5 =	vld [tilespmem:s25+$0xFFFFFDB0]  }
0xa8: {  	v1 =	vadd.s32 v8, v1;
	[tilespmem:v3+s17+$0x0] =	vst.idx.add.f32.msk $0xffff, v27  }
0xa9: {  	v3 =	vadd.s32 v8, v22;
	[tilespmem:v0+s17+$0x0] =	vst.idx.add.f32.msk $0xffff, v33  }
0xaa: {  	v0 =	vadd.s32 v8, v21;
	v4 =	vld [tilespmem:s25+$0xFFFFFF60]  }
0xab: {  	v22 =	vadd.s32 v8, v23  }
0xac: {  	v21 =	vld [tilespmem:s25+$0xFFFFFE30]  }
0xad: {  	v5 =	vadd.s32 v8, v5;
	[tilespmem:v1+s17+$0x0] =	vst.idx.add.f32.msk $0xffff, v26  }
0xae: {  	[tilespmem:v3+s17+$0x0] =	vst.idx.add.f32.msk $0xffff, v30  }
0xaf: {  	[tilespmem:v0+s17+$0x0] =	vst.idx.add.f32.msk $0xffff, v32;
	v0 =	vadd.s32 v11, v4  }
0xb0: {  	[tilespmem:v22+s17+$0x0] =	vst.idx.add.f32.msk $0xffff, v31  }
0xb1: {  	v1 =	vadd.s32 v8, v21;
	v21 =	vld [tilespmem:s25+$0xFFFFFCC0]  }
0xb2: {  	[tilespmem:v5+s17+$0x0] =	vst.idx.add.f32.msk $0xffff, v28  }
0xb3: {  	v4 =	vld [tilespmem:s25+$0xFFFFFC40]  }
0xb4: {  	[tilespmem:v0+s17+$0x0] =	vst.idx.add.f32.msk $0xffff, v33  }
0xb5: {  	v0 =	vld [tilespmem:s25+$0xFFFFFF70]  }
0xb6: {  	[tilespmem:v1+s17+$0x0] =	vst.idx.add.f32.msk $0xffff, v29  }
0xb7: {  	v1 =	vld [tilespmem:s25+$0xFFFFFD40];
	v21 =	vadd.s32 v9, v21  }
0xb8: {  	v22 =	vld [tilespmem:s25+$0xFFFFFEC0];
	v4 =	vadd.s32 v9, v4  }
0xb9: {  	v5 =	vld [tilespmem:s25+$0xFFFFFE40]  }
0xba: {  	v23 =	vld [tilespmem:s25+$0xFFFFFFC0];
	v0 =	vadd.s32 v12, v0  }
0xbb: {  	v3 =	vld [tilespmem:s25+$0xFFFFFDC0]  }
0xbc: {  	v1 =	vadd.s32 v9, v1;
	[tilespmem:v21+s17+$0x0] =	vst.idx.add.f32.msk $0xffff, v26  }
0xbd: {  	[tilespmem:v4+s17+$0x0] =	vst.idx.add.f32.msk $0xffff, v32  }
0xbe: {  	v4 =	vadd.s32 v9, v5;
	v5 =	vadd.s32 v9, v22;
	v21 =	vld [tilespmem:s25+$0xFFFFFC50]  }
0xbf: {  	v22 =	vadd.s32 v9, v23;
	[tilespmem:v0+s17+$0x0] =	vst.idx.add.f32.msk $0xffff, v33  }
0xc0: {  	v0 =	vadd.s32 v9, v3;
	v3 =	vld [tilespmem:s25+$0x300]  }
0xc1: {  	[tilespmem:v1+s17+$0x0] =	vst.idx.add.f32.msk $0xffff, v27  }
0xc2: {  	v1 =	vld [tilespmem:s25+$0xFFFFFCD0]  }
0xc3: {  	[tilespmem:v5+s17+$0x0] =	vst.idx.add.f32.msk $0xffff, v30  }
0xc4: {  	[tilespmem:v22+s17+$0x0] =	vst.idx.add.f32.msk $0xffff, v31  }
0xc5: {  	[tilespmem:v0+s17+$0x0] =	vst.idx.add.f32.msk $0xffff, v28;
	v0 =	vadd.s32 v13, v3  }
0xc6: {  	v22 =	vld [tilespmem:s25+$0xFFFFFED0]  }
0xc7: {  	[tilespmem:v4+s17+$0x0] =	vst.idx.add.f32.msk $0xffff, v29  }
0xc8: {  	v4 =	vld [tilespmem:s25+$0xFFFFFD50]  }
0xc9: {  	v3 =	vadd.s32 v10, v21;
	v5 =	vld [tilespmem:s25+$0xFFFFFDD0]  }
0xca: {  	v1 =	vadd.s32 v10, v1;
	[tilespmem:v0+s17+$0x0] =	vst.idx.add.f32.msk $0xffff, v33  }
0xcb: {  	v22 =	vadd.s32 v10, v22;
	v0 =	vld [tilespmem:s25+$0x310]  }
0xcc: {  	v21 =	vld [tilespmem:s25+$0xFFFFFE50]  }
0xcd: {  	v23 =	vld [tilespmem:s25+$0xFFFFFFD0]  }
0xce: {  	[tilespmem:v3+s17+$0x0] =	vst.idx.add.f32.msk $0xffff, v32;
	v3 =	vadd.s32 v10, v4  }
0xcf: {  	[tilespmem:v1+s17+$0x0] =	vst.idx.add.f32.msk $0xffff, v26;
	v5 =	vadd.s32 v10, v5  }
0xd0: {  	[tilespmem:v22+s17+$0x0] =	vst.idx.add.f32.msk $0xffff, v30;
	v0 =	vadd.s32 v14, v0  }
0xd1: {  	v1 =	vadd.s32 v10, v21;
	v21 =	vld [tilespmem:s25+$0xFFFFFCE0]  }
0xd2: {  	v4 =	vld [tilespmem:s25+$0xFFFFFC60]  }
0xd3: {  	[tilespmem:v3+s17+$0x0] =	vst.idx.add.f32.msk $0xffff, v27  }
0xd4: {  	[tilespmem:v5+s17+$0x0] =	vst.idx.add.f32.msk $0xffff, v28  }
0xd5: {  	[tilespmem:v0+s17+$0x0] =	vst.idx.add.f32.msk $0xffff, v33  }
0xd6: {  	v0 =	vadd.s32 v10, v23;
	v23 =	vld [tilespmem:s25+$0x320]  }
0xd7: {  	[tilespmem:v1+s17+$0x0] =	vst.idx.add.f32.msk $0xffff, v29  }
0xd8: {  	v21 =	vadd.s32 v11, v21;
	v3 =	vld [tilespmem:s25+$0xFFFFFDE0]  }
0xd9: {  	v4 =	vadd.s32 v11, v4;
	v5 =	vld [tilespmem:s25+$0xFFFFFE60]  }
0xda: {  	v22 =	vld [tilespmem:s25+$0xFFFFFEE0]  }
0xdb: {  	[tilespmem:v0+s17+$0x0] =	vst.idx.add.f32.msk $0xffff, v31;
	v1 =	vadd.s32 v15, v23  }
0xdc: {  	v0 =	vld [tilespmem:s25+$0xFFFFFD60]  }
0xdd: {  	[tilespmem:v21+s17+$0x0] =	vst.idx.add.f32.msk $0xffff, v26;
	v3 =	vadd.s32 v11, v3  }
0xde: {  	[tilespmem:v4+s17+$0x0] =	vst.idx.add.f32.msk $0xffff, v32;
	v4 =	vadd.s32 v11, v5  }
0xdf: {  	v5 =	vadd.s32 v11, v22;
	v21 =	vld [tilespmem:s25+$0xFFFFFC70]  }
0xe0: {  	[tilespmem:v1+s17+$0x0] =	vst.idx.add.f32.msk $0xffff, v33  }
0xe1: {  	v0 =	vadd.s32 v11, v0;
	v1 =	vld [tilespmem:s25+$0x330]  }
0xe2: {  	[tilespmem:v3+s17+$0x0] =	vst.idx.add.f32.msk $0xffff, v28  }
0xe3: {  	[tilespmem:v4+s17+$0x0] =	vst.idx.add.f32.msk $0xffff, v29  }
0xe4: {  	[tilespmem:v5+s17+$0x0] =	vst.idx.add.f32.msk $0xffff, v30  }
0xe5: {  	v23 =	vld [tilespmem:s25+$0xFFFFFFE0]  }
0xe6: {  	[tilespmem:v0+s17+$0x0] =	vst.idx.add.f32.msk $0xffff, v27;
	v0 =	vadd.s32 v16, v1  }
0xe7: {  	v1 =	vld [tilespmem:s25+$0xFFFFFCF0]  }
0xe8: {  	v4 =	vld [tilespmem:s25+$0xFFFFFDF0];
	v5 =	vadd.s32 v12, v21  }
0xe9: {  	v21 =	vld [tilespmem:s25+$0xFFFFFE70]  }
0xea: {  	v22 =	vld [tilespmem:s25+$0xFFFFFEF0]  }
0xeb: {  	[tilespmem:v0+s17+$0x0] =	vst.idx.add.f32.msk $0xffff, v33;
	v0 =	vadd.s32 v11, v23  }
0xec: {  	v3 =	vld [tilespmem:s25+$0xFFFFFD70];
	v1 =	vadd.s32 v12, v1  }
0xed: {  	[tilespmem:v5+s17+$0x0] =	vst.idx.add.f32.msk $0xffff, v32  }
0xee: {  	v4 =	vadd.s32 v12, v4;
	v5 =	vadd.s32 v12, v21;
	v21 =	vld [tilespmem:s25+$0x0]  }
0xef: {  	v23 =	vld [tilespmem:s25+$0x340]  }
0xf0: {  	[tilespmem:v0+s17+$0x0] =	vst.idx.add.f32.msk $0xffff, v31  }
0xf1: {  	v0 =	vadd.s32 v12, v3;
	[tilespmem:v1+s17+$0x0] =	vst.idx.add.f32.msk $0xffff, v26  }
0xf2: {  	v1 =	vadd.s32 v12, v22;
	v3 =	vld [tilespmem:s25+$0xFFFFFFF0]  }
0xf3: {  	[tilespmem:v4+s17+$0x0] =	vst.idx.add.f32.msk $0xffff, v28  }
0xf4: {  	[tilespmem:v5+s17+$0x0] =	vst.idx.add.f32.msk $0xffff, v29  }
0xf5: {  	v5 =	vld [tilespmem:s25+$0x180]  }
0xf6: {  	v4 =	vadd.s32 v17, v23;
	[tilespmem:v0+s17+$0x0] =	vst.idx.add.f32.msk $0xffff, v27  }
0xf7: {  	[tilespmem:v1+s17+$0x0] =	vst.idx.add.f32.msk $0xffff, v30;
	v0 =	vadd.s32 v12, v3  }
0xf8: {  	v1 =	vld [tilespmem:s25+$0x80]  }
0xf9: {  	v21 =	vadd.s32 v13, v21;
	v22 =	vld [tilespmem:s25+$0x200]  }
0xfa: {  	v3 =	vld [tilespmem:s25+$0x100]  }
0xfb: {  	[tilespmem:v4+s17+$0x0] =	vst.idx.add.f32.msk $0xffff, v33  }
0xfc: {  	v4 =	vadd.s32 v13, v5;
	[tilespmem:v0+s17+$0x0] =	vst.idx.add.f32.msk $0xffff, v31  }
0xfd: {  	v0 =	vadd.s32 v13, v1;
	v1 =	vld [tilespmem:s25+$0x280]  }
0xfe: {  	[tilespmem:v21+s17+$0x0] =	vst.idx.add.f32.msk $0xffff, v32;
	v5 =	vadd.s32 v13, v22  }
0xff: {  	v3 =	vadd.s32 v13, v3;
	v23 =	vld [tilespmem:s25+$0x380]  }
0x100: {  	v21 =	vld [tilespmem:s25+$0x10]  }
0x101: {  	[tilespmem:v4+s17+$0x0] =	vst.idx.add.f32.msk $0xffff, v28  }
0x102: {  	[tilespmem:v0+s17+$0x0] =	vst.idx.add.f32.msk $0xffff, v26;
	v0 =	vadd.s32 v13, v1  }
0x103: {  	[tilespmem:v5+s17+$0x0] =	vst.idx.add.f32.msk $0xffff, v29  }
0x104: {  	[tilespmem:v3+s17+$0x0] =	vst.idx.add.f32.msk $0xffff, v27;
	v1 =	vadd.s32 v13, v23  }
0x105: {  	v3 =	vld [tilespmem:s25+$0x90]  }
0x106: {  	v4 =	vld [tilespmem:s25+$0x190]  }
0x107: {  	[tilespmem:v0+s17+$0x0] =	vst.idx.add.f32.msk $0xffff, v30  }
0x108: {  	v0 =	vld [tilespmem:s25+$0x110]  }
0x109: {  	[tilespmem:v1+s17+$0x0] =	vst.idx.add.f32.msk $0xffff, v31;
	v1 =	vadd.s32 v14, v21  }
0x10a: {  	v5 =	vld [tilespmem:s25+$0x210];
	v3 =	vadd.s32 v14, v3  }
0x10b: {  	v21 =	vld [tilespmem:s25+$0x290]  }
0x10c: {  	v23 =	vld [tilespmem:s25+$0x350]  }
0x10d: {  	v22 =	vld [tilespmem:s25+$0x390];
	v0 =	vadd.s32 v14, v0  }
0x10e: {  	[tilespmem:v1+s17+$0x0] =	vst.idx.add.f32.msk $0xffff, v32;
	v1 =	vadd.s32 v14, v4  }
0x10f: {  	[tilespmem:v3+s17+$0x0] =	vst.idx.add.f32.msk $0xffff, v26;
	v3 =	vadd.s32 v14, v5  }
0x110: {  	v5 =	vadd.s32 v14, v21;
	v4 =	vld [tilespmem:s25+$0x20]  }
0x111: {  	v21 =	vld [tilespmem:s25+$0xA0]  }
0x112: {  	v22 =	vadd.s32 v14, v22;
	[tilespmem:v0+s17+$0x0] =	vst.idx.add.f32.msk $0xffff, v27  }
0x113: {  	[tilespmem:v1+s17+$0x0] =	vst.idx.add.f32.msk $0xffff, v28  }
0x114: {  	[tilespmem:v3+s17+$0x0] =	vst.idx.add.f32.msk $0xffff, v29  }
0x115: {  	[tilespmem:v5+s17+$0x0] =	vst.idx.add.f32.msk $0xffff, v30  }
0x116: {  	v1 =	vld [tilespmem:s25+$0x120]  }
0x117: {  	v0 =	vadd.s32 v18, v23;
	[tilespmem:v22+s17+$0x0] =	vst.idx.add.f32.msk $0xffff, v31  }
0x118: {  	v3 =	vadd.s32 v15, v4;
	v4 =	vld [tilespmem:s25+$0x1A0]  }
0x119: {  	v5 =	vadd.s32 v15, v21;
	v21 =	vld [tilespmem:s25+$0x220]  }
0x11a: {  	v22 =	vld [tilespmem:s25+$0x2A0]  }
0x11b: {  	v23 =	vld [tilespmem:s25+$0x3A0]  }
0x11c: {  	[tilespmem:v0+s17+$0x0] =	vst.idx.add.f32.msk $0xffff, v33  }
0x11d: {  	v0 =	vadd.s32 v15, v1;
	[tilespmem:v3+s17+$0x0] =	vst.idx.add.f32.msk $0xffff, v32  }
0x11e: {  	v1 =	vadd.s32 v15, v4;
	[tilespmem:v5+s17+$0x0] =	vst.idx.add.f32.msk $0xffff, v26  }
0x11f: {  	v3 =	vadd.s32 v15, v21;
	v4 =	vld [tilespmem:s25+$0x30]  }
0x120: {  	v5 =	vadd.s32 v15, v22;
	v21 =	vld [tilespmem:s25+$0xB0]  }
0x121: {  	v22 =	vadd.s32 v15, v23;
	v23 =	vld [tilespmem:s25+$0x360]  }
0x122: {  	[tilespmem:v0+s17+$0x0] =	vst.idx.add.f32.msk $0xffff, v27  }
0x123: {  	[tilespmem:v1+s17+$0x0] =	vst.idx.add.f32.msk $0xffff, v28  }
0x124: {  	[tilespmem:v3+s17+$0x0] =	vst.idx.add.f32.msk $0xffff, v29  }
0x125: {  	[tilespmem:v5+s17+$0x0] =	vst.idx.add.f32.msk $0xffff, v30  }
0x126: {  	v0 =	vld [tilespmem:s25+$0x130]  }
0x127: {  	v1 =	vadd.s32 v16, v4;
	v3 =	vld [tilespmem:s25+$0x1B0]  }
0x128: {  	v4 =	vadd.s32 v16, v21;
	v5 =	vld [tilespmem:s25+$0x230]  }
0x129: {  	v21 =	vld [tilespmem:s25+$0x2B0]  }
0x12a: {  	[tilespmem:v22+s17+$0x0] =	vst.idx.add.f32.msk $0xffff, v31  }
0x12b: {  	v22 =	vld [tilespmem:s25+$0x3B0];
	v0 =	vadd.s32 v16, v0  }
0x12c: {  	[tilespmem:v1+s17+$0x0] =	vst.idx.add.f32.msk $0xffff, v32;
	v1 =	vadd.s32 v16, v3  }
0x12d: {  	[tilespmem:v4+s17+$0x0] =	vst.idx.add.f32.msk $0xffff, v26;
	v3 =	vadd.s32 v16, v5  }
0x12e: {  	v5 =	vadd.s32 v16, v21;
	v4 =	vld [tilespmem:s25+$0x40]  }
0x12f: {  	v21 =	vld [tilespmem:s25+$0xC0]  }
0x130: {  	v22 =	vadd.s32 v16, v22;
	[tilespmem:v0+s17+$0x0] =	vst.idx.add.f32.msk $0xffff, v27  }
0x131: {  	[tilespmem:v1+s17+$0x0] =	vst.idx.add.f32.msk $0xffff, v28  }
0x132: {  	[tilespmem:v3+s17+$0x0] =	vst.idx.add.f32.msk $0xffff, v29  }
0x133: {  	[tilespmem:v5+s17+$0x0] =	vst.idx.add.f32.msk $0xffff, v30  }
0x134: {  	v1 =	vld [tilespmem:s25+$0x140]  }
0x135: {  	v0 =	vadd.s32 v19, v23;
	[tilespmem:v22+s17+$0x0] =	vst.idx.add.f32.msk $0xffff, v31  }
0x136: {  	v3 =	vadd.s32 v17, v4;
	v4 =	vld [tilespmem:s25+$0x1C0]  }
0x137: {  	v5 =	vadd.s32 v17, v21;
	v21 =	vld [tilespmem:s25+$0x240]  }
0x138: {  	v22 =	vld [tilespmem:s25+$0x2C0]  }
0x139: {  	v23 =	vld [tilespmem:s25+$0x3C0]  }
0x13a: {  	[tilespmem:v0+s17+$0x0] =	vst.idx.add.f32.msk $0xffff, v33  }
0x13b: {  	v0 =	vadd.s32 v17, v1;
	[tilespmem:v3+s17+$0x0] =	vst.idx.add.f32.msk $0xffff, v32  }
0x13c: {  	v1 =	vadd.s32 v17, v4;
	[tilespmem:v5+s17+$0x0] =	vst.idx.add.f32.msk $0xffff, v26  }
0x13d: {  	v3 =	vadd.s32 v17, v21;
	v4 =	vld [tilespmem:s25+$0x50]  }
0x13e: {  	v5 =	vadd.s32 v17, v22;
	v21 =	vld [tilespmem:s25+$0xD0]  }
0x13f: {  	v22 =	vadd.s32 v17, v23;
	v23 =	vld [tilespmem:s25+$0x370]  }
0x140: {  	[tilespmem:v0+s17+$0x0] =	vst.idx.add.f32.msk $0xffff, v27  }
0x141: {  	[tilespmem:v1+s17+$0x0] =	vst.idx.add.f32.msk $0xffff, v28  }
0x142: {  	[tilespmem:v3+s17+$0x0] =	vst.idx.add.f32.msk $0xffff, v29  }
0x143: {  	[tilespmem:v5+s17+$0x0] =	vst.idx.add.f32.msk $0xffff, v30  }
0x144: {  	v0 =	vld [tilespmem:s25+$0x150]  }
0x145: {  	v1 =	vadd.s32 v18, v4;
	v3 =	vld [tilespmem:s25+$0x1D0]  }
0x146: {  	v4 =	vadd.s32 v18, v21;
	v5 =	vld [tilespmem:s25+$0x250]  }
0x147: {  	v21 =	vld [tilespmem:s25+$0x2D0]  }
0x148: {  	[tilespmem:v22+s17+$0x0] =	vst.idx.add.f32.msk $0xffff, v31  }
0x149: {  	v22 =	vld [tilespmem:s25+$0x3D0];
	v0 =	vadd.s32 v18, v0  }
0x14a: {  	[tilespmem:v1+s17+$0x0] =	vst.idx.add.f32.msk $0xffff, v32;
	v1 =	vadd.s32 v18, v3  }
0x14b: {  	[tilespmem:v4+s17+$0x0] =	vst.idx.add.f32.msk $0xffff, v26;
	v3 =	vadd.s32 v18, v5  }
0x14c: {  	v5 =	vadd.s32 v18, v21;
	v4 =	vld [tilespmem:s25+$0x60]  }
0x14d: {  	v21 =	vld [tilespmem:s25+$0xE0]  }
0x14e: {  	v22 =	vadd.s32 v18, v22;
	[tilespmem:v0+s17+$0x0] =	vst.idx.add.f32.msk $0xffff, v27  }
0x14f: {  	[tilespmem:v1+s17+$0x0] =	vst.idx.add.f32.msk $0xffff, v28  }
0x150: {  	[tilespmem:v3+s17+$0x0] =	vst.idx.add.f32.msk $0xffff, v29  }
0x151: {  	[tilespmem:v5+s17+$0x0] =	vst.idx.add.f32.msk $0xffff, v30  }
0x152: {  	v1 =	vld [tilespmem:s25+$0x160]  }
0x153: {  	v0 =	vadd.s32 v20, v23;
	[tilespmem:v22+s17+$0x0] =	vst.idx.add.f32.msk $0xffff, v31  }
0x154: {  	v3 =	vadd.s32 v19, v4;
	v4 =	vld [tilespmem:s25+$0x1E0]  }
0x155: {  	v5 =	vadd.s32 v19, v21;
	v21 =	vld [tilespmem:s25+$0x260]  }
0x156: {  	v22 =	vld [tilespmem:s25+$0x2E0]  }
0x157: {  	v23 =	vld [tilespmem:s25+$0x3E0]  }
0x158: {  	[tilespmem:v0+s17+$0x0] =	vst.idx.add.f32.msk $0xffff, v33;
	v0 =	vadd.s32 v19, v1  }
0x159: {  	[tilespmem:v3+s17+$0x0] =	vst.idx.add.f32.msk $0xffff, v32;
	v1 =	vadd.s32 v19, v4  }
0x15a: {  	[tilespmem:v5+s17+$0x0] =	vst.idx.add.f32.msk $0xffff, v26;
	v3 =	vadd.s32 v19, v21  }
0x15b: {  	v5 =	vadd.s32 v19, v22;
	v4 =	vld [tilespmem:s25+$0x70]  }
0x15c: {  	v21 =	vld [tilespmem:s25+$0xF0];
	v22 =	vadd.s32 v19, v23  }
0x15d: {  	[tilespmem:v0+s17+$0x0] =	vst.idx.add.f32.msk $0xffff, v27  }
0x15e: {  	[tilespmem:v1+s17+$0x0] =	vst.idx.add.f32.msk $0xffff, v28  }
0x15f: {  	[tilespmem:v3+s17+$0x0] =	vst.idx.add.f32.msk $0xffff, v29  }
0x160: {  	[tilespmem:v5+s17+$0x0] =	vst.idx.add.f32.msk $0xffff, v30  }
0x161: {  	s26 =	simm.s32 $0x0;
	v1 =	vadd.s32 v20, v4;
	v0 =	vadd.s32 v20, v21;
	[tilespmem:v22+s17+$0x0] =	vst.idx.add.f32.msk $0xffff, v31  }
.LBB2_11:
0x162: {  	s0 =	sadd.s32 s26, s22;
	s26 =	sadd.s32 $0x8, s26;
	v3 =	vld [tilespmem:s25+$0x170]  }
0x163: {  	s1 =	sadd.s32 $0x8, s0;
	s2 =	sadd.s32 $0xE, s0;
	p0 =	slt.u32 s26, $0x38;
	v4 =	vld [tilespmem:s25+$0x1F0]  }
0x164: {  	s28 =	sadd.s32 $0xA, s0;
	s29 =	sadd.s32 $0xB, s0;
	v5 =	vmov s1;
	s1 =	sadd.s32 $0x9, s0;
	v21 =	vmov s2;
	v22 =	vld [tilespmem:s25+$0x270]  }
0x165: {  	v33 =	vmov s28;
	s2 =	sadd.s32 $0xD, s0;
	v23 =	vmov s1;
	s1 =	sadd.s32 $0xC, s0;
	v21 =	vand.u32 $0xFFFFFFFE, v21;
	s0 =	sadd.s32 $0xF, s0;
	v34 =	vld [tilespmem:s25+$0x2F0]  }
0x166: {  	v35 =	vmov s29;
	v36 =	vmov s1;
	v21 =	vbroadcast v21, $0x0;
	v38 =	vld [tilespmem:s25+$0x3F0]  }
0x167: {  	v5 =	vand.u32 $0xFFFFFFF8, v5;
	v37 =	vmov s2;
	v23 =	vand.u32 $0xFFFFFFF9, v23;
	s25 =	sadd.s32 $0x800, s25;
	[tilespmem:v1+s17+$0x0] =	vst.idx.add.f32.msk $0xffff, v32  }
0x168: {  	v1 =	vand.u32 $0xFFFFFFFA, v33;
	v32 =	vand.u32 $0xFFFFFFFB, v35;
	v33 =	vand.u32 $0xFFFFFFFC, v36;
	v36 =	vld [tilespmem:s25+$0xFFFFFF00]  }
0x169: {  	v5 =	vbroadcast v5, $0x0;
	v23 =	vbroadcast v23, $0x0;
	v35 =	vand.u32 $0xFFFFFFFD, v37;
	v40 =	vld [tilespmem:s25+$0xFFFFFC00]  }
0x16a: {  	v45 =	vmov s0;
	v1 =	vbroadcast v1, $0x0;
	v44 =	vbroadcast v32, $0x0;
	v42 =	vld [tilespmem:s25+$0xFFFFFC80]  }
0x16b: {  	v41 =	vadd.s32 v20, v3;
	v46 =	vbroadcast v33, $0x0;
	v47 =	vbroadcast v35, $0x0;
	v32 =	vld [tilespmem:s25+$0xFFFFFD00]  }
0x16c: {  	v39 =	vadd.s32 v20, v4;
	v37 =	vadd.s32 v20, v22;
	v35 =	vadd.s32 v20, v34;
	v43 =	vld.idx.msk [tilespmem:v21+s16+$0x0], $0xffff  }
0x16d: {  	v33 =	vadd.s32 v20, v38;
	v3 =	vld [tilespmem:s25+$0xFFFFFD80];
	v4 =	vadd.s32 v2, v36  }
0x16e: {  	v21 =	vadd.s32 v2, v40;
	v22 =	vld [tilespmem:s25+$0xFFFFFE00]  }
0x16f: {  	v48 =	vadd.s32 v2, v42;
	v34 =	vld [tilespmem:s25+$0xFFFFFE80]  }
0x170: {  	v49 =	vadd.s32 v2, v32;
	v36 =	vld [tilespmem:s25+$0xFFFFFF80]  }
0x171: {  	v32 =	vld.idx.msk [tilespmem:v5+s16+$0x0], $0xffff  }
0x172: {  	v3 =	vadd.s32 v2, v3;
	[tilespmem:v4+s17+$0x0] =	vst.idx.add.f32.msk $0xffff, v43  }
0x173: {  	v4 =	vadd.s32 v2, v22;
	v5 =	vld [tilespmem:s25+$0xFFFFFF10]  }
0x174: {  	v22 =	vld.idx.msk [tilespmem:v23+s16+$0x0], $0xffff;
	v23 =	vadd.s32 v2, v34  }
0x175: {  	v42 =	vld.idx.msk [tilespmem:v1+s16+$0x0], $0xffff;
	v1 =	vadd.s32 v2, v36  }
0x176: {  	v40 =	vld.idx.msk [tilespmem:v44+s16+$0x0], $0xffff  }
0x177: {  	v38 =	vld.idx.msk [tilespmem:v46+s16+$0x0], $0xffff  }
0x178: {  	v36 =	vld.idx.msk [tilespmem:v47+s16+$0x0], $0xffff;
	v5 =	vadd.s32 v6, v5  }
0x179: {  	v34 =	vld.idx.msk [tilespmem:v45+s16+$0x0], $0xffff  }
0x17a: {  	[tilespmem:v21+s17+$0x0] =	vst.idx.add.f32.msk $0xffff, v32  }
0x17b: {  	[tilespmem:v48+s17+$0x0] =	vst.idx.add.f32.msk $0xffff, v22  }
0x17c: {  	[tilespmem:v49+s17+$0x0] =	vst.idx.add.f32.msk $0xffff, v42  }
0x17d: {  	[tilespmem:v5+s17+$0x0] =	vst.idx.add.f32.msk $0xffff, v43  }
0x17e: {  	v5 =	vld [tilespmem:s25+$0xFFFFFF20]  }
0x17f: {  	[tilespmem:v3+s17+$0x0] =	vst.idx.add.f32.msk $0xffff, v40  }
0x180: {  	[tilespmem:v4+s17+$0x0] =	vst.idx.add.f32.msk $0xffff, v38  }
0x181: {  	[tilespmem:v23+s17+$0x0] =	vst.idx.add.f32.msk $0xffff, v36  }
0x182: {  	[tilespmem:v1+s17+$0x0] =	vst.idx.add.f32.msk $0xffff, v34  }
0x183: {  	v1 =	vld [tilespmem:s25+$0xFFFFFC10];
	v3 =	vadd.s32 v7, v5  }
0x184: {  	v4 =	vld [tilespmem:s25+$0xFFFFFC90]  }
0x185: {  	v5 =	vld [tilespmem:s25+$0xFFFFFD10]  }
0x186: {  	v21 =	vld [tilespmem:s25+$0xFFFFFD90]  }
0x187: {  	v23 =	vld [tilespmem:s25+$0xFFFFFE10]  }
0x188: {  	v1 =	vadd.s32 v6, v1;
	[tilespmem:v3+s17+$0x0] =	vst.idx.add.f32.msk $0xffff, v43  }
0x189: {  	v3 =	vadd.s32 v6, v4;
	v4 =	vld [tilespmem:s25+$0xFFFFFF30]  }
0x18a: {  	v5 =	vadd.s32 v6, v5;
	v44 =	vld [tilespmem:s25+$0xFFFFFE90]  }
0x18b: {  	v21 =	vadd.s32 v6, v21;
	v45 =	vld [tilespmem:s25+$0xFFFFFF90]  }
0x18c: {  	v23 =	vadd.s32 v6, v23;
	[tilespmem:v0+s17+$0x0] =	vst.idx.add.f32.msk $0xffff, v26;
	v26 =	vmov v22  }
0x18d: {  	[tilespmem:v1+s17+$0x0] =	vst.idx.add.f32.msk $0xffff, v32  }
0x18e: {  	[tilespmem:v3+s17+$0x0] =	vst.idx.add.f32.msk $0xffff, v26;
	v0 =	vadd.s32 v8, v4  }
0x18f: {  	[tilespmem:v5+s17+$0x0] =	vst.idx.add.f32.msk $0xffff, v42;
	v1 =	vadd.s32 v6, v44  }
0x190: {  	[tilespmem:v21+s17+$0x0] =	vst.idx.add.f32.msk $0xffff, v40;
	v3 =	vadd.s32 v6, v45  }
0x191: {  	[tilespmem:v23+s17+$0x0] =	vst.idx.add.f32.msk $0xffff, v38  }
0x192: {  	v4 =	vld [tilespmem:s25+$0xFFFFFC20]  }
0x193: {  	[tilespmem:v0+s17+$0x0] =	vst.idx.add.f32.msk $0xffff, v43  }
0x194: {  	v0 =	vld [tilespmem:s25+$0xFFFFFF40]  }
0x195: {  	[tilespmem:v1+s17+$0x0] =	vst.idx.add.f32.msk $0xffff, v36  }
0x196: {  	[tilespmem:v3+s17+$0x0] =	vst.idx.add.f32.msk $0xffff, v34  }
0x197: {  	v1 =	vadd.s32 v7, v4;
	v3 =	vld [tilespmem:s25+$0xFFFFFCA0]  }
0x198: {  	v4 =	vld [tilespmem:s25+$0xFFFFFD20]  }
0x199: {  	v5 =	vld [tilespmem:s25+$0xFFFFFDA0];
	v0 =	vadd.s32 v9, v0  }
0x19a: {  	v21 =	vld [tilespmem:s25+$0xFFFFFE20]  }
0x19b: {  	v22 =	vld [tilespmem:s25+$0xFFFFFEA0]  }
0x19c: {  	v3 =	vadd.s32 v7, v3;
	v23 =	vld [tilespmem:s25+$0xFFFFFFA0]  }
0x19d: {  	[tilespmem:v1+s17+$0x0] =	vst.idx.add.f32.msk $0xffff, v32;
	v1 =	vadd.s32 v7, v4  }
0x19e: {  	v4 =	vadd.s32 v7, v5;
	[tilespmem:v0+s17+$0x0] =	vst.idx.add.f32.msk $0xffff, v43  }
0x19f: {  	v0 =	vadd.s32 v7, v21;
	v5 =	vld [tilespmem:s25+$0xFFFFFF50]  }
0x1a0: {  	v21 =	vld [tilespmem:s25+$0xFFFFFC30];
	v22 =	vadd.s32 v7, v22  }
0x1a1: {  	[tilespmem:v3+s17+$0x0] =	vst.idx.add.f32.msk $0xffff, v26;
	v3 =	vadd.s32 v7, v23  }
0x1a2: {  	[tilespmem:v1+s17+$0x0] =	vst.idx.add.f32.msk $0xffff, v42  }
0x1a3: {  	[tilespmem:v4+s17+$0x0] =	vst.idx.add.f32.msk $0xffff, v40  }
0x1a4: {  	[tilespmem:v0+s17+$0x0] =	vst.idx.add.f32.msk $0xffff, v38;
	v0 =	vadd.s32 v10, v5  }
0x1a5: {  	v1 =	vadd.s32 v8, v21;
	[tilespmem:v22+s17+$0x0] =	vst.idx.add.f32.msk $0xffff, v36  }
0x1a6: {  	[tilespmem:v3+s17+$0x0] =	vst.idx.add.f32.msk $0xffff, v34  }
0x1a7: {  	v3 =	vld [tilespmem:s25+$0xFFFFFCB0]  }
0x1a8: {  	v4 =	vld [tilespmem:s25+$0xFFFFFD30]  }
0x1a9: {  	[tilespmem:v0+s17+$0x0] =	vst.idx.add.f32.msk $0xffff, v43  }
0x1aa: {  	v0 =	vld [tilespmem:s25+$0xFFFFFF60]  }
0x1ab: {  	v5 =	vld [tilespmem:s25+$0xFFFFFDB0]  }
0x1ac: {  	v3 =	vadd.s32 v8, v3;
	v21 =	vld [tilespmem:s25+$0xFFFFFE30]  }
0x1ad: {  	v4 =	vadd.s32 v8, v4;
	v22 =	vld [tilespmem:s25+$0xFFFFFEB0]  }
0x1ae: {  	v23 =	vld [tilespmem:s25+$0xFFFFFFB0]  }
0x1af: {  	[tilespmem:v1+s17+$0x0] =	vst.idx.add.f32.msk $0xffff, v32;
	v0 =	vadd.s32 v11, v0  }
0x1b0: {  	v1 =	vld [tilespmem:s25+$0xFFFFFC40];
	v5 =	vadd.s32 v8, v5  }
0x1b1: {  	[tilespmem:v3+s17+$0x0] =	vst.idx.add.f32.msk $0xffff, v26;
	v3 =	vadd.s32 v8, v21  }
0x1b2: {  	[tilespmem:v4+s17+$0x0] =	vst.idx.add.f32.msk $0xffff, v42;
	v4 =	vadd.s32 v8, v22  }
0x1b3: {  	v21 =	vld [tilespmem:s25+$0xFFFFFCC0];
	v22 =	vadd.s32 v8, v23  }
0x1b4: {  	[tilespmem:v0+s17+$0x0] =	vst.idx.add.f32.msk $0xffff, v43  }
0x1b5: {  	v0 =	vadd.s32 v9, v1;
	v1 =	vld [tilespmem:s25+$0xFFFFFF70]  }
0x1b6: {  	[tilespmem:v5+s17+$0x0] =	vst.idx.add.f32.msk $0xffff, v40  }
0x1b7: {  	[tilespmem:v3+s17+$0x0] =	vst.idx.add.f32.msk $0xffff, v38  }
0x1b8: {  	v3 =	vadd.s32 v9, v21;
	[tilespmem:v4+s17+$0x0] =	vst.idx.add.f32.msk $0xffff, v36  }
0x1b9: {  	[tilespmem:v22+s17+$0x0] =	vst.idx.add.f32.msk $0xffff, v34  }
0x1ba: {  	v4 =	vld [tilespmem:s25+$0xFFFFFD40];
	v1 =	vadd.s32 v12, v1  }
0x1bb: {  	v5 =	vld [tilespmem:s25+$0xFFFFFDC0]  }
0x1bc: {  	v21 =	vld [tilespmem:s25+$0xFFFFFE40]  }
0x1bd: {  	v22 =	vld [tilespmem:s25+$0xFFFFFEC0]  }
0x1be: {  	v23 =	vld [tilespmem:s25+$0xFFFFFFC0]  }
0x1bf: {  	v4 =	vadd.s32 v9, v4;
	[tilespmem:v1+s17+$0x0] =	vst.idx.add.f32.msk $0xffff, v43  }
0x1c0: {  	v1 =	vadd.s32 v9, v5;
	v5 =	vld [tilespmem:s25+$0x300]  }
0x1c1: {  	[tilespmem:v0+s17+$0x0] =	vst.idx.add.f32.msk $0xffff, v32;
	v0 =	vadd.s32 v9, v21  }
0x1c2: {  	[tilespmem:v3+s17+$0x0] =	vst.idx.add.f32.msk $0xffff, v26;
	v3 =	vadd.s32 v9, v22  }
0x1c3: {  	v21 =	vld [tilespmem:s25+$0xFFFFFC50];
	v22 =	vadd.s32 v9, v23  }
0x1c4: {  	[tilespmem:v4+s17+$0x0] =	vst.idx.add.f32.msk $0xffff, v42  }
0x1c5: {  	[tilespmem:v1+s17+$0x0] =	vst.idx.add.f32.msk $0xffff, v40;
	v1 =	vadd.s32 v13, v5  }
0x1c6: {  	[tilespmem:v0+s17+$0x0] =	vst.idx.add.f32.msk $0xffff, v38  }
0x1c7: {  	[tilespmem:v3+s17+$0x0] =	vst.idx.add.f32.msk $0xffff, v36  }
0x1c8: {  	v0 =	vadd.s32 v10, v21;
	[tilespmem:v22+s17+$0x0] =	vst.idx.add.f32.msk $0xffff, v34  }
0x1c9: {  	v3 =	vld [tilespmem:s25+$0xFFFFFCD0]  }
0x1ca: {  	[tilespmem:v1+s17+$0x0] =	vst.idx.add.f32.msk $0xffff, v43  }
0x1cb: {  	v1 =	vld [tilespmem:s25+$0x310]  }
0x1cc: {  	v4 =	vld [tilespmem:s25+$0xFFFFFD50]  }
0x1cd: {  	v5 =	vld [tilespmem:s25+$0xFFFFFDD0]  }
0x1ce: {  	v3 =	vadd.s32 v10, v3;
	v21 =	vld [tilespmem:s25+$0xFFFFFE50]  }
0x1cf: {  	v22 =	vld [tilespmem:s25+$0xFFFFFED0]  }
0x1d0: {  	v1 =	vadd.s32 v14, v1;
	v23 =	vld [tilespmem:s25+$0xFFFFFFD0]  }
0x1d1: {  	[tilespmem:v0+s17+$0x0] =	vst.idx.add.f32.msk $0xffff, v32;
	v0 =	vadd.s32 v10, v4  }
0x1d2: {  	v4 =	vld [tilespmem:s25+$0xFFFFFC60];
	v5 =	vadd.s32 v10, v5  }
0x1d3: {  	[tilespmem:v3+s17+$0x0] =	vst.idx.add.f32.msk $0xffff, v26;
	v3 =	vadd.s32 v10, v21  }
0x1d4: {  	v21 =	vld [tilespmem:s25+$0xFFFFFCE0];
	v22 =	vadd.s32 v10, v22  }
0x1d5: {  	[tilespmem:v1+s17+$0x0] =	vst.idx.add.f32.msk $0xffff, v43;
	v1 =	vadd.s32 v10, v23  }
0x1d6: {  	v23 =	vld [tilespmem:s25+$0x320]  }
0x1d7: {  	v4 =	vadd.s32 v11, v4;
	[tilespmem:v0+s17+$0x0] =	vst.idx.add.f32.msk $0xffff, v42  }
0x1d8: {  	[tilespmem:v5+s17+$0x0] =	vst.idx.add.f32.msk $0xffff, v40  }
0x1d9: {  	v0 =	vadd.s32 v11, v21;
	[tilespmem:v3+s17+$0x0] =	vst.idx.add.f32.msk $0xffff, v38  }
0x1da: {  	[tilespmem:v22+s17+$0x0] =	vst.idx.add.f32.msk $0xffff, v36  }
0x1db: {  	v3 =	vadd.s32 v15, v23;
	[tilespmem:v1+s17+$0x0] =	vst.idx.add.f32.msk $0xffff, v34  }
0x1dc: {  	v1 =	vld [tilespmem:s25+$0xFFFFFD60]  }
0x1dd: {  	v5 =	vld [tilespmem:s25+$0xFFFFFDE0]  }
0x1de: {  	v21 =	vld [tilespmem:s25+$0xFFFFFE60]  }
0x1df: {  	v22 =	vld [tilespmem:s25+$0xFFFFFEE0]  }
0x1e0: {  	[tilespmem:v3+s17+$0x0] =	vst.idx.add.f32.msk $0xffff, v43  }
0x1e1: {  	v1 =	vadd.s32 v11, v1;
	v3 =	vld [tilespmem:s25+$0x330]  }
0x1e2: {  	v5 =	vadd.s32 v11, v5;
	v23 =	vld [tilespmem:s25+$0xFFFFFFE0]  }
0x1e3: {  	[tilespmem:v4+s17+$0x0] =	vst.idx.add.f32.msk $0xffff, v32;
	v4 =	vadd.s32 v11, v21  }
0x1e4: {  	[tilespmem:v0+s17+$0x0] =	vst.idx.add.f32.msk $0xffff, v26;
	v0 =	vadd.s32 v11, v22  }
0x1e5: {  	v21 =	vld [tilespmem:s25+$0xFFFFFC70]  }
0x1e6: {  	[tilespmem:v1+s17+$0x0] =	vst.idx.add.f32.msk $0xffff, v42;
	v1 =	vadd.s32 v16, v3  }
0x1e7: {  	[tilespmem:v5+s17+$0x0] =	vst.idx.add.f32.msk $0xffff, v40;
	v3 =	vadd.s32 v11, v23  }
0x1e8: {  	[tilespmem:v4+s17+$0x0] =	vst.idx.add.f32.msk $0xffff, v38  }
0x1e9: {  	[tilespmem:v0+s17+$0x0] =	vst.idx.add.f32.msk $0xffff, v36  }
0x1ea: {  	v0 =	vadd.s32 v12, v21;
	v4 =	vld [tilespmem:s25+$0xFFFFFCF0]  }
0x1eb: {  	[tilespmem:v1+s17+$0x0] =	vst.idx.add.f32.msk $0xffff, v43  }
0x1ec: {  	v1 =	vld [tilespmem:s25+$0x340]  }
0x1ed: {  	[tilespmem:v3+s17+$0x0] =	vst.idx.add.f32.msk $0xffff, v34  }
0x1ee: {  	v3 =	vld [tilespmem:s25+$0xFFFFFD70]  }
0x1ef: {  	v4 =	vadd.s32 v12, v4;
	v5 =	vld [tilespmem:s25+$0xFFFFFDF0]  }
0x1f0: {  	v21 =	vld [tilespmem:s25+$0xFFFFFE70]  }
0x1f1: {  	v22 =	vld [tilespmem:s25+$0xFFFFFEF0];
	v1 =	vadd.s32 v17, v1  }
0x1f2: {  	v23 =	vld [tilespmem:s25+$0xFFFFFFF0]  }
0x1f3: {  	[tilespmem:v0+s17+$0x0] =	vst.idx.add.f32.msk $0xffff, v32;
	v0 =	vadd.s32 v12, v3  }
0x1f4: {  	[tilespmem:v4+s17+$0x0] =	vst.idx.add.f32.msk $0xffff, v26;
	v3 =	vadd.s32 v12, v5  }
0x1f5: {  	v4 =	vld [tilespmem:s25+$0x0];
	v5 =	vadd.s32 v12, v21  }
0x1f6: {  	v21 =	vadd.s32 v12, v22;
	[tilespmem:v1+s17+$0x0] =	vst.idx.add.f32.msk $0xffff, v43  }
0x1f7: {  	v1 =	vld [tilespmem:s25+$0x350];
	v22 =	vadd.s32 v12, v23  }
0x1f8: {  	[tilespmem:v0+s17+$0x0] =	vst.idx.add.f32.msk $0xffff, v42  }
0x1f9: {  	[tilespmem:v3+s17+$0x0] =	vst.idx.add.f32.msk $0xffff, v40  }
0x1fa: {  	v0 =	vadd.s32 v13, v4;
	[tilespmem:v5+s17+$0x0] =	vst.idx.add.f32.msk $0xffff, v38  }
0x1fb: {  	[tilespmem:v21+s17+$0x0] =	vst.idx.add.f32.msk $0xffff, v36  }
0x1fc: {  	v1 =	vadd.s32 v18, v1;
	[tilespmem:v22+s17+$0x0] =	vst.idx.add.f32.msk $0xffff, v34  }
0x1fd: {  	v3 =	vld [tilespmem:s25+$0x80]  }
0x1fe: {  	v4 =	vld [tilespmem:s25+$0x100]  }
0x1ff: {  	v5 =	vld [tilespmem:s25+$0x180]  }
0x200: {  	v21 =	vld [tilespmem:s25+$0x200]  }
0x201: {  	[tilespmem:v1+s17+$0x0] =	vst.idx.add.f32.msk $0xffff, v43  }
0x202: {  	v1 =	vadd.s32 v13, v3;
	v3 =	vld [tilespmem:s25+$0x360]  }
0x203: {  	v4 =	vadd.s32 v13, v4;
	v22 =	vld [tilespmem:s25+$0x280]  }
0x204: {  	v5 =	vadd.s32 v13, v5;
	v23 =	vld [tilespmem:s25+$0x380]  }
0x205: {  	[tilespmem:v0+s17+$0x0] =	vst.idx.add.f32.msk $0xffff, v32;
	v0 =	vadd.s32 v13, v21  }
0x206: {  	v21 =	vld [tilespmem:s25+$0x10]  }
0x207: {  	[tilespmem:v1+s17+$0x0] =	vst.idx.add.f32.msk $0xffff, v26;
	v1 =	vadd.s32 v19, v3  }
0x208: {  	[tilespmem:v4+s17+$0x0] =	vst.idx.add.f32.msk $0xffff, v42;
	v3 =	vadd.s32 v13, v22  }
0x209: {  	[tilespmem:v5+s17+$0x0] =	vst.idx.add.f32.msk $0xffff, v40;
	v4 =	vadd.s32 v13, v23  }
0x20a: {  	[tilespmem:v0+s17+$0x0] =	vst.idx.add.f32.msk $0xffff, v38  }
0x20b: {  	v0 =	vadd.s32 v14, v21;
	v5 =	vld [tilespmem:s25+$0x90]  }
0x20c: {  	[tilespmem:v1+s17+$0x0] =	vst.idx.add.f32.msk $0xffff, v43  }
0x20d: {  	v1 =	vld [tilespmem:s25+$0x370]  }
0x20e: {  	[tilespmem:v3+s17+$0x0] =	vst.idx.add.f32.msk $0xffff, v36  }
0x20f: {  	[tilespmem:v4+s17+$0x0] =	vst.idx.add.f32.msk $0xffff, v34  }
0x210: {  	v3 =	vadd.s32 v14, v5;
	v4 =	vld [tilespmem:s25+$0x110]  }
0x211: {  	v5 =	vld [tilespmem:s25+$0x190]  }
0x212: {  	v21 =	vld [tilespmem:s25+$0x210];
	v1 =	vadd.s32 v20, v1  }
0x213: {  	v22 =	vld [tilespmem:s25+$0x290]  }
0x214: {  	v23 =	vld [tilespmem:s25+$0x390]  }
0x215: {  	[tilespmem:v0+s17+$0x0] =	vst.idx.add.f32.msk $0xffff, v32;
	v0 =	vadd.s32 v14, v4  }
0x216: {  	[tilespmem:v3+s17+$0x0] =	vst.idx.add.f32.msk $0xffff, v26;
	v3 =	vadd.s32 v14, v5  }
0x217: {  	v4 =	vadd.s32 v14, v21;
	[tilespmem:v1+s17+$0x0] =	vst.idx.add.f32.msk $0xffff, v43  }
0x218: {  	v1 =	vld [tilespmem:s25+$0x20];
	v5 =	vadd.s32 v14, v22  }
0x219: {  	v21 =	vld [tilespmem:s25+$0xA0];
	v22 =	vadd.s32 v14, v23  }
0x21a: {  	[tilespmem:v0+s17+$0x0] =	vst.idx.add.f32.msk $0xffff, v42  }
0x21b: {  	[tilespmem:v3+s17+$0x0] =	vst.idx.add.f32.msk $0xffff, v40  }
0x21c: {  	[tilespmem:v4+s17+$0x0] =	vst.idx.add.f32.msk $0xffff, v38  }
0x21d: {  	v0 =	vadd.s32 v15, v1;
	[tilespmem:v5+s17+$0x0] =	vst.idx.add.f32.msk $0xffff, v36  }
0x21e: {  	v1 =	vadd.s32 v15, v21;
	[tilespmem:v22+s17+$0x0] =	vst.idx.add.f32.msk $0xffff, v34  }
0x21f: {  	v3 =	vld [tilespmem:s25+$0x120]  }
0x220: {  	v4 =	vld [tilespmem:s25+$0x1A0]  }
0x221: {  	v5 =	vld [tilespmem:s25+$0x220]  }
0x222: {  	v21 =	vld [tilespmem:s25+$0x2A0]  }
0x223: {  	v22 =	vld [tilespmem:s25+$0x3A0]  }
0x224: {  	[tilespmem:v0+s17+$0x0] =	vst.idx.add.f32.msk $0xffff, v32;
	v0 =	vadd.s32 v15, v3  }
0x225: {  	[tilespmem:v1+s17+$0x0] =	vst.idx.add.f32.msk $0xffff, v26;
	v1 =	vadd.s32 v15, v4  }
0x226: {  	v3 =	vld [tilespmem:s25+$0x30];
	v4 =	vadd.s32 v15, v5  }
0x227: {  	v5 =	vld [tilespmem:s25+$0xB0];
	v21 =	vadd.s32 v15, v21  }
0x228: {  	v22 =	vadd.s32 v15, v22;
	[tilespmem:v41+s17+$0x0] =	vst.idx.add.f32.msk $0xffff, v27;
	v27 =	vmov v42  }
0x229: {  	[tilespmem:v0+s17+$0x0] =	vst.idx.add.f32.msk $0xffff, v27  }
0x22a: {  	[tilespmem:v1+s17+$0x0] =	vst.idx.add.f32.msk $0xffff, v40  }
0x22b: {  	v0 =	vadd.s32 v16, v3;
	[tilespmem:v4+s17+$0x0] =	vst.idx.add.f32.msk $0xffff, v38  }
0x22c: {  	v1 =	vadd.s32 v16, v5;
	[tilespmem:v21+s17+$0x0] =	vst.idx.add.f32.msk $0xffff, v36  }
0x22d: {  	[tilespmem:v22+s17+$0x0] =	vst.idx.add.f32.msk $0xffff, v34  }
0x22e: {  	v3 =	vld [tilespmem:s25+$0x130]  }
0x22f: {  	v4 =	vld [tilespmem:s25+$0x1B0]  }
0x230: {  	v5 =	vld [tilespmem:s25+$0x230]  }
0x231: {  	v21 =	vld [tilespmem:s25+$0x2B0]  }
0x232: {  	v22 =	vld [tilespmem:s25+$0x3B0]  }
0x233: {  	[tilespmem:v0+s17+$0x0] =	vst.idx.add.f32.msk $0xffff, v32;
	v0 =	vadd.s32 v16, v3  }
0x234: {  	[tilespmem:v1+s17+$0x0] =	vst.idx.add.f32.msk $0xffff, v26;
	v1 =	vadd.s32 v16, v4  }
0x235: {  	v3 =	vld [tilespmem:s25+$0x40];
	v4 =	vadd.s32 v16, v5  }
0x236: {  	v5 =	vld [tilespmem:s25+$0xC0];
	v21 =	vadd.s32 v16, v21  }
0x237: {  	v22 =	vadd.s32 v16, v22;
	[tilespmem:v39+s17+$0x0] =	vst.idx.add.f32.msk $0xffff, v28;
	v28 =	vmov v40  }
0x238: {  	[tilespmem:v0+s17+$0x0] =	vst.idx.add.f32.msk $0xffff, v27  }
0x239: {  	[tilespmem:v1+s17+$0x0] =	vst.idx.add.f32.msk $0xffff, v28  }
0x23a: {  	v0 =	vadd.s32 v17, v3;
	[tilespmem:v4+s17+$0x0] =	vst.idx.add.f32.msk $0xffff, v38  }
0x23b: {  	v1 =	vadd.s32 v17, v5;
	[tilespmem:v21+s17+$0x0] =	vst.idx.add.f32.msk $0xffff, v36  }
0x23c: {  	[tilespmem:v22+s17+$0x0] =	vst.idx.add.f32.msk $0xffff, v34  }
0x23d: {  	v3 =	vld [tilespmem:s25+$0x140]  }
0x23e: {  	v4 =	vld [tilespmem:s25+$0x1C0]  }
0x23f: {  	v5 =	vld [tilespmem:s25+$0x240]  }
0x240: {  	v21 =	vld [tilespmem:s25+$0x2C0]  }
0x241: {  	v22 =	vld [tilespmem:s25+$0x3C0]  }
0x242: {  	[tilespmem:v0+s17+$0x0] =	vst.idx.add.f32.msk $0xffff, v32;
	v0 =	vadd.s32 v17, v3  }
0x243: {  	[tilespmem:v1+s17+$0x0] =	vst.idx.add.f32.msk $0xffff, v26;
	v1 =	vadd.s32 v17, v4  }
0x244: {  	v3 =	vld [tilespmem:s25+$0x50];
	v4 =	vadd.s32 v17, v5  }
0x245: {  	v5 =	vld [tilespmem:s25+$0xD0];
	v21 =	vadd.s32 v17, v21  }
0x246: {  	v22 =	vadd.s32 v17, v22;
	[tilespmem:v37+s17+$0x0] =	vst.idx.add.f32.msk $0xffff, v29;
	v29 =	vmov v38  }
0x247: {  	[tilespmem:v0+s17+$0x0] =	vst.idx.add.f32.msk $0xffff, v27  }
0x248: {  	[tilespmem:v1+s17+$0x0] =	vst.idx.add.f32.msk $0xffff, v28  }
0x249: {  	v0 =	vadd.s32 v18, v3;
	[tilespmem:v4+s17+$0x0] =	vst.idx.add.f32.msk $0xffff, v29  }
0x24a: {  	v1 =	vadd.s32 v18, v5;
	[tilespmem:v21+s17+$0x0] =	vst.idx.add.f32.msk $0xffff, v36  }
0x24b: {  	[tilespmem:v22+s17+$0x0] =	vst.idx.add.f32.msk $0xffff, v34  }
0x24c: {  	v3 =	vld [tilespmem:s25+$0x150]  }
0x24d: {  	v4 =	vld [tilespmem:s25+$0x1D0]  }
0x24e: {  	v5 =	vld [tilespmem:s25+$0x250]  }
0x24f: {  	v21 =	vld [tilespmem:s25+$0x2D0]  }
0x250: {  	v22 =	vld [tilespmem:s25+$0x3D0]  }
0x251: {  	[tilespmem:v0+s17+$0x0] =	vst.idx.add.f32.msk $0xffff, v32;
	v0 =	vadd.s32 v18, v3  }
0x252: {  	[tilespmem:v1+s17+$0x0] =	vst.idx.add.f32.msk $0xffff, v26;
	v1 =	vadd.s32 v18, v4  }
0x253: {  	v3 =	vld [tilespmem:s25+$0x60];
	v4 =	vadd.s32 v18, v5  }
0x254: {  	v5 =	vld [tilespmem:s25+$0xE0];
	v21 =	vadd.s32 v18, v21  }
0x255: {  	v22 =	vadd.s32 v18, v22;
	[tilespmem:v35+s17+$0x0] =	vst.idx.add.f32.msk $0xffff, v30;
	v30 =	vmov v36  }
0x256: {  	[tilespmem:v0+s17+$0x0] =	vst.idx.add.f32.msk $0xffff, v27  }
0x257: {  	[tilespmem:v1+s17+$0x0] =	vst.idx.add.f32.msk $0xffff, v28  }
0x258: {  	v0 =	vadd.s32 v19, v3;
	[tilespmem:v4+s17+$0x0] =	vst.idx.add.f32.msk $0xffff, v29  }
0x259: {  	v1 =	vadd.s32 v19, v5;
	[tilespmem:v21+s17+$0x0] =	vst.idx.add.f32.msk $0xffff, v30  }
0x25a: {  	[tilespmem:v22+s17+$0x0] =	vst.idx.add.f32.msk $0xffff, v34  }
0x25b: {  	v3 =	vld [tilespmem:s25+$0x160]  }
0x25c: {  	v4 =	vld [tilespmem:s25+$0x1E0]  }
0x25d: {  	v5 =	vld [tilespmem:s25+$0x260]  }
0x25e: {  	v21 =	vld [tilespmem:s25+$0x2E0]  }
0x25f: {  	v22 =	vld [tilespmem:s25+$0x3E0]  }
0x260: {  	[tilespmem:v0+s17+$0x0] =	vst.idx.add.f32.msk $0xffff, v32;
	v0 =	vadd.s32 v19, v3  }
0x261: {  	[tilespmem:v1+s17+$0x0] =	vst.idx.add.f32.msk $0xffff, v26;
	v1 =	vadd.s32 v19, v4  }
0x262: {  	v3 =	vld [tilespmem:s25+$0x70];
	v4 =	vadd.s32 v19, v5  }
0x263: {  	v5 =	vld [tilespmem:s25+$0xF0];
	v21 =	vadd.s32 v19, v21  }
0x264: {  	v22 =	vadd.s32 v19, v22;
	[tilespmem:v33+s17+$0x0] =	vst.idx.add.f32.msk $0xffff, v31;
	v31 =	vmov v34  }
.Ltmp8:
0x265: {  	[tilespmem:v0+s17+$0x0] =	vst.idx.add.f32.msk $0xffff, v27;
	(pc) =	sbr.rel @p0 .LBB2_11-.Ltmp8, $4  }
0x266: {  	[tilespmem:v1+s17+$0x0] =	vst.idx.add.f32.msk $0xffff, v28  }
0x267: {  	v1 =	vadd.s32 v20, v3;
	[tilespmem:v4+s17+$0x0] =	vst.idx.add.f32.msk $0xffff, v29  }
0x268: {  	v0 =	vadd.s32 v20, v5;
	[tilespmem:v21+s17+$0x0] =	vst.idx.add.f32.msk $0xffff, v30  }
0x269: {  	[tilespmem:v22+s17+$0x0] =	vst.idx.add.f32.msk $0xffff, v31  }
0x26a: {  	v3 =	vld [tilespmem:s25+$0x170]  }
0x26b: {  	v4 =	vld [tilespmem:s25+$0x1F0]  }
0x26c: {  	v5 =	vld [tilespmem:s25+$0x270]  }
0x26d: {  	v21 =	vld [tilespmem:s25+$0x2F0]  }
0x26e: {  	v22 =	vld [tilespmem:s25+$0x3F0]  }
0x26f: {  	v3 =	vadd.s32 v20, v3  }
0x270: {  	v4 =	vadd.s32 v20, v4  }
0x271: {  	v5 =	vadd.s32 v20, v5  }
0x272: {  	[tilespmem:v1+s17+$0x0] =	vst.idx.add.f32.msk $0xffff, v32;
	v1 =	vadd.s32 v20, v21  }
0x273: {  	[tilespmem:v0+s17+$0x0] =	vst.idx.add.f32.msk $0xffff, v26;
	p0 =	seq.s32 s24, $0x0;
	v21 =	vadd.s32 v20, v22  }
.Ltmp9:
0x274: {  	[tilespmem:v3+s17+$0x0] =	vst.idx.add.f32.msk $0xffff, v27;
	(pc) =	sbr.rel @p0 .LBB2_16-.Ltmp9, $4  }
0x275: {  	[tilespmem:v4+s17+$0x0] =	vst.idx.add.f32.msk $0xffff, v28  }
0x276: {  	[tilespmem:v5+s17+$0x0] =	vst.idx.add.f32.msk $0xffff, v29  }
0x277: {  	[tilespmem:v1+s17+$0x0] =	vst.idx.add.f32.msk $0xffff, v30  }
0x278: {  	[tilespmem:v21+s17+$0x0] =	vst.idx.add.f32.msk $0xffff, v31  }
.LBB2_13:
0x279: {  	s0 =	sadd.s32 $0xFFFFFFF8, s22  }
0x27a: {  	s1 =	sadd.s32 $0xE, s0  }
0x27b: {  	_ =	swait.ge [sflag:s15], $0x4000;
	v0 =	vmov s1  }
0x27c: {  	[sflag:s15] =	ssyncset.done $0x0;
	v0 =	vand.u32 $0xFFFFFFFE, v0  }
0x27d: {  	s24 =	simm.s32 $0x4800;
	[sflag:s15] =	ssyncadd.s32 $0xFFFFC000;
	v0 =	vbroadcast v0, $0x0  }
0x27e: {  	v1 =	vld [tilespmem:s24+$0x300];
	_ =	sdelay $0x1  }
0x27f: {  	v3 =	vld [tilespmem:s24+$0x0]  }
0x280: {  	s26 =	sadd.s32 $0x8, s0;
	v4 =	vld [tilespmem:s24+$0x80]  }
0x281: {  	s29 =	sadd.s32 $0xB, s0;
	v5 =	vmov s26;
	v21 =	vld [tilespmem:s24+$0x100]  }
0x282: {  	s28 =	sadd.s32 $0x9, s0;
	v26 =	vmov s29;
	v5 =	vand.u32 $0xFFFFFFF8, v5;
	v33 =	vld.idx.msk [tilespmem:v0+s16+$0x0], $0xffff;
	v0 =	vadd.s32 v2, v1  }
0x283: {  	s2 =	sadd.s32 $0xA, s0;
	v22 =	vmov s28;
	v23 =	vld [tilespmem:s24+$0x180];
	v26 =	vand.u32 $0xFFFFFFFB, v26;
	v5 =	vbroadcast v5, $0x0  }
0x284: {  	s30 =	sadd.s32 $0xC, s0;
	v22 =	vand.u32 $0xFFFFFFF9, v22;
	v34 =	vld [tilespmem:s24+$0x200];
	v29 =	vbroadcast v26, $0x0;
	v1 =	vmov s2  }
0x285: {  	v27 =	vmov s30;
	v35 =	vld [tilespmem:s24+$0x280];
	v22 =	vbroadcast v22, $0x0;
	v1 =	vand.u32 $0xFFFFFFFA, v1  }
0x286: {  	s31 =	sadd.s32 $0xD, s0;
	v27 =	vand.u32 $0xFFFFFFFC, v27;
	v36 =	vld [tilespmem:s24+$0x380];
	v1 =	vbroadcast v1, $0x0  }
0x287: {  	v28 =	vmov s31;
	v30 =	vbroadcast v27, $0x0;
	[tilespmem:v0+s17+$0x0] =	vst.idx.add.f32.msk $0xffff, v33  }
0x288: {  	v26 =	vand.u32 $0xFFFFFFFD, v28;
	v31 =	vld [tilespmem:s24+$0x310]  }
0x289: {  	v3 =	vadd.s32 v2, v3;
	v32 =	vld.idx.msk [tilespmem:v5+s16+$0x0], $0xffff;
	v0 =	vbroadcast v26, $0x0  }
0x28a: {  	s0 =	sadd.s32 $0xF, s0;
	v28 =	vld.idx.msk [tilespmem:v29+s16+$0x0], $0xffff  }
0x28b: {  	v5 =	vmov s0;
	v26 =	vld.idx.msk [tilespmem:v22+s16+$0x0], $0xffff  }
0x28c: {  	v27 =	vld.idx.msk [tilespmem:v1+s16+$0x0], $0xffff;
	v1 =	vadd.s32 v2, v4  }
0x28d: {  	v29 =	vld.idx.msk [tilespmem:v30+s16+$0x0], $0xffff;
	v4 =	vadd.s32 v6, v31  }
0x28e: {  	[tilespmem:v3+s17+$0x0] =	vst.idx.add.f32.msk $0xffff, v32  }
0x28f: {  	v3 =	vadd.s32 v2, v34;
	v30 =	vld.idx.msk [tilespmem:v0+s16+$0x0], $0xffff  }
0x290: {  	v31 =	vld.idx.msk [tilespmem:v5+s16+$0x0], $0xffff  }
0x291: {  	v0 =	vadd.s32 v2, v21;
	[tilespmem:v1+s17+$0x0] =	vst.idx.add.f32.msk $0xffff, v26  }
0x292: {  	v5 =	vadd.s32 v2, v23;
	[tilespmem:v4+s17+$0x0] =	vst.idx.add.f32.msk $0xffff, v33  }
0x293: {  	v1 =	vadd.s32 v2, v35;
	v4 =	vld [tilespmem:s24+$0x320]  }
0x294: {  	[tilespmem:v3+s17+$0x0] =	vst.idx.add.f32.msk $0xffff, v29  }
0x295: {  	v3 =	vld [tilespmem:s24+$0x90]  }
0x296: {  	[tilespmem:v0+s17+$0x0] =	vst.idx.add.f32.msk $0xffff, v27  }
0x297: {  	[tilespmem:v5+s17+$0x0] =	vst.idx.add.f32.msk $0xffff, v28  }
0x298: {  	[tilespmem:v1+s17+$0x0] =	vst.idx.add.f32.msk $0xffff, v30;
	v1 =	vadd.s32 v7, v4  }
0x299: {  	v0 =	vld [tilespmem:s24+$0x10];
	v4 =	vadd.s32 v2, v36  }
0x29a: {  	v5 =	vld [tilespmem:s24+$0x110]  }
0x29b: {  	v21 =	vld [tilespmem:s24+$0x190];
	_ =	sdelay $0x1  }
0x29c: {  	[tilespmem:v1+s17+$0x0] =	vst.idx.add.f32.msk $0xffff, v33  }
0x29d: {  	v0 =	vadd.s32 v6, v0;
	[tilespmem:v4+s17+$0x0] =	vst.idx.add.f32.msk $0xffff, v31  }
0x29e: {  	v1 =	vadd.s32 v6, v3;
	v4 =	vadd.s32 v6, v5;
	v5 =	vld [tilespmem:s24+$0x290]  }
0x29f: {  	v21 =	vadd.s32 v6, v21;
	v3 =	vld [tilespmem:s24+$0x330]  }
0x2a0: {  	v23 =	vld [tilespmem:s24+$0x390]  }
0x2a1: {  	v22 =	vld [tilespmem:s24+$0x210]  }
0x2a2: {  	[tilespmem:v0+s17+$0x0] =	vst.idx.add.f32.msk $0xffff, v32  }
0x2a3: {  	[tilespmem:v1+s17+$0x0] =	vst.idx.add.f32.msk $0xffff, v26;
	v1 =	vadd.s32 v6, v5  }
0x2a4: {  	[tilespmem:v21+s17+$0x0] =	vst.idx.add.f32.msk $0xffff, v28  }
0x2a5: {  	[tilespmem:v4+s17+$0x0] =	vst.idx.add.f32.msk $0xffff, v27;
	v0 =	vadd.s32 v8, v3;
	v3 =	vadd.s32 v6, v23  }
0x2a6: {  	v4 =	vld [tilespmem:s24+$0x20]  }
0x2a7: {  	v5 =	vld [tilespmem:s24+$0x1A0]  }
0x2a8: {  	[tilespmem:v1+s17+$0x0] =	vst.idx.add.f32.msk $0xffff, v30  }
0x2a9: {  	v22 =	vadd.s32 v6, v22;
	v1 =	vld [tilespmem:s24+$0xA0]  }
0x2aa: {  	[tilespmem:v3+s17+$0x0] =	vst.idx.add.f32.msk $0xffff, v31  }
0x2ab: {  	v3 =	vadd.s32 v7, v4;
	v4 =	vld [tilespmem:s24+$0x120]  }
0x2ac: {  	[tilespmem:v0+s17+$0x0] =	vst.idx.add.f32.msk $0xffff, v33  }
0x2ad: {  	v0 =	vld [tilespmem:s24+$0x340]  }
0x2ae: {  	[tilespmem:v22+s17+$0x0] =	vst.idx.add.f32.msk $0xffff, v29  }
0x2af: {  	v22 =	vld [tilespmem:s24+$0x2A0];
	v1 =	vadd.s32 v7, v1  }
0x2b0: {  	[tilespmem:v3+s17+$0x0] =	vst.idx.add.f32.msk $0xffff, v32;
	v3 =	vadd.s32 v7, v4  }
0x2b1: {  	v4 =	vadd.s32 v7, v5  }
0x2b2: {  	v23 =	vld [tilespmem:s24+$0x3A0];
	v0 =	vadd.s32 v9, v0  }
0x2b3: {  	v21 =	vld [tilespmem:s24+$0x220]  }
0x2b4: {  	[tilespmem:v1+s17+$0x0] =	vst.idx.add.f32.msk $0xffff, v26  }
0x2b5: {  	v22 =	vadd.s32 v7, v22;
	[tilespmem:v3+s17+$0x0] =	vst.idx.add.f32.msk $0xffff, v27  }
0x2b6: {  	[tilespmem:v4+s17+$0x0] =	vst.idx.add.f32.msk $0xffff, v28  }
0x2b7: {  	v1 =	vadd.s32 v7, v23;
	[tilespmem:v0+s17+$0x0] =	vst.idx.add.f32.msk $0xffff, v33  }
0x2b8: {  	v3 =	vld [tilespmem:s24+$0x130]  }
0x2b9: {  	v0 =	vadd.s32 v7, v21;
	v5 =	vld [tilespmem:s24+$0x350]  }
0x2ba: {  	[tilespmem:v22+s17+$0x0] =	vst.idx.add.f32.msk $0xffff, v30  }
0x2bb: {  	v22 =	vld [tilespmem:s24+$0x2B0]  }
0x2bc: {  	[tilespmem:v1+s17+$0x0] =	vst.idx.add.f32.msk $0xffff, v31  }
0x2bd: {  	v1 =	vld [tilespmem:s24+$0xB0];
	v3 =	vadd.s32 v8, v3  }
0x2be: {  	[tilespmem:v0+s17+$0x0] =	vst.idx.add.f32.msk $0xffff, v29;
	v0 =	vadd.s32 v10, v5  }
0x2bf: {  	v21 =	vld [tilespmem:s24+$0x30]  }
0x2c0: {  	v23 =	vld [tilespmem:s24+$0x3B0]  }
0x2c1: {  	v5 =	vld [tilespmem:s24+$0x1B0]  }
0x2c2: {  	v1 =	vadd.s32 v8, v1;
	[tilespmem:v3+s17+$0x0] =	vst.idx.add.f32.msk $0xffff, v27  }
0x2c3: {  	v3 =	vadd.s32 v8, v22;
	[tilespmem:v0+s17+$0x0] =	vst.idx.add.f32.msk $0xffff, v33  }
0x2c4: {  	v0 =	vadd.s32 v8, v21;
	v4 =	vld [tilespmem:s24+$0x360]  }
0x2c5: {  	v22 =	vadd.s32 v8, v23  }
0x2c6: {  	v21 =	vld [tilespmem:s24+$0x230]  }
0x2c7: {  	v5 =	vadd.s32 v8, v5;
	[tilespmem:v1+s17+$0x0] =	vst.idx.add.f32.msk $0xffff, v26  }
0x2c8: {  	[tilespmem:v3+s17+$0x0] =	vst.idx.add.f32.msk $0xffff, v30  }
0x2c9: {  	[tilespmem:v0+s17+$0x0] =	vst.idx.add.f32.msk $0xffff, v32;
	v0 =	vadd.s32 v11, v4  }
0x2ca: {  	[tilespmem:v22+s17+$0x0] =	vst.idx.add.f32.msk $0xffff, v31  }
0x2cb: {  	v1 =	vadd.s32 v8, v21;
	v21 =	vld [tilespmem:s24+$0xC0]  }
0x2cc: {  	[tilespmem:v5+s17+$0x0] =	vst.idx.add.f32.msk $0xffff, v28  }
0x2cd: {  	v4 =	vld [tilespmem:s24+$0x40]  }
0x2ce: {  	[tilespmem:v0+s17+$0x0] =	vst.idx.add.f32.msk $0xffff, v33  }
0x2cf: {  	v0 =	vld [tilespmem:s24+$0x370]  }
0x2d0: {  	[tilespmem:v1+s17+$0x0] =	vst.idx.add.f32.msk $0xffff, v29  }
0x2d1: {  	v1 =	vld [tilespmem:s24+$0x140];
	v21 =	vadd.s32 v9, v21  }
0x2d2: {  	v22 =	vld [tilespmem:s24+$0x2C0];
	v4 =	vadd.s32 v9, v4  }
0x2d3: {  	v5 =	vld [tilespmem:s24+$0x240]  }
0x2d4: {  	v23 =	vld [tilespmem:s24+$0x3C0];
	v0 =	vadd.s32 v12, v0  }
0x2d5: {  	v3 =	vld [tilespmem:s24+$0x1C0]  }
0x2d6: {  	v1 =	vadd.s32 v9, v1;
	[tilespmem:v21+s17+$0x0] =	vst.idx.add.f32.msk $0xffff, v26  }
0x2d7: {  	[tilespmem:v4+s17+$0x0] =	vst.idx.add.f32.msk $0xffff, v32  }
0x2d8: {  	v4 =	vadd.s32 v9, v5;
	v5 =	vadd.s32 v9, v22;
	v21 =	vld [tilespmem:s24+$0x50]  }
0x2d9: {  	v22 =	vadd.s32 v9, v23;
	[tilespmem:v0+s17+$0x0] =	vst.idx.add.f32.msk $0xffff, v33  }
0x2da: {  	v0 =	vadd.s32 v9, v3;
	v3 =	vld [tilespmem:s24+$0x700]  }
0x2db: {  	[tilespmem:v1+s17+$0x0] =	vst.idx.add.f32.msk $0xffff, v27  }
0x2dc: {  	v1 =	vld [tilespmem:s24+$0xD0]  }
0x2dd: {  	[tilespmem:v5+s17+$0x0] =	vst.idx.add.f32.msk $0xffff, v30  }
0x2de: {  	[tilespmem:v22+s17+$0x0] =	vst.idx.add.f32.msk $0xffff, v31  }
0x2df: {  	[tilespmem:v0+s17+$0x0] =	vst.idx.add.f32.msk $0xffff, v28;
	v0 =	vadd.s32 v13, v3  }
0x2e0: {  	v22 =	vld [tilespmem:s24+$0x2D0]  }
0x2e1: {  	[tilespmem:v4+s17+$0x0] =	vst.idx.add.f32.msk $0xffff, v29  }
0x2e2: {  	v4 =	vld [tilespmem:s24+$0x150]  }
0x2e3: {  	v3 =	vadd.s32 v10, v21;
	v5 =	vld [tilespmem:s24+$0x1D0]  }
0x2e4: {  	v1 =	vadd.s32 v10, v1;
	[tilespmem:v0+s17+$0x0] =	vst.idx.add.f32.msk $0xffff, v33  }
0x2e5: {  	v22 =	vadd.s32 v10, v22;
	v0 =	vld [tilespmem:s24+$0x710]  }
0x2e6: {  	v21 =	vld [tilespmem:s24+$0x250]  }
0x2e7: {  	v23 =	vld [tilespmem:s24+$0x3D0]  }
0x2e8: {  	[tilespmem:v3+s17+$0x0] =	vst.idx.add.f32.msk $0xffff, v32;
	v3 =	vadd.s32 v10, v4  }
0x2e9: {  	[tilespmem:v1+s17+$0x0] =	vst.idx.add.f32.msk $0xffff, v26;
	v5 =	vadd.s32 v10, v5  }
0x2ea: {  	[tilespmem:v22+s17+$0x0] =	vst.idx.add.f32.msk $0xffff, v30;
	v0 =	vadd.s32 v14, v0  }
0x2eb: {  	v1 =	vadd.s32 v10, v21;
	v21 =	vld [tilespmem:s24+$0xE0]  }
0x2ec: {  	v4 =	vld [tilespmem:s24+$0x60]  }
0x2ed: {  	[tilespmem:v3+s17+$0x0] =	vst.idx.add.f32.msk $0xffff, v27  }
0x2ee: {  	[tilespmem:v5+s17+$0x0] =	vst.idx.add.f32.msk $0xffff, v28  }
0x2ef: {  	[tilespmem:v0+s17+$0x0] =	vst.idx.add.f32.msk $0xffff, v33  }
0x2f0: {  	v0 =	vadd.s32 v10, v23;
	v23 =	vld [tilespmem:s24+$0x720]  }
0x2f1: {  	[tilespmem:v1+s17+$0x0] =	vst.idx.add.f32.msk $0xffff, v29  }
0x2f2: {  	v21 =	vadd.s32 v11, v21;
	v3 =	vld [tilespmem:s24+$0x1E0]  }
0x2f3: {  	v4 =	vadd.s32 v11, v4;
	v5 =	vld [tilespmem:s24+$0x260]  }
0x2f4: {  	v22 =	vld [tilespmem:s24+$0x2E0]  }
0x2f5: {  	[tilespmem:v0+s17+$0x0] =	vst.idx.add.f32.msk $0xffff, v31;
	v1 =	vadd.s32 v15, v23  }
0x2f6: {  	v0 =	vld [tilespmem:s24+$0x160]  }
0x2f7: {  	[tilespmem:v21+s17+$0x0] =	vst.idx.add.f32.msk $0xffff, v26;
	v3 =	vadd.s32 v11, v3  }
0x2f8: {  	[tilespmem:v4+s17+$0x0] =	vst.idx.add.f32.msk $0xffff, v32;
	v4 =	vadd.s32 v11, v5  }
0x2f9: {  	v5 =	vadd.s32 v11, v22;
	v21 =	vld [tilespmem:s24+$0x70]  }
0x2fa: {  	[tilespmem:v1+s17+$0x0] =	vst.idx.add.f32.msk $0xffff, v33  }
0x2fb: {  	v0 =	vadd.s32 v11, v0;
	v1 =	vld [tilespmem:s24+$0x730]  }
0x2fc: {  	[tilespmem:v3+s17+$0x0] =	vst.idx.add.f32.msk $0xffff, v28  }
0x2fd: {  	[tilespmem:v4+s17+$0x0] =	vst.idx.add.f32.msk $0xffff, v29  }
0x2fe: {  	[tilespmem:v5+s17+$0x0] =	vst.idx.add.f32.msk $0xffff, v30  }
0x2ff: {  	v23 =	vld [tilespmem:s24+$0x3E0]  }
0x300: {  	[tilespmem:v0+s17+$0x0] =	vst.idx.add.f32.msk $0xffff, v27;
	v0 =	vadd.s32 v16, v1  }
0x301: {  	v1 =	vld [tilespmem:s24+$0xF0]  }
0x302: {  	v4 =	vld [tilespmem:s24+$0x1F0];
	v5 =	vadd.s32 v12, v21  }
0x303: {  	v21 =	vld [tilespmem:s24+$0x270]  }
0x304: {  	v22 =	vld [tilespmem:s24+$0x2F0]  }
0x305: {  	[tilespmem:v0+s17+$0x0] =	vst.idx.add.f32.msk $0xffff, v33;
	v0 =	vadd.s32 v11, v23  }
0x306: {  	v3 =	vld [tilespmem:s24+$0x170];
	v1 =	vadd.s32 v12, v1  }
0x307: {  	[tilespmem:v5+s17+$0x0] =	vst.idx.add.f32.msk $0xffff, v32  }
0x308: {  	v4 =	vadd.s32 v12, v4;
	v5 =	vadd.s32 v12, v21;
	v21 =	vld [tilespmem:s24+$0x400]  }
0x309: {  	v23 =	vld [tilespmem:s24+$0x740]  }
0x30a: {  	[tilespmem:v0+s17+$0x0] =	vst.idx.add.f32.msk $0xffff, v31  }
0x30b: {  	v0 =	vadd.s32 v12, v3;
	[tilespmem:v1+s17+$0x0] =	vst.idx.add.f32.msk $0xffff, v26  }
0x30c: {  	v1 =	vadd.s32 v12, v22;
	v3 =	vld [tilespmem:s24+$0x3F0]  }
0x30d: {  	[tilespmem:v4+s17+$0x0] =	vst.idx.add.f32.msk $0xffff, v28  }
0x30e: {  	[tilespmem:v5+s17+$0x0] =	vst.idx.add.f32.msk $0xffff, v29  }
0x30f: {  	v5 =	vld [tilespmem:s24+$0x580]  }
0x310: {  	v4 =	vadd.s32 v17, v23;
	[tilespmem:v0+s17+$0x0] =	vst.idx.add.f32.msk $0xffff, v27  }
0x311: {  	[tilespmem:v1+s17+$0x0] =	vst.idx.add.f32.msk $0xffff, v30;
	v0 =	vadd.s32 v12, v3  }
0x312: {  	v1 =	vld [tilespmem:s24+$0x480]  }
0x313: {  	v21 =	vadd.s32 v13, v21;
	v22 =	vld [tilespmem:s24+$0x600]  }
0x314: {  	v3 =	vld [tilespmem:s24+$0x500]  }
0x315: {  	[tilespmem:v4+s17+$0x0] =	vst.idx.add.f32.msk $0xffff, v33  }
0x316: {  	v4 =	vadd.s32 v13, v5;
	[tilespmem:v0+s17+$0x0] =	vst.idx.add.f32.msk $0xffff, v31  }
0x317: {  	v0 =	vadd.s32 v13, v1;
	v1 =	vld [tilespmem:s24+$0x680]  }
0x318: {  	[tilespmem:v21+s17+$0x0] =	vst.idx.add.f32.msk $0xffff, v32;
	v5 =	vadd.s32 v13, v22  }
0x319: {  	v3 =	vadd.s32 v13, v3;
	v23 =	vld [tilespmem:s24+$0x780]  }
0x31a: {  	v21 =	vld [tilespmem:s24+$0x410]  }
0x31b: {  	[tilespmem:v4+s17+$0x0] =	vst.idx.add.f32.msk $0xffff, v28  }
0x31c: {  	[tilespmem:v0+s17+$0x0] =	vst.idx.add.f32.msk $0xffff, v26;
	v0 =	vadd.s32 v13, v1  }
0x31d: {  	[tilespmem:v5+s17+$0x0] =	vst.idx.add.f32.msk $0xffff, v29  }
0x31e: {  	[tilespmem:v3+s17+$0x0] =	vst.idx.add.f32.msk $0xffff, v27;
	v1 =	vadd.s32 v13, v23  }
0x31f: {  	v3 =	vld [tilespmem:s24+$0x490]  }
0x320: {  	v4 =	vld [tilespmem:s24+$0x590]  }
0x321: {  	[tilespmem:v0+s17+$0x0] =	vst.idx.add.f32.msk $0xffff, v30  }
0x322: {  	v0 =	vld [tilespmem:s24+$0x510]  }
0x323: {  	[tilespmem:v1+s17+$0x0] =	vst.idx.add.f32.msk $0xffff, v31;
	v1 =	vadd.s32 v14, v21  }
0x324: {  	v5 =	vld [tilespmem:s24+$0x610];
	v3 =	vadd.s32 v14, v3  }
0x325: {  	v21 =	vld [tilespmem:s24+$0x690]  }
0x326: {  	v23 =	vld [tilespmem:s24+$0x750]  }
0x327: {  	v22 =	vld [tilespmem:s24+$0x790];
	v0 =	vadd.s32 v14, v0  }
0x328: {  	[tilespmem:v1+s17+$0x0] =	vst.idx.add.f32.msk $0xffff, v32;
	v1 =	vadd.s32 v14, v4  }
0x329: {  	[tilespmem:v3+s17+$0x0] =	vst.idx.add.f32.msk $0xffff, v26;
	v3 =	vadd.s32 v14, v5  }
0x32a: {  	v5 =	vadd.s32 v14, v21;
	v4 =	vld [tilespmem:s24+$0x420]  }
0x32b: {  	v21 =	vld [tilespmem:s24+$0x4A0]  }
0x32c: {  	v22 =	vadd.s32 v14, v22;
	[tilespmem:v0+s17+$0x0] =	vst.idx.add.f32.msk $0xffff, v27  }
0x32d: {  	[tilespmem:v1+s17+$0x0] =	vst.idx.add.f32.msk $0xffff, v28  }
0x32e: {  	[tilespmem:v3+s17+$0x0] =	vst.idx.add.f32.msk $0xffff, v29  }
0x32f: {  	[tilespmem:v5+s17+$0x0] =	vst.idx.add.f32.msk $0xffff, v30  }
0x330: {  	v1 =	vld [tilespmem:s24+$0x520]  }
0x331: {  	v0 =	vadd.s32 v18, v23;
	[tilespmem:v22+s17+$0x0] =	vst.idx.add.f32.msk $0xffff, v31  }
0x332: {  	v3 =	vadd.s32 v15, v4;
	v4 =	vld [tilespmem:s24+$0x5A0]  }
0x333: {  	v5 =	vadd.s32 v15, v21;
	v21 =	vld [tilespmem:s24+$0x620]  }
0x334: {  	v22 =	vld [tilespmem:s24+$0x6A0]  }
0x335: {  	v23 =	vld [tilespmem:s24+$0x7A0]  }
0x336: {  	[tilespmem:v0+s17+$0x0] =	vst.idx.add.f32.msk $0xffff, v33  }
0x337: {  	v0 =	vadd.s32 v15, v1;
	[tilespmem:v3+s17+$0x0] =	vst.idx.add.f32.msk $0xffff, v32  }
0x338: {  	v1 =	vadd.s32 v15, v4;
	[tilespmem:v5+s17+$0x0] =	vst.idx.add.f32.msk $0xffff, v26  }
0x339: {  	v3 =	vadd.s32 v15, v21;
	v4 =	vld [tilespmem:s24+$0x430]  }
0x33a: {  	v5 =	vadd.s32 v15, v22;
	v21 =	vld [tilespmem:s24+$0x4B0]  }
0x33b: {  	v22 =	vadd.s32 v15, v23;
	v23 =	vld [tilespmem:s24+$0x760]  }
0x33c: {  	[tilespmem:v0+s17+$0x0] =	vst.idx.add.f32.msk $0xffff, v27  }
0x33d: {  	[tilespmem:v1+s17+$0x0] =	vst.idx.add.f32.msk $0xffff, v28  }
0x33e: {  	[tilespmem:v3+s17+$0x0] =	vst.idx.add.f32.msk $0xffff, v29  }
0x33f: {  	[tilespmem:v5+s17+$0x0] =	vst.idx.add.f32.msk $0xffff, v30  }
0x340: {  	v0 =	vld [tilespmem:s24+$0x530]  }
0x341: {  	v1 =	vadd.s32 v16, v4;
	v3 =	vld [tilespmem:s24+$0x5B0]  }
0x342: {  	v4 =	vadd.s32 v16, v21;
	v5 =	vld [tilespmem:s24+$0x630]  }
0x343: {  	v21 =	vld [tilespmem:s24+$0x6B0]  }
0x344: {  	[tilespmem:v22+s17+$0x0] =	vst.idx.add.f32.msk $0xffff, v31  }
0x345: {  	v22 =	vld [tilespmem:s24+$0x7B0];
	v0 =	vadd.s32 v16, v0  }
0x346: {  	[tilespmem:v1+s17+$0x0] =	vst.idx.add.f32.msk $0xffff, v32;
	v1 =	vadd.s32 v16, v3  }
0x347: {  	[tilespmem:v4+s17+$0x0] =	vst.idx.add.f32.msk $0xffff, v26;
	v3 =	vadd.s32 v16, v5  }
0x348: {  	v5 =	vadd.s32 v16, v21;
	v4 =	vld [tilespmem:s24+$0x440]  }
0x349: {  	v21 =	vld [tilespmem:s24+$0x4C0]  }
0x34a: {  	v22 =	vadd.s32 v16, v22;
	[tilespmem:v0+s17+$0x0] =	vst.idx.add.f32.msk $0xffff, v27  }
0x34b: {  	[tilespmem:v1+s17+$0x0] =	vst.idx.add.f32.msk $0xffff, v28  }
0x34c: {  	[tilespmem:v3+s17+$0x0] =	vst.idx.add.f32.msk $0xffff, v29  }
0x34d: {  	[tilespmem:v5+s17+$0x0] =	vst.idx.add.f32.msk $0xffff, v30  }
0x34e: {  	v1 =	vld [tilespmem:s24+$0x540]  }
0x34f: {  	v0 =	vadd.s32 v19, v23;
	[tilespmem:v22+s17+$0x0] =	vst.idx.add.f32.msk $0xffff, v31  }
0x350: {  	v3 =	vadd.s32 v17, v4;
	v4 =	vld [tilespmem:s24+$0x5C0]  }
0x351: {  	v5 =	vadd.s32 v17, v21;
	v21 =	vld [tilespmem:s24+$0x640]  }
0x352: {  	v22 =	vld [tilespmem:s24+$0x6C0]  }
0x353: {  	v23 =	vld [tilespmem:s24+$0x7C0]  }
0x354: {  	[tilespmem:v0+s17+$0x0] =	vst.idx.add.f32.msk $0xffff, v33  }
0x355: {  	v0 =	vadd.s32 v17, v1;
	[tilespmem:v3+s17+$0x0] =	vst.idx.add.f32.msk $0xffff, v32  }
0x356: {  	v1 =	vadd.s32 v17, v4;
	[tilespmem:v5+s17+$0x0] =	vst.idx.add.f32.msk $0xffff, v26  }
0x357: {  	v3 =	vadd.s32 v17, v21;
	v4 =	vld [tilespmem:s24+$0x450]  }
0x358: {  	v5 =	vadd.s32 v17, v22;
	v21 =	vld [tilespmem:s24+$0x4D0]  }
0x359: {  	v22 =	vadd.s32 v17, v23;
	v23 =	vld [tilespmem:s24+$0x770]  }
0x35a: {  	[tilespmem:v0+s17+$0x0] =	vst.idx.add.f32.msk $0xffff, v27  }
0x35b: {  	[tilespmem:v1+s17+$0x0] =	vst.idx.add.f32.msk $0xffff, v28  }
0x35c: {  	[tilespmem:v3+s17+$0x0] =	vst.idx.add.f32.msk $0xffff, v29  }
0x35d: {  	[tilespmem:v5+s17+$0x0] =	vst.idx.add.f32.msk $0xffff, v30  }
0x35e: {  	v0 =	vld [tilespmem:s24+$0x550]  }
0x35f: {  	v1 =	vadd.s32 v18, v4;
	v3 =	vld [tilespmem:s24+$0x5D0]  }
0x360: {  	v4 =	vadd.s32 v18, v21;
	v5 =	vld [tilespmem:s24+$0x650]  }
0x361: {  	v21 =	vld [tilespmem:s24+$0x6D0]  }
0x362: {  	[tilespmem:v22+s17+$0x0] =	vst.idx.add.f32.msk $0xffff, v31  }
0x363: {  	v22 =	vld [tilespmem:s24+$0x7D0];
	v0 =	vadd.s32 v18, v0  }
0x364: {  	[tilespmem:v1+s17+$0x0] =	vst.idx.add.f32.msk $0xffff, v32;
	v1 =	vadd.s32 v18, v3  }
0x365: {  	[tilespmem:v4+s17+$0x0] =	vst.idx.add.f32.msk $0xffff, v26;
	v3 =	vadd.s32 v18, v5  }
0x366: {  	v5 =	vadd.s32 v18, v21;
	v4 =	vld [tilespmem:s24+$0x460]  }
0x367: {  	v21 =	vld [tilespmem:s24+$0x4E0]  }
0x368: {  	v22 =	vadd.s32 v18, v22;
	[tilespmem:v0+s17+$0x0] =	vst.idx.add.f32.msk $0xffff, v27  }
0x369: {  	[tilespmem:v1+s17+$0x0] =	vst.idx.add.f32.msk $0xffff, v28  }
0x36a: {  	[tilespmem:v3+s17+$0x0] =	vst.idx.add.f32.msk $0xffff, v29  }
0x36b: {  	[tilespmem:v5+s17+$0x0] =	vst.idx.add.f32.msk $0xffff, v30  }
0x36c: {  	v1 =	vld [tilespmem:s24+$0x560]  }
0x36d: {  	v0 =	vadd.s32 v20, v23;
	[tilespmem:v22+s17+$0x0] =	vst.idx.add.f32.msk $0xffff, v31  }
0x36e: {  	v3 =	vadd.s32 v19, v4;
	v4 =	vld [tilespmem:s24+$0x5E0]  }
0x36f: {  	v5 =	vadd.s32 v19, v21;
	v21 =	vld [tilespmem:s24+$0x660]  }
0x370: {  	v22 =	vld [tilespmem:s24+$0x6E0]  }
0x371: {  	v23 =	vld [tilespmem:s24+$0x7E0]  }
0x372: {  	[tilespmem:v0+s17+$0x0] =	vst.idx.add.f32.msk $0xffff, v33;
	v0 =	vadd.s32 v19, v1  }
0x373: {  	[tilespmem:v3+s17+$0x0] =	vst.idx.add.f32.msk $0xffff, v32;
	v1 =	vadd.s32 v19, v4  }
0x374: {  	[tilespmem:v5+s17+$0x0] =	vst.idx.add.f32.msk $0xffff, v26;
	v3 =	vadd.s32 v19, v21  }
0x375: {  	v5 =	vadd.s32 v19, v22;
	v4 =	vld [tilespmem:s24+$0x470]  }
0x376: {  	v21 =	vld [tilespmem:s24+$0x4F0];
	v22 =	vadd.s32 v19, v23  }
0x377: {  	[tilespmem:v0+s17+$0x0] =	vst.idx.add.f32.msk $0xffff, v27  }
0x378: {  	[tilespmem:v1+s17+$0x0] =	vst.idx.add.f32.msk $0xffff, v28  }
0x379: {  	[tilespmem:v3+s17+$0x0] =	vst.idx.add.f32.msk $0xffff, v29  }
0x37a: {  	[tilespmem:v5+s17+$0x0] =	vst.idx.add.f32.msk $0xffff, v30  }
0x37b: {  	s25 =	simm.s32 $0x0;
	v1 =	vadd.s32 v20, v4;
	v0 =	vadd.s32 v20, v21;
	[tilespmem:v22+s17+$0x0] =	vst.idx.add.f32.msk $0xffff, v31  }
.LBB2_14:
0x37c: {  	s0 =	sadd.s32 s25, s22;
	s25 =	sadd.s32 $0x8, s25;
	v3 =	vld [tilespmem:s24+$0x570]  }
0x37d: {  	s1 =	sadd.s32 $0x8, s0;
	s2 =	sadd.s32 $0xE, s0;
	p0 =	slt.u32 s25, $0x38;
	v4 =	vld [tilespmem:s24+$0x5F0]  }
0x37e: {  	s26 =	sadd.s32 $0xA, s0;
	s28 =	sadd.s32 $0xB, s0;
	v5 =	vmov s1;
	s1 =	sadd.s32 $0x9, s0;
	v21 =	vmov s2;
	v22 =	vld [tilespmem:s24+$0x670]  }
0x37f: {  	v33 =	vmov s26;
	s2 =	sadd.s32 $0xD, s0;
	v23 =	vmov s1;
	s1 =	sadd.s32 $0xC, s0;
	v21 =	vand.u32 $0xFFFFFFFE, v21;
	s0 =	sadd.s32 $0xF, s0;
	v34 =	vld [tilespmem:s24+$0x6F0]  }
0x380: {  	v35 =	vmov s28;
	v36 =	vmov s1;
	v21 =	vbroadcast v21, $0x0;
	v38 =	vld [tilespmem:s24+$0x7F0]  }
0x381: {  	v5 =	vand.u32 $0xFFFFFFF8, v5;
	v37 =	vmov s2;
	v23 =	vand.u32 $0xFFFFFFF9, v23;
	s24 =	sadd.s32 $0x800, s24;
	[tilespmem:v1+s17+$0x0] =	vst.idx.add.f32.msk $0xffff, v32  }
0x382: {  	v1 =	vand.u32 $0xFFFFFFFA, v33;
	v32 =	vand.u32 $0xFFFFFFFB, v35;
	v33 =	vand.u32 $0xFFFFFFFC, v36;
	v36 =	vld [tilespmem:s24+$0x300]  }
0x383: {  	v5 =	vbroadcast v5, $0x0;
	v23 =	vbroadcast v23, $0x0;
	v35 =	vand.u32 $0xFFFFFFFD, v37;
	v40 =	vld [tilespmem:s24+$0x0]  }
0x384: {  	v45 =	vmov s0;
	v1 =	vbroadcast v1, $0x0;
	v44 =	vbroadcast v32, $0x0;
	v42 =	vld [tilespmem:s24+$0x80]  }
0x385: {  	v41 =	vadd.s32 v20, v3;
	v46 =	vbroadcast v33, $0x0;
	v47 =	vbroadcast v35, $0x0;
	v32 =	vld [tilespmem:s24+$0x100]  }
0x386: {  	v39 =	vadd.s32 v20, v4;
	v37 =	vadd.s32 v20, v22;
	v35 =	vadd.s32 v20, v34;
	v43 =	vld.idx.msk [tilespmem:v21+s16+$0x0], $0xffff  }
0x387: {  	v33 =	vadd.s32 v20, v38;
	v3 =	vld [tilespmem:s24+$0x180];
	v4 =	vadd.s32 v2, v36  }
0x388: {  	v21 =	vadd.s32 v2, v40;
	v22 =	vld [tilespmem:s24+$0x200]  }
0x389: {  	v48 =	vadd.s32 v2, v42;
	v34 =	vld [tilespmem:s24+$0x280]  }
0x38a: {  	v49 =	vadd.s32 v2, v32;
	v36 =	vld [tilespmem:s24+$0x380]  }
0x38b: {  	v32 =	vld.idx.msk [tilespmem:v5+s16+$0x0], $0xffff  }
0x38c: {  	v3 =	vadd.s32 v2, v3;
	[tilespmem:v4+s17+$0x0] =	vst.idx.add.f32.msk $0xffff, v43  }
0x38d: {  	v4 =	vadd.s32 v2, v22;
	v5 =	vld [tilespmem:s24+$0x310]  }
0x38e: {  	v22 =	vld.idx.msk [tilespmem:v23+s16+$0x0], $0xffff;
	v23 =	vadd.s32 v2, v34  }
0x38f: {  	v42 =	vld.idx.msk [tilespmem:v1+s16+$0x0], $0xffff;
	v1 =	vadd.s32 v2, v36  }
0x390: {  	v40 =	vld.idx.msk [tilespmem:v44+s16+$0x0], $0xffff  }
0x391: {  	v38 =	vld.idx.msk [tilespmem:v46+s16+$0x0], $0xffff  }
0x392: {  	v36 =	vld.idx.msk [tilespmem:v47+s16+$0x0], $0xffff;
	v5 =	vadd.s32 v6, v5  }
0x393: {  	v34 =	vld.idx.msk [tilespmem:v45+s16+$0x0], $0xffff  }
0x394: {  	[tilespmem:v21+s17+$0x0] =	vst.idx.add.f32.msk $0xffff, v32  }
0x395: {  	[tilespmem:v48+s17+$0x0] =	vst.idx.add.f32.msk $0xffff, v22  }
0x396: {  	[tilespmem:v49+s17+$0x0] =	vst.idx.add.f32.msk $0xffff, v42  }
0x397: {  	[tilespmem:v5+s17+$0x0] =	vst.idx.add.f32.msk $0xffff, v43  }
0x398: {  	v5 =	vld [tilespmem:s24+$0x320]  }
0x399: {  	[tilespmem:v3+s17+$0x0] =	vst.idx.add.f32.msk $0xffff, v40  }
0x39a: {  	[tilespmem:v4+s17+$0x0] =	vst.idx.add.f32.msk $0xffff, v38  }
0x39b: {  	[tilespmem:v23+s17+$0x0] =	vst.idx.add.f32.msk $0xffff, v36  }
0x39c: {  	[tilespmem:v1+s17+$0x0] =	vst.idx.add.f32.msk $0xffff, v34  }
0x39d: {  	v1 =	vld [tilespmem:s24+$0x10];
	v3 =	vadd.s32 v7, v5  }
0x39e: {  	v4 =	vld [tilespmem:s24+$0x90]  }
0x39f: {  	v5 =	vld [tilespmem:s24+$0x110]  }
0x3a0: {  	v21 =	vld [tilespmem:s24+$0x190]  }
0x3a1: {  	v23 =	vld [tilespmem:s24+$0x210]  }
0x3a2: {  	v1 =	vadd.s32 v6, v1;
	[tilespmem:v3+s17+$0x0] =	vst.idx.add.f32.msk $0xffff, v43  }
0x3a3: {  	v3 =	vadd.s32 v6, v4;
	v4 =	vld [tilespmem:s24+$0x330]  }
0x3a4: {  	v5 =	vadd.s32 v6, v5;
	v44 =	vld [tilespmem:s24+$0x290]  }
0x3a5: {  	v21 =	vadd.s32 v6, v21;
	v45 =	vld [tilespmem:s24+$0x390]  }
0x3a6: {  	v23 =	vadd.s32 v6, v23;
	[tilespmem:v0+s17+$0x0] =	vst.idx.add.f32.msk $0xffff, v26;
	v26 =	vmov v22  }
0x3a7: {  	[tilespmem:v1+s17+$0x0] =	vst.idx.add.f32.msk $0xffff, v32  }
0x3a8: {  	[tilespmem:v3+s17+$0x0] =	vst.idx.add.f32.msk $0xffff, v26;
	v0 =	vadd.s32 v8, v4  }
0x3a9: {  	[tilespmem:v5+s17+$0x0] =	vst.idx.add.f32.msk $0xffff, v42;
	v1 =	vadd.s32 v6, v44  }
0x3aa: {  	[tilespmem:v21+s17+$0x0] =	vst.idx.add.f32.msk $0xffff, v40;
	v3 =	vadd.s32 v6, v45  }
0x3ab: {  	[tilespmem:v23+s17+$0x0] =	vst.idx.add.f32.msk $0xffff, v38  }
0x3ac: {  	v4 =	vld [tilespmem:s24+$0x20]  }
0x3ad: {  	[tilespmem:v0+s17+$0x0] =	vst.idx.add.f32.msk $0xffff, v43  }
0x3ae: {  	v0 =	vld [tilespmem:s24+$0x340]  }
0x3af: {  	[tilespmem:v1+s17+$0x0] =	vst.idx.add.f32.msk $0xffff, v36  }
0x3b0: {  	[tilespmem:v3+s17+$0x0] =	vst.idx.add.f32.msk $0xffff, v34  }
0x3b1: {  	v1 =	vadd.s32 v7, v4;
	v3 =	vld [tilespmem:s24+$0xA0]  }
0x3b2: {  	v4 =	vld [tilespmem:s24+$0x120]  }
0x3b3: {  	v5 =	vld [tilespmem:s24+$0x1A0];
	v0 =	vadd.s32 v9, v0  }
0x3b4: {  	v21 =	vld [tilespmem:s24+$0x220]  }
0x3b5: {  	v22 =	vld [tilespmem:s24+$0x2A0]  }
0x3b6: {  	v3 =	vadd.s32 v7, v3;
	v23 =	vld [tilespmem:s24+$0x3A0]  }
0x3b7: {  	[tilespmem:v1+s17+$0x0] =	vst.idx.add.f32.msk $0xffff, v32;
	v1 =	vadd.s32 v7, v4  }
0x3b8: {  	v4 =	vadd.s32 v7, v5;
	[tilespmem:v0+s17+$0x0] =	vst.idx.add.f32.msk $0xffff, v43  }
0x3b9: {  	v0 =	vadd.s32 v7, v21;
	v5 =	vld [tilespmem:s24+$0x350]  }
0x3ba: {  	v21 =	vld [tilespmem:s24+$0x30];
	v22 =	vadd.s32 v7, v22  }
0x3bb: {  	[tilespmem:v3+s17+$0x0] =	vst.idx.add.f32.msk $0xffff, v26;
	v3 =	vadd.s32 v7, v23  }
0x3bc: {  	[tilespmem:v1+s17+$0x0] =	vst.idx.add.f32.msk $0xffff, v42  }
0x3bd: {  	[tilespmem:v4+s17+$0x0] =	vst.idx.add.f32.msk $0xffff, v40  }
0x3be: {  	[tilespmem:v0+s17+$0x0] =	vst.idx.add.f32.msk $0xffff, v38;
	v0 =	vadd.s32 v10, v5  }
0x3bf: {  	v1 =	vadd.s32 v8, v21;
	[tilespmem:v22+s17+$0x0] =	vst.idx.add.f32.msk $0xffff, v36  }
0x3c0: {  	[tilespmem:v3+s17+$0x0] =	vst.idx.add.f32.msk $0xffff, v34  }
0x3c1: {  	v3 =	vld [tilespmem:s24+$0xB0]  }
0x3c2: {  	v4 =	vld [tilespmem:s24+$0x130]  }
0x3c3: {  	[tilespmem:v0+s17+$0x0] =	vst.idx.add.f32.msk $0xffff, v43  }
0x3c4: {  	v0 =	vld [tilespmem:s24+$0x360]  }
0x3c5: {  	v5 =	vld [tilespmem:s24+$0x1B0]  }
0x3c6: {  	v3 =	vadd.s32 v8, v3;
	v21 =	vld [tilespmem:s24+$0x230]  }
0x3c7: {  	v4 =	vadd.s32 v8, v4;
	v22 =	vld [tilespmem:s24+$0x2B0]  }
0x3c8: {  	v23 =	vld [tilespmem:s24+$0x3B0]  }
0x3c9: {  	[tilespmem:v1+s17+$0x0] =	vst.idx.add.f32.msk $0xffff, v32;
	v0 =	vadd.s32 v11, v0  }
0x3ca: {  	v1 =	vld [tilespmem:s24+$0x40];
	v5 =	vadd.s32 v8, v5  }
0x3cb: {  	[tilespmem:v3+s17+$0x0] =	vst.idx.add.f32.msk $0xffff, v26;
	v3 =	vadd.s32 v8, v21  }
0x3cc: {  	[tilespmem:v4+s17+$0x0] =	vst.idx.add.f32.msk $0xffff, v42;
	v4 =	vadd.s32 v8, v22  }
0x3cd: {  	v21 =	vld [tilespmem:s24+$0xC0];
	v22 =	vadd.s32 v8, v23  }
0x3ce: {  	[tilespmem:v0+s17+$0x0] =	vst.idx.add.f32.msk $0xffff, v43  }
0x3cf: {  	v0 =	vadd.s32 v9, v1;
	v1 =	vld [tilespmem:s24+$0x370]  }
0x3d0: {  	[tilespmem:v5+s17+$0x0] =	vst.idx.add.f32.msk $0xffff, v40  }
0x3d1: {  	[tilespmem:v3+s17+$0x0] =	vst.idx.add.f32.msk $0xffff, v38  }
0x3d2: {  	v3 =	vadd.s32 v9, v21;
	[tilespmem:v4+s17+$0x0] =	vst.idx.add.f32.msk $0xffff, v36  }
0x3d3: {  	[tilespmem:v22+s17+$0x0] =	vst.idx.add.f32.msk $0xffff, v34  }
0x3d4: {  	v4 =	vld [tilespmem:s24+$0x140];
	v1 =	vadd.s32 v12, v1  }
0x3d5: {  	v5 =	vld [tilespmem:s24+$0x1C0]  }
0x3d6: {  	v21 =	vld [tilespmem:s24+$0x240]  }
0x3d7: {  	v22 =	vld [tilespmem:s24+$0x2C0]  }
0x3d8: {  	v23 =	vld [tilespmem:s24+$0x3C0]  }
0x3d9: {  	v4 =	vadd.s32 v9, v4;
	[tilespmem:v1+s17+$0x0] =	vst.idx.add.f32.msk $0xffff, v43  }
0x3da: {  	v1 =	vadd.s32 v9, v5;
	v5 =	vld [tilespmem:s24+$0x700]  }
0x3db: {  	[tilespmem:v0+s17+$0x0] =	vst.idx.add.f32.msk $0xffff, v32;
	v0 =	vadd.s32 v9, v21  }
0x3dc: {  	[tilespmem:v3+s17+$0x0] =	vst.idx.add.f32.msk $0xffff, v26;
	v3 =	vadd.s32 v9, v22  }
0x3dd: {  	v21 =	vld [tilespmem:s24+$0x50];
	v22 =	vadd.s32 v9, v23  }
0x3de: {  	[tilespmem:v4+s17+$0x0] =	vst.idx.add.f32.msk $0xffff, v42  }
0x3df: {  	[tilespmem:v1+s17+$0x0] =	vst.idx.add.f32.msk $0xffff, v40;
	v1 =	vadd.s32 v13, v5  }
0x3e0: {  	[tilespmem:v0+s17+$0x0] =	vst.idx.add.f32.msk $0xffff, v38  }
0x3e1: {  	[tilespmem:v3+s17+$0x0] =	vst.idx.add.f32.msk $0xffff, v36  }
0x3e2: {  	v0 =	vadd.s32 v10, v21;
	[tilespmem:v22+s17+$0x0] =	vst.idx.add.f32.msk $0xffff, v34  }
0x3e3: {  	v3 =	vld [tilespmem:s24+$0xD0]  }
0x3e4: {  	[tilespmem:v1+s17+$0x0] =	vst.idx.add.f32.msk $0xffff, v43  }
0x3e5: {  	v1 =	vld [tilespmem:s24+$0x710]  }
0x3e6: {  	v4 =	vld [tilespmem:s24+$0x150]  }
0x3e7: {  	v5 =	vld [tilespmem:s24+$0x1D0]  }
0x3e8: {  	v3 =	vadd.s32 v10, v3;
	v21 =	vld [tilespmem:s24+$0x250]  }
0x3e9: {  	v22 =	vld [tilespmem:s24+$0x2D0]  }
0x3ea: {  	v1 =	vadd.s32 v14, v1;
	v23 =	vld [tilespmem:s24+$0x3D0]  }
0x3eb: {  	[tilespmem:v0+s17+$0x0] =	vst.idx.add.f32.msk $0xffff, v32;
	v0 =	vadd.s32 v10, v4  }
0x3ec: {  	v4 =	vld [tilespmem:s24+$0x60];
	v5 =	vadd.s32 v10, v5  }
0x3ed: {  	[tilespmem:v3+s17+$0x0] =	vst.idx.add.f32.msk $0xffff, v26;
	v3 =	vadd.s32 v10, v21  }
0x3ee: {  	v21 =	vld [tilespmem:s24+$0xE0];
	v22 =	vadd.s32 v10, v22  }
0x3ef: {  	[tilespmem:v1+s17+$0x0] =	vst.idx.add.f32.msk $0xffff, v43;
	v1 =	vadd.s32 v10, v23  }
0x3f0: {  	v23 =	vld [tilespmem:s24+$0x720]  }
0x3f1: {  	v4 =	vadd.s32 v11, v4;
	[tilespmem:v0+s17+$0x0] =	vst.idx.add.f32.msk $0xffff, v42  }
0x3f2: {  	[tilespmem:v5+s17+$0x0] =	vst.idx.add.f32.msk $0xffff, v40  }
0x3f3: {  	v0 =	vadd.s32 v11, v21;
	[tilespmem:v3+s17+$0x0] =	vst.idx.add.f32.msk $0xffff, v38  }
0x3f4: {  	[tilespmem:v22+s17+$0x0] =	vst.idx.add.f32.msk $0xffff, v36  }
0x3f5: {  	v3 =	vadd.s32 v15, v23;
	[tilespmem:v1+s17+$0x0] =	vst.idx.add.f32.msk $0xffff, v34  }
0x3f6: {  	v1 =	vld [tilespmem:s24+$0x160]  }
0x3f7: {  	v5 =	vld [tilespmem:s24+$0x1E0]  }
0x3f8: {  	v21 =	vld [tilespmem:s24+$0x260]  }
0x3f9: {  	v22 =	vld [tilespmem:s24+$0x2E0]  }
0x3fa: {  	[tilespmem:v3+s17+$0x0] =	vst.idx.add.f32.msk $0xffff, v43  }
0x3fb: {  	v1 =	vadd.s32 v11, v1;
	v3 =	vld [tilespmem:s24+$0x730]  }
0x3fc: {  	v5 =	vadd.s32 v11, v5;
	v23 =	vld [tilespmem:s24+$0x3E0]  }
0x3fd: {  	[tilespmem:v4+s17+$0x0] =	vst.idx.add.f32.msk $0xffff, v32;
	v4 =	vadd.s32 v11, v21  }
0x3fe: {  	[tilespmem:v0+s17+$0x0] =	vst.idx.add.f32.msk $0xffff, v26;
	v0 =	vadd.s32 v11, v22  }
0x3ff: {  	v21 =	vld [tilespmem:s24+$0x70]  }
0x400: {  	[tilespmem:v1+s17+$0x0] =	vst.idx.add.f32.msk $0xffff, v42;
	v1 =	vadd.s32 v16, v3  }
0x401: {  	[tilespmem:v5+s17+$0x0] =	vst.idx.add.f32.msk $0xffff, v40;
	v3 =	vadd.s32 v11, v23  }
0x402: {  	[tilespmem:v4+s17+$0x0] =	vst.idx.add.f32.msk $0xffff, v38  }
0x403: {  	[tilespmem:v0+s17+$0x0] =	vst.idx.add.f32.msk $0xffff, v36  }
0x404: {  	v0 =	vadd.s32 v12, v21;
	v4 =	vld [tilespmem:s24+$0xF0]  }
0x405: {  	[tilespmem:v1+s17+$0x0] =	vst.idx.add.f32.msk $0xffff, v43  }
0x406: {  	v1 =	vld [tilespmem:s24+$0x740]  }
0x407: {  	[tilespmem:v3+s17+$0x0] =	vst.idx.add.f32.msk $0xffff, v34  }
0x408: {  	v3 =	vld [tilespmem:s24+$0x170]  }
0x409: {  	v4 =	vadd.s32 v12, v4;
	v5 =	vld [tilespmem:s24+$0x1F0]  }
0x40a: {  	v21 =	vld [tilespmem:s24+$0x270]  }
0x40b: {  	v22 =	vld [tilespmem:s24+$0x2F0];
	v1 =	vadd.s32 v17, v1  }
0x40c: {  	v23 =	vld [tilespmem:s24+$0x3F0]  }
0x40d: {  	[tilespmem:v0+s17+$0x0] =	vst.idx.add.f32.msk $0xffff, v32;
	v0 =	vadd.s32 v12, v3  }
0x40e: {  	[tilespmem:v4+s17+$0x0] =	vst.idx.add.f32.msk $0xffff, v26;
	v3 =	vadd.s32 v12, v5  }
0x40f: {  	v4 =	vld [tilespmem:s24+$0x400];
	v5 =	vadd.s32 v12, v21  }
0x410: {  	v21 =	vadd.s32 v12, v22;
	[tilespmem:v1+s17+$0x0] =	vst.idx.add.f32.msk $0xffff, v43  }
0x411: {  	v1 =	vld [tilespmem:s24+$0x750];
	v22 =	vadd.s32 v12, v23  }
0x412: {  	[tilespmem:v0+s17+$0x0] =	vst.idx.add.f32.msk $0xffff, v42  }
0x413: {  	[tilespmem:v3+s17+$0x0] =	vst.idx.add.f32.msk $0xffff, v40  }
0x414: {  	v0 =	vadd.s32 v13, v4;
	[tilespmem:v5+s17+$0x0] =	vst.idx.add.f32.msk $0xffff, v38  }
0x415: {  	[tilespmem:v21+s17+$0x0] =	vst.idx.add.f32.msk $0xffff, v36  }
0x416: {  	v1 =	vadd.s32 v18, v1;
	[tilespmem:v22+s17+$0x0] =	vst.idx.add.f32.msk $0xffff, v34  }
0x417: {  	v3 =	vld [tilespmem:s24+$0x480]  }
0x418: {  	v4 =	vld [tilespmem:s24+$0x500]  }
0x419: {  	v5 =	vld [tilespmem:s24+$0x580]  }
0x41a: {  	v21 =	vld [tilespmem:s24+$0x600]  }
0x41b: {  	[tilespmem:v1+s17+$0x0] =	vst.idx.add.f32.msk $0xffff, v43  }
0x41c: {  	v1 =	vadd.s32 v13, v3;
	v3 =	vld [tilespmem:s24+$0x760]  }
0x41d: {  	v4 =	vadd.s32 v13, v4;
	v22 =	vld [tilespmem:s24+$0x680]  }
0x41e: {  	v5 =	vadd.s32 v13, v5;
	v23 =	vld [tilespmem:s24+$0x780]  }
0x41f: {  	[tilespmem:v0+s17+$0x0] =	vst.idx.add.f32.msk $0xffff, v32;
	v0 =	vadd.s32 v13, v21  }
0x420: {  	v21 =	vld [tilespmem:s24+$0x410]  }
0x421: {  	[tilespmem:v1+s17+$0x0] =	vst.idx.add.f32.msk $0xffff, v26;
	v1 =	vadd.s32 v19, v3  }
0x422: {  	[tilespmem:v4+s17+$0x0] =	vst.idx.add.f32.msk $0xffff, v42;
	v3 =	vadd.s32 v13, v22  }
0x423: {  	[tilespmem:v5+s17+$0x0] =	vst.idx.add.f32.msk $0xffff, v40;
	v4 =	vadd.s32 v13, v23  }
0x424: {  	[tilespmem:v0+s17+$0x0] =	vst.idx.add.f32.msk $0xffff, v38  }
0x425: {  	v0 =	vadd.s32 v14, v21;
	v5 =	vld [tilespmem:s24+$0x490]  }
0x426: {  	[tilespmem:v1+s17+$0x0] =	vst.idx.add.f32.msk $0xffff, v43  }
0x427: {  	v1 =	vld [tilespmem:s24+$0x770]  }
0x428: {  	[tilespmem:v3+s17+$0x0] =	vst.idx.add.f32.msk $0xffff, v36  }
0x429: {  	[tilespmem:v4+s17+$0x0] =	vst.idx.add.f32.msk $0xffff, v34  }
0x42a: {  	v3 =	vadd.s32 v14, v5;
	v4 =	vld [tilespmem:s24+$0x510]  }
0x42b: {  	v5 =	vld [tilespmem:s24+$0x590]  }
0x42c: {  	v21 =	vld [tilespmem:s24+$0x610];
	v1 =	vadd.s32 v20, v1  }
0x42d: {  	v22 =	vld [tilespmem:s24+$0x690]  }
0x42e: {  	v23 =	vld [tilespmem:s24+$0x790]  }
0x42f: {  	[tilespmem:v0+s17+$0x0] =	vst.idx.add.f32.msk $0xffff, v32;
	v0 =	vadd.s32 v14, v4  }
0x430: {  	[tilespmem:v3+s17+$0x0] =	vst.idx.add.f32.msk $0xffff, v26;
	v3 =	vadd.s32 v14, v5  }
0x431: {  	v4 =	vadd.s32 v14, v21;
	[tilespmem:v1+s17+$0x0] =	vst.idx.add.f32.msk $0xffff, v43  }
0x432: {  	v1 =	vld [tilespmem:s24+$0x420];
	v5 =	vadd.s32 v14, v22  }
0x433: {  	v21 =	vld [tilespmem:s24+$0x4A0];
	v22 =	vadd.s32 v14, v23  }
0x434: {  	[tilespmem:v0+s17+$0x0] =	vst.idx.add.f32.msk $0xffff, v42  }
0x435: {  	[tilespmem:v3+s17+$0x0] =	vst.idx.add.f32.msk $0xffff, v40  }
0x436: {  	[tilespmem:v4+s17+$0x0] =	vst.idx.add.f32.msk $0xffff, v38  }
0x437: {  	v0 =	vadd.s32 v15, v1;
	[tilespmem:v5+s17+$0x0] =	vst.idx.add.f32.msk $0xffff, v36  }
0x438: {  	v1 =	vadd.s32 v15, v21;
	[tilespmem:v22+s17+$0x0] =	vst.idx.add.f32.msk $0xffff, v34  }
0x439: {  	v3 =	vld [tilespmem:s24+$0x520]  }
0x43a: {  	v4 =	vld [tilespmem:s24+$0x5A0]  }
0x43b: {  	v5 =	vld [tilespmem:s24+$0x620]  }
0x43c: {  	v21 =	vld [tilespmem:s24+$0x6A0]  }
0x43d: {  	v22 =	vld [tilespmem:s24+$0x7A0]  }
0x43e: {  	[tilespmem:v0+s17+$0x0] =	vst.idx.add.f32.msk $0xffff, v32;
	v0 =	vadd.s32 v15, v3  }
0x43f: {  	[tilespmem:v1+s17+$0x0] =	vst.idx.add.f32.msk $0xffff, v26;
	v1 =	vadd.s32 v15, v4  }
0x440: {  	v3 =	vld [tilespmem:s24+$0x430];
	v4 =	vadd.s32 v15, v5  }
0x441: {  	v5 =	vld [tilespmem:s24+$0x4B0];
	v21 =	vadd.s32 v15, v21  }
0x442: {  	v22 =	vadd.s32 v15, v22;
	[tilespmem:v41+s17+$0x0] =	vst.idx.add.f32.msk $0xffff, v27;
	v27 =	vmov v42  }
0x443: {  	[tilespmem:v0+s17+$0x0] =	vst.idx.add.f32.msk $0xffff, v27  }
0x444: {  	[tilespmem:v1+s17+$0x0] =	vst.idx.add.f32.msk $0xffff, v40  }
0x445: {  	v0 =	vadd.s32 v16, v3;
	[tilespmem:v4+s17+$0x0] =	vst.idx.add.f32.msk $0xffff, v38  }
0x446: {  	v1 =	vadd.s32 v16, v5;
	[tilespmem:v21+s17+$0x0] =	vst.idx.add.f32.msk $0xffff, v36  }
0x447: {  	[tilespmem:v22+s17+$0x0] =	vst.idx.add.f32.msk $0xffff, v34  }
0x448: {  	v3 =	vld [tilespmem:s24+$0x530]  }
0x449: {  	v4 =	vld [tilespmem:s24+$0x5B0]  }
0x44a: {  	v5 =	vld [tilespmem:s24+$0x630]  }
0x44b: {  	v21 =	vld [tilespmem:s24+$0x6B0]  }
0x44c: {  	v22 =	vld [tilespmem:s24+$0x7B0]  }
0x44d: {  	[tilespmem:v0+s17+$0x0] =	vst.idx.add.f32.msk $0xffff, v32;
	v0 =	vadd.s32 v16, v3  }
0x44e: {  	[tilespmem:v1+s17+$0x0] =	vst.idx.add.f32.msk $0xffff, v26;
	v1 =	vadd.s32 v16, v4  }
0x44f: {  	v3 =	vld [tilespmem:s24+$0x440];
	v4 =	vadd.s32 v16, v5  }
0x450: {  	v5 =	vld [tilespmem:s24+$0x4C0];
	v21 =	vadd.s32 v16, v21  }
0x451: {  	v22 =	vadd.s32 v16, v22;
	[tilespmem:v39+s17+$0x0] =	vst.idx.add.f32.msk $0xffff, v28;
	v28 =	vmov v40  }
0x452: {  	[tilespmem:v0+s17+$0x0] =	vst.idx.add.f32.msk $0xffff, v27  }
0x453: {  	[tilespmem:v1+s17+$0x0] =	vst.idx.add.f32.msk $0xffff, v28  }
0x454: {  	v0 =	vadd.s32 v17, v3;
	[tilespmem:v4+s17+$0x0] =	vst.idx.add.f32.msk $0xffff, v38  }
0x455: {  	v1 =	vadd.s32 v17, v5;
	[tilespmem:v21+s17+$0x0] =	vst.idx.add.f32.msk $0xffff, v36  }
0x456: {  	[tilespmem:v22+s17+$0x0] =	vst.idx.add.f32.msk $0xffff, v34  }
0x457: {  	v3 =	vld [tilespmem:s24+$0x540]  }
0x458: {  	v4 =	vld [tilespmem:s24+$0x5C0]  }
0x459: {  	v5 =	vld [tilespmem:s24+$0x640]  }
0x45a: {  	v21 =	vld [tilespmem:s24+$0x6C0]  }
0x45b: {  	v22 =	vld [tilespmem:s24+$0x7C0]  }
0x45c: {  	[tilespmem:v0+s17+$0x0] =	vst.idx.add.f32.msk $0xffff, v32;
	v0 =	vadd.s32 v17, v3  }
0x45d: {  	[tilespmem:v1+s17+$0x0] =	vst.idx.add.f32.msk $0xffff, v26;
	v1 =	vadd.s32 v17, v4  }
0x45e: {  	v3 =	vld [tilespmem:s24+$0x450];
	v4 =	vadd.s32 v17, v5  }
0x45f: {  	v5 =	vld [tilespmem:s24+$0x4D0];
	v21 =	vadd.s32 v17, v21  }
0x460: {  	v22 =	vadd.s32 v17, v22;
	[tilespmem:v37+s17+$0x0] =	vst.idx.add.f32.msk $0xffff, v29;
	v29 =	vmov v38  }
0x461: {  	[tilespmem:v0+s17+$0x0] =	vst.idx.add.f32.msk $0xffff, v27  }
0x462: {  	[tilespmem:v1+s17+$0x0] =	vst.idx.add.f32.msk $0xffff, v28  }
0x463: {  	v0 =	vadd.s32 v18, v3;
	[tilespmem:v4+s17+$0x0] =	vst.idx.add.f32.msk $0xffff, v29  }
0x464: {  	v1 =	vadd.s32 v18, v5;
	[tilespmem:v21+s17+$0x0] =	vst.idx.add.f32.msk $0xffff, v36  }
0x465: {  	[tilespmem:v22+s17+$0x0] =	vst.idx.add.f32.msk $0xffff, v34  }
0x466: {  	v3 =	vld [tilespmem:s24+$0x550]  }
0x467: {  	v4 =	vld [tilespmem:s24+$0x5D0]  }
0x468: {  	v5 =	vld [tilespmem:s24+$0x650]  }
0x469: {  	v21 =	vld [tilespmem:s24+$0x6D0]  }
0x46a: {  	v22 =	vld [tilespmem:s24+$0x7D0]  }
0x46b: {  	[tilespmem:v0+s17+$0x0] =	vst.idx.add.f32.msk $0xffff, v32;
	v0 =	vadd.s32 v18, v3  }
0x46c: {  	[tilespmem:v1+s17+$0x0] =	vst.idx.add.f32.msk $0xffff, v26;
	v1 =	vadd.s32 v18, v4  }
0x46d: {  	v3 =	vld [tilespmem:s24+$0x460];
	v4 =	vadd.s32 v18, v5  }
0x46e: {  	v5 =	vld [tilespmem:s24+$0x4E0];
	v21 =	vadd.s32 v18, v21  }
0x46f: {  	v22 =	vadd.s32 v18, v22;
	[tilespmem:v35+s17+$0x0] =	vst.idx.add.f32.msk $0xffff, v30;
	v30 =	vmov v36  }
0x470: {  	[tilespmem:v0+s17+$0x0] =	vst.idx.add.f32.msk $0xffff, v27  }
0x471: {  	[tilespmem:v1+s17+$0x0] =	vst.idx.add.f32.msk $0xffff, v28  }
0x472: {  	v0 =	vadd.s32 v19, v3;
	[tilespmem:v4+s17+$0x0] =	vst.idx.add.f32.msk $0xffff, v29  }
0x473: {  	v1 =	vadd.s32 v19, v5;
	[tilespmem:v21+s17+$0x0] =	vst.idx.add.f32.msk $0xffff, v30  }
0x474: {  	[tilespmem:v22+s17+$0x0] =	vst.idx.add.f32.msk $0xffff, v34  }
0x475: {  	v3 =	vld [tilespmem:s24+$0x560]  }
0x476: {  	v4 =	vld [tilespmem:s24+$0x5E0]  }
0x477: {  	v5 =	vld [tilespmem:s24+$0x660]  }
0x478: {  	v21 =	vld [tilespmem:s24+$0x6E0]  }
0x479: {  	v22 =	vld [tilespmem:s24+$0x7E0]  }
0x47a: {  	[tilespmem:v0+s17+$0x0] =	vst.idx.add.f32.msk $0xffff, v32;
	v0 =	vadd.s32 v19, v3  }
0x47b: {  	[tilespmem:v1+s17+$0x0] =	vst.idx.add.f32.msk $0xffff, v26;
	v1 =	vadd.s32 v19, v4  }
0x47c: {  	v3 =	vld [tilespmem:s24+$0x470];
	v4 =	vadd.s32 v19, v5  }
0x47d: {  	v5 =	vld [tilespmem:s24+$0x4F0];
	v21 =	vadd.s32 v19, v21  }
0x47e: {  	v22 =	vadd.s32 v19, v22;
	[tilespmem:v33+s17+$0x0] =	vst.idx.add.f32.msk $0xffff, v31;
	v31 =	vmov v34  }
.Ltmp10:
0x47f: {  	[tilespmem:v0+s17+$0x0] =	vst.idx.add.f32.msk $0xffff, v27;
	(pc) =	sbr.rel @p0 .LBB2_14-.Ltmp10, $4  }
0x480: {  	[tilespmem:v1+s17+$0x0] =	vst.idx.add.f32.msk $0xffff, v28  }
0x481: {  	v1 =	vadd.s32 v20, v3;
	[tilespmem:v4+s17+$0x0] =	vst.idx.add.f32.msk $0xffff, v29  }
0x482: {  	v0 =	vadd.s32 v20, v5;
	[tilespmem:v21+s17+$0x0] =	vst.idx.add.f32.msk $0xffff, v30  }
0x483: {  	[tilespmem:v22+s17+$0x0] =	vst.idx.add.f32.msk $0xffff, v31  }
0x484: {  	v3 =	vld [tilespmem:s24+$0x570]  }
0x485: {  	v4 =	vld [tilespmem:s24+$0x5F0]  }
0x486: {  	v5 =	vld [tilespmem:s24+$0x670]  }
0x487: {  	v21 =	vld [tilespmem:s24+$0x6F0]  }
0x488: {  	v22 =	vld [tilespmem:s24+$0x7F0]  }
0x489: {  	v3 =	vadd.s32 v20, v3  }
0x48a: {  	v4 =	vadd.s32 v20, v4  }
0x48b: {  	v5 =	vadd.s32 v20, v5  }
0x48c: {  	[tilespmem:v1+s17+$0x0] =	vst.idx.add.f32.msk $0xffff, v32;
	v1 =	vadd.s32 v20, v21  }
0x48d: {  	[tilespmem:v0+s17+$0x0] =	vst.idx.add.f32.msk $0xffff, v26;
	v21 =	vadd.s32 v20, v22  }
.Ltmp11:
0x48e: {  	[tilespmem:v3+s17+$0x0] =	vst.idx.add.f32.msk $0xffff, v27;
	(pc) =	sbr.rel .LBB2_16-.Ltmp11, $4  }
0x48f: {  	[tilespmem:v4+s17+$0x0] =	vst.idx.add.f32.msk $0xffff, v28  }
0x490: {  	[tilespmem:v5+s17+$0x0] =	vst.idx.add.f32.msk $0xffff, v29  }
0x491: {  	[tilespmem:v1+s17+$0x0] =	vst.idx.add.f32.msk $0xffff, v30  }
0x492: {  	[tilespmem:v21+s17+$0x0] =	vst.idx.add.f32.msk $0xffff, v31  }
.LBB2_17:
0x493: {  	_ =	strace $0x90000048  }
0x494: {  	_ =	swait.ge [sflag:s18], $0x8000  }
0x495: {  	[sflag:s18] =	ssyncset.done $0x0  }
0x496: {  	[sflag:s18] =	ssyncadd.s32 $0xFFFF8000  }
0x497: {  	s22 =	simm.s32 $0xC900;
	_ =	strace $0x80000049  }
0x498: {  	v0 =	vld [tilespmem:s22+$0xFFFFFF00]  }
0x499: {  	v1 =	vld [tilespmem:s22+$0x80]  }
0x49a: {  	v3 =	vld [tilespmem:s22+$0xFFFFFFA0]  }
0x49b: {  	v4 =	vld [tilespmem:s22+$0xFFFFFF90]  }
0x49c: {  	v5 =	vld [tilespmem:s22+$0xFFFFFF80]  }
0x49d: {  	v21 =	vld [tilespmem:s22+$0xFFFFFF10];
	v0 =	vmul.f32 $1.442695020e+00, v0  }
0x49e: {  	v22 =	vld [tilespmem:s22+$0xFFFFFFB0];
	v1 =	vmul.f32 $1.442695020e+00, v1  }
0x49f: {  	v3 =	vmul.f32 $1.442695020e+00, v3;
	(erf) = vpow2.f32 v0;
	v0 =	vld [tilespmem:s22+$0xFFFFFF30]  }
0x4a0: {  	v23 =	vld [tilespmem:s22+$0xB0];
	v4 =	vmul.f32 $1.442695020e+00, v4;
	(erf) = vpow2.f32 v1  }
0x4a1: {  	v1 =	vld [tilespmem:s22+$0x30];
	(erf) = vpow2.f32 v3;
	v3 =	vmul.f32 $1.442695020e+00, v5  }
0x4a2: {  	v21 =	vmul.f32 $1.442695020e+00, v21;
	v5 =	vld [tilespmem:s22+$0x90];
	(erf) = vpow2.f32 v4  }
0x4a3: {  	v22 =	vmul.f32 $1.442695020e+00, v22;
	v4 =	vld [tilespmem:s22+$0xA0];
	(erf) = vpow2.f32 v3  }
0x4a4: {  	v3 =	vld [tilespmem:s22+$0xFFFFFF20];
	v0 =	vmul.f32 $1.442695020e+00, v0;
	(erf) = vpow2.f32 v21  }
0x4a5: {  	v23 =	vmul.f32 $1.442695020e+00, v23;
	v21 =	vld [tilespmem:s22+$0x20];
	(erf) = vpow2.f32 v22  }
0x4a6: {  	v1 =	vmul.f32 $1.442695020e+00, v1;
	v22 =	vld [tilespmem:s22+$0x10];
	(erf) = vpow2.f32 v0  }
0x4a7: {  	v26 =	vld [tilespmem:s22+$0x0];
	v27 =	vmul.f32 $1.442695020e+00, v5;
	(erf) = vpow2.f32 v23  }
0x4a8: {  	v4 =	vmul.f32 $1.442695020e+00, v4;
	v48 =	vpop (erf);
	(erf) = vpow2.f32 v1  }
0x4a9: {  	v1 =	vmul.f32 $1.442695020e+00, v3;
	v5 =	vpop (erf);
	(erf) = vpow2.f32 v27  }
0x4aa: {  	v3 =	vmul.f32 $1.442695020e+00, v21;
	v44 =	vpop (erf);
	(erf) = vpow2.f32 v4  }
0x4ab: {  	v4 =	vmul.f32 $1.442695020e+00, v22;
	v58 =	vpop (erf);
	(erf) = vpow2.f32 v1  }
0x4ac: {  	v1 =	vmul.f32 $1.442695020e+00, v26;
	v23 =	vpop (erf);
	(erf) = vpow2.f32 v3  }
0x4ad: {  	v21 =	vpop (erf);
	(erf) = vpow2.f32 v4  }
0x4ae: {  	v3 =	vpop (erf);
	(erf) = vpow2.f32 v1  }
0x4af: {  	v43 =	vpop (erf)  }
0x4b0: {  	v1 =	vpop (erf)  }
0x4b1: {  	v41 =	vpop (erf)  }
0x4b2: {  	v45 =	vpop (erf)  }
0x4b3: {  	v4 =	vpop (erf)  }
0x4b4: {  	v61 =	vpop (erf)  }
0x4b5: {  	v49 =	vld [tilespmem:$0x1FFF0];
	v26 =	vadd.f32 v58, v23;
	v27 =	vadd.f32 v3, v44;
	v0 =	vpop (erf)  }
0x4b6: {  	v22 =	vpop (erf)  }
0x4b7: {  	[tilespmem:$0x1FF20] =	vst v21;
	v26 =	vadd.f32 v27, v26;
	v42 =	vpop (erf)  }
0x4b8: {  	[tilespmem:$0x1FF50] =	vst v3;
	v29 =	vadd.f32 v41, v0;
	v28 =	vadd.f32 v22, v42  }
0x4b9: {  	[tilespmem:$0x1FF30] =	vst v43  }
0x4ba: {  	[tilespmem:$0x1FF60] =	vst v1;
	v31 =	vperm.xlane v26, v49;
	v27 =	vadd.f32 v29, v28  }
0x4bb: {  	s23 =	simm.s32 $0xCB00;
	v54 =	vld [tilespmem:$0x1FFB0];
	[tilespmem:$0x1FF40] =	vst v4;
	v28 =	vadd.f32 v45, v5;
	v29 =	vadd.f32 v1, v4  }
0x4bc: {  	v26 =	vadd.f32 v26, v31;
	v31 =	vld [tilespmem:s23+$0x30]  }
0x4bd: {  	v28 =	vadd.f32 v29, v28;
	v29 =	vld [tilespmem:s23+$0xFFFFFF00]  }
0x4be: {  	v32 =	vld [tilespmem:s23+$0xA0]  }
0x4bf: {  	v53 =	vld [tilespmem:s23+$0xFFFFFFA0]  }
0x4c0: {  	v34 =	vld [tilespmem:s23+$0x80]  }
0x4c1: {  	v36 =	vld [tilespmem:s23+$0xFFFFFF90]  }
0x4c2: {  	v46 =	vld [tilespmem:s23+$0xFFFFFF10];
	v33 =	vperm.xlane v26, v54;
	v29 =	vmul.f32 $1.442695020e+00, v29  }
0x4c3: {  	v25 =	vmul.f32 $-1.024000000e+03, v25;
	v39 =	vld [tilespmem:s23+$0xFFFFFF80];
	v32 =	vmul.f32 $1.442695020e+00, v32  }
0x4c4: {  	v47 =	vld [tilespmem:s23+$0xFFFFFF30];
	v26 =	vadd.f32 v26, v33;
	v33 =	vmul.f32 $1.442695020e+00, v53;
	(erf) = vpow2.f32 v29  }
0x4c5: {  	v50 =	vld [tilespmem:s23+$0xB0];
	v29 =	vmul.f32 $1.442695020e+00, v31;
	v31 =	vmul.f32 $1.442695020e+00, v34  }
0x4c6: {  	v57 =	vld [tilespmem:s23+$0xFFFFFFB0];
	v36 =	vmul.f32 $1.442695020e+00, v36;
	v30 =	vperm.xlane v27, v49  }
0x4c7: {  	v60 =	vmul.f32 $1.442695020e+00, v46;
	(erf) = vpow2.f32 v31  }
0x4c8: {  	v27 =	vadd.f32 v27, v30;
	v30 =	vperm.xlane v28, v49;
	(erf) = vpow2.f32 v33  }
0x4c9: {  	v63 =	vmul.f32 $1.442695020e+00, v47;
	v31 =	vmul.f32 $1.442695020e+00, v39  }
0x4ca: {  	v51 =	vmul.f32 $1.442695020e+00, v50;
	v28 =	vadd.f32 v28, v30;
	v30 =	vld [tilespmem:s23+$0x90];
	(erf) = vpow2.f32 v36  }
0x4cb: {  	v59 =	vld [tilespmem:s23+$0x0];
	v34 =	vmul.f32 $1.442695020e+00, v57;
	(erf) = vpow2.f32 v31  }
0x4cc: {  	v56 =	vperm.xlane v28, v54;
	v36 =	vld [tilespmem:$0x1FFE0];
	(erf) = vpow2.f32 v60  }
0x4cd: {  	v37 =	vperm.xlane v26, v55;
	v31 =	vld [tilespmem:s23+$0xFFFFFF20];
	(erf) = vpow2.f32 v34  }
0x4ce: {  	v62 =	vld [tilespmem:s23+$0x20];
	v35 =	vperm.xlane v27, v54;
	v28 =	vadd.f32 v28, v56;
	(erf) = vpow2.f32 v63  }
0x4cf: {  	v26 =	vadd.f32 v26, v37;
	v30 =	vmul.f32 $1.442695020e+00, v30;
	(erf) = vpow2.f32 v51;
	v57 =	vpop (erf)  }
0x4d0: {  	v53 =	vld [tilespmem:s23+$0x10];
	v46 =	vadd.f32 v43, v61;
	v52 =	vperm.xlane v28, v55;
	(erf) = vpow2.f32 v29;
	v63 =	vpop (erf)  }
0x4d1: {  	v27 =	vadd.f32 v27, v35;
	(erf) = vpow2.f32 v30;
	v30 =	vperm.xlane v26, v36;
	v60 =	vpop (erf)  }
0x4d2: {  	s1 =	simm.s32 $0x8880;
	v56 =	vmul.f32 $1.442695020e+00, v59;
	v28 =	vadd.f32 v28, v52;
	v29 =	vmul.f32 $1.442695020e+00, v31;
	[tilespmem:$0x1FF80] =	vst v60  }
0x4d3: {  	v59 =	vmul.f32 $1.442695020e+00, v62;
	(erf) = vpow2.f32 v32;
	v26 =	vadd.f32 v26, v30;
	v30 =	vld [tilespmem:s1+$0xFFFFFF80]  }
0x4d4: {  	s24 =	simm.s32 $0x8980;
	v31 =	vadd.f32 v21, v48;
	v21 =	vpop (erf);
	(erf) = vpow2.f32 v29;
	v29 =	vperm.xlane v28, v36  }
0x4d5: {  	v38 =	vperm.xlane v27, v55;
	v62 =	vmul.f32 $1.442695020e+00, v53;
	v51 =	vld [tilespmem:s24+$0xFFFFFF80]  }
0x4d6: {  	v40 =	vpop (erf);
	(erf) = vpow2.f32 v59;
	v52 =	vld [tilespmem:s1+$0x0];
	v28 =	vadd.f32 v28, v29;
	v29 =	vadd.f32 v46, v31  }
0x4d7: {  	v32 =	vadd.f32 v25, v24;
	v25 =	vld [tilespmem:s1+$0xFFFFFFC0];
	v50 =	vpop (erf);
	(erf) = vpow2.f32 v62;
	v26 =	vmul.f32 $1.024000000e+03, v26  }
0x4d8: {  	v3 =	vpop (erf);
	v24 =	vperm.xlane v29, v49;
	v43 =	vmul.f32 $9.765625000e-04, v30;
	v30 =	vld [tilespmem:s1+$0x40];
	[tilespmem:$0x1FE50] =	vst v21  }
0x4d9: {  	v27 =	vadd.f32 v27, v38;
	(erf) = vpow2.f32 v56;
	v28 =	vmul.f32 $1.024000000e+03, v28;
	[tilespmem:$0x1FE60] =	vst v3  }
0x4da: {  	v1 =	vpop (erf);
	(erf) = vrcp.f32 v26;
	v24 =	vadd.f32 v29, v24;
	[tilespmem:$0x1FE70] =	vst v50  }
0x4db: {  	v31 =	vperm.xlane v27, v36;
	v26 =	vpop (erf);
	(erf) = vrcp.f32 v28;
	[tilespmem:$0x1FE80] =	vst v57  }
0x4dc: {  	v28 =	vmul.f32 $9.765625000e-04, v51;
	[tilespmem:$0x1FEC0] =	vst v1;
	v59 =	vperm.xlane v24, v54  }
0x4dd: {  	v27 =	vadd.f32 v27, v31;
	v29 =	vadd.f32 v3, v60;
	[tilespmem:$0x1FEB0] =	vst v26  }
0x4de: {  	v4 =	vpop (erf);
	[tilespmem:$0x1FE40] =	vst v28;
	v28 =	vadd.f32 v21, v40;
	v47 =	vadd.f32 v24, v59  }
0x4df: {  	v31 =	vadd.f32 v50, v57;
	v27 =	vmul.f32 $1.024000000e+03, v27;
	v53 =	vpop (erf);
	[tilespmem:$0x1FEF0] =	vst v4  }
0x4e0: {  	v50 =	vmul.f32 $9.765625000e-04, v52;
	v21 =	vpop (erf);
	[tilespmem:$0x1FE90] =	vst v53;
	v28 =	vadd.f32 v29, v28;
	v29 =	vperm.xlane v47, v55  }
0x4e1: {  	v25 =	vmul.f32 $9.765625000e-04, v25;
	v56 =	vadd.f32 v53, v63;
	v3 =	vpop (erf);
	[tilespmem:$0x1FEA0] =	vst v21;
	v57 =	vadd.f32 v26, v21  }
0x4e2: {  	v21 =	vpop (erf);
	[tilespmem:$0x1FED0] =	vst v3;
	v51 =	vadd.f32 v1, v3;
	v30 =	vmul.f32 $9.765625000e-04, v30;
	v29 =	vadd.f32 v47, v29  }
0x4e3: {  	v1 =	vpop (erf);
	v46 =	vadd.f32 v57, v56;
	[tilespmem:$0x1FF00] =	vst v21;
	v52 =	vadd.f32 v4, v21;
	v56 =	vperm.xlane v28, v49  }
0x4e4: {  	s26 =	simm.s32 $0x8A80;
	v3 =	vpop (erf);
	(erf) = vrcp.f32 v27;
	[tilespmem:$0x1FEE0] =	vst v1;
	v51 =	vadd.f32 v51, v31;
	v33 =	vperm.xlane v29, v36  }
0x4e5: {  	v27 =	vadd.f32 v1, v3;
	v24 =	vpop (erf);
	v31 =	vperm.xlane v46, v49;
	v39 =	vld [tilespmem:s26+$0xFFFFFF80];
	v28 =	vadd.f32 v28, v56  }
0x4e6: {  	v24 =	vmul.f32 v24, v32;
	v60 =	vpop (erf);
	v37 =	vperm.xlane v51, v49;
	v29 =	vadd.f32 v29, v33  }
0x4e7: {  	s25 =	simm.s32 $0xCD00;
	v27 =	vadd.f32 v52, v27;
	v53 =	vmul.f32 v60, v32;
	v57 =	vperm.xlane v28, v54  }
0x4e8: {  	v35 =	vld [tilespmem:s25+$0xFFFFFF00];
	v56 =	vmul.f32 v24, v23;
	v29 =	vmul.f32 $1.024000000e+03, v29  }
0x4e9: {  	v58 =	vmul.f32 v24, v58;
	v62 =	vperm.xlane v27, v49  }
0x4ea: {  	v31 =	vadd.f32 v46, v31;
	v52 =	vld [tilespmem:s25+$0x30];
	v1 =	vmul.f32 $9.765625000e-04, v39;
	(erf) = vrcp.f32 v29  }
0x4eb: {  	v34 =	vmovc v49;
	v49 =	vmul.f32 v24, v44;
	v28 =	vadd.f32 v28, v57;
	v57 =	vld [tilespmem:s25+$0x80];
	v27 =	vadd.f32 v27, v62  }
0x4ec: {  	v47 =	vperm.xlane v31, v54;
	v21 =	vmul.f32 v53, v5;
	v62 =	vld [tilespmem:s25+$0xA0];
	[tilespmem:$0x1FF10] =	vst v1  }
0x4ed: {  	v44 =	vmul.f32 $1.442695020e+00, v35;
	v59 =	vperm.xlane v27, v54;
	v60 =	vpop (erf);
	v1 =	vld [tilespmem:s25+$0xFFFFFFA0]  }
0x4ee: {  	v23 =	vmul.f32 v53, v45;
	v46 =	vmul.f32 v60, v32  }
0x4ef: {  	v39 =	vld [tilespmem:s25+$0x90];
	v60 =	vperm.xlane v28, v55;
	(erf) = vpow2.f32 v44;
	v27 =	vadd.f32 v27, v59  }
0x4f0: {  	v29 =	vld [tilespmem:s25+$0xFFFFFF90];
	v57 =	vmul.f32 $1.442695020e+00, v57;
	v44 =	vmul.f32 v46, v42  }
0x4f1: {  	v38 =	vmovc v40;
	v31 =	vadd.f32 v31, v47;
	v33 =	vld [tilespmem:s25+$0xFFFFFF10];
	v22 =	vmul.f32 v46, v22;
	v4 =	vperm.xlane v27, v55  }
0x4f2: {  	v40 =	vmovc v3;
	v35 =	vmovc v55;
	v25 =	vsub.f32 v56, v25;
	v47 =	vld [tilespmem:s25+$0xFFFFFF80];
	v26 =	vmul.f32 v46, v0;
	v1 =	vmul.f32 $1.442695020e+00, v1  }
0x4f3: {  	v3 =	vld [tilespmem:s25+$0xB0];
	(erf) = vpow2.f32 v57;
	v27 =	vadd.f32 v27, v4;
	v4 =	vperm.xlane v31, v55;
	v55 =	vpop (erf)  }
0x4f4: {  	v44 =	vsub.f32 v44, v50;
	(erf) = vpow2.f32 v1;
	v1 =	vld [tilespmem:s25+$0xFFFFFFB0];
	v45 =	vmul.f32 v55, v32  }
0x4f5: {  	[tilespmem:s22+$0xFFFFFF80] =	vst v25;
	v42 =	vmul.f32 v46, v41;
	v46 =	vld [tilespmem:s25+$0x20];
	v59 =	vmul.f32 $1.442695020e+00, v39  }
0x4f6: {  	v41 =	vld [tilespmem:s25+$0xFFFFFF30];
	v29 =	vmul.f32 $1.442695020e+00, v29;
	[tilespmem:s22+$0x0] =	vst v44;
	v25 =	vmul.f32 v45, v48  }
0x4f7: {  	s2 =	simm.s32 $0x40;
	v50 =	vmul.f32 $1.442695020e+00, v33;
	v47 =	vmul.f32 $1.442695020e+00, v47;
	v56 =	vld [tilespmem:s1+$0x10]  }
0x4f8: {  	s0 =	sor.u32 $0x50, s2;
	v57 =	vld [tilespmem:s25+$0xFFFFFF20];
	v5 =	vperm.xlane v27, v36;
	(erf) = vpow2.f32 v29;
	v25 =	vsub.f32 v25, v43  }
0x4f9: {  	v39 =	vld [tilespmem:s0+$0x8800];
	(erf) = vpow2.f32 v47;
	v1 =	vmul.f32 $1.442695020e+00, v1  }
0x4fa: {  	v21 =	vsub.f32 v21, v30;
	v44 =	vmul.f32 $1.442695020e+00, v46;
	v46 =	vld [tilespmem:$0x1FF20];
	(erf) = vpow2.f32 v50;
	[tilespmem:s22+$0xFFFFFF00] =	vst v25  }
0x4fb: {  	v52 =	vmul.f32 $1.442695020e+00, v52;
	(erf) = vpow2.f32 v1;
	v1 =	vadd.f32 v27, v5;
	v5 =	vld [tilespmem:s1+$0xFFFFFF90]  }
0x4fc: {  	v41 =	vmul.f32 $1.442695020e+00, v41;
	v25 =	vld [tilespmem:$0x1FF30];
	[tilespmem:s22+$0x80] =	vst v21;
	v21 =	vmul.f32 $9.765625000e-04, v56  }
0x4fd: {  	v62 =	vmul.f32 $1.442695020e+00, v62;
	v3 =	vmul.f32 $1.442695020e+00, v3  }
0x4fe: {  	(erf) = vpow2.f32 v41;
	v27 =	vmul.f32 $1.024000000e+03, v1;
	v1 =	vsub.f32 v22, v21  }
0x4ff: {  	s4 =	simm.s32 $0xC0;
	(erf) = vpow2.f32 v3;
	v3 =	vmul.f32 $9.765625000e-04, v39  }
0x500: {  	s28 =	sor.u32 $0x50, s4;
	v28 =	vadd.f32 v28, v60;
	v29 =	vld [tilespmem:s25+$0x10];
	v48 =	vmul.f32 v45, v46;
	[tilespmem:s22+$0x10] =	vst v1;
	v1 =	vmul.f32 $9.765625000e-04, v5  }
0x501: {  	v57 =	vmul.f32 $1.442695020e+00, v57;
	v3 =	vsub.f32 v58, v3;
	v46 =	vmul.f32 v45, v25;
	v25 =	vld [tilespmem:s28+$0x8800]  }
0x502: {  	v0 =	vld [tilespmem:s25+$0x0];
	v4 =	vadd.f32 v31, v4;
	v47 =	vpop (erf);
	(erf) = vpow2.f32 v52;
	v1 =	vsub.f32 v48, v1  }
0x503: {  	v56 =	vpop (erf);
	(erf) = vpow2.f32 v59;
	v21 =	vperm.xlane v28, v36;
	[tilespmem:s22+$0xFFFFFF90] =	vst v3  }
0x504: {  	v41 =	vpop (erf);
	(erf) = vpow2.f32 v62;
	v22 =	vperm.xlane v4, v36;
	v3 =	vld [tilespmem:s1+$0x20];
	[tilespmem:s22+$0xFFFFFF10] =	vst v1  }
0x505: {  	v29 =	vmul.f32 $1.442695020e+00, v29;
	v58 =	vpop (erf);
	(erf) = vpow2.f32 v57;
	s28 =	sor.u32 $0x60, s2;
	v1 =	vld [tilespmem:$0x1FF40]  }
0x506: {  	v4 =	vadd.f32 v4, v22;
	v5 =	vadd.f32 v28, v21;
	v22 =	vld [tilespmem:s28+$0x8800];
	v21 =	vmul.f32 $9.765625000e-04, v25  }
0x507: {  	v0 =	vmul.f32 $1.442695020e+00, v0;
	v52 =	vpop (erf);
	(erf) = vpow2.f32 v44  }
0x508: {  	v50 =	vpop (erf);
	(erf) = vpow2.f32 v29;
	v5 =	vmul.f32 $1.024000000e+03, v5;
	v21 =	vsub.f32 v23, v21  }
0x509: {  	v43 =	vpop (erf);
	(erf) = vpow2.f32 v0  }
0x50a: {  	v44 =	vpop (erf);
	(erf) = vrcp.f32 v5;
	[tilespmem:s22+$0x90] =	vst v21;
	v5 =	vmul.f32 v53, v1  }
0x50b: {  	v1 =	vmul.f32 $9.765625000e-04, v3;
	v3 =	vmul.f32 $9.765625000e-04, v22;
	v22 =	vld [tilespmem:$0x1FF50]  }
0x50c: {  	v4 =	vmul.f32 $1.024000000e+03, v4  }
0x50d: {  	v0 =	vld [tilespmem:s24+$0x0]  }
0x50e: {  	v55 =	vpop (erf);
	(erf) = vrcp.f32 v4;
	v4 =	vld [tilespmem:s1+$0xFFFFFFA0]  }
0x50f: {  	s28 =	sor.u32 $0x60, s4;
	v31 =	vsub.f32 v26, v1;
	v1 =	vld [tilespmem:$0x1FF60]  }
0x510: {  	v62 =	vmul.f32 v24, v22;
	v22 =	vld [tilespmem:s28+$0x8800]  }
0x511: {  	v28 =	vadd.f32 v51, v37;
	v51 =	vpop (erf);
	v25 =	vld [tilespmem:s24+$0x40]  }
0x512: {  	v30 =	vmul.f32 v45, v61;
	v29 =	vadd.f32 v58, v52;
	v59 =	vpop (erf)  }
0x513: {  	v33 =	vadd.f32 v59, v56;
	v45 =	vpop (erf);
	v4 =	vmul.f32 $9.765625000e-04, v4;
	v49 =	vsub.f32 v49, v3  }
0x514: {  	v23 =	vld [tilespmem:s24+$0xFFFFFFC0];
	v57 =	vmul.f32 v53, v1;
	v1 =	vmul.f32 $9.765625000e-04, v0;
	v0 =	vadd.f32 v55, v45  }
0x515: {  	v21 =	vadd.f32 v43, v41;
	v4 =	vsub.f32 v30, v4;
	[tilespmem:s22+$0xFFFFFFA0] =	vst v49;
	v53 =	vpop (erf);
	v22 =	vmul.f32 $9.765625000e-04, v22  }
0x516: {  	s2 =	sor.u32 $0x70, s2;
	v3 =	vmul.f32 $9.765625000e-04, v25;
	[tilespmem:s22+$0x20] =	vst v31;
	v24 =	vadd.f32 v50, v47;
	v25 =	vadd.f32 v44, v53  }
0x517: {  	(erf) = vrcp.f32 v27;
	v60 =	vpop (erf);
	v27 =	vadd.f32 v0, v33;
	v33 =	vld [tilespmem:s2+$0x8800];
	[tilespmem:$0x1FF70] =	vst v32;
	v5 =	vsub.f32 v5, v22  }
0x518: {  	v61 =	vadd.f32 v25, v24;
	v25 =	vperm.xlane v28, v54;
	[tilespmem:s22+$0xFFFFFF20] =	vst v4;
	v0 =	vpop (erf)  }
0x519: {  	v23 =	vmul.f32 $9.765625000e-04, v23;
	v26 =	vadd.f32 v21, v29;
	v21 =	vpop (erf);
	[tilespmem:s22+$0xA0] =	vst v5  }
0x51a: {  	v30 =	vadd.f32 v51, v60;
	v31 =	vperm.xlane v61, v34;
	v29 =	vadd.f32 v0, v21;
	v39 =	vpop (erf);
	v5 =	vld [tilespmem:$0x1FF80]  }
0x51b: {  	v37 =	vperm.xlane v27, v34;
	v24 =	vadd.f32 v28, v25;
	v49 =	vmul.f32 v39, v32  }
0x51c: {  	v25 =	vpop (erf);
	v61 =	vadd.f32 v61, v31;
	v31 =	vperm.xlane v26, v34;
	v28 =	vadd.f32 v30, v29  }
0x51d: {  	s31 =	simm.s32 $0x8;
	v4 =	vld [tilespmem:s1+$0xFFFFFFB0];
	v48 =	vmul.f32 v25, v32;
	v29 =	vperm.xlane v24, v35  }
0x51e: {  	s30 =	simm.s32 $0x1C0;
	s29 =	simm.s32 $0x140;
	s0 =	sor.u32 $0x70, s4;
	v22 =	vld [tilespmem:s1+$0x30];
	v25 =	vadd.f32 v27, v37;
	v27 =	vmul.f32 v49, v38;
	v30 =	vperm.xlane v28, v34  }
0x51f: {  	s28 =	simm.s32 $0x1C0;
	s2 =	simm.s32 $0x8B80;
	s1 =	simm.s32 $0xCF00;
	v29 =	vadd.f32 v24, v29;
	v24 =	vmul.f32 $9.765625000e-04, v33;
	v54 =	vmul.f32 v49, v5;
	v5 =	vld [tilespmem:s0+$0x8800]  }
.LBB2_18:
0x520: {  	v32 =	vld [tilespmem:s1+$0xFFFFFF00]  }
0x521: {  	v38 =	vld [tilespmem:$0x1FFB0]  }
0x522: {  	v34 =	vld [tilespmem:s2+$0xFFFFFF80];
	v24 =	vsub.f32 v62, v24  }
0x523: {  	v26 =	vadd.f32 v26, v31;
	v37 =	vld [tilespmem:$0x1FF70]  }
0x524: {  	v28 =	vadd.f32 v28, v30;
	[tilespmem:s22+$0xFFFFFFB0] =	vst v24;
	v24 =	vld [tilespmem:s1+$0x90];
	v22 =	vmul.f32 $9.765625000e-04, v22;
	v31 =	vperm.xlane v29, v36  }
0x525: {  	v30 =	vmovc v58;
	v23 =	vsub.f32 v27, v23;
	v35 =	vmul.f32 $9.765625000e-04, v4;
	v4 =	vmovc v55;
	v55 =	vld [tilespmem:s1+$0x30];
	v5 =	vmul.f32 $9.765625000e-04, v5  }
0x526: {  	v33 =	vperm.xlane v25, v38;
	[tilespmem:$0x1FE30] =	vst v4;
	v4 =	vld [tilespmem:$0x1FE50];
	v39 =	vperm.xlane v26, v38;
	v29 =	vadd.f32 v29, v31  }
0x527: {  	v27 =	vpop (erf);
	v62 =	vperm.xlane v28, v38;
	v35 =	vsub.f32 v46, v35;
	v46 =	vmul.f32 v48, v63;
	v63 =	vld [tilespmem:$0x1FFD0]  }
0x528: {  	[tilespmem:$0x1FE50] =	vst v30;
	v30 =	vld [tilespmem:s1+$0xA0];
	v27 =	vmul.f32 v27, v37;
	v29 =	vmul.f32 $1.024000000e+03, v29  }
0x529: {  	v32 =	vmul.f32 $1.442695020e+00, v32;
	v22 =	vsub.f32 v42, v22;
	v42 =	vmovc v60;
	v60 =	vmul.f32 $1.442695020e+00, v24;
	v24 =	vld [tilespmem:$0x1FEF0]  }
0x52a: {  	v31 =	vld [tilespmem:s1+$0x80];
	v26 =	vadd.f32 v26, v39;
	v28 =	vadd.f32 v28, v62;
	(erf) = vrcp.f32 v29  }
0x52b: {  	v5 =	vsub.f32 v57, v5;
	[tilespmem:s22+$0x30] =	vst v22;
	v22 =	vmul.f32 $9.765625000e-04, v34;
	v34 =	vld [tilespmem:s1+$0xFFFFFF90];
	(erf) = vpow2.f32 v32  }
0x52c: {  	[tilespmem:s22+$0xFFFFFF30] =	vst v35;
	v35 =	vld [tilespmem:s1+$0xFFFFFFA0];
	v39 =	vmov v56;
	v57 =	vperm.xlane v26, v63;
	v56 =	vperm.xlane v28, v63  }
0x52d: {  	v62 =	vmul.f32 v27, v40;
	v40 =	vmovc v21;
	v25 =	vadd.f32 v25, v33;
	v32 =	vmov v0;
	v0 =	vld [tilespmem:$0x1FF00];
	[tilespmem:$0x1FF00] =	vst v42  }
0x52e: {  	v21 =	vadd.f32 v26, v57;
	v26 =	vadd.f32 v28, v56;
	v28 =	vld [tilespmem:$0x1FEE0];
	v42 =	vmul.f32 v27, v24;
	v24 =	vmovc v51  }
0x52f: {  	v31 =	vmul.f32 $1.442695020e+00, v31;
	[tilespmem:$0x1FEF0] =	vst v24;
	v24 =	vld [tilespmem:s1+$0x20]  }
0x530: {  	v3 =	vsub.f32 v46, v3;
	v46 =	vld [tilespmem:s1+$0xB0];
	v58 =	vperm.xlane v25, v63  }
0x531: {  	[tilespmem:s22+$0xB0] =	vst v5;
	v5 =	vld [tilespmem:s1+$0xFFFFFF80];
	(erf) = vpow2.f32 v31  }
0x532: {  	v33 =	vld [tilespmem:s1+$0xFFFFFF20];
	v31 =	vmul.f32 $1.442695020e+00, v35;
	v0 =	vmul.f32 v27, v0  }
0x533: {  	v29 =	vld [tilespmem:s1+$0xFFFFFF10];
	v28 =	vmul.f32 v27, v28;
	v27 =	vmul.f32 $1.442695020e+00, v30;
	v30 =	vpop (erf)  }
0x534: {  	v25 =	vadd.f32 v25, v58;
	v58 =	vpop (erf);
	(erf) = vpow2.f32 v31;
	v31 =	vmul.f32 $1.442695020e+00, v24;
	v24 =	vld [tilespmem:$0x1FE80]  }
0x535: {  	s22 =	smov.u32 s23;
	v56 =	vld [tilespmem:s1+$0x0]  }
0x536: {  	v1 =	vsub.f32 v62, v1;
	[tilespmem:s22+$0xFFFFFF80] =	vst v23;
	v62 =	vmov v59;
	v59 =	vld [tilespmem:$0x1FE40];
	v23 =	vmul.f32 $1.442695020e+00, v46  }
0x537: {  	v46 =	vld [tilespmem:s1+$0xFFFFFFB0];
	v57 =	vperm.xlane v26, v36;
	v30 =	vmul.f32 v30, v37  }
0x538: {  	[tilespmem:$0x1FEE0] =	vst v32;
	v32 =	vld [tilespmem:s1+$0xFFFFFF30]  }
0x539: {  	v26 =	vadd.f32 v26, v57;
	v57 =	vld [tilespmem:$0x1FE90];
	v24 =	vmul.f32 v30, v24  }
0x53a: {  	v34 =	vmul.f32 $1.442695020e+00, v34;
	[tilespmem:$0x1FE90] =	vst v62;
	v62 =	vmov v47;
	v35 =	vmul.f32 $1.442695020e+00, v56;
	v56 =	vld [tilespmem:s1+$0x10]  }
0x53b: {  	v5 =	vmul.f32 $1.442695020e+00, v5;
	[tilespmem:$0x1FE80] =	vst v62;
	v62 =	vld [tilespmem:$0x1FF10]  }
0x53c: {  	v47 =	vmov v58;
	v58 =	vmul.f32 $1.442695020e+00, v46;
	(erf) = vpow2.f32 v34;
	v46 =	vld [tilespmem:$0x1FE70]  }
0x53d: {  	(erf) = vpow2.f32 v5;
	v5 =	vld [tilespmem:$0x1FED0];
	v59 =	vsub.f32 v24, v59;
	v24 =	vmov v53  }
0x53e: {  	[tilespmem:$0x1FED0] =	vst v24;
	v24 =	vld [tilespmem:$0x1FEC0];
	_ =	sdelay $0x1  }
0x53f: {  	v29 =	vmul.f32 $1.442695020e+00, v29  }
0x540: {  	v32 =	vmul.f32 $1.442695020e+00, v32;
	[tilespmem:s22+$0x0] =	vst v1;
	v34 =	vmovc v62;
	v62 =	vmovc v22;
	v22 =	vmul.f32 $1.442695020e+00, v56;
	v56 =	vmov v50  }
0x541: {  	v1 =	vmul.f32 $1.442695020e+00, v33;
	v33 =	vld [tilespmem:s24+$0x10];
	(erf) = vpow2.f32 v29  }
0x542: {  	[tilespmem:$0x1FE40] =	vst v34;
	v34 =	vmul.f32 v30, v46;
	v46 =	vmul.f32 v30, v24;
	v24 =	vmov v44  }
0x543: {  	[tilespmem:$0x1FE70] =	vst v56;
	v56 =	vpop (erf);
	(erf) = vpow2.f32 v58  }
0x544: {  	s4 =	sor.u32 $0x50, s29;
	v55 =	vmul.f32 $1.442695020e+00, v55;
	[tilespmem:s22+$0x80] =	vst v3;
	(erf) = vpow2.f32 v32  }
0x545: {  	v51 =	vld [tilespmem:s4+$0x8800];
	[tilespmem:$0x1FEC0] =	vst v24;
	v24 =	vpop (erf);
	(erf) = vpow2.f32 v23  }
0x546: {  	v3 =	vmul.f32 $9.765625000e-04, v33;
	[tilespmem:s22+$0xFFFFFF00] =	vst v59;
	(erf) = vpow2.f32 v55  }
0x547: {  	[tilespmem:$0x1FF10] =	vst v62;
	v62 =	vperm.xlane v21, v36;
	v29 =	vld [tilespmem:s24+$0xFFFFFF90];
	v58 =	vpop (erf);
	(erf) = vpow2.f32 v60  }
0x548: {  	v4 =	vmul.f32 v49, v4;
	v3 =	vsub.f32 v28, v3;
	(erf) = vpow2.f32 v27  }
0x549: {  	s4 =	sor.u32 $0x50, s28;
	v5 =	vmul.f32 v30, v5;
	(erf) = vpow2.f32 v1;
	v1 =	vadd.f32 v21, v62  }
0x54a: {  	v30 =	vld [tilespmem:s4+$0x8800];
	v23 =	vmul.f32 $9.765625000e-04, v51;
	v32 =	vpop (erf);
	(erf) = vpow2.f32 v31  }
0x54b: {  	[tilespmem:s22+$0x10] =	vst v3;
	v50 =	vpop (erf);
	(erf) = vpow2.f32 v22;
	v1 =	vmul.f32 $1.024000000e+03, v1  }
0x54c: {  	v3 =	vld [tilespmem:s24+$0x20];
	v28 =	vmul.f32 $9.765625000e-04, v29;
	v29 =	vpop (erf);
	(erf) = vpow2.f32 v35  }
0x54d: {  	v4 =	vsub.f32 v4, v23;
	v44 =	vpop (erf);
	(erf) = vrcp.f32 v1;
	v1 =	vld [tilespmem:$0x1FEA0]  }
0x54e: {  	v23 =	vperm.xlane v25, v36  }
0x54f: {  	v57 =	vmul.f32 v48, v57;
	[tilespmem:s22+$0xFFFFFF90] =	vst v4;
	v4 =	vmul.f32 $9.765625000e-04, v30  }
0x550: {  	s4 =	sor.u32 $0x60, s29;
	v21 =	vadd.f32 v25, v23;
	v23 =	vsub.f32 v34, v28;
	v28 =	vld [tilespmem:s26+$0x0]  }
0x551: {  	v25 =	vld [tilespmem:s4+$0x8800];
	v4 =	vsub.f32 v57, v4  }
0x552: {  	v22 =	vld [tilespmem:s26+$0x40];
	v31 =	vmul.f32 v48, v1;
	v1 =	vmul.f32 $9.765625000e-04, v3  }
0x553: {  	[tilespmem:s22+$0x90] =	vst v4;
	v4 =	vld [tilespmem:$0x1FE60]  }
0x554: {  	v21 =	vmul.f32 $1.024000000e+03, v21;
	v0 =	vsub.f32 v0, v1;
	v1 =	vld [tilespmem:$0x1FEB0]  }
0x555: {  	[tilespmem:s22+$0xFFFFFF10] =	vst v23;
	v55 =	vpop (erf)  }
0x556: {  	v26 =	vmul.f32 $1.024000000e+03, v26;
	(erf) = vrcp.f32 v21;
	v21 =	vld [tilespmem:s24+$0xFFFFFFA0];
	v51 =	vpop (erf)  }
0x557: {  	v27 =	vadd.f32 v58, v32;
	v30 =	vadd.f32 v29, v24;
	v59 =	vpop (erf);
	v3 =	vmov v45  }
0x558: {  	s4 =	sor.u32 $0x60, s28;
	v62 =	vmul.f32 v49, v4;
	v45 =	vpop (erf);
	[tilespmem:$0x1FEA0] =	vst v3;
	v3 =	vmul.f32 $9.765625000e-04, v25;
	v25 =	vmov v43  }
0x559: {  	v4 =	vld [tilespmem:s4+$0x8800];
	v53 =	vpop (erf);
	[tilespmem:$0x1FE60] =	vst v25;
	v25 =	vadd.f32 v50, v47;
	v57 =	vmul.f32 v48, v1;
	v1 =	vmul.f32 $9.765625000e-04, v28  }
0x55a: {  	v28 =	vsub.f32 v54, v3;
	v3 =	vmul.f32 $9.765625000e-04, v22;
	v22 =	vadd.f32 v44, v53  }
0x55b: {  	v49 =	vmul.f32 $9.765625000e-04, v21;
	v60 =	vpop (erf);
	(erf) = vrcp.f32 v26  }
0x55c: {  	v26 =	vadd.f32 v30, v27;
	v30 =	vadd.f32 v22, v25;
	v22 =	vperm.xlane v61, v38;
	v38 =	vld [tilespmem:$0x1FFF0]  }
0x55d: {  	v43 =	vadd.f32 v59, v56;
	[tilespmem:s22+$0x20] =	vst v0;
	v0 =	vpop (erf)  }
0x55e: {  	v5 =	vsub.f32 v5, v49;
	v4 =	vmul.f32 $9.765625000e-04, v4;
	v48 =	vadd.f32 v55, v45;
	v21 =	vpop (erf)  }
0x55f: {  	v23 =	vld [tilespmem:s26+$0xFFFFFFC0];
	[tilespmem:s22+$0xFFFFFFA0] =	vst v28;
	v25 =	vadd.f32 v0, v21;
	v28 =	vadd.f32 v51, v60  }
0x560: {  	[tilespmem:s22+$0xFFFFFF20] =	vst v5;
	v5 =	vsub.f32 v31, v4;
	v54 =	vpop (erf);
	v27 =	vadd.f32 v48, v43  }
0x561: {  	v36 =	vadd.f32 v61, v22;
	v61 =	vpop (erf);
	v28 =	vadd.f32 v28, v25;
	v31 =	vperm.xlane v30, v38  }
0x562: {  	v48 =	vmul.f32 v61, v37;
	v34 =	vperm.xlane v27, v38  }
0x563: {  	s31 =	sadd.s32 $0x4, s31;
	s4 =	sor.u32 $0x70, s29;
	v61 =	vadd.f32 v30, v31;
	v30 =	vperm.xlane v28, v38;
	v31 =	vperm.xlane v26, v38;
	v38 =	vld [tilespmem:$0x1FE30]  }
0x564: {  	p0 =	slt.u32 s31, $0xFC;
	v33 =	vld [tilespmem:s4+$0x8800]  }
.Ltmp12:
0x565: {  	s30 =	sadd.s32 $0x100, s30;
	(pc) =	sbr.rel @p0 .LBB2_18-.Ltmp12, $4  }
0x566: {  	s0 =	sadd.s32 $0xFFFFFF80, s30;
	v4 =	vld [tilespmem:s24+$0xFFFFFFB0];
	v49 =	vmul.f32 v54, v37;
	v43 =	vmov v29;
	v29 =	vperm.xlane v36, v63  }
0x567: {  	s23 =	smov.u32 s25;
	s25 =	smov.u32 s1;
	v23 =	vmul.f32 $9.765625000e-04, v23;
	[tilespmem:s22+$0xA0] =	vst v5;
	s4 =	sor.u32 $0x70, s28;
	v22 =	vld [tilespmem:s24+$0x30]  }
0x568: {  	s1 =	sadd.s32 $0x200, s1;
	s29 =	smov.u32 s0;
	s28 =	smov.u32 s30;
	v54 =	vmul.f32 v49, v41;
	v5 =	vld [tilespmem:s4+$0x8800];
	v41 =	vmovc v24;
	v63 =	vmovc v39;
	v29 =	vadd.f32 v36, v29;
	v39 =	vmov v38  }
0x569: {  	s24 =	smov.u32 s26;
	s26 =	smov.u32 s2;
	s2 =	sadd.s32 $0x100, s2;
	v36 =	vld [tilespmem:$0x1FFE0];
	v24 =	vmul.f32 $9.765625000e-04, v33;
	v25 =	vadd.f32 v27, v34;
	v27 =	vmul.f32 v49, v52;
	v52 =	vmovc v32;
	[tilespmem:$0x1FEB0] =	vst v39  }
0x56a: {  	v33 =	vld [tilespmem:$0x1FFB0];
	_ =	sdelay $0x2  }
0x56b: {  	v26 =	vadd.f32 v26, v31  }
0x56c: {  	v34 =	vld [tilespmem:$0x1FFD0]  }
0x56d: {  	v39 =	vperm.xlane v26, v33;
	_ =	sdelay $0x1  }
0x56e: {  	v37 =	vperm.xlane v25, v33;
	v26 =	vadd.f32 v26, v39  }
0x56f: {  	v28 =	vadd.f32 v28, v30  }
0x570: {  	v38 =	vperm.xlane v61, v33;
	v25 =	vadd.f32 v25, v37;
	v39 =	vperm.xlane v26, v34  }
0x571: {  	v32 =	vperm.xlane v28, v33  }
0x572: {  	v30 =	vadd.f32 v61, v38;
	v37 =	vperm.xlane v25, v34;
	v26 =	vadd.f32 v26, v39  }
0x573: {  	v28 =	vadd.f32 v28, v32;
	v38 =	vperm.xlane v29, v36  }
0x574: {  	v61 =	vperm.xlane v30, v34;
	v25 =	vadd.f32 v25, v37;
	v37 =	vperm.xlane v26, v36  }
0x575: {  	v29 =	vadd.f32 v29, v38;
	v39 =	vperm.xlane v28, v34  }
0x576: {  	v30 =	vadd.f32 v30, v61;
	v26 =	vadd.f32 v26, v37  }
0x577: {  	v29 =	vmul.f32 $1.024000000e+03, v29;
	v28 =	vadd.f32 v28, v39;
	v38 =	vperm.xlane v25, v36  }
0x578: {  	v61 =	vperm.xlane v30, v36;
	v26 =	vmul.f32 $1.024000000e+03, v26  }
0x579: {  	(erf) = vrcp.f32 v29;
	v39 =	vperm.xlane v28, v36;
	v36 =	vld [tilespmem:$0x1FF70]  }
0x57a: {  	(erf) = vrcp.f32 v26  }
0x57b: {  	v25 =	vadd.f32 v25, v38  }
0x57c: {  	v28 =	vadd.f32 v28, v39  }
0x57d: {  	v34 =	vpop (erf);
	v32 =	vadd.f32 v30, v61;
	v25 =	vmul.f32 $1.024000000e+03, v25  }
0x57e: {  	v28 =	vmul.f32 $1.024000000e+03, v28;
	v37 =	vmul.f32 v34, v36  }
0x57f: {  	v27 =	vsub.f32 v27, v23;
	v33 =	vmul.f32 $1.024000000e+03, v32;
	(erf) = vrcp.f32 v25  }
0x580: {  	(erf) = vrcp.f32 v28;
	v39 =	vmul.f32 v37, v40;
	v40 =	vld [tilespmem:$0x1FE80]  }
0x581: {  	v29 =	vld [tilespmem:s26+$0xFFFFFFC0];
	[tilespmem:s23+$0xFFFFFF80] =	vst v27  }
0x582: {  	(erf) = vrcp.f32 v33;
	v35 =	vpop (erf);
	v27 =	vld [tilespmem:$0x1FE40]  }
0x583: {  	v61 =	vmul.f32 v35, v36;
	v38 =	vpop (erf)  }
0x584: {  	v28 =	vmul.f32 v48, v63;
	v23 =	vmul.f32 v38, v36  }
0x585: {  	v30 =	vsub.f32 v39, v1;
	v31 =	vmul.f32 v61, v40  }
0x586: {  	v29 =	vmul.f32 $9.765625000e-04, v29;
	v26 =	vld [tilespmem:s26+$0x0];
	v40 =	vsub.f32 v28, v3;
	v39 =	vmul.f32 v23, v52  }
0x587: {  	[tilespmem:s23+$0x0] =	vst v30;
	v27 =	vsub.f32 v31, v27  }
0x588: {  	v63 =	vpop (erf);
	[tilespmem:s23+$0x80] =	vst v40;
	v52 =	vsub.f32 v39, v29  }
0x589: {  	v35 =	vpop (erf);
	[tilespmem:s23+$0xFFFFFF00] =	vst v27  }
0x58a: {  	v33 =	vld [tilespmem:s26+$0x40];
	v1 =	vmul.f32 v35, v36;
	[tilespmem:s25+$0xFFFFFF80] =	vst v52  }
0x58b: {  	v26 =	vmul.f32 $9.765625000e-04, v26;
	v38 =	vpop (erf);
	v27 =	vld [tilespmem:$0x1FF10]  }
0x58c: {  	v35 =	vmul.f32 v38, v36;
	v21 =	vmul.f32 v1, v21  }
0x58d: {  	s0 =	sor.u32 $0x50, s29;
	v3 =	vmul.f32 v63, v36  }
0x58e: {  	s2 =	sor.u32 $0x50, s28;
	v28 =	vld [tilespmem:s0+$0x8800];
	v63 =	vmul.f32 v35, v47;
	v21 =	vsub.f32 v21, v26  }
0x58f: {  	v40 =	vld [tilespmem:s2+$0x8800];
	v32 =	vmul.f32 v3, v56;
	v39 =	vmul.f32 $9.765625000e-04, v33  }
0x590: {  	v38 =	vld [tilespmem:s24+$0xFFFFFF90];
	[tilespmem:s25+$0x0] =	vst v21;
	v27 =	vsub.f32 v63, v27  }
0x591: {  	v25 =	vsub.f32 v32, v39;
	v21 =	vld [tilespmem:$0x1FE50]  }
0x592: {  	v52 =	vld [tilespmem:s26+$0x10];
	[tilespmem:s25+$0xFFFFFF00] =	vst v27  }
0x593: {  	v27 =	vld [tilespmem:$0x1FEE0];
	[tilespmem:s25+$0x80] =	vst v25  }
0x594: {  	s0 =	sadd.s32 $0x100, s30;
	v25 =	vld [tilespmem:$0x1FE70]  }
0x595: {  	v30 =	vld [tilespmem:s24+$0x10];
	s1 =	sadd.s32 $0xFFFFFF80, s0  }
0x596: {  	s30 =	sor.u32 $0x50, s1;
	v28 =	vmul.f32 $9.765625000e-04, v28;
	v63 =	vld [tilespmem:$0x1FE90]  }
0x597: {  	v0 =	vmul.f32 v1, v0;
	v47 =	vld [tilespmem:s30+$0x8800];
	v21 =	vmul.f32 v49, v21  }
0x598: {  	s31 =	sor.u32 $0x50, s0;
	v26 =	vmul.f32 $9.765625000e-04, v40;
	v40 =	vmul.f32 $9.765625000e-04, v52;
	v56 =	vld [tilespmem:s26+$0xFFFFFF90]  }
0x599: {  	v31 =	vmul.f32 $9.765625000e-04, v38;
	v21 =	vsub.f32 v21, v28;
	v28 =	vld [tilespmem:s31+$0x8800];
	v25 =	vmul.f32 v61, v25  }
0x59a: {  	v30 =	vmul.f32 $9.765625000e-04, v30;
	v0 =	vsub.f32 v0, v40;
	v27 =	vmul.f32 v37, v27  }
0x59b: {  	[tilespmem:s23+$0xFFFFFF90] =	vst v21;
	v34 =	vmul.f32 v48, v63;
	v21 =	vsub.f32 v25, v31  }
0x59c: {  	s4 =	sor.u32 $0x60, s29;
	v38 =	vmul.f32 v23, v58;
	v29 =	vmul.f32 $9.765625000e-04, v47;
	[tilespmem:s25+$0x10] =	vst v0;
	v27 =	vsub.f32 v27, v30  }
0x59d: {  	v39 =	vld [tilespmem:s4+$0x8800];
	v52 =	vmul.f32 $9.765625000e-04, v56;
	v26 =	vsub.f32 v34, v26;
	[tilespmem:s23+$0xFFFFFF10] =	vst v21;
	v21 =	vmul.f32 v35, v50  }
0x59e: {  	v58 =	vmul.f32 v3, v59;
	v28 =	vmul.f32 $9.765625000e-04, v28;
	v25 =	vsub.f32 v38, v29;
	v34 =	vld [tilespmem:s26+$0x20];
	[tilespmem:s23+$0x10] =	vst v27  }
0x59f: {  	v47 =	vld [tilespmem:s24+$0x20];
	[tilespmem:s23+$0x90] =	vst v26;
	v21 =	vsub.f32 v21, v52  }
0x5a0: {  	v22 =	vmul.f32 $9.765625000e-04, v22;
	s31 =	sor.u32 $0x60, s1;
	v63 =	vsub.f32 v58, v28;
	[tilespmem:s25+$0xFFFFFF90] =	vst v25;
	v56 =	vld [tilespmem:s24+$0xFFFFFFA0]  }
0x5a1: {  	v24 =	vsub.f32 v62, v24;
	v0 =	vld [tilespmem:s31+$0x8800];
	[tilespmem:s25+$0xFFFFFF10] =	vst v21  }
0x5a2: {  	s30 =	sor.u32 $0x60, s28;
	v21 =	vsub.f32 v42, v22;
	v22 =	vld [tilespmem:$0x1FF00];
	[tilespmem:s25+$0x90] =	vst v63  }
0x5a3: {  	v59 =	vld [tilespmem:s30+$0x8800];
	[tilespmem:s22+$0xFFFFFFB0] =	vst v24  }
0x5a4: {  	v24 =	vld [tilespmem:$0x1FED0];
	[tilespmem:s22+$0x30] =	vst v21  }
0x5a5: {  	v33 =	vmul.f32 $9.765625000e-04, v39;
	v27 =	vmul.f32 $9.765625000e-04, v34;
	v21 =	vld [tilespmem:$0x1FEA0]  }
0x5a6: {  	v38 =	vmul.f32 $9.765625000e-04, v47;
	v47 =	vmul.f32 v1, v60  }
0x5a7: {  	v26 =	vsub.f32 v54, v33;
	v42 =	vmul.f32 v23, v41;
	v39 =	vld [tilespmem:s26+$0xFFFFFFA0];
	v0 =	vmul.f32 $9.765625000e-04, v0  }
0x5a8: {  	s4 =	sor.u32 $0x60, s0;
	v27 =	vsub.f32 v47, v27;
	v22 =	vmul.f32 v37, v22  }
0x5a9: {  	v25 =	vld [tilespmem:s4+$0x8800];
	v29 =	vmul.f32 $9.765625000e-04, v56;
	[tilespmem:s23+$0xFFFFFFA0] =	vst v26;
	v0 =	vsub.f32 v42, v0;
	v24 =	vmul.f32 v61, v24  }
0x5aa: {  	v40 =	vmul.f32 $9.765625000e-04, v59;
	[tilespmem:s25+$0x20] =	vst v27;
	v21 =	vmul.f32 v48, v21;
	v22 =	vsub.f32 v22, v38  }
0x5ab: {  	s30 =	sor.u32 $0x70, s29;
	[tilespmem:s25+$0xFFFFFFA0] =	vst v0;
	v24 =	vsub.f32 v24, v29  }
0x5ac: {  	v52 =	vmul.f32 v35, v53;
	v53 =	vmul.f32 $9.765625000e-04, v39;
	[tilespmem:s23+$0x20] =	vst v22;
	v22 =	vld [tilespmem:s30+$0x8800];
	v21 =	vsub.f32 v21, v40  }
0x5ad: {  	v4 =	vmul.f32 $9.765625000e-04, v4;
	[tilespmem:s23+$0xFFFFFF20] =	vst v24;
	v50 =	vld [tilespmem:s24+$0x30]  }
0x5ae: {  	v25 =	vmul.f32 $9.765625000e-04, v25;
	v0 =	vsub.f32 v52, v53;
	v54 =	vld [tilespmem:s24+$0xFFFFFFB0];
	[tilespmem:s23+$0xA0] =	vst v21;
	v21 =	vmul.f32 v3, v45  }
0x5af: {  	v4 =	vsub.f32 v46, v4;
	v59 =	vld [tilespmem:$0x1FE60]  }
0x5b0: {  	v5 =	vmul.f32 $9.765625000e-04, v5;
	[tilespmem:s25+$0xFFFFFF20] =	vst v0;
	v0 =	vld [tilespmem:s26+$0x30];
	v21 =	vsub.f32 v21, v25  }
0x5b1: {  	s31 =	sor.u32 $0x70, s28;
	v27 =	vld [tilespmem:$0x1FEF0];
	[tilespmem:s22+$0xFFFFFF30] =	vst v4  }
0x5b2: {  	v5 =	vsub.f32 v57, v5;
	v56 =	vld [tilespmem:s31+$0x8800];
	[tilespmem:s25+$0xA0] =	vst v21  }
0x5b3: {  	s0 =	sor.u32 $0x70, s0;
	v4 =	vld [tilespmem:$0x1FEC0]  }
0x5b4: {  	v62 =	vld [tilespmem:s0+$0x8800];
	[tilespmem:s22+$0xB0] =	vst v5  }
0x5b5: {  	s1 =	sor.u32 $0x70, s1;
	v22 =	vmul.f32 $9.765625000e-04, v22;
	v25 =	vmul.f32 v49, v59;
	v5 =	vld [tilespmem:$0x1FEB0]  }
0x5b6: {  	v1 =	vmul.f32 v1, v51;
	v58 =	vld [tilespmem:s1+$0x8800];
	v0 =	vmul.f32 $9.765625000e-04, v0  }
0x5b7: {  	v60 =	vld [tilespmem:s26+$0xFFFFFFB0];
	v24 =	vmul.f32 $9.765625000e-04, v50;
	v27 =	vmul.f32 v37, v27;
	v22 =	vsub.f32 v25, v22  }
0x5b8: {  	v21 =	vmul.f32 $9.765625000e-04, v54;
	v0 =	vsub.f32 v1, v0;
	v4 =	vmul.f32 v61, v4  }
0x5b9: {  	v3 =	vmul.f32 v3, v55;
	v24 =	vsub.f32 v27, v24;
	[tilespmem:s23+$0xFFFFFFB0] =	vst v22;
	v1 =	vmul.f32 $9.765625000e-04, v62  }
0x5ba: {  	v63 =	vmul.f32 $9.765625000e-04, v56;
	[tilespmem:s25+$0x30] =	vst v0;
	v5 =	vmul.f32 v48, v5;
	v4 =	vsub.f32 v4, v21  }
0x5bb: {  	v22 =	vmul.f32 $9.765625000e-04, v58;
	[tilespmem:s23+$0x30] =	vst v24;
	v21 =	vmul.f32 v23, v43;
	v0 =	vsub.f32 v3, v1  }
0x5bc: {  	v23 =	vmul.f32 $9.765625000e-04, v60;
	v5 =	vsub.f32 v5, v63;
	[tilespmem:s23+$0xFFFFFF30] =	vst v4;
	v4 =	vmul.f32 v35, v44  }
0x5bd: {  	v21 =	vsub.f32 v21, v22;
	[tilespmem:s25+$0xB0] =	vst v0  }
0x5be: {  	[tilespmem:s23+$0xB0] =	vst v5;
	v4 =	vsub.f32 v4, v23  }
0x5bf: {  	[tilespmem:s25+$0xFFFFFFB0] =	vst v21  }
0x5c0: {  	[tilespmem:s25+$0xFFFFFF30] =	vst v4  }
0x5c1: {  	_ =	strace $0x90000049  }
0x5c2: {  	[hbm4b:s6+s3] =	stream.linear.scatter [tilespmem:s12], [sflag:$0x4], $0x8000, $0x38;
	[tilespmem:$0x14800] =	vst v63  }
0x5c3: {  	_ =	swait.ge [sflag:s11], $0x8000  }
0x5c4: {  	[sflag:s11] =	ssyncset.done $0x0  }
0x5c5: {  	[sflag:s11] =	ssyncadd.s32 $0xFFFF8000  }
0x5c6: {  	[tilespmem:s12], [sflag:$0x3] =	stream.linear.gather [hbm4b:s7+s3], $0x8000, $0x38;
	[tilespmem:$0x14800] =	vst v63  }
0x5c7: {  	s0 =	simm.s32 $0x8840  }
0x5c8: {  	v0 =	vimm.f32 $0.0e+00;
	[tilespmem:s14], [sflag:$0x1] =	stream.strided.gather [hbm4b:s8+s14], $0x4000, s13, s14, $0x38;
	[tilespmem:$0x14800] =	vst v63  }
0x5c9: {  	[tilespmem:s0+$0xFFFFFFC0] =	vst v0  }
0x5ca: {  	[tilespmem:s0+$0x30] =	vst v0  }
0x5cb: {  	[tilespmem:s0+$0x20] =	vst v0  }
0x5cc: {  	[tilespmem:s0+$0x10] =	vst v0  }
0x5cd: {  	[tilespmem:s0+$0x0] =	vst v0  }
0x5ce: {  	[tilespmem:s0+$0xFFFFFFF0] =	vst v0  }
0x5cf: {  	s1 =	simm.s32 $0x0;
	v53 =	vmov v36;
	[tilespmem:s0+$0xFFFFFFE0] =	vst v0  }
.LBB2_20:
0x5d0: {  	s1 =	sadd.s32 $0x8, s1;
	[tilespmem:s0+$0xFFFFFFD0] =	vst v0;
	s0 =	sadd.s32 $0x80, s0  }
0x5d1: {  	[tilespmem:s0+$0xFFFFFFC0] =	vst v0;
	p0 =	slt.u32 s1, $0x3F8  }
0x5d2: {  	[tilespmem:s0+$0x30] =	vst v0  }
.Ltmp13:
0x5d3: {  	[tilespmem:s0+$0x20] =	vst v0;
	(pc) =	sbr.rel @p0 .LBB2_20-.Ltmp13, $4  }
0x5d4: {  	[tilespmem:s0+$0x10] =	vst v0  }
0x5d5: {  	[tilespmem:s0+$0x0] =	vst v0  }
0x5d6: {  	[tilespmem:s0+$0xFFFFFFF0] =	vst v0  }
0x5d7: {  	[tilespmem:s0+$0xFFFFFFE0] =	vst v0  }
.Ltmp14:
0x5d8: {  	(pc) =	sbr.rel .LBB2_22-.Ltmp14, $4  }
0x5d9: {  	[tilespmem:s0+$0xFFFFFFD0] =	vst v0  }
0x5da: {  	_ =	strace $0x8000004A  }
0x5db: {  	v57 =	vld [tilespmem:$0x1FFB0]  }
0x5dc: {  	s0 =	simm.s32 $0x0;
	s22 =	simm.s32 $0x0;
	v50 =	vld [tilespmem:$0x1FFD0]  }
.LBB2_30:
0x5dd: {  	p0 =	sne.s32 s23, $0x10  }
.Ltmp15:
0x5de: {  	_ = 	snop;
	(pc) =	sbr.rel @!p0 .LBB2_31-.Ltmp15, $2  }
0x5df: {  	_ =	sdelay $0x2  }
0x5e0: {  	s22 =	sadd.s32 $0x40, s22;
	s0 =	smov.u32 s23  }
.LBB2_22:
0x5e1: {  	p0 =	seq.s32 s0, $0xF  }
.Ltmp16:
0x5e2: {  	_ = 	snop;
	(pc) =	sbr.rel @p0 .LBB2_27-.Ltmp16, $2  }
0x5e3: {  	_ =	sdelay $0x2  }
0x5e4: {  	s23 =	sadd.s32 $0x1, s0  }
0x5e5: {  	s24 =	sand.u32 $0x1, s0  }
0x5e6: {  	p0 =	seq.s32 s24, $0x1  }
.Ltmp17:
0x5e7: {  	_ = 	snop;
	(pc) =	sbr.rel @!p0 .LBB2_24-.Ltmp17, $3  }
0x5e8: {  	_ =	sdelay $0x1  }
0x5e9: {  	s31 =	sshll.u32 s23, $0x10  }
0x5ea: {  	s0 =	sadd.s32 s31, s8  }
.Ltmp18:
0x5eb: {  	(pc) =	sbr.rel .LBB2_27-.Ltmp18, $2  }
0x5ec: {  	_ =	sdelay $0x2  }
0x5ed: {  	[tilespmem:s14], [sflag:$0x1] =	stream.strided.gather [hbm4b:s0+s14], $0x4000, s13, s14, $0x200038;
	[tilespmem:$0x14800] =	vst v63  }
.LBB2_24:
0x5ee: {  	[tilespmem:s19], [sflag:$0x2] =	stream.strided.gather [hbm4b:s0+s14], $0x4000, s13, s14, $0x200038;
	[tilespmem:$0x14800] =	vst v63  }
0x5ef: {  	s4 =	sadd.s32 $0xFFFFFFF8, s22  }
0x5f0: {  	s1 =	sadd.s32 $0xE, s4  }
0x5f1: {  	_ =	swait.ge [sflag:s20], $0x4000;
	v0 =	vmov s1  }
0x5f2: {  	[sflag:s20] =	ssyncset.done $0x0;
	v0 =	vand.u32 $0xFFFFFFFE, v0  }
0x5f3: {  	s25 =	simm.s32 $0xC00;
	[sflag:s20] =	ssyncadd.s32 $0xFFFFC000;
	v0 =	vbroadcast v0, $0x0  }
0x5f4: {  	v1 =	vld [tilespmem:s25+$0xFFFFFF00];
	_ =	sdelay $0x1  }
0x5f5: {  	v3 =	vld [tilespmem:s25+$0xFFFFFC00]  }
0x5f6: {  	s26 =	sadd.s32 $0x8, s4;
	v4 =	vld [tilespmem:s25+$0xFFFFFC80]  }
0x5f7: {  	s28 =	sadd.s32 $0x9, s4;
	v5 =	vmov s26;
	v21 =	vld [tilespmem:s25+$0xFFFFFD00]  }
0x5f8: {  	s29 =	sadd.s32 $0xB, s4;
	v22 =	vmov s28;
	v5 =	vand.u32 $0xFFFFFFF8, v5;
	v32 =	vld.idx.msk [tilespmem:v0+s16+$0x0], $0xffff;
	v0 =	vadd.s32 v2, v1  }
0x5f9: {  	s2 =	sadd.s32 $0xA, s4;
	v24 =	vmov s29;
	v22 =	vand.u32 $0xFFFFFFF9, v22;
	v5 =	vbroadcast v5, $0x0;
	v23 =	vld [tilespmem:s25+$0xFFFFFD80]  }
0x5fa: {  	s30 =	sadd.s32 $0xC, s4;
	v24 =	vand.u32 $0xFFFFFFFB, v24;
	v22 =	vbroadcast v22, $0x0;
	v33 =	vld [tilespmem:s25+$0xFFFFFE00];
	v1 =	vmov s2  }
0x5fb: {  	v25 =	vmov s30;
	v34 =	vld [tilespmem:s25+$0xFFFFFE80];
	v24 =	vbroadcast v24, $0x0;
	v1 =	vand.u32 $0xFFFFFFFA, v1  }
0x5fc: {  	v25 =	vand.u32 $0xFFFFFFFC, v25;
	v35 =	vld [tilespmem:s25+$0xFFFFFF80];
	v1 =	vbroadcast v1, $0x0  }
0x5fd: {  	s31 =	sadd.s32 $0xD, s4;
	v28 =	vbroadcast v25, $0x0;
	[tilespmem:v0+s17+$0x0] =	vst.idx.add.f32.msk $0xffff, v32  }
0x5fe: {  	s0 =	sadd.s32 $0xF, s4;
	v26 =	vmov s31;
	v29 =	vld [tilespmem:s25+$0xFFFFFF10]  }
0x5ff: {  	v26 =	vand.u32 $0xFFFFFFFD, v26;
	v31 =	vld.idx.msk [tilespmem:v5+s16+$0x0], $0xffff;
	v5 =	vmov s0  }
0x600: {  	v3 =	vadd.s32 v2, v3;
	v25 =	vld.idx.msk [tilespmem:v22+s16+$0x0], $0xffff;
	v0 =	vbroadcast v26, $0x0  }
0x601: {  	v27 =	vld.idx.msk [tilespmem:v24+s16+$0x0], $0xffff  }
0x602: {  	v26 =	vld.idx.msk [tilespmem:v1+s16+$0x0], $0xffff;
	v1 =	vadd.s32 v2, v4  }
0x603: {  	v28 =	vld.idx.msk [tilespmem:v28+s16+$0x0], $0xffff;
	v4 =	vadd.s32 v6, v29  }
0x604: {  	v30 =	vld.idx.msk [tilespmem:v5+s16+$0x0], $0xffff  }
0x605: {  	v5 =	vadd.s32 v2, v23;
	[tilespmem:v3+s17+$0x0] =	vst.idx.add.f32.msk $0xffff, v31  }
0x606: {  	v3 =	vadd.s32 v2, v33;
	v29 =	vld.idx.msk [tilespmem:v0+s16+$0x0], $0xffff  }
0x607: {  	[tilespmem:v1+s17+$0x0] =	vst.idx.add.f32.msk $0xffff, v25  }
0x608: {  	[tilespmem:v4+s17+$0x0] =	vst.idx.add.f32.msk $0xffff, v32  }
0x609: {  	v1 =	vadd.s32 v2, v34;
	v4 =	vld [tilespmem:s25+$0xFFFFFF20]  }
0x60a: {  	[tilespmem:v5+s17+$0x0] =	vst.idx.add.f32.msk $0xffff, v27;
	v0 =	vadd.s32 v2, v21  }
0x60b: {  	[tilespmem:v3+s17+$0x0] =	vst.idx.add.f32.msk $0xffff, v28  }
0x60c: {  	v21 =	vld [tilespmem:s25+$0xFFFFFD90]  }
0x60d: {  	v3 =	vld [tilespmem:s25+$0xFFFFFC90]  }
0x60e: {  	[tilespmem:v1+s17+$0x0] =	vst.idx.add.f32.msk $0xffff, v29;
	v1 =	vadd.s32 v7, v4  }
0x60f: {  	[tilespmem:v0+s17+$0x0] =	vst.idx.add.f32.msk $0xffff, v26;
	v4 =	vadd.s32 v2, v35  }
0x610: {  	v5 =	vld [tilespmem:s25+$0xFFFFFD10]  }
0x611: {  	v0 =	vld [tilespmem:s25+$0xFFFFFC10];
	_ =	sdelay $0x1  }
0x612: {  	[tilespmem:v1+s17+$0x0] =	vst.idx.add.f32.msk $0xffff, v32  }
0x613: {  	v21 =	vadd.s32 v6, v21;
	[tilespmem:v4+s17+$0x0] =	vst.idx.add.f32.msk $0xffff, v30  }
0x614: {  	v1 =	vadd.s32 v6, v3;
	v4 =	vadd.s32 v6, v5;
	v5 =	vld [tilespmem:s25+$0xFFFFFE90]  }
0x615: {  	v0 =	vadd.s32 v6, v0;
	v3 =	vld [tilespmem:s25+$0xFFFFFF30]  }
0x616: {  	v23 =	vld [tilespmem:s25+$0xFFFFFF90]  }
0x617: {  	v22 =	vld [tilespmem:s25+$0xFFFFFE10]  }
0x618: {  	[tilespmem:v21+s17+$0x0] =	vst.idx.add.f32.msk $0xffff, v27  }
0x619: {  	[tilespmem:v1+s17+$0x0] =	vst.idx.add.f32.msk $0xffff, v25;
	v1 =	vadd.s32 v6, v5  }
0x61a: {  	[tilespmem:v0+s17+$0x0] =	vst.idx.add.f32.msk $0xffff, v31  }
0x61b: {  	[tilespmem:v4+s17+$0x0] =	vst.idx.add.f32.msk $0xffff, v26;
	v0 =	vadd.s32 v8, v3;
	v3 =	vadd.s32 v6, v23  }
0x61c: {  	v4 =	vld [tilespmem:s25+$0xFFFFFC20]  }
0x61d: {  	v5 =	vld [tilespmem:s25+$0xFFFFFDA0]  }
0x61e: {  	[tilespmem:v1+s17+$0x0] =	vst.idx.add.f32.msk $0xffff, v29  }
0x61f: {  	v22 =	vadd.s32 v6, v22;
	v1 =	vld [tilespmem:s25+$0xFFFFFCA0]  }
0x620: {  	[tilespmem:v3+s17+$0x0] =	vst.idx.add.f32.msk $0xffff, v30  }
0x621: {  	v3 =	vadd.s32 v7, v4;
	v4 =	vld [tilespmem:s25+$0xFFFFFD20]  }
0x622: {  	[tilespmem:v0+s17+$0x0] =	vst.idx.add.f32.msk $0xffff, v32  }
0x623: {  	v0 =	vld [tilespmem:s25+$0xFFFFFF40]  }
0x624: {  	[tilespmem:v22+s17+$0x0] =	vst.idx.add.f32.msk $0xffff, v28  }
0x625: {  	v22 =	vld [tilespmem:s25+$0xFFFFFEA0];
	v1 =	vadd.s32 v7, v1  }
0x626: {  	[tilespmem:v3+s17+$0x0] =	vst.idx.add.f32.msk $0xffff, v31;
	v3 =	vadd.s32 v7, v4  }
0x627: {  	v4 =	vadd.s32 v7, v5  }
0x628: {  	v23 =	vld [tilespmem:s25+$0xFFFFFFA0];
	v0 =	vadd.s32 v9, v0  }
0x629: {  	v21 =	vld [tilespmem:s25+$0xFFFFFE20]  }
0x62a: {  	[tilespmem:v1+s17+$0x0] =	vst.idx.add.f32.msk $0xffff, v25  }
0x62b: {  	v22 =	vadd.s32 v7, v22;
	[tilespmem:v3+s17+$0x0] =	vst.idx.add.f32.msk $0xffff, v26  }
0x62c: {  	[tilespmem:v4+s17+$0x0] =	vst.idx.add.f32.msk $0xffff, v27  }
0x62d: {  	v1 =	vadd.s32 v7, v23;
	[tilespmem:v0+s17+$0x0] =	vst.idx.add.f32.msk $0xffff, v32  }
0x62e: {  	v3 =	vld [tilespmem:s25+$0xFFFFFD30]  }
0x62f: {  	v0 =	vadd.s32 v7, v21;
	v5 =	vld [tilespmem:s25+$0xFFFFFF50]  }
0x630: {  	[tilespmem:v22+s17+$0x0] =	vst.idx.add.f32.msk $0xffff, v29  }
0x631: {  	v22 =	vld [tilespmem:s25+$0xFFFFFEB0]  }
0x632: {  	[tilespmem:v1+s17+$0x0] =	vst.idx.add.f32.msk $0xffff, v30  }
0x633: {  	v1 =	vld [tilespmem:s25+$0xFFFFFCB0];
	v3 =	vadd.s32 v8, v3  }
0x634: {  	[tilespmem:v0+s17+$0x0] =	vst.idx.add.f32.msk $0xffff, v28;
	v0 =	vadd.s32 v10, v5  }
0x635: {  	v21 =	vld [tilespmem:s25+$0xFFFFFC30]  }
0x636: {  	v23 =	vld [tilespmem:s25+$0xFFFFFFB0]  }
0x637: {  	v5 =	vld [tilespmem:s25+$0xFFFFFDB0]  }
0x638: {  	v1 =	vadd.s32 v8, v1;
	[tilespmem:v3+s17+$0x0] =	vst.idx.add.f32.msk $0xffff, v26  }
0x639: {  	v3 =	vadd.s32 v8, v22;
	[tilespmem:v0+s17+$0x0] =	vst.idx.add.f32.msk $0xffff, v32  }
0x63a: {  	v0 =	vadd.s32 v8, v21;
	v4 =	vld [tilespmem:s25+$0xFFFFFF60]  }
0x63b: {  	v22 =	vadd.s32 v8, v23  }
0x63c: {  	v21 =	vld [tilespmem:s25+$0xFFFFFE30]  }
0x63d: {  	v5 =	vadd.s32 v8, v5;
	[tilespmem:v1+s17+$0x0] =	vst.idx.add.f32.msk $0xffff, v25  }
0x63e: {  	[tilespmem:v3+s17+$0x0] =	vst.idx.add.f32.msk $0xffff, v29  }
0x63f: {  	[tilespmem:v0+s17+$0x0] =	vst.idx.add.f32.msk $0xffff, v31;
	v0 =	vadd.s32 v11, v4  }
0x640: {  	[tilespmem:v22+s17+$0x0] =	vst.idx.add.f32.msk $0xffff, v30  }
0x641: {  	v1 =	vadd.s32 v8, v21;
	v21 =	vld [tilespmem:s25+$0xFFFFFCC0]  }
0x642: {  	[tilespmem:v5+s17+$0x0] =	vst.idx.add.f32.msk $0xffff, v27  }
0x643: {  	v4 =	vld [tilespmem:s25+$0xFFFFFC40]  }
0x644: {  	[tilespmem:v0+s17+$0x0] =	vst.idx.add.f32.msk $0xffff, v32  }
0x645: {  	v0 =	vld [tilespmem:s25+$0xFFFFFF70]  }
0x646: {  	[tilespmem:v1+s17+$0x0] =	vst.idx.add.f32.msk $0xffff, v28  }
0x647: {  	v1 =	vld [tilespmem:s25+$0xFFFFFD40];
	v21 =	vadd.s32 v9, v21  }
0x648: {  	v22 =	vld [tilespmem:s25+$0xFFFFFEC0];
	v4 =	vadd.s32 v9, v4  }
0x649: {  	v5 =	vld [tilespmem:s25+$0xFFFFFE40]  }
0x64a: {  	v23 =	vld [tilespmem:s25+$0xFFFFFFC0];
	v0 =	vadd.s32 v12, v0  }
0x64b: {  	v3 =	vld [tilespmem:s25+$0xFFFFFDC0]  }
0x64c: {  	v1 =	vadd.s32 v9, v1;
	[tilespmem:v21+s17+$0x0] =	vst.idx.add.f32.msk $0xffff, v25  }
0x64d: {  	[tilespmem:v4+s17+$0x0] =	vst.idx.add.f32.msk $0xffff, v31  }
0x64e: {  	v4 =	vadd.s32 v9, v5;
	v5 =	vadd.s32 v9, v22;
	v21 =	vld [tilespmem:s25+$0xFFFFFC50]  }
0x64f: {  	v22 =	vadd.s32 v9, v23;
	[tilespmem:v0+s17+$0x0] =	vst.idx.add.f32.msk $0xffff, v32  }
0x650: {  	v0 =	vadd.s32 v9, v3;
	v3 =	vld [tilespmem:s25+$0x300]  }
0x651: {  	[tilespmem:v1+s17+$0x0] =	vst.idx.add.f32.msk $0xffff, v26  }
0x652: {  	v1 =	vld [tilespmem:s25+$0xFFFFFCD0]  }
0x653: {  	[tilespmem:v5+s17+$0x0] =	vst.idx.add.f32.msk $0xffff, v29  }
0x654: {  	[tilespmem:v22+s17+$0x0] =	vst.idx.add.f32.msk $0xffff, v30  }
0x655: {  	[tilespmem:v0+s17+$0x0] =	vst.idx.add.f32.msk $0xffff, v27;
	v0 =	vadd.s32 v13, v3  }
0x656: {  	v22 =	vld [tilespmem:s25+$0xFFFFFED0]  }
0x657: {  	[tilespmem:v4+s17+$0x0] =	vst.idx.add.f32.msk $0xffff, v28  }
0x658: {  	v4 =	vld [tilespmem:s25+$0xFFFFFD50]  }
0x659: {  	v3 =	vadd.s32 v10, v21;
	v5 =	vld [tilespmem:s25+$0xFFFFFDD0]  }
0x65a: {  	v1 =	vadd.s32 v10, v1;
	[tilespmem:v0+s17+$0x0] =	vst.idx.add.f32.msk $0xffff, v32  }
0x65b: {  	v22 =	vadd.s32 v10, v22;
	v0 =	vld [tilespmem:s25+$0x310]  }
0x65c: {  	v21 =	vld [tilespmem:s25+$0xFFFFFE50]  }
0x65d: {  	v23 =	vld [tilespmem:s25+$0xFFFFFFD0]  }
0x65e: {  	[tilespmem:v3+s17+$0x0] =	vst.idx.add.f32.msk $0xffff, v31;
	v3 =	vadd.s32 v10, v4  }
0x65f: {  	[tilespmem:v1+s17+$0x0] =	vst.idx.add.f32.msk $0xffff, v25;
	v5 =	vadd.s32 v10, v5  }
0x660: {  	[tilespmem:v22+s17+$0x0] =	vst.idx.add.f32.msk $0xffff, v29;
	v0 =	vadd.s32 v14, v0  }
0x661: {  	v1 =	vadd.s32 v10, v21;
	v21 =	vld [tilespmem:s25+$0xFFFFFCE0]  }
0x662: {  	v4 =	vld [tilespmem:s25+$0xFFFFFC60]  }
0x663: {  	[tilespmem:v3+s17+$0x0] =	vst.idx.add.f32.msk $0xffff, v26  }
0x664: {  	[tilespmem:v5+s17+$0x0] =	vst.idx.add.f32.msk $0xffff, v27  }
0x665: {  	[tilespmem:v0+s17+$0x0] =	vst.idx.add.f32.msk $0xffff, v32  }
0x666: {  	v0 =	vadd.s32 v10, v23;
	v23 =	vld [tilespmem:s25+$0x320]  }
0x667: {  	[tilespmem:v1+s17+$0x0] =	vst.idx.add.f32.msk $0xffff, v28  }
0x668: {  	v21 =	vadd.s32 v11, v21;
	v3 =	vld [tilespmem:s25+$0xFFFFFDE0]  }
0x669: {  	v4 =	vadd.s32 v11, v4;
	v5 =	vld [tilespmem:s25+$0xFFFFFE60]  }
0x66a: {  	v22 =	vld [tilespmem:s25+$0xFFFFFEE0]  }
0x66b: {  	[tilespmem:v0+s17+$0x0] =	vst.idx.add.f32.msk $0xffff, v30;
	v1 =	vadd.s32 v15, v23  }
0x66c: {  	v0 =	vld [tilespmem:s25+$0xFFFFFD60]  }
0x66d: {  	[tilespmem:v21+s17+$0x0] =	vst.idx.add.f32.msk $0xffff, v25;
	v3 =	vadd.s32 v11, v3  }
0x66e: {  	[tilespmem:v4+s17+$0x0] =	vst.idx.add.f32.msk $0xffff, v31;
	v4 =	vadd.s32 v11, v5  }
0x66f: {  	v5 =	vadd.s32 v11, v22;
	v21 =	vld [tilespmem:s25+$0xFFFFFC70]  }
0x670: {  	[tilespmem:v1+s17+$0x0] =	vst.idx.add.f32.msk $0xffff, v32  }
0x671: {  	v0 =	vadd.s32 v11, v0;
	v1 =	vld [tilespmem:s25+$0x330]  }
0x672: {  	[tilespmem:v3+s17+$0x0] =	vst.idx.add.f32.msk $0xffff, v27  }
0x673: {  	[tilespmem:v4+s17+$0x0] =	vst.idx.add.f32.msk $0xffff, v28  }
0x674: {  	[tilespmem:v5+s17+$0x0] =	vst.idx.add.f32.msk $0xffff, v29  }
0x675: {  	v23 =	vld [tilespmem:s25+$0xFFFFFFE0]  }
0x676: {  	[tilespmem:v0+s17+$0x0] =	vst.idx.add.f32.msk $0xffff, v26;
	v0 =	vadd.s32 v16, v1  }
0x677: {  	v1 =	vld [tilespmem:s25+$0xFFFFFCF0]  }
0x678: {  	v4 =	vld [tilespmem:s25+$0xFFFFFDF0];
	v5 =	vadd.s32 v12, v21  }
0x679: {  	v21 =	vld [tilespmem:s25+$0xFFFFFE70]  }
0x67a: {  	v22 =	vld [tilespmem:s25+$0xFFFFFEF0]  }
0x67b: {  	[tilespmem:v0+s17+$0x0] =	vst.idx.add.f32.msk $0xffff, v32;
	v0 =	vadd.s32 v11, v23  }
0x67c: {  	v3 =	vld [tilespmem:s25+$0xFFFFFD70];
	v1 =	vadd.s32 v12, v1  }
0x67d: {  	[tilespmem:v5+s17+$0x0] =	vst.idx.add.f32.msk $0xffff, v31  }
0x67e: {  	v4 =	vadd.s32 v12, v4;
	v5 =	vadd.s32 v12, v21;
	v21 =	vld [tilespmem:s25+$0x0]  }
0x67f: {  	v23 =	vld [tilespmem:s25+$0x340]  }
0x680: {  	[tilespmem:v0+s17+$0x0] =	vst.idx.add.f32.msk $0xffff, v30  }
0x681: {  	v0 =	vadd.s32 v12, v3;
	[tilespmem:v1+s17+$0x0] =	vst.idx.add.f32.msk $0xffff, v25  }
0x682: {  	v1 =	vadd.s32 v12, v22;
	v3 =	vld [tilespmem:s25+$0xFFFFFFF0]  }
0x683: {  	[tilespmem:v4+s17+$0x0] =	vst.idx.add.f32.msk $0xffff, v27  }
0x684: {  	[tilespmem:v5+s17+$0x0] =	vst.idx.add.f32.msk $0xffff, v28  }
0x685: {  	v5 =	vld [tilespmem:s25+$0x180]  }
0x686: {  	v4 =	vadd.s32 v17, v23;
	[tilespmem:v0+s17+$0x0] =	vst.idx.add.f32.msk $0xffff, v26  }
0x687: {  	[tilespmem:v1+s17+$0x0] =	vst.idx.add.f32.msk $0xffff, v29;
	v0 =	vadd.s32 v12, v3  }
0x688: {  	v1 =	vld [tilespmem:s25+$0x80]  }
0x689: {  	v21 =	vadd.s32 v13, v21;
	v22 =	vld [tilespmem:s25+$0x200]  }
0x68a: {  	v3 =	vld [tilespmem:s25+$0x100]  }
0x68b: {  	[tilespmem:v4+s17+$0x0] =	vst.idx.add.f32.msk $0xffff, v32  }
0x68c: {  	v4 =	vadd.s32 v13, v5;
	[tilespmem:v0+s17+$0x0] =	vst.idx.add.f32.msk $0xffff, v30  }
0x68d: {  	v0 =	vadd.s32 v13, v1;
	v1 =	vld [tilespmem:s25+$0x280]  }
0x68e: {  	[tilespmem:v21+s17+$0x0] =	vst.idx.add.f32.msk $0xffff, v31;
	v5 =	vadd.s32 v13, v22  }
0x68f: {  	v3 =	vadd.s32 v13, v3;
	v23 =	vld [tilespmem:s25+$0x380]  }
0x690: {  	v21 =	vld [tilespmem:s25+$0x10]  }
0x691: {  	[tilespmem:v4+s17+$0x0] =	vst.idx.add.f32.msk $0xffff, v27  }
0x692: {  	[tilespmem:v0+s17+$0x0] =	vst.idx.add.f32.msk $0xffff, v25;
	v0 =	vadd.s32 v13, v1  }
0x693: {  	[tilespmem:v5+s17+$0x0] =	vst.idx.add.f32.msk $0xffff, v28  }
0x694: {  	[tilespmem:v3+s17+$0x0] =	vst.idx.add.f32.msk $0xffff, v26;
	v1 =	vadd.s32 v13, v23  }
0x695: {  	v3 =	vld [tilespmem:s25+$0x90]  }
0x696: {  	v4 =	vld [tilespmem:s25+$0x190]  }
0x697: {  	[tilespmem:v0+s17+$0x0] =	vst.idx.add.f32.msk $0xffff, v29  }
0x698: {  	v0 =	vld [tilespmem:s25+$0x110]  }
0x699: {  	[tilespmem:v1+s17+$0x0] =	vst.idx.add.f32.msk $0xffff, v30;
	v1 =	vadd.s32 v14, v21  }
0x69a: {  	v5 =	vld [tilespmem:s25+$0x210];
	v3 =	vadd.s32 v14, v3  }
0x69b: {  	v21 =	vld [tilespmem:s25+$0x290]  }
0x69c: {  	v23 =	vld [tilespmem:s25+$0x350]  }
0x69d: {  	v22 =	vld [tilespmem:s25+$0x390];
	v0 =	vadd.s32 v14, v0  }
0x69e: {  	[tilespmem:v1+s17+$0x0] =	vst.idx.add.f32.msk $0xffff, v31;
	v1 =	vadd.s32 v14, v4  }
0x69f: {  	[tilespmem:v3+s17+$0x0] =	vst.idx.add.f32.msk $0xffff, v25;
	v3 =	vadd.s32 v14, v5  }
0x6a0: {  	v5 =	vadd.s32 v14, v21;
	v4 =	vld [tilespmem:s25+$0x20]  }
0x6a1: {  	v21 =	vld [tilespmem:s25+$0xA0]  }
0x6a2: {  	v22 =	vadd.s32 v14, v22;
	[tilespmem:v0+s17+$0x0] =	vst.idx.add.f32.msk $0xffff, v26  }
0x6a3: {  	[tilespmem:v1+s17+$0x0] =	vst.idx.add.f32.msk $0xffff, v27  }
0x6a4: {  	[tilespmem:v3+s17+$0x0] =	vst.idx.add.f32.msk $0xffff, v28  }
0x6a5: {  	[tilespmem:v5+s17+$0x0] =	vst.idx.add.f32.msk $0xffff, v29  }
0x6a6: {  	v1 =	vld [tilespmem:s25+$0x120]  }
0x6a7: {  	v0 =	vadd.s32 v18, v23;
	[tilespmem:v22+s17+$0x0] =	vst.idx.add.f32.msk $0xffff, v30  }
0x6a8: {  	v3 =	vadd.s32 v15, v4;
	v4 =	vld [tilespmem:s25+$0x1A0]  }
0x6a9: {  	v5 =	vadd.s32 v15, v21;
	v21 =	vld [tilespmem:s25+$0x220]  }
0x6aa: {  	v22 =	vld [tilespmem:s25+$0x2A0]  }
0x6ab: {  	v23 =	vld [tilespmem:s25+$0x3A0]  }
0x6ac: {  	[tilespmem:v0+s17+$0x0] =	vst.idx.add.f32.msk $0xffff, v32  }
0x6ad: {  	v0 =	vadd.s32 v15, v1;
	[tilespmem:v3+s17+$0x0] =	vst.idx.add.f32.msk $0xffff, v31  }
0x6ae: {  	v1 =	vadd.s32 v15, v4;
	[tilespmem:v5+s17+$0x0] =	vst.idx.add.f32.msk $0xffff, v25  }
0x6af: {  	v3 =	vadd.s32 v15, v21;
	v4 =	vld [tilespmem:s25+$0x30]  }
0x6b0: {  	v5 =	vadd.s32 v15, v22;
	v21 =	vld [tilespmem:s25+$0xB0]  }
0x6b1: {  	v22 =	vadd.s32 v15, v23;
	v23 =	vld [tilespmem:s25+$0x360]  }
0x6b2: {  	[tilespmem:v0+s17+$0x0] =	vst.idx.add.f32.msk $0xffff, v26  }
0x6b3: {  	[tilespmem:v1+s17+$0x0] =	vst.idx.add.f32.msk $0xffff, v27  }
0x6b4: {  	[tilespmem:v3+s17+$0x0] =	vst.idx.add.f32.msk $0xffff, v28  }
0x6b5: {  	[tilespmem:v5+s17+$0x0] =	vst.idx.add.f32.msk $0xffff, v29  }
0x6b6: {  	v0 =	vld [tilespmem:s25+$0x130]  }
0x6b7: {  	v1 =	vadd.s32 v16, v4;
	v3 =	vld [tilespmem:s25+$0x1B0]  }
0x6b8: {  	v4 =	vadd.s32 v16, v21;
	v5 =	vld [tilespmem:s25+$0x230]  }
0x6b9: {  	v21 =	vld [tilespmem:s25+$0x2B0]  }
0x6ba: {  	[tilespmem:v22+s17+$0x0] =	vst.idx.add.f32.msk $0xffff, v30  }
0x6bb: {  	v22 =	vld [tilespmem:s25+$0x3B0];
	v0 =	vadd.s32 v16, v0  }
0x6bc: {  	[tilespmem:v1+s17+$0x0] =	vst.idx.add.f32.msk $0xffff, v31;
	v1 =	vadd.s32 v16, v3  }
0x6bd: {  	[tilespmem:v4+s17+$0x0] =	vst.idx.add.f32.msk $0xffff, v25;
	v3 =	vadd.s32 v16, v5  }
0x6be: {  	v5 =	vadd.s32 v16, v21;
	v4 =	vld [tilespmem:s25+$0x40]  }
0x6bf: {  	v21 =	vld [tilespmem:s25+$0xC0]  }
0x6c0: {  	v22 =	vadd.s32 v16, v22;
	[tilespmem:v0+s17+$0x0] =	vst.idx.add.f32.msk $0xffff, v26  }
0x6c1: {  	[tilespmem:v1+s17+$0x0] =	vst.idx.add.f32.msk $0xffff, v27  }
0x6c2: {  	[tilespmem:v3+s17+$0x0] =	vst.idx.add.f32.msk $0xffff, v28  }
0x6c3: {  	[tilespmem:v5+s17+$0x0] =	vst.idx.add.f32.msk $0xffff, v29  }
0x6c4: {  	v1 =	vld [tilespmem:s25+$0x140]  }
0x6c5: {  	v0 =	vadd.s32 v19, v23;
	[tilespmem:v22+s17+$0x0] =	vst.idx.add.f32.msk $0xffff, v30  }
0x6c6: {  	v3 =	vadd.s32 v17, v4;
	v4 =	vld [tilespmem:s25+$0x1C0]  }
0x6c7: {  	v5 =	vadd.s32 v17, v21;
	v21 =	vld [tilespmem:s25+$0x240]  }
0x6c8: {  	v22 =	vld [tilespmem:s25+$0x2C0]  }
0x6c9: {  	v23 =	vld [tilespmem:s25+$0x3C0]  }
0x6ca: {  	[tilespmem:v0+s17+$0x0] =	vst.idx.add.f32.msk $0xffff, v32  }
0x6cb: {  	v0 =	vadd.s32 v17, v1;
	[tilespmem:v3+s17+$0x0] =	vst.idx.add.f32.msk $0xffff, v31  }
0x6cc: {  	v1 =	vadd.s32 v17, v4;
	[tilespmem:v5+s17+$0x0] =	vst.idx.add.f32.msk $0xffff, v25  }
0x6cd: {  	v3 =	vadd.s32 v17, v21;
	v4 =	vld [tilespmem:s25+$0x50]  }
0x6ce: {  	v5 =	vadd.s32 v17, v22;
	v21 =	vld [tilespmem:s25+$0xD0]  }
0x6cf: {  	v22 =	vadd.s32 v17, v23;
	v23 =	vld [tilespmem:s25+$0x370]  }
0x6d0: {  	[tilespmem:v0+s17+$0x0] =	vst.idx.add.f32.msk $0xffff, v26  }
0x6d1: {  	[tilespmem:v1+s17+$0x0] =	vst.idx.add.f32.msk $0xffff, v27  }
0x6d2: {  	[tilespmem:v3+s17+$0x0] =	vst.idx.add.f32.msk $0xffff, v28  }
0x6d3: {  	[tilespmem:v5+s17+$0x0] =	vst.idx.add.f32.msk $0xffff, v29  }
0x6d4: {  	v0 =	vld [tilespmem:s25+$0x150]  }
0x6d5: {  	v1 =	vadd.s32 v18, v4;
	v3 =	vld [tilespmem:s25+$0x1D0]  }
0x6d6: {  	v4 =	vadd.s32 v18, v21;
	v5 =	vld [tilespmem:s25+$0x250]  }
0x6d7: {  	v21 =	vld [tilespmem:s25+$0x2D0]  }
0x6d8: {  	[tilespmem:v22+s17+$0x0] =	vst.idx.add.f32.msk $0xffff, v30  }
0x6d9: {  	v22 =	vld [tilespmem:s25+$0x3D0];
	v0 =	vadd.s32 v18, v0  }
0x6da: {  	[tilespmem:v1+s17+$0x0] =	vst.idx.add.f32.msk $0xffff, v31;
	v1 =	vadd.s32 v18, v3  }
0x6db: {  	[tilespmem:v4+s17+$0x0] =	vst.idx.add.f32.msk $0xffff, v25;
	v3 =	vadd.s32 v18, v5  }
0x6dc: {  	v5 =	vadd.s32 v18, v21;
	v4 =	vld [tilespmem:s25+$0x60]  }
0x6dd: {  	v21 =	vld [tilespmem:s25+$0xE0]  }
0x6de: {  	v22 =	vadd.s32 v18, v22;
	[tilespmem:v0+s17+$0x0] =	vst.idx.add.f32.msk $0xffff, v26  }
0x6df: {  	[tilespmem:v1+s17+$0x0] =	vst.idx.add.f32.msk $0xffff, v27  }
0x6e0: {  	[tilespmem:v3+s17+$0x0] =	vst.idx.add.f32.msk $0xffff, v28  }
0x6e1: {  	[tilespmem:v5+s17+$0x0] =	vst.idx.add.f32.msk $0xffff, v29  }
0x6e2: {  	v1 =	vld [tilespmem:s25+$0x160]  }
0x6e3: {  	v0 =	vadd.s32 v20, v23;
	[tilespmem:v22+s17+$0x0] =	vst.idx.add.f32.msk $0xffff, v30  }
0x6e4: {  	v3 =	vadd.s32 v19, v4;
	v4 =	vld [tilespmem:s25+$0x1E0]  }
0x6e5: {  	v5 =	vadd.s32 v19, v21;
	v21 =	vld [tilespmem:s25+$0x260]  }
0x6e6: {  	v22 =	vld [tilespmem:s25+$0x2E0]  }
0x6e7: {  	v23 =	vld [tilespmem:s25+$0x3E0]  }
0x6e8: {  	[tilespmem:v0+s17+$0x0] =	vst.idx.add.f32.msk $0xffff, v32;
	v0 =	vadd.s32 v19, v1  }
0x6e9: {  	[tilespmem:v3+s17+$0x0] =	vst.idx.add.f32.msk $0xffff, v31;
	v1 =	vadd.s32 v19, v4  }
0x6ea: {  	[tilespmem:v5+s17+$0x0] =	vst.idx.add.f32.msk $0xffff, v25;
	v3 =	vadd.s32 v19, v21  }
0x6eb: {  	v5 =	vadd.s32 v19, v22;
	v4 =	vld [tilespmem:s25+$0x70]  }
0x6ec: {  	v21 =	vld [tilespmem:s25+$0xF0];
	v22 =	vadd.s32 v19, v23  }
0x6ed: {  	[tilespmem:v0+s17+$0x0] =	vst.idx.add.f32.msk $0xffff, v26  }
0x6ee: {  	[tilespmem:v1+s17+$0x0] =	vst.idx.add.f32.msk $0xffff, v27  }
0x6ef: {  	[tilespmem:v3+s17+$0x0] =	vst.idx.add.f32.msk $0xffff, v28  }
0x6f0: {  	[tilespmem:v5+s17+$0x0] =	vst.idx.add.f32.msk $0xffff, v29  }
0x6f1: {  	s26 =	simm.s32 $0x0;
	v1 =	vadd.s32 v20, v4;
	v0 =	vadd.s32 v20, v21;
	[tilespmem:v22+s17+$0x0] =	vst.idx.add.f32.msk $0xffff, v30  }
.LBB2_25:
0x6f2: {  	s0 =	sadd.s32 s26, s22;
	s26 =	sadd.s32 $0x8, s26;
	v3 =	vld [tilespmem:s25+$0x170]  }
0x6f3: {  	s1 =	sadd.s32 $0x8, s0;
	s2 =	sadd.s32 $0xE, s0;
	p0 =	slt.u32 s26, $0x38;
	v4 =	vld [tilespmem:s25+$0x1F0]  }
0x6f4: {  	s4 =	sadd.s32 $0xA, s0;
	s28 =	sadd.s32 $0xB, s0;
	v5 =	vmov s1;
	s1 =	sadd.s32 $0x9, s0;
	v21 =	vmov s2;
	v22 =	vld [tilespmem:s25+$0x270]  }
0x6f5: {  	v24 =	vmov s4;
	s2 =	sadd.s32 $0xD, s0;
	v23 =	vmov s1;
	s1 =	sadd.s32 $0xC, s0;
	v21 =	vand.u32 $0xFFFFFFFE, v21;
	s0 =	sadd.s32 $0xF, s0;
	v32 =	vld [tilespmem:s25+$0x2F0]  }
0x6f6: {  	v33 =	vmov s28;
	v34 =	vmov s1;
	v21 =	vbroadcast v21, $0x0;
	v35 =	vld [tilespmem:s25+$0x3F0]  }
0x6f7: {  	v5 =	vand.u32 $0xFFFFFFF8, v5;
	v36 =	vmov s2;
	v23 =	vand.u32 $0xFFFFFFF9, v23;
	s25 =	sadd.s32 $0x800, s25;
	[tilespmem:v1+s17+$0x0] =	vst.idx.add.f32.msk $0xffff, v31  }
0x6f8: {  	v1 =	vand.u32 $0xFFFFFFFA, v24;
	v24 =	vand.u32 $0xFFFFFFFB, v33;
	v31 =	vand.u32 $0xFFFFFFFC, v34;
	v33 =	vld [tilespmem:s25+$0xFFFFFF00]  }
0x6f9: {  	v5 =	vbroadcast v5, $0x0;
	v23 =	vbroadcast v23, $0x0;
	v34 =	vand.u32 $0xFFFFFFFD, v36;
	v37 =	vld [tilespmem:s25+$0xFFFFFC00]  }
0x6fa: {  	v43 =	vmov s0;
	v1 =	vbroadcast v1, $0x0;
	v24 =	vbroadcast v24, $0x0;
	v39 =	vld [tilespmem:s25+$0xFFFFFC80]  }
0x6fb: {  	v40 =	vadd.s32 v20, v3;
	v44 =	vbroadcast v31, $0x0;
	v45 =	vbroadcast v34, $0x0;
	v41 =	vld [tilespmem:s25+$0xFFFFFD00]  }
0x6fc: {  	v38 =	vadd.s32 v20, v4;
	v36 =	vadd.s32 v20, v22;
	v34 =	vadd.s32 v20, v32;
	v42 =	vld.idx.msk [tilespmem:v21+s16+$0x0], $0xffff  }
0x6fd: {  	v32 =	vadd.s32 v20, v35;
	v3 =	vld [tilespmem:s25+$0xFFFFFD80];
	v4 =	vadd.s32 v2, v33  }
0x6fe: {  	v21 =	vadd.s32 v2, v37;
	v22 =	vld [tilespmem:s25+$0xFFFFFE00]  }
0x6ff: {  	v46 =	vadd.s32 v2, v39;
	v33 =	vld [tilespmem:s25+$0xFFFFFE80]  }
0x700: {  	v47 =	vadd.s32 v2, v41;
	v35 =	vld [tilespmem:s25+$0xFFFFFF80]  }
0x701: {  	v31 =	vld.idx.msk [tilespmem:v5+s16+$0x0], $0xffff  }
0x702: {  	v3 =	vadd.s32 v2, v3;
	[tilespmem:v4+s17+$0x0] =	vst.idx.add.f32.msk $0xffff, v42  }
0x703: {  	v4 =	vadd.s32 v2, v22;
	v5 =	vld [tilespmem:s25+$0xFFFFFF10]  }
0x704: {  	v22 =	vld.idx.msk [tilespmem:v23+s16+$0x0], $0xffff;
	v23 =	vadd.s32 v2, v33  }
0x705: {  	v41 =	vld.idx.msk [tilespmem:v1+s16+$0x0], $0xffff;
	v1 =	vadd.s32 v2, v35  }
0x706: {  	v39 =	vld.idx.msk [tilespmem:v24+s16+$0x0], $0xffff  }
0x707: {  	v37 =	vld.idx.msk [tilespmem:v44+s16+$0x0], $0xffff  }
0x708: {  	v35 =	vld.idx.msk [tilespmem:v45+s16+$0x0], $0xffff;
	v5 =	vadd.s32 v6, v5  }
0x709: {  	v33 =	vld.idx.msk [tilespmem:v43+s16+$0x0], $0xffff  }
0x70a: {  	[tilespmem:v21+s17+$0x0] =	vst.idx.add.f32.msk $0xffff, v31  }
0x70b: {  	[tilespmem:v46+s17+$0x0] =	vst.idx.add.f32.msk $0xffff, v22  }
0x70c: {  	[tilespmem:v47+s17+$0x0] =	vst.idx.add.f32.msk $0xffff, v41  }
0x70d: {  	[tilespmem:v5+s17+$0x0] =	vst.idx.add.f32.msk $0xffff, v42  }
0x70e: {  	v5 =	vld [tilespmem:s25+$0xFFFFFF20]  }
0x70f: {  	[tilespmem:v3+s17+$0x0] =	vst.idx.add.f32.msk $0xffff, v39  }
0x710: {  	[tilespmem:v4+s17+$0x0] =	vst.idx.add.f32.msk $0xffff, v37  }
0x711: {  	[tilespmem:v23+s17+$0x0] =	vst.idx.add.f32.msk $0xffff, v35  }
0x712: {  	[tilespmem:v1+s17+$0x0] =	vst.idx.add.f32.msk $0xffff, v33  }
0x713: {  	v1 =	vld [tilespmem:s25+$0xFFFFFC10];
	v3 =	vadd.s32 v7, v5  }
0x714: {  	v4 =	vld [tilespmem:s25+$0xFFFFFC90]  }
0x715: {  	v5 =	vld [tilespmem:s25+$0xFFFFFD10]  }
0x716: {  	v21 =	vld [tilespmem:s25+$0xFFFFFD90]  }
0x717: {  	v23 =	vld [tilespmem:s25+$0xFFFFFE10]  }
0x718: {  	v1 =	vadd.s32 v6, v1;
	[tilespmem:v3+s17+$0x0] =	vst.idx.add.f32.msk $0xffff, v42  }
0x719: {  	v3 =	vadd.s32 v6, v4;
	v4 =	vld [tilespmem:s25+$0xFFFFFF30]  }
0x71a: {  	v5 =	vadd.s32 v6, v5;
	v24 =	vld [tilespmem:s25+$0xFFFFFE90]  }
0x71b: {  	v21 =	vadd.s32 v6, v21;
	v43 =	vld [tilespmem:s25+$0xFFFFFF90]  }
0x71c: {  	v23 =	vadd.s32 v6, v23;
	[tilespmem:v0+s17+$0x0] =	vst.idx.add.f32.msk $0xffff, v25;
	v25 =	vmov v22  }
0x71d: {  	[tilespmem:v1+s17+$0x0] =	vst.idx.add.f32.msk $0xffff, v31  }
0x71e: {  	[tilespmem:v3+s17+$0x0] =	vst.idx.add.f32.msk $0xffff, v25;
	v0 =	vadd.s32 v8, v4  }
0x71f: {  	[tilespmem:v5+s17+$0x0] =	vst.idx.add.f32.msk $0xffff, v41;
	v1 =	vadd.s32 v6, v24  }
0x720: {  	[tilespmem:v21+s17+$0x0] =	vst.idx.add.f32.msk $0xffff, v39;
	v3 =	vadd.s32 v6, v43  }
0x721: {  	[tilespmem:v23+s17+$0x0] =	vst.idx.add.f32.msk $0xffff, v37  }
0x722: {  	v4 =	vld [tilespmem:s25+$0xFFFFFC20]  }
0x723: {  	[tilespmem:v0+s17+$0x0] =	vst.idx.add.f32.msk $0xffff, v42  }
0x724: {  	v0 =	vld [tilespmem:s25+$0xFFFFFF40]  }
0x725: {  	[tilespmem:v1+s17+$0x0] =	vst.idx.add.f32.msk $0xffff, v35  }
0x726: {  	[tilespmem:v3+s17+$0x0] =	vst.idx.add.f32.msk $0xffff, v33  }
0x727: {  	v1 =	vadd.s32 v7, v4;
	v3 =	vld [tilespmem:s25+$0xFFFFFCA0]  }
0x728: {  	v4 =	vld [tilespmem:s25+$0xFFFFFD20]  }
0x729: {  	v5 =	vld [tilespmem:s25+$0xFFFFFDA0];
	v0 =	vadd.s32 v9, v0  }
0x72a: {  	v21 =	vld [tilespmem:s25+$0xFFFFFE20]  }
0x72b: {  	v22 =	vld [tilespmem:s25+$0xFFFFFEA0]  }
0x72c: {  	v3 =	vadd.s32 v7, v3;
	v23 =	vld [tilespmem:s25+$0xFFFFFFA0]  }
0x72d: {  	[tilespmem:v1+s17+$0x0] =	vst.idx.add.f32.msk $0xffff, v31;
	v1 =	vadd.s32 v7, v4  }
0x72e: {  	v4 =	vadd.s32 v7, v5;
	[tilespmem:v0+s17+$0x0] =	vst.idx.add.f32.msk $0xffff, v42  }
0x72f: {  	v0 =	vadd.s32 v7, v21;
	v5 =	vld [tilespmem:s25+$0xFFFFFF50]  }
0x730: {  	v21 =	vld [tilespmem:s25+$0xFFFFFC30];
	v22 =	vadd.s32 v7, v22  }
0x731: {  	[tilespmem:v3+s17+$0x0] =	vst.idx.add.f32.msk $0xffff, v25;
	v3 =	vadd.s32 v7, v23  }
0x732: {  	[tilespmem:v1+s17+$0x0] =	vst.idx.add.f32.msk $0xffff, v41  }
0x733: {  	[tilespmem:v4+s17+$0x0] =	vst.idx.add.f32.msk $0xffff, v39  }
0x734: {  	[tilespmem:v0+s17+$0x0] =	vst.idx.add.f32.msk $0xffff, v37;
	v0 =	vadd.s32 v10, v5  }
0x735: {  	v1 =	vadd.s32 v8, v21;
	[tilespmem:v22+s17+$0x0] =	vst.idx.add.f32.msk $0xffff, v35  }
0x736: {  	[tilespmem:v3+s17+$0x0] =	vst.idx.add.f32.msk $0xffff, v33  }
0x737: {  	v3 =	vld [tilespmem:s25+$0xFFFFFCB0]  }
0x738: {  	v4 =	vld [tilespmem:s25+$0xFFFFFD30]  }
0x739: {  	[tilespmem:v0+s17+$0x0] =	vst.idx.add.f32.msk $0xffff, v42  }
0x73a: {  	v0 =	vld [tilespmem:s25+$0xFFFFFF60]  }
0x73b: {  	v5 =	vld [tilespmem:s25+$0xFFFFFDB0]  }
0x73c: {  	v3 =	vadd.s32 v8, v3;
	v21 =	vld [tilespmem:s25+$0xFFFFFE30]  }
0x73d: {  	v4 =	vadd.s32 v8, v4;
	v22 =	vld [tilespmem:s25+$0xFFFFFEB0]  }
0x73e: {  	v23 =	vld [tilespmem:s25+$0xFFFFFFB0]  }
0x73f: {  	[tilespmem:v1+s17+$0x0] =	vst.idx.add.f32.msk $0xffff, v31;
	v0 =	vadd.s32 v11, v0  }
0x740: {  	v1 =	vld [tilespmem:s25+$0xFFFFFC40];
	v5 =	vadd.s32 v8, v5  }
0x741: {  	[tilespmem:v3+s17+$0x0] =	vst.idx.add.f32.msk $0xffff, v25;
	v3 =	vadd.s32 v8, v21  }
0x742: {  	[tilespmem:v4+s17+$0x0] =	vst.idx.add.f32.msk $0xffff, v41;
	v4 =	vadd.s32 v8, v22  }
0x743: {  	v21 =	vld [tilespmem:s25+$0xFFFFFCC0];
	v22 =	vadd.s32 v8, v23  }
0x744: {  	[tilespmem:v0+s17+$0x0] =	vst.idx.add.f32.msk $0xffff, v42  }
0x745: {  	v0 =	vadd.s32 v9, v1;
	v1 =	vld [tilespmem:s25+$0xFFFFFF70]  }
0x746: {  	[tilespmem:v5+s17+$0x0] =	vst.idx.add.f32.msk $0xffff, v39  }
0x747: {  	[tilespmem:v3+s17+$0x0] =	vst.idx.add.f32.msk $0xffff, v37  }
0x748: {  	v3 =	vadd.s32 v9, v21;
	[tilespmem:v4+s17+$0x0] =	vst.idx.add.f32.msk $0xffff, v35  }
0x749: {  	[tilespmem:v22+s17+$0x0] =	vst.idx.add.f32.msk $0xffff, v33  }
0x74a: {  	v4 =	vld [tilespmem:s25+$0xFFFFFD40];
	v1 =	vadd.s32 v12, v1  }
0x74b: {  	v5 =	vld [tilespmem:s25+$0xFFFFFDC0]  }
0x74c: {  	v21 =	vld [tilespmem:s25+$0xFFFFFE40]  }
0x74d: {  	v22 =	vld [tilespmem:s25+$0xFFFFFEC0]  }
0x74e: {  	v23 =	vld [tilespmem:s25+$0xFFFFFFC0]  }
0x74f: {  	v4 =	vadd.s32 v9, v4;
	[tilespmem:v1+s17+$0x0] =	vst.idx.add.f32.msk $0xffff, v42  }
0x750: {  	v1 =	vadd.s32 v9, v5;
	v5 =	vld [tilespmem:s25+$0x300]  }
0x751: {  	[tilespmem:v0+s17+$0x0] =	vst.idx.add.f32.msk $0xffff, v31;
	v0 =	vadd.s32 v9, v21  }
0x752: {  	[tilespmem:v3+s17+$0x0] =	vst.idx.add.f32.msk $0xffff, v25;
	v3 =	vadd.s32 v9, v22  }
0x753: {  	v21 =	vld [tilespmem:s25+$0xFFFFFC50];
	v22 =	vadd.s32 v9, v23  }
0x754: {  	[tilespmem:v4+s17+$0x0] =	vst.idx.add.f32.msk $0xffff, v41  }
0x755: {  	[tilespmem:v1+s17+$0x0] =	vst.idx.add.f32.msk $0xffff, v39;
	v1 =	vadd.s32 v13, v5  }
0x756: {  	[tilespmem:v0+s17+$0x0] =	vst.idx.add.f32.msk $0xffff, v37  }
0x757: {  	[tilespmem:v3+s17+$0x0] =	vst.idx.add.f32.msk $0xffff, v35  }
0x758: {  	v0 =	vadd.s32 v10, v21;
	[tilespmem:v22+s17+$0x0] =	vst.idx.add.f32.msk $0xffff, v33  }
0x759: {  	v3 =	vld [tilespmem:s25+$0xFFFFFCD0]  }
0x75a: {  	[tilespmem:v1+s17+$0x0] =	vst.idx.add.f32.msk $0xffff, v42  }
0x75b: {  	v1 =	vld [tilespmem:s25+$0x310]  }
0x75c: {  	v4 =	vld [tilespmem:s25+$0xFFFFFD50]  }
0x75d: {  	v5 =	vld [tilespmem:s25+$0xFFFFFDD0]  }
0x75e: {  	v3 =	vadd.s32 v10, v3;
	v21 =	vld [tilespmem:s25+$0xFFFFFE50]  }
0x75f: {  	v22 =	vld [tilespmem:s25+$0xFFFFFED0]  }
0x760: {  	v1 =	vadd.s32 v14, v1;
	v23 =	vld [tilespmem:s25+$0xFFFFFFD0]  }
0x761: {  	[tilespmem:v0+s17+$0x0] =	vst.idx.add.f32.msk $0xffff, v31;
	v0 =	vadd.s32 v10, v4  }
0x762: {  	v4 =	vld [tilespmem:s25+$0xFFFFFC60];
	v5 =	vadd.s32 v10, v5  }
0x763: {  	[tilespmem:v3+s17+$0x0] =	vst.idx.add.f32.msk $0xffff, v25;
	v3 =	vadd.s32 v10, v21  }
0x764: {  	v21 =	vld [tilespmem:s25+$0xFFFFFCE0];
	v22 =	vadd.s32 v10, v22  }
0x765: {  	[tilespmem:v1+s17+$0x0] =	vst.idx.add.f32.msk $0xffff, v42;
	v1 =	vadd.s32 v10, v23  }
0x766: {  	v23 =	vld [tilespmem:s25+$0x320]  }
0x767: {  	v4 =	vadd.s32 v11, v4;
	[tilespmem:v0+s17+$0x0] =	vst.idx.add.f32.msk $0xffff, v41  }
0x768: {  	[tilespmem:v5+s17+$0x0] =	vst.idx.add.f32.msk $0xffff, v39  }
0x769: {  	v0 =	vadd.s32 v11, v21;
	[tilespmem:v3+s17+$0x0] =	vst.idx.add.f32.msk $0xffff, v37  }
0x76a: {  	[tilespmem:v22+s17+$0x0] =	vst.idx.add.f32.msk $0xffff, v35  }
0x76b: {  	v3 =	vadd.s32 v15, v23;
	[tilespmem:v1+s17+$0x0] =	vst.idx.add.f32.msk $0xffff, v33  }
0x76c: {  	v1 =	vld [tilespmem:s25+$0xFFFFFD60]  }
0x76d: {  	v5 =	vld [tilespmem:s25+$0xFFFFFDE0]  }
0x76e: {  	v21 =	vld [tilespmem:s25+$0xFFFFFE60]  }
0x76f: {  	v22 =	vld [tilespmem:s25+$0xFFFFFEE0]  }
0x770: {  	[tilespmem:v3+s17+$0x0] =	vst.idx.add.f32.msk $0xffff, v42  }
0x771: {  	v1 =	vadd.s32 v11, v1;
	v3 =	vld [tilespmem:s25+$0x330]  }
0x772: {  	v5 =	vadd.s32 v11, v5;
	v23 =	vld [tilespmem:s25+$0xFFFFFFE0]  }
0x773: {  	[tilespmem:v4+s17+$0x0] =	vst.idx.add.f32.msk $0xffff, v31;
	v4 =	vadd.s32 v11, v21  }
0x774: {  	[tilespmem:v0+s17+$0x0] =	vst.idx.add.f32.msk $0xffff, v25;
	v0 =	vadd.s32 v11, v22  }
0x775: {  	v21 =	vld [tilespmem:s25+$0xFFFFFC70]  }
0x776: {  	[tilespmem:v1+s17+$0x0] =	vst.idx.add.f32.msk $0xffff, v41;
	v1 =	vadd.s32 v16, v3  }
0x777: {  	[tilespmem:v5+s17+$0x0] =	vst.idx.add.f32.msk $0xffff, v39;
	v3 =	vadd.s32 v11, v23  }
0x778: {  	[tilespmem:v4+s17+$0x0] =	vst.idx.add.f32.msk $0xffff, v37  }
0x779: {  	[tilespmem:v0+s17+$0x0] =	vst.idx.add.f32.msk $0xffff, v35  }
0x77a: {  	v0 =	vadd.s32 v12, v21;
	v4 =	vld [tilespmem:s25+$0xFFFFFCF0]  }
0x77b: {  	[tilespmem:v1+s17+$0x0] =	vst.idx.add.f32.msk $0xffff, v42  }
0x77c: {  	v1 =	vld [tilespmem:s25+$0x340]  }
0x77d: {  	[tilespmem:v3+s17+$0x0] =	vst.idx.add.f32.msk $0xffff, v33  }
0x77e: {  	v3 =	vld [tilespmem:s25+$0xFFFFFD70]  }
0x77f: {  	v4 =	vadd.s32 v12, v4;
	v5 =	vld [tilespmem:s25+$0xFFFFFDF0]  }
0x780: {  	v21 =	vld [tilespmem:s25+$0xFFFFFE70]  }
0x781: {  	v22 =	vld [tilespmem:s25+$0xFFFFFEF0];
	v1 =	vadd.s32 v17, v1  }
0x782: {  	v23 =	vld [tilespmem:s25+$0xFFFFFFF0]  }
0x783: {  	[tilespmem:v0+s17+$0x0] =	vst.idx.add.f32.msk $0xffff, v31;
	v0 =	vadd.s32 v12, v3  }
0x784: {  	[tilespmem:v4+s17+$0x0] =	vst.idx.add.f32.msk $0xffff, v25;
	v3 =	vadd.s32 v12, v5  }
0x785: {  	v4 =	vld [tilespmem:s25+$0x0];
	v5 =	vadd.s32 v12, v21  }
0x786: {  	v21 =	vadd.s32 v12, v22;
	[tilespmem:v1+s17+$0x0] =	vst.idx.add.f32.msk $0xffff, v42  }
0x787: {  	v1 =	vld [tilespmem:s25+$0x350];
	v22 =	vadd.s32 v12, v23  }
0x788: {  	[tilespmem:v0+s17+$0x0] =	vst.idx.add.f32.msk $0xffff, v41  }
0x789: {  	[tilespmem:v3+s17+$0x0] =	vst.idx.add.f32.msk $0xffff, v39  }
0x78a: {  	v0 =	vadd.s32 v13, v4;
	[tilespmem:v5+s17+$0x0] =	vst.idx.add.f32.msk $0xffff, v37  }
0x78b: {  	[tilespmem:v21+s17+$0x0] =	vst.idx.add.f32.msk $0xffff, v35  }
0x78c: {  	v1 =	vadd.s32 v18, v1;
	[tilespmem:v22+s17+$0x0] =	vst.idx.add.f32.msk $0xffff, v33  }
0x78d: {  	v3 =	vld [tilespmem:s25+$0x80]  }
0x78e: {  	v4 =	vld [tilespmem:s25+$0x100]  }
0x78f: {  	v5 =	vld [tilespmem:s25+$0x180]  }
0x790: {  	v21 =	vld [tilespmem:s25+$0x200]  }
0x791: {  	[tilespmem:v1+s17+$0x0] =	vst.idx.add.f32.msk $0xffff, v42  }
0x792: {  	v1 =	vadd.s32 v13, v3;
	v3 =	vld [tilespmem:s25+$0x360]  }
0x793: {  	v4 =	vadd.s32 v13, v4;
	v22 =	vld [tilespmem:s25+$0x280]  }
0x794: {  	v5 =	vadd.s32 v13, v5;
	v23 =	vld [tilespmem:s25+$0x380]  }
0x795: {  	[tilespmem:v0+s17+$0x0] =	vst.idx.add.f32.msk $0xffff, v31;
	v0 =	vadd.s32 v13, v21  }
0x796: {  	v21 =	vld [tilespmem:s25+$0x10]  }
0x797: {  	[tilespmem:v1+s17+$0x0] =	vst.idx.add.f32.msk $0xffff, v25;
	v1 =	vadd.s32 v19, v3  }
0x798: {  	[tilespmem:v4+s17+$0x0] =	vst.idx.add.f32.msk $0xffff, v41;
	v3 =	vadd.s32 v13, v22  }
0x799: {  	[tilespmem:v5+s17+$0x0] =	vst.idx.add.f32.msk $0xffff, v39;
	v4 =	vadd.s32 v13, v23  }
0x79a: {  	[tilespmem:v0+s17+$0x0] =	vst.idx.add.f32.msk $0xffff, v37  }
0x79b: {  	v0 =	vadd.s32 v14, v21;
	v5 =	vld [tilespmem:s25+$0x90]  }
0x79c: {  	[tilespmem:v1+s17+$0x0] =	vst.idx.add.f32.msk $0xffff, v42  }
0x79d: {  	v1 =	vld [tilespmem:s25+$0x370]  }
0x79e: {  	[tilespmem:v3+s17+$0x0] =	vst.idx.add.f32.msk $0xffff, v35  }
0x79f: {  	[tilespmem:v4+s17+$0x0] =	vst.idx.add.f32.msk $0xffff, v33  }
0x7a0: {  	v3 =	vadd.s32 v14, v5;
	v4 =	vld [tilespmem:s25+$0x110]  }
0x7a1: {  	v5 =	vld [tilespmem:s25+$0x190]  }
0x7a2: {  	v21 =	vld [tilespmem:s25+$0x210];
	v1 =	vadd.s32 v20, v1  }
0x7a3: {  	v22 =	vld [tilespmem:s25+$0x290]  }
0x7a4: {  	v23 =	vld [tilespmem:s25+$0x390]  }
0x7a5: {  	[tilespmem:v0+s17+$0x0] =	vst.idx.add.f32.msk $0xffff, v31;
	v0 =	vadd.s32 v14, v4  }
0x7a6: {  	[tilespmem:v3+s17+$0x0] =	vst.idx.add.f32.msk $0xffff, v25;
	v3 =	vadd.s32 v14, v5  }
0x7a7: {  	v4 =	vadd.s32 v14, v21;
	[tilespmem:v1+s17+$0x0] =	vst.idx.add.f32.msk $0xffff, v42  }
0x7a8: {  	v1 =	vld [tilespmem:s25+$0x20];
	v5 =	vadd.s32 v14, v22  }
0x7a9: {  	v21 =	vld [tilespmem:s25+$0xA0];
	v22 =	vadd.s32 v14, v23  }
0x7aa: {  	[tilespmem:v0+s17+$0x0] =	vst.idx.add.f32.msk $0xffff, v41  }
0x7ab: {  	[tilespmem:v3+s17+$0x0] =	vst.idx.add.f32.msk $0xffff, v39  }
0x7ac: {  	[tilespmem:v4+s17+$0x0] =	vst.idx.add.f32.msk $0xffff, v37  }
0x7ad: {  	v0 =	vadd.s32 v15, v1;
	[tilespmem:v5+s17+$0x0] =	vst.idx.add.f32.msk $0xffff, v35  }
0x7ae: {  	v1 =	vadd.s32 v15, v21;
	[tilespmem:v22+s17+$0x0] =	vst.idx.add.f32.msk $0xffff, v33  }
0x7af: {  	v3 =	vld [tilespmem:s25+$0x120]  }
0x7b0: {  	v4 =	vld [tilespmem:s25+$0x1A0]  }
0x7b1: {  	v5 =	vld [tilespmem:s25+$0x220]  }
0x7b2: {  	v21 =	vld [tilespmem:s25+$0x2A0]  }
0x7b3: {  	v22 =	vld [tilespmem:s25+$0x3A0]  }
0x7b4: {  	[tilespmem:v0+s17+$0x0] =	vst.idx.add.f32.msk $0xffff, v31;
	v0 =	vadd.s32 v15, v3  }
0x7b5: {  	[tilespmem:v1+s17+$0x0] =	vst.idx.add.f32.msk $0xffff, v25;
	v1 =	vadd.s32 v15, v4  }
0x7b6: {  	v3 =	vld [tilespmem:s25+$0x30];
	v4 =	vadd.s32 v15, v5  }
0x7b7: {  	v5 =	vld [tilespmem:s25+$0xB0];
	v21 =	vadd.s32 v15, v21  }
0x7b8: {  	v22 =	vadd.s32 v15, v22;
	[tilespmem:v40+s17+$0x0] =	vst.idx.add.f32.msk $0xffff, v26;
	v26 =	vmov v41  }
0x7b9: {  	[tilespmem:v0+s17+$0x0] =	vst.idx.add.f32.msk $0xffff, v26  }
0x7ba: {  	[tilespmem:v1+s17+$0x0] =	vst.idx.add.f32.msk $0xffff, v39  }
0x7bb: {  	v0 =	vadd.s32 v16, v3;
	[tilespmem:v4+s17+$0x0] =	vst.idx.add.f32.msk $0xffff, v37  }
0x7bc: {  	v1 =	vadd.s32 v16, v5;
	[tilespmem:v21+s17+$0x0] =	vst.idx.add.f32.msk $0xffff, v35  }
0x7bd: {  	[tilespmem:v22+s17+$0x0] =	vst.idx.add.f32.msk $0xffff, v33  }
0x7be: {  	v3 =	vld [tilespmem:s25+$0x130]  }
0x7bf: {  	v4 =	vld [tilespmem:s25+$0x1B0]  }
0x7c0: {  	v5 =	vld [tilespmem:s25+$0x230]  }
0x7c1: {  	v21 =	vld [tilespmem:s25+$0x2B0]  }
0x7c2: {  	v22 =	vld [tilespmem:s25+$0x3B0]  }
0x7c3: {  	[tilespmem:v0+s17+$0x0] =	vst.idx.add.f32.msk $0xffff, v31;
	v0 =	vadd.s32 v16, v3  }
0x7c4: {  	[tilespmem:v1+s17+$0x0] =	vst.idx.add.f32.msk $0xffff, v25;
	v1 =	vadd.s32 v16, v4  }
0x7c5: {  	v3 =	vld [tilespmem:s25+$0x40];
	v4 =	vadd.s32 v16, v5  }
0x7c6: {  	v5 =	vld [tilespmem:s25+$0xC0];
	v21 =	vadd.s32 v16, v21  }
0x7c7: {  	v22 =	vadd.s32 v16, v22;
	[tilespmem:v38+s17+$0x0] =	vst.idx.add.f32.msk $0xffff, v27;
	v27 =	vmov v39  }
0x7c8: {  	[tilespmem:v0+s17+$0x0] =	vst.idx.add.f32.msk $0xffff, v26  }
0x7c9: {  	[tilespmem:v1+s17+$0x0] =	vst.idx.add.f32.msk $0xffff, v27  }
0x7ca: {  	v0 =	vadd.s32 v17, v3;
	[tilespmem:v4+s17+$0x0] =	vst.idx.add.f32.msk $0xffff, v37  }
0x7cb: {  	v1 =	vadd.s32 v17, v5;
	[tilespmem:v21+s17+$0x0] =	vst.idx.add.f32.msk $0xffff, v35  }
0x7cc: {  	[tilespmem:v22+s17+$0x0] =	vst.idx.add.f32.msk $0xffff, v33  }
0x7cd: {  	v3 =	vld [tilespmem:s25+$0x140]  }
0x7ce: {  	v4 =	vld [tilespmem:s25+$0x1C0]  }
0x7cf: {  	v5 =	vld [tilespmem:s25+$0x240]  }
0x7d0: {  	v21 =	vld [tilespmem:s25+$0x2C0]  }
0x7d1: {  	v22 =	vld [tilespmem:s25+$0x3C0]  }
0x7d2: {  	[tilespmem:v0+s17+$0x0] =	vst.idx.add.f32.msk $0xffff, v31;
	v0 =	vadd.s32 v17, v3  }
0x7d3: {  	[tilespmem:v1+s17+$0x0] =	vst.idx.add.f32.msk $0xffff, v25;
	v1 =	vadd.s32 v17, v4  }
0x7d4: {  	v3 =	vld [tilespmem:s25+$0x50];
	v4 =	vadd.s32 v17, v5  }
0x7d5: {  	v5 =	vld [tilespmem:s25+$0xD0];
	v21 =	vadd.s32 v17, v21  }
0x7d6: {  	v22 =	vadd.s32 v17, v22;
	[tilespmem:v36+s17+$0x0] =	vst.idx.add.f32.msk $0xffff, v28;
	v28 =	vmov v37  }
0x7d7: {  	[tilespmem:v0+s17+$0x0] =	vst.idx.add.f32.msk $0xffff, v26  }
0x7d8: {  	[tilespmem:v1+s17+$0x0] =	vst.idx.add.f32.msk $0xffff, v27  }
0x7d9: {  	v0 =	vadd.s32 v18, v3;
	[tilespmem:v4+s17+$0x0] =	vst.idx.add.f32.msk $0xffff, v28  }
0x7da: {  	v1 =	vadd.s32 v18, v5;
	[tilespmem:v21+s17+$0x0] =	vst.idx.add.f32.msk $0xffff, v35  }
0x7db: {  	[tilespmem:v22+s17+$0x0] =	vst.idx.add.f32.msk $0xffff, v33  }
0x7dc: {  	v3 =	vld [tilespmem:s25+$0x150]  }
0x7dd: {  	v4 =	vld [tilespmem:s25+$0x1D0]  }
0x7de: {  	v5 =	vld [tilespmem:s25+$0x250]  }
0x7df: {  	v21 =	vld [tilespmem:s25+$0x2D0]  }
0x7e0: {  	v22 =	vld [tilespmem:s25+$0x3D0]  }
0x7e1: {  	[tilespmem:v0+s17+$0x0] =	vst.idx.add.f32.msk $0xffff, v31;
	v0 =	vadd.s32 v18, v3  }
0x7e2: {  	[tilespmem:v1+s17+$0x0] =	vst.idx.add.f32.msk $0xffff, v25;
	v1 =	vadd.s32 v18, v4  }
0x7e3: {  	v3 =	vld [tilespmem:s25+$0x60];
	v4 =	vadd.s32 v18, v5  }
0x7e4: {  	v5 =	vld [tilespmem:s25+$0xE0];
	v21 =	vadd.s32 v18, v21  }
0x7e5: {  	v22 =	vadd.s32 v18, v22;
	[tilespmem:v34+s17+$0x0] =	vst.idx.add.f32.msk $0xffff, v29;
	v29 =	vmov v35  }
0x7e6: {  	[tilespmem:v0+s17+$0x0] =	vst.idx.add.f32.msk $0xffff, v26  }
0x7e7: {  	[tilespmem:v1+s17+$0x0] =	vst.idx.add.f32.msk $0xffff, v27  }
0x7e8: {  	v0 =	vadd.s32 v19, v3;
	[tilespmem:v4+s17+$0x0] =	vst.idx.add.f32.msk $0xffff, v28  }
0x7e9: {  	v1 =	vadd.s32 v19, v5;
	[tilespmem:v21+s17+$0x0] =	vst.idx.add.f32.msk $0xffff, v29  }
0x7ea: {  	[tilespmem:v22+s17+$0x0] =	vst.idx.add.f32.msk $0xffff, v33  }
0x7eb: {  	v3 =	vld [tilespmem:s25+$0x160]  }
0x7ec: {  	v4 =	vld [tilespmem:s25+$0x1E0]  }
0x7ed: {  	v5 =	vld [tilespmem:s25+$0x260]  }
0x7ee: {  	v21 =	vld [tilespmem:s25+$0x2E0]  }
0x7ef: {  	v22 =	vld [tilespmem:s25+$0x3E0]  }
0x7f0: {  	[tilespmem:v0+s17+$0x0] =	vst.idx.add.f32.msk $0xffff, v31;
	v0 =	vadd.s32 v19, v3  }
0x7f1: {  	[tilespmem:v1+s17+$0x0] =	vst.idx.add.f32.msk $0xffff, v25;
	v1 =	vadd.s32 v19, v4  }
0x7f2: {  	v3 =	vld [tilespmem:s25+$0x70];
	v4 =	vadd.s32 v19, v5  }
0x7f3: {  	v5 =	vld [tilespmem:s25+$0xF0];
	v21 =	vadd.s32 v19, v21  }
0x7f4: {  	v22 =	vadd.s32 v19, v22;
	[tilespmem:v32+s17+$0x0] =	vst.idx.add.f32.msk $0xffff, v30;
	v30 =	vmov v33  }
.Ltmp19:
0x7f5: {  	[tilespmem:v0+s17+$0x0] =	vst.idx.add.f32.msk $0xffff, v26;
	(pc) =	sbr.rel @p0 .LBB2_25-.Ltmp19, $4  }
0x7f6: {  	[tilespmem:v1+s17+$0x0] =	vst.idx.add.f32.msk $0xffff, v27  }
0x7f7: {  	v1 =	vadd.s32 v20, v3;
	[tilespmem:v4+s17+$0x0] =	vst.idx.add.f32.msk $0xffff, v28  }
0x7f8: {  	v0 =	vadd.s32 v20, v5;
	[tilespmem:v21+s17+$0x0] =	vst.idx.add.f32.msk $0xffff, v29  }
0x7f9: {  	[tilespmem:v22+s17+$0x0] =	vst.idx.add.f32.msk $0xffff, v30  }
0x7fa: {  	v3 =	vld [tilespmem:s25+$0x170]  }
0x7fb: {  	v4 =	vld [tilespmem:s25+$0x1F0]  }
0x7fc: {  	v5 =	vld [tilespmem:s25+$0x270]  }
0x7fd: {  	v21 =	vld [tilespmem:s25+$0x2F0]  }
0x7fe: {  	v22 =	vld [tilespmem:s25+$0x3F0]  }
0x7ff: {  	v3 =	vadd.s32 v20, v3  }
0x800: {  	v4 =	vadd.s32 v20, v4  }
0x801: {  	v5 =	vadd.s32 v20, v5  }
0x802: {  	[tilespmem:v1+s17+$0x0] =	vst.idx.add.f32.msk $0xffff, v31;
	v1 =	vadd.s32 v20, v21  }
0x803: {  	[tilespmem:v0+s17+$0x0] =	vst.idx.add.f32.msk $0xffff, v25;
	p0 =	seq.s32 s24, $0x0;
	v21 =	vadd.s32 v20, v22  }
.Ltmp20:
0x804: {  	[tilespmem:v3+s17+$0x0] =	vst.idx.add.f32.msk $0xffff, v26;
	(pc) =	sbr.rel @p0 .LBB2_30-.Ltmp20, $4  }
0x805: {  	[tilespmem:v4+s17+$0x0] =	vst.idx.add.f32.msk $0xffff, v27  }
0x806: {  	[tilespmem:v5+s17+$0x0] =	vst.idx.add.f32.msk $0xffff, v28  }
0x807: {  	[tilespmem:v1+s17+$0x0] =	vst.idx.add.f32.msk $0xffff, v29  }
0x808: {  	[tilespmem:v21+s17+$0x0] =	vst.idx.add.f32.msk $0xffff, v30  }
.LBB2_27:
0x809: {  	s0 =	sadd.s32 $0xFFFFFFF8, s22  }
0x80a: {  	s1 =	sadd.s32 $0xE, s0  }
0x80b: {  	_ =	swait.ge [sflag:s15], $0x4000;
	v0 =	vmov s1  }
0x80c: {  	[sflag:s15] =	ssyncset.done $0x0;
	v0 =	vand.u32 $0xFFFFFFFE, v0  }
0x80d: {  	s24 =	simm.s32 $0x4800;
	[sflag:s15] =	ssyncadd.s32 $0xFFFFC000;
	v0 =	vbroadcast v0, $0x0  }
0x80e: {  	v1 =	vld [tilespmem:s24+$0x300];
	_ =	sdelay $0x1  }
0x80f: {  	v3 =	vld [tilespmem:s24+$0x0]  }
0x810: {  	s26 =	sadd.s32 $0x8, s0;
	v4 =	vld [tilespmem:s24+$0x80]  }
0x811: {  	s28 =	sadd.s32 $0x9, s0;
	v5 =	vmov s26;
	v21 =	vld [tilespmem:s24+$0x100]  }
0x812: {  	s29 =	sadd.s32 $0xB, s0;
	v22 =	vmov s28;
	v5 =	vand.u32 $0xFFFFFFF8, v5;
	v32 =	vld.idx.msk [tilespmem:v0+s16+$0x0], $0xffff;
	v0 =	vadd.s32 v2, v1  }
0x813: {  	s2 =	sadd.s32 $0xA, s0;
	v24 =	vmov s29;
	v22 =	vand.u32 $0xFFFFFFF9, v22;
	v23 =	vld [tilespmem:s24+$0x180];
	v5 =	vbroadcast v5, $0x0  }
0x814: {  	s30 =	sadd.s32 $0xC, s0;
	v33 =	vld [tilespmem:s24+$0x200];
	v24 =	vand.u32 $0xFFFFFFFB, v24;
	v22 =	vbroadcast v22, $0x0;
	v1 =	vmov s2  }
0x815: {  	v25 =	vmov s30;
	v34 =	vld [tilespmem:s24+$0x280];
	v24 =	vbroadcast v24, $0x0;
	v1 =	vand.u32 $0xFFFFFFFA, v1  }
0x816: {  	v25 =	vand.u32 $0xFFFFFFFC, v25;
	v35 =	vld [tilespmem:s24+$0x380];
	v1 =	vbroadcast v1, $0x0  }
0x817: {  	s31 =	sadd.s32 $0xD, s0;
	v28 =	vbroadcast v25, $0x0;
	[tilespmem:v0+s17+$0x0] =	vst.idx.add.f32.msk $0xffff, v32  }
0x818: {  	s0 =	sadd.s32 $0xF, s0;
	v26 =	vmov s31;
	v29 =	vld [tilespmem:s24+$0x310]  }
0x819: {  	v26 =	vand.u32 $0xFFFFFFFD, v26;
	v31 =	vld.idx.msk [tilespmem:v5+s16+$0x0], $0xffff;
	v5 =	vmov s0  }
0x81a: {  	v3 =	vadd.s32 v2, v3;
	v25 =	vld.idx.msk [tilespmem:v22+s16+$0x0], $0xffff;
	v0 =	vbroadcast v26, $0x0  }
0x81b: {  	v27 =	vld.idx.msk [tilespmem:v24+s16+$0x0], $0xffff  }
0x81c: {  	v26 =	vld.idx.msk [tilespmem:v1+s16+$0x0], $0xffff;
	v1 =	vadd.s32 v2, v4  }
0x81d: {  	v28 =	vld.idx.msk [tilespmem:v28+s16+$0x0], $0xffff;
	v4 =	vadd.s32 v6, v29  }
0x81e: {  	v30 =	vld.idx.msk [tilespmem:v5+s16+$0x0], $0xffff  }
0x81f: {  	v5 =	vadd.s32 v2, v23;
	[tilespmem:v3+s17+$0x0] =	vst.idx.add.f32.msk $0xffff, v31  }
0x820: {  	v3 =	vadd.s32 v2, v33;
	v29 =	vld.idx.msk [tilespmem:v0+s16+$0x0], $0xffff  }
0x821: {  	[tilespmem:v1+s17+$0x0] =	vst.idx.add.f32.msk $0xffff, v25  }
0x822: {  	[tilespmem:v4+s17+$0x0] =	vst.idx.add.f32.msk $0xffff, v32  }
0x823: {  	v1 =	vadd.s32 v2, v34;
	v4 =	vld [tilespmem:s24+$0x320]  }
0x824: {  	[tilespmem:v5+s17+$0x0] =	vst.idx.add.f32.msk $0xffff, v27;
	v0 =	vadd.s32 v2, v21  }
0x825: {  	[tilespmem:v3+s17+$0x0] =	vst.idx.add.f32.msk $0xffff, v28  }
0x826: {  	v21 =	vld [tilespmem:s24+$0x190]  }
0x827: {  	v3 =	vld [tilespmem:s24+$0x90]  }
0x828: {  	[tilespmem:v1+s17+$0x0] =	vst.idx.add.f32.msk $0xffff, v29;
	v1 =	vadd.s32 v7, v4  }
0x829: {  	[tilespmem:v0+s17+$0x0] =	vst.idx.add.f32.msk $0xffff, v26;
	v4 =	vadd.s32 v2, v35  }
0x82a: {  	v5 =	vld [tilespmem:s24+$0x110]  }
0x82b: {  	v0 =	vld [tilespmem:s24+$0x10];
	_ =	sdelay $0x1  }
0x82c: {  	[tilespmem:v1+s17+$0x0] =	vst.idx.add.f32.msk $0xffff, v32  }
0x82d: {  	v21 =	vadd.s32 v6, v21;
	[tilespmem:v4+s17+$0x0] =	vst.idx.add.f32.msk $0xffff, v30  }
0x82e: {  	v1 =	vadd.s32 v6, v3;
	v4 =	vadd.s32 v6, v5;
	v5 =	vld [tilespmem:s24+$0x290]  }
0x82f: {  	v0 =	vadd.s32 v6, v0;
	v3 =	vld [tilespmem:s24+$0x330]  }
0x830: {  	v23 =	vld [tilespmem:s24+$0x390]  }
0x831: {  	v22 =	vld [tilespmem:s24+$0x210]  }
0x832: {  	[tilespmem:v21+s17+$0x0] =	vst.idx.add.f32.msk $0xffff, v27  }
0x833: {  	[tilespmem:v1+s17+$0x0] =	vst.idx.add.f32.msk $0xffff, v25;
	v1 =	vadd.s32 v6, v5  }
0x834: {  	[tilespmem:v0+s17+$0x0] =	vst.idx.add.f32.msk $0xffff, v31  }
0x835: {  	[tilespmem:v4+s17+$0x0] =	vst.idx.add.f32.msk $0xffff, v26;
	v0 =	vadd.s32 v8, v3;
	v3 =	vadd.s32 v6, v23  }
0x836: {  	v4 =	vld [tilespmem:s24+$0x20]  }
0x837: {  	v5 =	vld [tilespmem:s24+$0x1A0]  }
0x838: {  	[tilespmem:v1+s17+$0x0] =	vst.idx.add.f32.msk $0xffff, v29  }
0x839: {  	v22 =	vadd.s32 v6, v22;
	v1 =	vld [tilespmem:s24+$0xA0]  }
0x83a: {  	[tilespmem:v3+s17+$0x0] =	vst.idx.add.f32.msk $0xffff, v30  }
0x83b: {  	v3 =	vadd.s32 v7, v4;
	v4 =	vld [tilespmem:s24+$0x120]  }
0x83c: {  	[tilespmem:v0+s17+$0x0] =	vst.idx.add.f32.msk $0xffff, v32  }
0x83d: {  	v0 =	vld [tilespmem:s24+$0x340]  }
0x83e: {  	[tilespmem:v22+s17+$0x0] =	vst.idx.add.f32.msk $0xffff, v28  }
0x83f: {  	v22 =	vld [tilespmem:s24+$0x2A0];
	v1 =	vadd.s32 v7, v1  }
0x840: {  	[tilespmem:v3+s17+$0x0] =	vst.idx.add.f32.msk $0xffff, v31;
	v3 =	vadd.s32 v7, v4  }
0x841: {  	v4 =	vadd.s32 v7, v5  }
0x842: {  	v23 =	vld [tilespmem:s24+$0x3A0];
	v0 =	vadd.s32 v9, v0  }
0x843: {  	v21 =	vld [tilespmem:s24+$0x220]  }
0x844: {  	[tilespmem:v1+s17+$0x0] =	vst.idx.add.f32.msk $0xffff, v25  }
0x845: {  	v22 =	vadd.s32 v7, v22;
	[tilespmem:v3+s17+$0x0] =	vst.idx.add.f32.msk $0xffff, v26  }
0x846: {  	[tilespmem:v4+s17+$0x0] =	vst.idx.add.f32.msk $0xffff, v27  }
0x847: {  	v1 =	vadd.s32 v7, v23;
	[tilespmem:v0+s17+$0x0] =	vst.idx.add.f32.msk $0xffff, v32  }
0x848: {  	v3 =	vld [tilespmem:s24+$0x130]  }
0x849: {  	v0 =	vadd.s32 v7, v21;
	v5 =	vld [tilespmem:s24+$0x350]  }
0x84a: {  	[tilespmem:v22+s17+$0x0] =	vst.idx.add.f32.msk $0xffff, v29  }
0x84b: {  	v22 =	vld [tilespmem:s24+$0x2B0]  }
0x84c: {  	[tilespmem:v1+s17+$0x0] =	vst.idx.add.f32.msk $0xffff, v30  }
0x84d: {  	v1 =	vld [tilespmem:s24+$0xB0];
	v3 =	vadd.s32 v8, v3  }
0x84e: {  	[tilespmem:v0+s17+$0x0] =	vst.idx.add.f32.msk $0xffff, v28;
	v0 =	vadd.s32 v10, v5  }
0x84f: {  	v21 =	vld [tilespmem:s24+$0x30]  }
0x850: {  	v23 =	vld [tilespmem:s24+$0x3B0]  }
0x851: {  	v5 =	vld [tilespmem:s24+$0x1B0]  }
0x852: {  	v1 =	vadd.s32 v8, v1;
	[tilespmem:v3+s17+$0x0] =	vst.idx.add.f32.msk $0xffff, v26  }
0x853: {  	v3 =	vadd.s32 v8, v22;
	[tilespmem:v0+s17+$0x0] =	vst.idx.add.f32.msk $0xffff, v32  }
0x854: {  	v0 =	vadd.s32 v8, v21;
	v4 =	vld [tilespmem:s24+$0x360]  }
0x855: {  	v22 =	vadd.s32 v8, v23  }
0x856: {  	v21 =	vld [tilespmem:s24+$0x230]  }
0x857: {  	v5 =	vadd.s32 v8, v5;
	[tilespmem:v1+s17+$0x0] =	vst.idx.add.f32.msk $0xffff, v25  }
0x858: {  	[tilespmem:v3+s17+$0x0] =	vst.idx.add.f32.msk $0xffff, v29  }
0x859: {  	[tilespmem:v0+s17+$0x0] =	vst.idx.add.f32.msk $0xffff, v31;
	v0 =	vadd.s32 v11, v4  }
0x85a: {  	[tilespmem:v22+s17+$0x0] =	vst.idx.add.f32.msk $0xffff, v30  }
0x85b: {  	v1 =	vadd.s32 v8, v21;
	v21 =	vld [tilespmem:s24+$0xC0]  }
0x85c: {  	[tilespmem:v5+s17+$0x0] =	vst.idx.add.f32.msk $0xffff, v27  }
0x85d: {  	v4 =	vld [tilespmem:s24+$0x40]  }
0x85e: {  	[tilespmem:v0+s17+$0x0] =	vst.idx.add.f32.msk $0xffff, v32  }
0x85f: {  	v0 =	vld [tilespmem:s24+$0x370]  }
0x860: {  	[tilespmem:v1+s17+$0x0] =	vst.idx.add.f32.msk $0xffff, v28  }
0x861: {  	v1 =	vld [tilespmem:s24+$0x140];
	v21 =	vadd.s32 v9, v21  }
0x862: {  	v22 =	vld [tilespmem:s24+$0x2C0];
	v4 =	vadd.s32 v9, v4  }
0x863: {  	v5 =	vld [tilespmem:s24+$0x240]  }
0x864: {  	v23 =	vld [tilespmem:s24+$0x3C0];
	v0 =	vadd.s32 v12, v0  }
0x865: {  	v3 =	vld [tilespmem:s24+$0x1C0]  }
0x866: {  	v1 =	vadd.s32 v9, v1;
	[tilespmem:v21+s17+$0x0] =	vst.idx.add.f32.msk $0xffff, v25  }
0x867: {  	[tilespmem:v4+s17+$0x0] =	vst.idx.add.f32.msk $0xffff, v31  }
0x868: {  	v4 =	vadd.s32 v9, v5;
	v5 =	vadd.s32 v9, v22;
	v21 =	vld [tilespmem:s24+$0x50]  }
0x869: {  	v22 =	vadd.s32 v9, v23;
	[tilespmem:v0+s17+$0x0] =	vst.idx.add.f32.msk $0xffff, v32  }
0x86a: {  	v0 =	vadd.s32 v9, v3;
	v3 =	vld [tilespmem:s24+$0x700]  }
0x86b: {  	[tilespmem:v1+s17+$0x0] =	vst.idx.add.f32.msk $0xffff, v26  }
0x86c: {  	v1 =	vld [tilespmem:s24+$0xD0]  }
0x86d: {  	[tilespmem:v5+s17+$0x0] =	vst.idx.add.f32.msk $0xffff, v29  }
0x86e: {  	[tilespmem:v22+s17+$0x0] =	vst.idx.add.f32.msk $0xffff, v30  }
0x86f: {  	[tilespmem:v0+s17+$0x0] =	vst.idx.add.f32.msk $0xffff, v27;
	v0 =	vadd.s32 v13, v3  }
0x870: {  	v22 =	vld [tilespmem:s24+$0x2D0]  }
0x871: {  	[tilespmem:v4+s17+$0x0] =	vst.idx.add.f32.msk $0xffff, v28  }
0x872: {  	v4 =	vld [tilespmem:s24+$0x150]  }
0x873: {  	v3 =	vadd.s32 v10, v21;
	v5 =	vld [tilespmem:s24+$0x1D0]  }
0x874: {  	v1 =	vadd.s32 v10, v1;
	[tilespmem:v0+s17+$0x0] =	vst.idx.add.f32.msk $0xffff, v32  }
0x875: {  	v22 =	vadd.s32 v10, v22;
	v0 =	vld [tilespmem:s24+$0x710]  }
0x876: {  	v21 =	vld [tilespmem:s24+$0x250]  }
0x877: {  	v23 =	vld [tilespmem:s24+$0x3D0]  }
0x878: {  	[tilespmem:v3+s17+$0x0] =	vst.idx.add.f32.msk $0xffff, v31;
	v3 =	vadd.s32 v10, v4  }
0x879: {  	[tilespmem:v1+s17+$0x0] =	vst.idx.add.f32.msk $0xffff, v25;
	v5 =	vadd.s32 v10, v5  }
0x87a: {  	[tilespmem:v22+s17+$0x0] =	vst.idx.add.f32.msk $0xffff, v29;
	v0 =	vadd.s32 v14, v0  }
0x87b: {  	v1 =	vadd.s32 v10, v21;
	v21 =	vld [tilespmem:s24+$0xE0]  }
0x87c: {  	v4 =	vld [tilespmem:s24+$0x60]  }
0x87d: {  	[tilespmem:v3+s17+$0x0] =	vst.idx.add.f32.msk $0xffff, v26  }
0x87e: {  	[tilespmem:v5+s17+$0x0] =	vst.idx.add.f32.msk $0xffff, v27  }
0x87f: {  	[tilespmem:v0+s17+$0x0] =	vst.idx.add.f32.msk $0xffff, v32  }
0x880: {  	v0 =	vadd.s32 v10, v23;
	v23 =	vld [tilespmem:s24+$0x720]  }
0x881: {  	[tilespmem:v1+s17+$0x0] =	vst.idx.add.f32.msk $0xffff, v28  }
0x882: {  	v21 =	vadd.s32 v11, v21;
	v3 =	vld [tilespmem:s24+$0x1E0]  }
0x883: {  	v4 =	vadd.s32 v11, v4;
	v5 =	vld [tilespmem:s24+$0x260]  }
0x884: {  	v22 =	vld [tilespmem:s24+$0x2E0]  }
0x885: {  	[tilespmem:v0+s17+$0x0] =	vst.idx.add.f32.msk $0xffff, v30;
	v1 =	vadd.s32 v15, v23  }
0x886: {  	v0 =	vld [tilespmem:s24+$0x160]  }
0x887: {  	[tilespmem:v21+s17+$0x0] =	vst.idx.add.f32.msk $0xffff, v25;
	v3 =	vadd.s32 v11, v3  }
0x888: {  	[tilespmem:v4+s17+$0x0] =	vst.idx.add.f32.msk $0xffff, v31;
	v4 =	vadd.s32 v11, v5  }
0x889: {  	v5 =	vadd.s32 v11, v22;
	v21 =	vld [tilespmem:s24+$0x70]  }
0x88a: {  	[tilespmem:v1+s17+$0x0] =	vst.idx.add.f32.msk $0xffff, v32  }
0x88b: {  	v0 =	vadd.s32 v11, v0;
	v1 =	vld [tilespmem:s24+$0x730]  }
0x88c: {  	[tilespmem:v3+s17+$0x0] =	vst.idx.add.f32.msk $0xffff, v27  }
0x88d: {  	[tilespmem:v4+s17+$0x0] =	vst.idx.add.f32.msk $0xffff, v28  }
0x88e: {  	[tilespmem:v5+s17+$0x0] =	vst.idx.add.f32.msk $0xffff, v29  }
0x88f: {  	v23 =	vld [tilespmem:s24+$0x3E0]  }
0x890: {  	[tilespmem:v0+s17+$0x0] =	vst.idx.add.f32.msk $0xffff, v26;
	v0 =	vadd.s32 v16, v1  }
0x891: {  	v1 =	vld [tilespmem:s24+$0xF0]  }
0x892: {  	v4 =	vld [tilespmem:s24+$0x1F0];
	v5 =	vadd.s32 v12, v21  }
0x893: {  	v21 =	vld [tilespmem:s24+$0x270]  }
0x894: {  	v22 =	vld [tilespmem:s24+$0x2F0]  }
0x895: {  	[tilespmem:v0+s17+$0x0] =	vst.idx.add.f32.msk $0xffff, v32;
	v0 =	vadd.s32 v11, v23  }
0x896: {  	v3 =	vld [tilespmem:s24+$0x170];
	v1 =	vadd.s32 v12, v1  }
0x897: {  	[tilespmem:v5+s17+$0x0] =	vst.idx.add.f32.msk $0xffff, v31  }
0x898: {  	v4 =	vadd.s32 v12, v4;
	v5 =	vadd.s32 v12, v21;
	v21 =	vld [tilespmem:s24+$0x400]  }
0x899: {  	v23 =	vld [tilespmem:s24+$0x740]  }
0x89a: {  	[tilespmem:v0+s17+$0x0] =	vst.idx.add.f32.msk $0xffff, v30  }
0x89b: {  	v0 =	vadd.s32 v12, v3;
	[tilespmem:v1+s17+$0x0] =	vst.idx.add.f32.msk $0xffff, v25  }
0x89c: {  	v1 =	vadd.s32 v12, v22;
	v3 =	vld [tilespmem:s24+$0x3F0]  }
0x89d: {  	[tilespmem:v4+s17+$0x0] =	vst.idx.add.f32.msk $0xffff, v27  }
0x89e: {  	[tilespmem:v5+s17+$0x0] =	vst.idx.add.f32.msk $0xffff, v28  }
0x89f: {  	v5 =	vld [tilespmem:s24+$0x580]  }
0x8a0: {  	v4 =	vadd.s32 v17, v23;
	[tilespmem:v0+s17+$0x0] =	vst.idx.add.f32.msk $0xffff, v26  }
0x8a1: {  	[tilespmem:v1+s17+$0x0] =	vst.idx.add.f32.msk $0xffff, v29;
	v0 =	vadd.s32 v12, v3  }
0x8a2: {  	v1 =	vld [tilespmem:s24+$0x480]  }
0x8a3: {  	v21 =	vadd.s32 v13, v21;
	v22 =	vld [tilespmem:s24+$0x600]  }
0x8a4: {  	v3 =	vld [tilespmem:s24+$0x500]  }
0x8a5: {  	[tilespmem:v4+s17+$0x0] =	vst.idx.add.f32.msk $0xffff, v32  }
0x8a6: {  	v4 =	vadd.s32 v13, v5;
	[tilespmem:v0+s17+$0x0] =	vst.idx.add.f32.msk $0xffff, v30  }
0x8a7: {  	v0 =	vadd.s32 v13, v1;
	v1 =	vld [tilespmem:s24+$0x680]  }
0x8a8: {  	[tilespmem:v21+s17+$0x0] =	vst.idx.add.f32.msk $0xffff, v31;
	v5 =	vadd.s32 v13, v22  }
0x8a9: {  	v3 =	vadd.s32 v13, v3;
	v23 =	vld [tilespmem:s24+$0x780]  }
0x8aa: {  	v21 =	vld [tilespmem:s24+$0x410]  }
0x8ab: {  	[tilespmem:v4+s17+$0x0] =	vst.idx.add.f32.msk $0xffff, v27  }
0x8ac: {  	[tilespmem:v0+s17+$0x0] =	vst.idx.add.f32.msk $0xffff, v25;
	v0 =	vadd.s32 v13, v1  }
0x8ad: {  	[tilespmem:v5+s17+$0x0] =	vst.idx.add.f32.msk $0xffff, v28  }
0x8ae: {  	[tilespmem:v3+s17+$0x0] =	vst.idx.add.f32.msk $0xffff, v26;
	v1 =	vadd.s32 v13, v23  }
0x8af: {  	v3 =	vld [tilespmem:s24+$0x490]  }
0x8b0: {  	v4 =	vld [tilespmem:s24+$0x590]  }
0x8b1: {  	[tilespmem:v0+s17+$0x0] =	vst.idx.add.f32.msk $0xffff, v29  }
0x8b2: {  	v0 =	vld [tilespmem:s24+$0x510]  }
0x8b3: {  	[tilespmem:v1+s17+$0x0] =	vst.idx.add.f32.msk $0xffff, v30;
	v1 =	vadd.s32 v14, v21  }
0x8b4: {  	v5 =	vld [tilespmem:s24+$0x610];
	v3 =	vadd.s32 v14, v3  }
0x8b5: {  	v21 =	vld [tilespmem:s24+$0x690]  }
0x8b6: {  	v23 =	vld [tilespmem:s24+$0x750]  }
0x8b7: {  	v22 =	vld [tilespmem:s24+$0x790];
	v0 =	vadd.s32 v14, v0  }
0x8b8: {  	[tilespmem:v1+s17+$0x0] =	vst.idx.add.f32.msk $0xffff, v31;
	v1 =	vadd.s32 v14, v4  }
0x8b9: {  	[tilespmem:v3+s17+$0x0] =	vst.idx.add.f32.msk $0xffff, v25;
	v3 =	vadd.s32 v14, v5  }
0x8ba: {  	v5 =	vadd.s32 v14, v21;
	v4 =	vld [tilespmem:s24+$0x420]  }
0x8bb: {  	v21 =	vld [tilespmem:s24+$0x4A0]  }
0x8bc: {  	v22 =	vadd.s32 v14, v22;
	[tilespmem:v0+s17+$0x0] =	vst.idx.add.f32.msk $0xffff, v26  }
0x8bd: {  	[tilespmem:v1+s17+$0x0] =	vst.idx.add.f32.msk $0xffff, v27  }
0x8be: {  	[tilespmem:v3+s17+$0x0] =	vst.idx.add.f32.msk $0xffff, v28  }
0x8bf: {  	[tilespmem:v5+s17+$0x0] =	vst.idx.add.f32.msk $0xffff, v29  }
0x8c0: {  	v1 =	vld [tilespmem:s24+$0x520]  }
0x8c1: {  	v0 =	vadd.s32 v18, v23;
	[tilespmem:v22+s17+$0x0] =	vst.idx.add.f32.msk $0xffff, v30  }
0x8c2: {  	v3 =	vadd.s32 v15, v4;
	v4 =	vld [tilespmem:s24+$0x5A0]  }
0x8c3: {  	v5 =	vadd.s32 v15, v21;
	v21 =	vld [tilespmem:s24+$0x620]  }
0x8c4: {  	v22 =	vld [tilespmem:s24+$0x6A0]  }
0x8c5: {  	v23 =	vld [tilespmem:s24+$0x7A0]  }
0x8c6: {  	[tilespmem:v0+s17+$0x0] =	vst.idx.add.f32.msk $0xffff, v32  }
0x8c7: {  	v0 =	vadd.s32 v15, v1;
	[tilespmem:v3+s17+$0x0] =	vst.idx.add.f32.msk $0xffff, v31  }
0x8c8: {  	v1 =	vadd.s32 v15, v4;
	[tilespmem:v5+s17+$0x0] =	vst.idx.add.f32.msk $0xffff, v25  }
0x8c9: {  	v3 =	vadd.s32 v15, v21;
	v4 =	vld [tilespmem:s24+$0x430]  }
0x8ca: {  	v5 =	vadd.s32 v15, v22;
	v21 =	vld [tilespmem:s24+$0x4B0]  }
0x8cb: {  	v22 =	vadd.s32 v15, v23;
	v23 =	vld [tilespmem:s24+$0x760]  }
0x8cc: {  	[tilespmem:v0+s17+$0x0] =	vst.idx.add.f32.msk $0xffff, v26  }
0x8cd: {  	[tilespmem:v1+s17+$0x0] =	vst.idx.add.f32.msk $0xffff, v27  }
0x8ce: {  	[tilespmem:v3+s17+$0x0] =	vst.idx.add.f32.msk $0xffff, v28  }
0x8cf: {  	[tilespmem:v5+s17+$0x0] =	vst.idx.add.f32.msk $0xffff, v29  }
0x8d0: {  	v0 =	vld [tilespmem:s24+$0x530]  }
0x8d1: {  	v1 =	vadd.s32 v16, v4;
	v3 =	vld [tilespmem:s24+$0x5B0]  }
0x8d2: {  	v4 =	vadd.s32 v16, v21;
	v5 =	vld [tilespmem:s24+$0x630]  }
0x8d3: {  	v21 =	vld [tilespmem:s24+$0x6B0]  }
0x8d4: {  	[tilespmem:v22+s17+$0x0] =	vst.idx.add.f32.msk $0xffff, v30  }
0x8d5: {  	v22 =	vld [tilespmem:s24+$0x7B0];
	v0 =	vadd.s32 v16, v0  }
0x8d6: {  	[tilespmem:v1+s17+$0x0] =	vst.idx.add.f32.msk $0xffff, v31;
	v1 =	vadd.s32 v16, v3  }
0x8d7: {  	[tilespmem:v4+s17+$0x0] =	vst.idx.add.f32.msk $0xffff, v25;
	v3 =	vadd.s32 v16, v5  }
0x8d8: {  	v5 =	vadd.s32 v16, v21;
	v4 =	vld [tilespmem:s24+$0x440]  }
0x8d9: {  	v21 =	vld [tilespmem:s24+$0x4C0]  }
0x8da: {  	v22 =	vadd.s32 v16, v22;
	[tilespmem:v0+s17+$0x0] =	vst.idx.add.f32.msk $0xffff, v26  }
0x8db: {  	[tilespmem:v1+s17+$0x0] =	vst.idx.add.f32.msk $0xffff, v27  }
0x8dc: {  	[tilespmem:v3+s17+$0x0] =	vst.idx.add.f32.msk $0xffff, v28  }
0x8dd: {  	[tilespmem:v5+s17+$0x0] =	vst.idx.add.f32.msk $0xffff, v29  }
0x8de: {  	v1 =	vld [tilespmem:s24+$0x540]  }
0x8df: {  	v0 =	vadd.s32 v19, v23;
	[tilespmem:v22+s17+$0x0] =	vst.idx.add.f32.msk $0xffff, v30  }
0x8e0: {  	v3 =	vadd.s32 v17, v4;
	v4 =	vld [tilespmem:s24+$0x5C0]  }
0x8e1: {  	v5 =	vadd.s32 v17, v21;
	v21 =	vld [tilespmem:s24+$0x640]  }
0x8e2: {  	v22 =	vld [tilespmem:s24+$0x6C0]  }
0x8e3: {  	v23 =	vld [tilespmem:s24+$0x7C0]  }
0x8e4: {  	[tilespmem:v0+s17+$0x0] =	vst.idx.add.f32.msk $0xffff, v32  }
0x8e5: {  	v0 =	vadd.s32 v17, v1;
	[tilespmem:v3+s17+$0x0] =	vst.idx.add.f32.msk $0xffff, v31  }
0x8e6: {  	v1 =	vadd.s32 v17, v4;
	[tilespmem:v5+s17+$0x0] =	vst.idx.add.f32.msk $0xffff, v25  }
0x8e7: {  	v3 =	vadd.s32 v17, v21;
	v4 =	vld [tilespmem:s24+$0x450]  }
0x8e8: {  	v5 =	vadd.s32 v17, v22;
	v21 =	vld [tilespmem:s24+$0x4D0]  }
0x8e9: {  	v22 =	vadd.s32 v17, v23;
	v23 =	vld [tilespmem:s24+$0x770]  }
0x8ea: {  	[tilespmem:v0+s17+$0x0] =	vst.idx.add.f32.msk $0xffff, v26  }
0x8eb: {  	[tilespmem:v1+s17+$0x0] =	vst.idx.add.f32.msk $0xffff, v27  }
0x8ec: {  	[tilespmem:v3+s17+$0x0] =	vst.idx.add.f32.msk $0xffff, v28  }
0x8ed: {  	[tilespmem:v5+s17+$0x0] =	vst.idx.add.f32.msk $0xffff, v29  }
0x8ee: {  	v0 =	vld [tilespmem:s24+$0x550]  }
0x8ef: {  	v1 =	vadd.s32 v18, v4;
	v3 =	vld [tilespmem:s24+$0x5D0]  }
0x8f0: {  	v4 =	vadd.s32 v18, v21;
	v5 =	vld [tilespmem:s24+$0x650]  }
0x8f1: {  	v21 =	vld [tilespmem:s24+$0x6D0]  }
0x8f2: {  	[tilespmem:v22+s17+$0x0] =	vst.idx.add.f32.msk $0xffff, v30  }
0x8f3: {  	v22 =	vld [tilespmem:s24+$0x7D0];
	v0 =	vadd.s32 v18, v0  }
0x8f4: {  	[tilespmem:v1+s17+$0x0] =	vst.idx.add.f32.msk $0xffff, v31;
	v1 =	vadd.s32 v18, v3  }
0x8f5: {  	[tilespmem:v4+s17+$0x0] =	vst.idx.add.f32.msk $0xffff, v25;
	v3 =	vadd.s32 v18, v5  }
0x8f6: {  	v5 =	vadd.s32 v18, v21;
	v4 =	vld [tilespmem:s24+$0x460]  }
0x8f7: {  	v21 =	vld [tilespmem:s24+$0x4E0]  }
0x8f8: {  	v22 =	vadd.s32 v18, v22;
	[tilespmem:v0+s17+$0x0] =	vst.idx.add.f32.msk $0xffff, v26  }
0x8f9: {  	[tilespmem:v1+s17+$0x0] =	vst.idx.add.f32.msk $0xffff, v27  }
0x8fa: {  	[tilespmem:v3+s17+$0x0] =	vst.idx.add.f32.msk $0xffff, v28  }
0x8fb: {  	[tilespmem:v5+s17+$0x0] =	vst.idx.add.f32.msk $0xffff, v29  }
0x8fc: {  	v1 =	vld [tilespmem:s24+$0x560]  }
0x8fd: {  	v0 =	vadd.s32 v20, v23;
	[tilespmem:v22+s17+$0x0] =	vst.idx.add.f32.msk $0xffff, v30  }
0x8fe: {  	v3 =	vadd.s32 v19, v4;
	v4 =	vld [tilespmem:s24+$0x5E0]  }
0x8ff: {  	v5 =	vadd.s32 v19, v21;
	v21 =	vld [tilespmem:s24+$0x660]  }
0x900: {  	v22 =	vld [tilespmem:s24+$0x6E0]  }
0x901: {  	v23 =	vld [tilespmem:s24+$0x7E0]  }
0x902: {  	[tilespmem:v0+s17+$0x0] =	vst.idx.add.f32.msk $0xffff, v32;
	v0 =	vadd.s32 v19, v1  }
0x903: {  	[tilespmem:v3+s17+$0x0] =	vst.idx.add.f32.msk $0xffff, v31;
	v1 =	vadd.s32 v19, v4  }
0x904: {  	[tilespmem:v5+s17+$0x0] =	vst.idx.add.f32.msk $0xffff, v25;
	v3 =	vadd.s32 v19, v21  }
0x905: {  	v5 =	vadd.s32 v19, v22;
	v4 =	vld [tilespmem:s24+$0x470]  }
0x906: {  	v21 =	vld [tilespmem:s24+$0x4F0];
	v22 =	vadd.s32 v19, v23  }
0x907: {  	[tilespmem:v0+s17+$0x0] =	vst.idx.add.f32.msk $0xffff, v26  }
0x908: {  	[tilespmem:v1+s17+$0x0] =	vst.idx.add.f32.msk $0xffff, v27  }
0x909: {  	[tilespmem:v3+s17+$0x0] =	vst.idx.add.f32.msk $0xffff, v28  }
0x90a: {  	[tilespmem:v5+s17+$0x0] =	vst.idx.add.f32.msk $0xffff, v29  }
0x90b: {  	s25 =	simm.s32 $0x0;
	v1 =	vadd.s32 v20, v4;
	v0 =	vadd.s32 v20, v21;
	[tilespmem:v22+s17+$0x0] =	vst.idx.add.f32.msk $0xffff, v30  }
.LBB2_28:
0x90c: {  	s0 =	sadd.s32 s25, s22;
	s25 =	sadd.s32 $0x8, s25;
	v3 =	vld [tilespmem:s24+$0x570]  }
0x90d: {  	s1 =	sadd.s32 $0x8, s0;
	s2 =	sadd.s32 $0xE, s0;
	p0 =	slt.u32 s25, $0x38;
	v4 =	vld [tilespmem:s24+$0x5F0]  }
0x90e: {  	s4 =	sadd.s32 $0xA, s0;
	s26 =	sadd.s32 $0xB, s0;
	v5 =	vmov s1;
	s1 =	sadd.s32 $0x9, s0;
	v21 =	vmov s2;
	v22 =	vld [tilespmem:s24+$0x670]  }
0x90f: {  	v24 =	vmov s4;
	s2 =	sadd.s32 $0xD, s0;
	v23 =	vmov s1;
	s1 =	sadd.s32 $0xC, s0;
	v21 =	vand.u32 $0xFFFFFFFE, v21;
	s0 =	sadd.s32 $0xF, s0;
	v32 =	vld [tilespmem:s24+$0x6F0]  }
0x910: {  	v33 =	vmov s26;
	v34 =	vmov s1;
	v21 =	vbroadcast v21, $0x0;
	v35 =	vld [tilespmem:s24+$0x7F0]  }
0x911: {  	v5 =	vand.u32 $0xFFFFFFF8, v5;
	v36 =	vmov s2;
	v23 =	vand.u32 $0xFFFFFFF9, v23;
	s24 =	sadd.s32 $0x800, s24;
	[tilespmem:v1+s17+$0x0] =	vst.idx.add.f32.msk $0xffff, v31  }
0x912: {  	v1 =	vand.u32 $0xFFFFFFFA, v24;
	v24 =	vand.u32 $0xFFFFFFFB, v33;
	v31 =	vand.u32 $0xFFFFFFFC, v34;
	v33 =	vld [tilespmem:s24+$0x300]  }
0x913: {  	v5 =	vbroadcast v5, $0x0;
	v23 =	vbroadcast v23, $0x0;
	v34 =	vand.u32 $0xFFFFFFFD, v36;
	v37 =	vld [tilespmem:s24+$0x0]  }
0x914: {  	v43 =	vmov s0;
	v1 =	vbroadcast v1, $0x0;
	v24 =	vbroadcast v24, $0x0;
	v39 =	vld [tilespmem:s24+$0x80]  }
0x915: {  	v40 =	vadd.s32 v20, v3;
	v44 =	vbroadcast v31, $0x0;
	v45 =	vbroadcast v34, $0x0;
	v41 =	vld [tilespmem:s24+$0x100]  }
0x916: {  	v38 =	vadd.s32 v20, v4;
	v36 =	vadd.s32 v20, v22;
	v34 =	vadd.s32 v20, v32;
	v42 =	vld.idx.msk [tilespmem:v21+s16+$0x0], $0xffff  }
0x917: {  	v32 =	vadd.s32 v20, v35;
	v3 =	vld [tilespmem:s24+$0x180];
	v4 =	vadd.s32 v2, v33  }
0x918: {  	v21 =	vadd.s32 v2, v37;
	v22 =	vld [tilespmem:s24+$0x200]  }
0x919: {  	v46 =	vadd.s32 v2, v39;
	v33 =	vld [tilespmem:s24+$0x280]  }
0x91a: {  	v47 =	vadd.s32 v2, v41;
	v35 =	vld [tilespmem:s24+$0x380]  }
0x91b: {  	v31 =	vld.idx.msk [tilespmem:v5+s16+$0x0], $0xffff  }
0x91c: {  	v3 =	vadd.s32 v2, v3;
	[tilespmem:v4+s17+$0x0] =	vst.idx.add.f32.msk $0xffff, v42  }
0x91d: {  	v4 =	vadd.s32 v2, v22;
	v5 =	vld [tilespmem:s24+$0x310]  }
0x91e: {  	v22 =	vld.idx.msk [tilespmem:v23+s16+$0x0], $0xffff;
	v23 =	vadd.s32 v2, v33  }
0x91f: {  	v41 =	vld.idx.msk [tilespmem:v1+s16+$0x0], $0xffff;
	v1 =	vadd.s32 v2, v35  }
0x920: {  	v39 =	vld.idx.msk [tilespmem:v24+s16+$0x0], $0xffff  }
0x921: {  	v37 =	vld.idx.msk [tilespmem:v44+s16+$0x0], $0xffff  }
0x922: {  	v35 =	vld.idx.msk [tilespmem:v45+s16+$0x0], $0xffff;
	v5 =	vadd.s32 v6, v5  }
0x923: {  	v33 =	vld.idx.msk [tilespmem:v43+s16+$0x0], $0xffff  }
0x924: {  	[tilespmem:v21+s17+$0x0] =	vst.idx.add.f32.msk $0xffff, v31  }
0x925: {  	[tilespmem:v46+s17+$0x0] =	vst.idx.add.f32.msk $0xffff, v22  }
0x926: {  	[tilespmem:v47+s17+$0x0] =	vst.idx.add.f32.msk $0xffff, v41  }
0x927: {  	[tilespmem:v5+s17+$0x0] =	vst.idx.add.f32.msk $0xffff, v42  }
0x928: {  	v5 =	vld [tilespmem:s24+$0x320]  }
0x929: {  	[tilespmem:v3+s17+$0x0] =	vst.idx.add.f32.msk $0xffff, v39  }
0x92a: {  	[tilespmem:v4+s17+$0x0] =	vst.idx.add.f32.msk $0xffff, v37  }
0x92b: {  	[tilespmem:v23+s17+$0x0] =	vst.idx.add.f32.msk $0xffff, v35  }
0x92c: {  	[tilespmem:v1+s17+$0x0] =	vst.idx.add.f32.msk $0xffff, v33  }
0x92d: {  	v1 =	vld [tilespmem:s24+$0x10];
	v3 =	vadd.s32 v7, v5  }
0x92e: {  	v4 =	vld [tilespmem:s24+$0x90]  }
0x92f: {  	v5 =	vld [tilespmem:s24+$0x110]  }
0x930: {  	v21 =	vld [tilespmem:s24+$0x190]  }
0x931: {  	v23 =	vld [tilespmem:s24+$0x210]  }
0x932: {  	v1 =	vadd.s32 v6, v1;
	[tilespmem:v3+s17+$0x0] =	vst.idx.add.f32.msk $0xffff, v42  }
0x933: {  	v3 =	vadd.s32 v6, v4;
	v4 =	vld [tilespmem:s24+$0x330]  }
0x934: {  	v5 =	vadd.s32 v6, v5;
	v24 =	vld [tilespmem:s24+$0x290]  }
0x935: {  	v21 =	vadd.s32 v6, v21;
	v43 =	vld [tilespmem:s24+$0x390]  }
0x936: {  	v23 =	vadd.s32 v6, v23;
	[tilespmem:v0+s17+$0x0] =	vst.idx.add.f32.msk $0xffff, v25;
	v25 =	vmov v22  }
0x937: {  	[tilespmem:v1+s17+$0x0] =	vst.idx.add.f32.msk $0xffff, v31  }
0x938: {  	[tilespmem:v3+s17+$0x0] =	vst.idx.add.f32.msk $0xffff, v25;
	v0 =	vadd.s32 v8, v4  }
0x939: {  	[tilespmem:v5+s17+$0x0] =	vst.idx.add.f32.msk $0xffff, v41;
	v1 =	vadd.s32 v6, v24  }
0x93a: {  	[tilespmem:v21+s17+$0x0] =	vst.idx.add.f32.msk $0xffff, v39;
	v3 =	vadd.s32 v6, v43  }
0x93b: {  	[tilespmem:v23+s17+$0x0] =	vst.idx.add.f32.msk $0xffff, v37  }
0x93c: {  	v4 =	vld [tilespmem:s24+$0x20]  }
0x93d: {  	[tilespmem:v0+s17+$0x0] =	vst.idx.add.f32.msk $0xffff, v42  }
0x93e: {  	v0 =	vld [tilespmem:s24+$0x340]  }
0x93f: {  	[tilespmem:v1+s17+$0x0] =	vst.idx.add.f32.msk $0xffff, v35  }
0x940: {  	[tilespmem:v3+s17+$0x0] =	vst.idx.add.f32.msk $0xffff, v33  }
0x941: {  	v1 =	vadd.s32 v7, v4;
	v3 =	vld [tilespmem:s24+$0xA0]  }
0x942: {  	v4 =	vld [tilespmem:s24+$0x120]  }
0x943: {  	v5 =	vld [tilespmem:s24+$0x1A0];
	v0 =	vadd.s32 v9, v0  }
0x944: {  	v21 =	vld [tilespmem:s24+$0x220]  }
0x945: {  	v22 =	vld [tilespmem:s24+$0x2A0]  }
0x946: {  	v3 =	vadd.s32 v7, v3;
	v23 =	vld [tilespmem:s24+$0x3A0]  }
0x947: {  	[tilespmem:v1+s17+$0x0] =	vst.idx.add.f32.msk $0xffff, v31;
	v1 =	vadd.s32 v7, v4  }
0x948: {  	v4 =	vadd.s32 v7, v5;
	[tilespmem:v0+s17+$0x0] =	vst.idx.add.f32.msk $0xffff, v42  }
0x949: {  	v0 =	vadd.s32 v7, v21;
	v5 =	vld [tilespmem:s24+$0x350]  }
0x94a: {  	v21 =	vld [tilespmem:s24+$0x30];
	v22 =	vadd.s32 v7, v22  }
0x94b: {  	[tilespmem:v3+s17+$0x0] =	vst.idx.add.f32.msk $0xffff, v25;
	v3 =	vadd.s32 v7, v23  }
0x94c: {  	[tilespmem:v1+s17+$0x0] =	vst.idx.add.f32.msk $0xffff, v41  }
0x94d: {  	[tilespmem:v4+s17+$0x0] =	vst.idx.add.f32.msk $0xffff, v39  }
0x94e: {  	[tilespmem:v0+s17+$0x0] =	vst.idx.add.f32.msk $0xffff, v37;
	v0 =	vadd.s32 v10, v5  }
0x94f: {  	v1 =	vadd.s32 v8, v21;
	[tilespmem:v22+s17+$0x0] =	vst.idx.add.f32.msk $0xffff, v35  }
0x950: {  	[tilespmem:v3+s17+$0x0] =	vst.idx.add.f32.msk $0xffff, v33  }
0x951: {  	v3 =	vld [tilespmem:s24+$0xB0]  }
0x952: {  	v4 =	vld [tilespmem:s24+$0x130]  }
0x953: {  	[tilespmem:v0+s17+$0x0] =	vst.idx.add.f32.msk $0xffff, v42  }
0x954: {  	v0 =	vld [tilespmem:s24+$0x360]  }
0x955: {  	v5 =	vld [tilespmem:s24+$0x1B0]  }
0x956: {  	v3 =	vadd.s32 v8, v3;
	v21 =	vld [tilespmem:s24+$0x230]  }
0x957: {  	v4 =	vadd.s32 v8, v4;
	v22 =	vld [tilespmem:s24+$0x2B0]  }
0x958: {  	v23 =	vld [tilespmem:s24+$0x3B0]  }
0x959: {  	[tilespmem:v1+s17+$0x0] =	vst.idx.add.f32.msk $0xffff, v31;
	v0 =	vadd.s32 v11, v0  }
0x95a: {  	v1 =	vld [tilespmem:s24+$0x40];
	v5 =	vadd.s32 v8, v5  }
0x95b: {  	[tilespmem:v3+s17+$0x0] =	vst.idx.add.f32.msk $0xffff, v25;
	v3 =	vadd.s32 v8, v21  }
0x95c: {  	[tilespmem:v4+s17+$0x0] =	vst.idx.add.f32.msk $0xffff, v41;
	v4 =	vadd.s32 v8, v22  }
0x95d: {  	v21 =	vld [tilespmem:s24+$0xC0];
	v22 =	vadd.s32 v8, v23  }
0x95e: {  	[tilespmem:v0+s17+$0x0] =	vst.idx.add.f32.msk $0xffff, v42  }
0x95f: {  	v0 =	vadd.s32 v9, v1;
	v1 =	vld [tilespmem:s24+$0x370]  }
0x960: {  	[tilespmem:v5+s17+$0x0] =	vst.idx.add.f32.msk $0xffff, v39  }
0x961: {  	[tilespmem:v3+s17+$0x0] =	vst.idx.add.f32.msk $0xffff, v37  }
0x962: {  	v3 =	vadd.s32 v9, v21;
	[tilespmem:v4+s17+$0x0] =	vst.idx.add.f32.msk $0xffff, v35  }
0x963: {  	[tilespmem:v22+s17+$0x0] =	vst.idx.add.f32.msk $0xffff, v33  }
0x964: {  	v4 =	vld [tilespmem:s24+$0x140];
	v1 =	vadd.s32 v12, v1  }
0x965: {  	v5 =	vld [tilespmem:s24+$0x1C0]  }
0x966: {  	v21 =	vld [tilespmem:s24+$0x240]  }
0x967: {  	v22 =	vld [tilespmem:s24+$0x2C0]  }
0x968: {  	v23 =	vld [tilespmem:s24+$0x3C0]  }
0x969: {  	v4 =	vadd.s32 v9, v4;
	[tilespmem:v1+s17+$0x0] =	vst.idx.add.f32.msk $0xffff, v42  }
0x96a: {  	v1 =	vadd.s32 v9, v5;
	v5 =	vld [tilespmem:s24+$0x700]  }
0x96b: {  	[tilespmem:v0+s17+$0x0] =	vst.idx.add.f32.msk $0xffff, v31;
	v0 =	vadd.s32 v9, v21  }
0x96c: {  	[tilespmem:v3+s17+$0x0] =	vst.idx.add.f32.msk $0xffff, v25;
	v3 =	vadd.s32 v9, v22  }
0x96d: {  	v21 =	vld [tilespmem:s24+$0x50];
	v22 =	vadd.s32 v9, v23  }
0x96e: {  	[tilespmem:v4+s17+$0x0] =	vst.idx.add.f32.msk $0xffff, v41  }
0x96f: {  	[tilespmem:v1+s17+$0x0] =	vst.idx.add.f32.msk $0xffff, v39;
	v1 =	vadd.s32 v13, v5  }
0x970: {  	[tilespmem:v0+s17+$0x0] =	vst.idx.add.f32.msk $0xffff, v37  }
0x971: {  	[tilespmem:v3+s17+$0x0] =	vst.idx.add.f32.msk $0xffff, v35  }
0x972: {  	v0 =	vadd.s32 v10, v21;
	[tilespmem:v22+s17+$0x0] =	vst.idx.add.f32.msk $0xffff, v33  }
0x973: {  	v3 =	vld [tilespmem:s24+$0xD0]  }
0x974: {  	[tilespmem:v1+s17+$0x0] =	vst.idx.add.f32.msk $0xffff, v42  }
0x975: {  	v1 =	vld [tilespmem:s24+$0x710]  }
0x976: {  	v4 =	vld [tilespmem:s24+$0x150]  }
0x977: {  	v5 =	vld [tilespmem:s24+$0x1D0]  }
0x978: {  	v3 =	vadd.s32 v10, v3;
	v21 =	vld [tilespmem:s24+$0x250]  }
0x979: {  	v22 =	vld [tilespmem:s24+$0x2D0]  }
0x97a: {  	v1 =	vadd.s32 v14, v1;
	v23 =	vld [tilespmem:s24+$0x3D0]  }
0x97b: {  	[tilespmem:v0+s17+$0x0] =	vst.idx.add.f32.msk $0xffff, v31;
	v0 =	vadd.s32 v10, v4  }
0x97c: {  	v4 =	vld [tilespmem:s24+$0x60];
	v5 =	vadd.s32 v10, v5  }
0x97d: {  	[tilespmem:v3+s17+$0x0] =	vst.idx.add.f32.msk $0xffff, v25;
	v3 =	vadd.s32 v10, v21  }
0x97e: {  	v21 =	vld [tilespmem:s24+$0xE0];
	v22 =	vadd.s32 v10, v22  }
0x97f: {  	[tilespmem:v1+s17+$0x0] =	vst.idx.add.f32.msk $0xffff, v42;
	v1 =	vadd.s32 v10, v23  }
0x980: {  	v23 =	vld [tilespmem:s24+$0x720]  }
0x981: {  	v4 =	vadd.s32 v11, v4;
	[tilespmem:v0+s17+$0x0] =	vst.idx.add.f32.msk $0xffff, v41  }
0x982: {  	[tilespmem:v5+s17+$0x0] =	vst.idx.add.f32.msk $0xffff, v39  }
0x983: {  	v0 =	vadd.s32 v11, v21;
	[tilespmem:v3+s17+$0x0] =	vst.idx.add.f32.msk $0xffff, v37  }
0x984: {  	[tilespmem:v22+s17+$0x0] =	vst.idx.add.f32.msk $0xffff, v35  }
0x985: {  	v3 =	vadd.s32 v15, v23;
	[tilespmem:v1+s17+$0x0] =	vst.idx.add.f32.msk $0xffff, v33  }
0x986: {  	v1 =	vld [tilespmem:s24+$0x160]  }
0x987: {  	v5 =	vld [tilespmem:s24+$0x1E0]  }
0x988: {  	v21 =	vld [tilespmem:s24+$0x260]  }
0x989: {  	v22 =	vld [tilespmem:s24+$0x2E0]  }
0x98a: {  	[tilespmem:v3+s17+$0x0] =	vst.idx.add.f32.msk $0xffff, v42  }
0x98b: {  	v1 =	vadd.s32 v11, v1;
	v3 =	vld [tilespmem:s24+$0x730]  }
0x98c: {  	v5 =	vadd.s32 v11, v5;
	v23 =	vld [tilespmem:s24+$0x3E0]  }
0x98d: {  	[tilespmem:v4+s17+$0x0] =	vst.idx.add.f32.msk $0xffff, v31;
	v4 =	vadd.s32 v11, v21  }
0x98e: {  	[tilespmem:v0+s17+$0x0] =	vst.idx.add.f32.msk $0xffff, v25;
	v0 =	vadd.s32 v11, v22  }
0x98f: {  	v21 =	vld [tilespmem:s24+$0x70]  }
0x990: {  	[tilespmem:v1+s17+$0x0] =	vst.idx.add.f32.msk $0xffff, v41;
	v1 =	vadd.s32 v16, v3  }
0x991: {  	[tilespmem:v5+s17+$0x0] =	vst.idx.add.f32.msk $0xffff, v39;
	v3 =	vadd.s32 v11, v23  }
0x992: {  	[tilespmem:v4+s17+$0x0] =	vst.idx.add.f32.msk $0xffff, v37  }
0x993: {  	[tilespmem:v0+s17+$0x0] =	vst.idx.add.f32.msk $0xffff, v35  }
0x994: {  	v0 =	vadd.s32 v12, v21;
	v4 =	vld [tilespmem:s24+$0xF0]  }
0x995: {  	[tilespmem:v1+s17+$0x0] =	vst.idx.add.f32.msk $0xffff, v42  }
0x996: {  	v1 =	vld [tilespmem:s24+$0x740]  }
0x997: {  	[tilespmem:v3+s17+$0x0] =	vst.idx.add.f32.msk $0xffff, v33  }
0x998: {  	v3 =	vld [tilespmem:s24+$0x170]  }
0x999: {  	v4 =	vadd.s32 v12, v4;
	v5 =	vld [tilespmem:s24+$0x1F0]  }
0x99a: {  	v21 =	vld [tilespmem:s24+$0x270]  }
0x99b: {  	v22 =	vld [tilespmem:s24+$0x2F0];
	v1 =	vadd.s32 v17, v1  }
0x99c: {  	v23 =	vld [tilespmem:s24+$0x3F0]  }
0x99d: {  	[tilespmem:v0+s17+$0x0] =	vst.idx.add.f32.msk $0xffff, v31;
	v0 =	vadd.s32 v12, v3  }
0x99e: {  	[tilespmem:v4+s17+$0x0] =	vst.idx.add.f32.msk $0xffff, v25;
	v3 =	vadd.s32 v12, v5  }
0x99f: {  	v4 =	vld [tilespmem:s24+$0x400];
	v5 =	vadd.s32 v12, v21  }
0x9a0: {  	v21 =	vadd.s32 v12, v22;
	[tilespmem:v1+s17+$0x0] =	vst.idx.add.f32.msk $0xffff, v42  }
0x9a1: {  	v1 =	vld [tilespmem:s24+$0x750];
	v22 =	vadd.s32 v12, v23  }
0x9a2: {  	[tilespmem:v0+s17+$0x0] =	vst.idx.add.f32.msk $0xffff, v41  }
0x9a3: {  	[tilespmem:v3+s17+$0x0] =	vst.idx.add.f32.msk $0xffff, v39  }
0x9a4: {  	v0 =	vadd.s32 v13, v4;
	[tilespmem:v5+s17+$0x0] =	vst.idx.add.f32.msk $0xffff, v37  }
0x9a5: {  	[tilespmem:v21+s17+$0x0] =	vst.idx.add.f32.msk $0xffff, v35  }
0x9a6: {  	v1 =	vadd.s32 v18, v1;
	[tilespmem:v22+s17+$0x0] =	vst.idx.add.f32.msk $0xffff, v33  }
0x9a7: {  	v3 =	vld [tilespmem:s24+$0x480]  }
0x9a8: {  	v4 =	vld [tilespmem:s24+$0x500]  }
0x9a9: {  	v5 =	vld [tilespmem:s24+$0x580]  }
0x9aa: {  	v21 =	vld [tilespmem:s24+$0x600]  }
0x9ab: {  	[tilespmem:v1+s17+$0x0] =	vst.idx.add.f32.msk $0xffff, v42  }
0x9ac: {  	v1 =	vadd.s32 v13, v3;
	v3 =	vld [tilespmem:s24+$0x760]  }
0x9ad: {  	v4 =	vadd.s32 v13, v4;
	v22 =	vld [tilespmem:s24+$0x680]  }
0x9ae: {  	v5 =	vadd.s32 v13, v5;
	v23 =	vld [tilespmem:s24+$0x780]  }
0x9af: {  	[tilespmem:v0+s17+$0x0] =	vst.idx.add.f32.msk $0xffff, v31;
	v0 =	vadd.s32 v13, v21  }
0x9b0: {  	v21 =	vld [tilespmem:s24+$0x410]  }
0x9b1: {  	[tilespmem:v1+s17+$0x0] =	vst.idx.add.f32.msk $0xffff, v25;
	v1 =	vadd.s32 v19, v3  }
0x9b2: {  	[tilespmem:v4+s17+$0x0] =	vst.idx.add.f32.msk $0xffff, v41;
	v3 =	vadd.s32 v13, v22  }
0x9b3: {  	[tilespmem:v5+s17+$0x0] =	vst.idx.add.f32.msk $0xffff, v39;
	v4 =	vadd.s32 v13, v23  }
0x9b4: {  	[tilespmem:v0+s17+$0x0] =	vst.idx.add.f32.msk $0xffff, v37  }
0x9b5: {  	v0 =	vadd.s32 v14, v21;
	v5 =	vld [tilespmem:s24+$0x490]  }
0x9b6: {  	[tilespmem:v1+s17+$0x0] =	vst.idx.add.f32.msk $0xffff, v42  }
0x9b7: {  	v1 =	vld [tilespmem:s24+$0x770]  }
0x9b8: {  	[tilespmem:v3+s17+$0x0] =	vst.idx.add.f32.msk $0xffff, v35  }
0x9b9: {  	[tilespmem:v4+s17+$0x0] =	vst.idx.add.f32.msk $0xffff, v33  }
0x9ba: {  	v3 =	vadd.s32 v14, v5;
	v4 =	vld [tilespmem:s24+$0x510]  }
0x9bb: {  	v5 =	vld [tilespmem:s24+$0x590]  }
0x9bc: {  	v21 =	vld [tilespmem:s24+$0x610];
	v1 =	vadd.s32 v20, v1  }
0x9bd: {  	v22 =	vld [tilespmem:s24+$0x690]  }
0x9be: {  	v23 =	vld [tilespmem:s24+$0x790]  }
0x9bf: {  	[tilespmem:v0+s17+$0x0] =	vst.idx.add.f32.msk $0xffff, v31;
	v0 =	vadd.s32 v14, v4  }
0x9c0: {  	[tilespmem:v3+s17+$0x0] =	vst.idx.add.f32.msk $0xffff, v25;
	v3 =	vadd.s32 v14, v5  }
0x9c1: {  	v4 =	vadd.s32 v14, v21;
	[tilespmem:v1+s17+$0x0] =	vst.idx.add.f32.msk $0xffff, v42  }
0x9c2: {  	v1 =	vld [tilespmem:s24+$0x420];
	v5 =	vadd.s32 v14, v22  }
0x9c3: {  	v21 =	vld [tilespmem:s24+$0x4A0];
	v22 =	vadd.s32 v14, v23  }
0x9c4: {  	[tilespmem:v0+s17+$0x0] =	vst.idx.add.f32.msk $0xffff, v41  }
0x9c5: {  	[tilespmem:v3+s17+$0x0] =	vst.idx.add.f32.msk $0xffff, v39  }
0x9c6: {  	[tilespmem:v4+s17+$0x0] =	vst.idx.add.f32.msk $0xffff, v37  }
0x9c7: {  	v0 =	vadd.s32 v15, v1;
	[tilespmem:v5+s17+$0x0] =	vst.idx.add.f32.msk $0xffff, v35  }
0x9c8: {  	v1 =	vadd.s32 v15, v21;
	[tilespmem:v22+s17+$0x0] =	vst.idx.add.f32.msk $0xffff, v33  }
0x9c9: {  	v3 =	vld [tilespmem:s24+$0x520]  }
0x9ca: {  	v4 =	vld [tilespmem:s24+$0x5A0]  }
0x9cb: {  	v5 =	vld [tilespmem:s24+$0x620]  }
0x9cc: {  	v21 =	vld [tilespmem:s24+$0x6A0]  }
0x9cd: {  	v22 =	vld [tilespmem:s24+$0x7A0]  }
0x9ce: {  	[tilespmem:v0+s17+$0x0] =	vst.idx.add.f32.msk $0xffff, v31;
	v0 =	vadd.s32 v15, v3  }
0x9cf: {  	[tilespmem:v1+s17+$0x0] =	vst.idx.add.f32.msk $0xffff, v25;
	v1 =	vadd.s32 v15, v4  }
0x9d0: {  	v3 =	vld [tilespmem:s24+$0x430];
	v4 =	vadd.s32 v15, v5  }
0x9d1: {  	v5 =	vld [tilespmem:s24+$0x4B0];
	v21 =	vadd.s32 v15, v21  }
0x9d2: {  	v22 =	vadd.s32 v15, v22;
	[tilespmem:v40+s17+$0x0] =	vst.idx.add.f32.msk $0xffff, v26;
	v26 =	vmov v41  }
0x9d3: {  	[tilespmem:v0+s17+$0x0] =	vst.idx.add.f32.msk $0xffff, v26  }
0x9d4: {  	[tilespmem:v1+s17+$0x0] =	vst.idx.add.f32.msk $0xffff, v39  }
0x9d5: {  	v0 =	vadd.s32 v16, v3;
	[tilespmem:v4+s17+$0x0] =	vst.idx.add.f32.msk $0xffff, v37  }
0x9d6: {  	v1 =	vadd.s32 v16, v5;
	[tilespmem:v21+s17+$0x0] =	vst.idx.add.f32.msk $0xffff, v35  }
0x9d7: {  	[tilespmem:v22+s17+$0x0] =	vst.idx.add.f32.msk $0xffff, v33  }
0x9d8: {  	v3 =	vld [tilespmem:s24+$0x530]  }
0x9d9: {  	v4 =	vld [tilespmem:s24+$0x5B0]  }
0x9da: {  	v5 =	vld [tilespmem:s24+$0x630]  }
0x9db: {  	v21 =	vld [tilespmem:s24+$0x6B0]  }
0x9dc: {  	v22 =	vld [tilespmem:s24+$0x7B0]  }
0x9dd: {  	[tilespmem:v0+s17+$0x0] =	vst.idx.add.f32.msk $0xffff, v31;
	v0 =	vadd.s32 v16, v3  }
0x9de: {  	[tilespmem:v1+s17+$0x0] =	vst.idx.add.f32.msk $0xffff, v25;
	v1 =	vadd.s32 v16, v4  }
0x9df: {  	v3 =	vld [tilespmem:s24+$0x440];
	v4 =	vadd.s32 v16, v5  }
0x9e0: {  	v5 =	vld [tilespmem:s24+$0x4C0];
	v21 =	vadd.s32 v16, v21  }
0x9e1: {  	v22 =	vadd.s32 v16, v22;
	[tilespmem:v38+s17+$0x0] =	vst.idx.add.f32.msk $0xffff, v27;
	v27 =	vmov v39  }
0x9e2: {  	[tilespmem:v0+s17+$0x0] =	vst.idx.add.f32.msk $0xffff, v26  }
0x9e3: {  	[tilespmem:v1+s17+$0x0] =	vst.idx.add.f32.msk $0xffff, v27  }
0x9e4: {  	v0 =	vadd.s32 v17, v3;
	[tilespmem:v4+s17+$0x0] =	vst.idx.add.f32.msk $0xffff, v37  }
0x9e5: {  	v1 =	vadd.s32 v17, v5;
	[tilespmem:v21+s17+$0x0] =	vst.idx.add.f32.msk $0xffff, v35  }
0x9e6: {  	[tilespmem:v22+s17+$0x0] =	vst.idx.add.f32.msk $0xffff, v33  }
0x9e7: {  	v3 =	vld [tilespmem:s24+$0x540]  }
0x9e8: {  	v4 =	vld [tilespmem:s24+$0x5C0]  }
0x9e9: {  	v5 =	vld [tilespmem:s24+$0x640]  }
0x9ea: {  	v21 =	vld [tilespmem:s24+$0x6C0]  }
0x9eb: {  	v22 =	vld [tilespmem:s24+$0x7C0]  }
0x9ec: {  	[tilespmem:v0+s17+$0x0] =	vst.idx.add.f32.msk $0xffff, v31;
	v0 =	vadd.s32 v17, v3  }
0x9ed: {  	[tilespmem:v1+s17+$0x0] =	vst.idx.add.f32.msk $0xffff, v25;
	v1 =	vadd.s32 v17, v4  }
0x9ee: {  	v3 =	vld [tilespmem:s24+$0x450];
	v4 =	vadd.s32 v17, v5  }
0x9ef: {  	v5 =	vld [tilespmem:s24+$0x4D0];
	v21 =	vadd.s32 v17, v21  }
0x9f0: {  	v22 =	vadd.s32 v17, v22;
	[tilespmem:v36+s17+$0x0] =	vst.idx.add.f32.msk $0xffff, v28;
	v28 =	vmov v37  }
0x9f1: {  	[tilespmem:v0+s17+$0x0] =	vst.idx.add.f32.msk $0xffff, v26  }
0x9f2: {  	[tilespmem:v1+s17+$0x0] =	vst.idx.add.f32.msk $0xffff, v27  }
0x9f3: {  	v0 =	vadd.s32 v18, v3;
	[tilespmem:v4+s17+$0x0] =	vst.idx.add.f32.msk $0xffff, v28  }
0x9f4: {  	v1 =	vadd.s32 v18, v5;
	[tilespmem:v21+s17+$0x0] =	vst.idx.add.f32.msk $0xffff, v35  }
0x9f5: {  	[tilespmem:v22+s17+$0x0] =	vst.idx.add.f32.msk $0xffff, v33  }
0x9f6: {  	v3 =	vld [tilespmem:s24+$0x550]  }
0x9f7: {  	v4 =	vld [tilespmem:s24+$0x5D0]  }
0x9f8: {  	v5 =	vld [tilespmem:s24+$0x650]  }
0x9f9: {  	v21 =	vld [tilespmem:s24+$0x6D0]  }
0x9fa: {  	v22 =	vld [tilespmem:s24+$0x7D0]  }
0x9fb: {  	[tilespmem:v0+s17+$0x0] =	vst.idx.add.f32.msk $0xffff, v31;
	v0 =	vadd.s32 v18, v3  }
0x9fc: {  	[tilespmem:v1+s17+$0x0] =	vst.idx.add.f32.msk $0xffff, v25;
	v1 =	vadd.s32 v18, v4  }
0x9fd: {  	v3 =	vld [tilespmem:s24+$0x460];
	v4 =	vadd.s32 v18, v5  }
0x9fe: {  	v5 =	vld [tilespmem:s24+$0x4E0];
	v21 =	vadd.s32 v18, v21  }
0x9ff: {  	v22 =	vadd.s32 v18, v22;
	[tilespmem:v34+s17+$0x0] =	vst.idx.add.f32.msk $0xffff, v29;
	v29 =	vmov v35  }
0xa00: {  	[tilespmem:v0+s17+$0x0] =	vst.idx.add.f32.msk $0xffff, v26  }
0xa01: {  	[tilespmem:v1+s17+$0x0] =	vst.idx.add.f32.msk $0xffff, v27  }
0xa02: {  	v0 =	vadd.s32 v19, v3;
	[tilespmem:v4+s17+$0x0] =	vst.idx.add.f32.msk $0xffff, v28  }
0xa03: {  	v1 =	vadd.s32 v19, v5;
	[tilespmem:v21+s17+$0x0] =	vst.idx.add.f32.msk $0xffff, v29  }
0xa04: {  	[tilespmem:v22+s17+$0x0] =	vst.idx.add.f32.msk $0xffff, v33  }
0xa05: {  	v3 =	vld [tilespmem:s24+$0x560]  }
0xa06: {  	v4 =	vld [tilespmem:s24+$0x5E0]  }
0xa07: {  	v5 =	vld [tilespmem:s24+$0x660]  }
0xa08: {  	v21 =	vld [tilespmem:s24+$0x6E0]  }
0xa09: {  	v22 =	vld [tilespmem:s24+$0x7E0]  }
0xa0a: {  	[tilespmem:v0+s17+$0x0] =	vst.idx.add.f32.msk $0xffff, v31;
	v0 =	vadd.s32 v19, v3  }
0xa0b: {  	[tilespmem:v1+s17+$0x0] =	vst.idx.add.f32.msk $0xffff, v25;
	v1 =	vadd.s32 v19, v4  }
0xa0c: {  	v3 =	vld [tilespmem:s24+$0x470];
	v4 =	vadd.s32 v19, v5  }
0xa0d: {  	v5 =	vld [tilespmem:s24+$0x4F0];
	v21 =	vadd.s32 v19, v21  }
0xa0e: {  	v22 =	vadd.s32 v19, v22;
	[tilespmem:v32+s17+$0x0] =	vst.idx.add.f32.msk $0xffff, v30;
	v30 =	vmov v33  }
.Ltmp21:
0xa0f: {  	[tilespmem:v0+s17+$0x0] =	vst.idx.add.f32.msk $0xffff, v26;
	(pc) =	sbr.rel @p0 .LBB2_28-.Ltmp21, $4  }
0xa10: {  	[tilespmem:v1+s17+$0x0] =	vst.idx.add.f32.msk $0xffff, v27  }
0xa11: {  	v1 =	vadd.s32 v20, v3;
	[tilespmem:v4+s17+$0x0] =	vst.idx.add.f32.msk $0xffff, v28  }
0xa12: {  	v0 =	vadd.s32 v20, v5;
	[tilespmem:v21+s17+$0x0] =	vst.idx.add.f32.msk $0xffff, v29  }
0xa13: {  	[tilespmem:v22+s17+$0x0] =	vst.idx.add.f32.msk $0xffff, v30  }
0xa14: {  	v3 =	vld [tilespmem:s24+$0x570]  }
0xa15: {  	v4 =	vld [tilespmem:s24+$0x5F0]  }
0xa16: {  	v5 =	vld [tilespmem:s24+$0x670]  }
0xa17: {  	v21 =	vld [tilespmem:s24+$0x6F0]  }
0xa18: {  	v22 =	vld [tilespmem:s24+$0x7F0]  }
0xa19: {  	v3 =	vadd.s32 v20, v3  }
0xa1a: {  	v4 =	vadd.s32 v20, v4  }
0xa1b: {  	v5 =	vadd.s32 v20, v5  }
0xa1c: {  	[tilespmem:v1+s17+$0x0] =	vst.idx.add.f32.msk $0xffff, v31;
	v1 =	vadd.s32 v20, v21  }
0xa1d: {  	[tilespmem:v0+s17+$0x0] =	vst.idx.add.f32.msk $0xffff, v25;
	v21 =	vadd.s32 v20, v22  }
.Ltmp22:
0xa1e: {  	[tilespmem:v3+s17+$0x0] =	vst.idx.add.f32.msk $0xffff, v26;
	(pc) =	sbr.rel .LBB2_30-.Ltmp22, $4  }
0xa1f: {  	[tilespmem:v4+s17+$0x0] =	vst.idx.add.f32.msk $0xffff, v27  }
0xa20: {  	[tilespmem:v5+s17+$0x0] =	vst.idx.add.f32.msk $0xffff, v28  }
0xa21: {  	[tilespmem:v1+s17+$0x0] =	vst.idx.add.f32.msk $0xffff, v29  }
0xa22: {  	[tilespmem:v21+s17+$0x0] =	vst.idx.add.f32.msk $0xffff, v30  }
.LBB2_31:
0xa23: {  	_ =	strace $0x9000004A  }
0xa24: {  	_ =	swait.ge [sflag:s18], $0x8000  }
0xa25: {  	[sflag:s18] =	ssyncset.done $0x0  }
0xa26: {  	[sflag:s18] =	ssyncadd.s32 $0xFFFF8000  }
0xa27: {  	s22 =	simm.s32 $0xC900;
	_ =	strace $0x8000004B  }
0xa28: {  	v0 =	vld [tilespmem:s22+$0xFFFFFF00]  }
0xa29: {  	v1 =	vld [tilespmem:s22+$0x80]  }
0xa2a: {  	v3 =	vld [tilespmem:s22+$0xFFFFFFA0]  }
0xa2b: {  	v4 =	vld [tilespmem:s22+$0xFFFFFF90]  }
0xa2c: {  	v5 =	vld [tilespmem:s22+$0xFFFFFF80]  }
0xa2d: {  	v21 =	vld [tilespmem:s22+$0xFFFFFF10];
	v0 =	vmul.f32 $1.442695020e+00, v0  }
0xa2e: {  	v22 =	vld [tilespmem:s22+$0xFFFFFFB0];
	v1 =	vmul.f32 $1.442695020e+00, v1  }
0xa2f: {  	v3 =	vmul.f32 $1.442695020e+00, v3;
	(erf) = vpow2.f32 v0;
	v0 =	vld [tilespmem:s22+$0xFFFFFF30]  }
0xa30: {  	v23 =	vld [tilespmem:s22+$0xB0];
	v4 =	vmul.f32 $1.442695020e+00, v4;
	(erf) = vpow2.f32 v1  }
0xa31: {  	v1 =	vld [tilespmem:s22+$0x30];
	(erf) = vpow2.f32 v3;
	v3 =	vmul.f32 $1.442695020e+00, v5  }
0xa32: {  	v21 =	vmul.f32 $1.442695020e+00, v21;
	v5 =	vld [tilespmem:s22+$0x90];
	(erf) = vpow2.f32 v4  }
0xa33: {  	v22 =	vmul.f32 $1.442695020e+00, v22;
	v4 =	vld [tilespmem:s22+$0xA0];
	(erf) = vpow2.f32 v3  }
0xa34: {  	v3 =	vld [tilespmem:s22+$0xFFFFFF20];
	v0 =	vmul.f32 $1.442695020e+00, v0;
	(erf) = vpow2.f32 v21  }
0xa35: {  	v23 =	vmul.f32 $1.442695020e+00, v23;
	v21 =	vld [tilespmem:s22+$0x20];
	(erf) = vpow2.f32 v22  }
0xa36: {  	v1 =	vmul.f32 $1.442695020e+00, v1;
	v22 =	vld [tilespmem:s22+$0x10];
	(erf) = vpow2.f32 v0  }
0xa37: {  	v24 =	vld [tilespmem:s22+$0x0];
	v25 =	vmul.f32 $1.442695020e+00, v5;
	(erf) = vpow2.f32 v23  }
0xa38: {  	v4 =	vmul.f32 $1.442695020e+00, v4;
	v48 =	vpop (erf);
	(erf) = vpow2.f32 v1  }
0xa39: {  	v1 =	vmul.f32 $1.442695020e+00, v3;
	v5 =	vpop (erf);
	(erf) = vpow2.f32 v25  }
0xa3a: {  	v3 =	vmul.f32 $1.442695020e+00, v21;
	v44 =	vpop (erf);
	(erf) = vpow2.f32 v4  }
0xa3b: {  	v4 =	vmul.f32 $1.442695020e+00, v22;
	v40 =	vpop (erf);
	(erf) = vpow2.f32 v1  }
0xa3c: {  	v1 =	vmul.f32 $1.442695020e+00, v24;
	v23 =	vpop (erf);
	(erf) = vpow2.f32 v3  }
0xa3d: {  	v54 =	vpop (erf);
	(erf) = vpow2.f32 v4  }
0xa3e: {  	v3 =	vpop (erf);
	(erf) = vpow2.f32 v1  }
0xa3f: {  	v61 =	vpop (erf)  }
0xa40: {  	v1 =	vpop (erf)  }
0xa41: {  	v41 =	vpop (erf)  }
0xa42: {  	v45 =	vpop (erf)  }
0xa43: {  	v35 =	vld [tilespmem:$0x1FFF0];
	v4 =	vpop (erf)  }
0xa44: {  	v24 =	vadd.f32 v40, v23;
	v25 =	vadd.f32 v3, v44;
	v49 =	vpop (erf)  }
0xa45: {  	v0 =	vpop (erf)  }
0xa46: {  	v24 =	vadd.f32 v25, v24;
	v22 =	vpop (erf)  }
0xa47: {  	[tilespmem:$0x1FDF0] =	vst v3;
	v42 =	vpop (erf)  }
0xa48: {  	[tilespmem:$0x1FE00] =	vst v1;
	v29 =	vperm.xlane v24, v35;
	v27 =	vadd.f32 v41, v0;
	v26 =	vadd.f32 v22, v42  }
0xa49: {  	s23 =	simm.s32 $0xCB00;
	[tilespmem:$0x1FDD0] =	vst v4  }
0xa4a: {  	v24 =	vadd.f32 v24, v29;
	v29 =	vld [tilespmem:s23+$0x30];
	v25 =	vadd.f32 v27, v26  }
0xa4b: {  	v30 =	vld [tilespmem:s23+$0xA0];
	v26 =	vadd.f32 v45, v5;
	v27 =	vadd.f32 v1, v4  }
0xa4c: {  	v34 =	vld [tilespmem:s23+$0xFFFFFF90]  }
0xa4d: {  	v26 =	vadd.f32 v27, v26;
	v27 =	vld [tilespmem:s23+$0xFFFFFF00]  }
0xa4e: {  	v38 =	vld [tilespmem:s23+$0xFFFFFF10]  }
0xa4f: {  	v32 =	vld [tilespmem:s23+$0x80];
	v31 =	vperm.xlane v24, v57  }
0xa50: {  	v39 =	vld [tilespmem:s23+$0xFFFFFF30]  }
0xa51: {  	v24 =	vadd.f32 v24, v31;
	v31 =	vld [tilespmem:s23+$0xFFFFFFA0]  }
0xa52: {  	v30 =	vmul.f32 $1.442695020e+00, v30;
	v27 =	vmul.f32 $1.442695020e+00, v27  }
0xa53: {  	v36 =	vld [tilespmem:s23+$0xFFFFFF80];
	v34 =	vmul.f32 $1.442695020e+00, v34;
	v47 =	vmul.f32 $1.442695020e+00, v38  }
0xa54: {  	v28 =	vperm.xlane v25, v35;
	(erf) = vpow2.f32 v27  }
0xa55: {  	v46 =	vld [tilespmem:s23+$0xB0];
	v27 =	vmul.f32 $1.442695020e+00, v29;
	v29 =	vmul.f32 $1.442695020e+00, v32  }
0xa56: {  	v43 =	vld [tilespmem:s23+$0xFFFFFFB0];
	v52 =	vmul.f32 $1.442695020e+00, v39;
	v31 =	vmul.f32 $1.442695020e+00, v31  }
0xa57: {  	v51 =	vld [tilespmem:s23+$0x20];
	v25 =	vadd.f32 v25, v28;
	v28 =	vperm.xlane v26, v35;
	(erf) = vpow2.f32 v29  }
0xa58: {  	v29 =	vmul.f32 $1.442695020e+00, v36;
	(erf) = vpow2.f32 v31  }
0xa59: {  	v33 =	vperm.xlane v25, v57;
	v26 =	vadd.f32 v26, v28;
	v28 =	vld [tilespmem:s23+$0x90];
	(erf) = vpow2.f32 v34  }
0xa5a: {  	v55 =	vmul.f32 $1.442695020e+00, v46;
	(erf) = vpow2.f32 v29  }
0xa5b: {  	v1 =	vperm.xlane v24, v50;
	v25 =	vadd.f32 v25, v33;
	v63 =	vperm.xlane v26, v57;
	v31 =	vld [tilespmem:s23+$0x0]  }
0xa5c: {  	v32 =	vmul.f32 $1.442695020e+00, v43;
	v43 =	vmul.f32 $1.442695020e+00, v51;
	v29 =	vld [tilespmem:s23+$0xFFFFFF20]  }
0xa5d: {  	v37 =	vperm.xlane v25, v50;
	v26 =	vadd.f32 v26, v63;
	v36 =	vld [tilespmem:$0x1FFE0];
	(erf) = vpow2.f32 v47  }
0xa5e: {  	v58 =	vld [tilespmem:s23+$0x10];
	v28 =	vmul.f32 $1.442695020e+00, v28;
	(erf) = vpow2.f32 v32  }
0xa5f: {  	v56 =	vperm.xlane v26, v50;
	(erf) = vpow2.f32 v52;
	v59 =	vpop (erf)  }
0xa60: {  	v24 =	vadd.f32 v24, v1;
	v31 =	vmul.f32 $1.442695020e+00, v31;
	(erf) = vpow2.f32 v55;
	v51 =	vpop (erf)  }
0xa61: {  	(erf) = vpow2.f32 v27;
	v27 =	vmul.f32 $1.442695020e+00, v29;
	v47 =	vpop (erf)  }
0xa62: {  	v26 =	vadd.f32 v26, v56;
	(erf) = vpow2.f32 v28;
	v28 =	vperm.xlane v24, v36;
	v4 =	vpop (erf)  }
0xa63: {  	v25 =	vadd.f32 v25, v37;
	(erf) = vpow2.f32 v30;
	v30 =	vmul.f32 $1.442695020e+00, v58;
	[tilespmem:$0x1FE20] =	vst v47;
	v52 =	vpop (erf)  }
0xa64: {  	s1 =	simm.s32 $0x8880;
	(erf) = vpow2.f32 v27;
	v27 =	vperm.xlane v26, v36;
	v24 =	vadd.f32 v24, v28;
	[tilespmem:$0x1FE10] =	vst v52  }
0xa65: {  	s24 =	simm.s32 $0x8980;
	v55 =	vadd.f32 v61, v49;
	v29 =	vadd.f32 v54, v48;
	(erf) = vpow2.f32 v43;
	v28 =	vld [tilespmem:s1+$0xFFFFFF80]  }
0xa66: {  	v56 =	vpop (erf);
	(erf) = vpow2.f32 v30;
	v26 =	vadd.f32 v26, v27;
	v24 =	vmul.f32 $1.024000000e+03, v24;
	v30 =	vld [tilespmem:s24+$0xFFFFFF80]  }
0xa67: {  	v27 =	vadd.f32 v55, v29;
	v29 =	vperm.xlane v25, v36;
	v1 =	vpop (erf);
	(erf) = vpow2.f32 v31;
	v31 =	vld [tilespmem:s1+$0x0]  }
0xa68: {  	v58 =	vld [tilespmem:s1+$0xFFFFFFC0]  }
0xa69: {  	v63 =	vpop (erf);
	(erf) = vrcp.f32 v24;
	v24 =	vperm.xlane v27, v35;
	v25 =	vadd.f32 v25, v29;
	v29 =	vld [tilespmem:s1+$0x40];
	[tilespmem:$0x1FD00] =	vst v4  }
0xa6a: {  	v26 =	vmul.f32 $1.024000000e+03, v26;
	[tilespmem:$0x1FD10] =	vst v1  }
0xa6b: {  	[tilespmem:$0x1FD20] =	vst v56;
	v24 =	vadd.f32 v27, v24  }
0xa6c: {  	[tilespmem:$0x1FD30] =	vst v59;
	v21 =	vpop (erf);
	(erf) = vrcp.f32 v26  }
0xa6d: {  	[tilespmem:$0x1FD50] =	vst v51;
	v3 =	vpop (erf);
	v26 =	vmul.f32 $9.765625000e-04, v30;
	v62 =	vperm.xlane v24, v57  }
0xa6e: {  	v27 =	vadd.f32 v1, v47;
	[tilespmem:$0x1FD70] =	vst v21;
	v43 =	vmul.f32 $9.765625000e-04, v28;
	v28 =	vpop (erf);
	v30 =	vadd.f32 v56, v59  }
0xa6f: {  	[tilespmem:$0x1FCF0] =	vst v26;
	v26 =	vadd.f32 v4, v52;
	v4 =	vpop (erf);
	v47 =	vadd.f32 v24, v62  }
0xa70: {  	v34 =	vmov v50;
	[tilespmem:$0x1FD40] =	vst v28;
	v59 =	vadd.f32 v28, v51;
	v60 =	vadd.f32 v21, v4  }
0xa71: {  	v1 =	vpop (erf);
	[tilespmem:$0x1FD60] =	vst v4;
	v26 =	vadd.f32 v27, v26;
	v27 =	vperm.xlane v47, v34  }
0xa72: {  	v25 =	vmul.f32 $1.024000000e+03, v25;
	v4 =	vpop (erf);
	[tilespmem:$0x1FD80] =	vst v1;
	v51 =	vadd.f32 v63, v1;
	v46 =	vadd.f32 v60, v59  }
0xa73: {  	v39 =	vmov v3;
	v31 =	vmul.f32 $9.765625000e-04, v31;
	v1 =	vpop (erf);
	[tilespmem:$0x1FDB0] =	vst v4;
	v27 =	vadd.f32 v47, v27  }
0xa74: {  	v52 =	vadd.f32 v39, v4;
	v3 =	vpop (erf);
	[tilespmem:$0x1FD90] =	vst v1;
	v51 =	vadd.f32 v51, v30;
	v30 =	vperm.xlane v46, v35  }
0xa75: {  	s26 =	simm.s32 $0x8A80;
	(erf) = vrcp.f32 v25;
	[tilespmem:$0x1FDA0] =	vst v3;
	v25 =	vadd.f32 v1, v3;
	v24 =	vpop (erf);
	v62 =	vperm.xlane v27, v36  }
0xa76: {  	v56 =	vperm.xlane v26, v35;
	v24 =	vmul.f32 v24, v53;
	v30 =	vadd.f32 v46, v30;
	v46 =	vld [tilespmem:s26+$0xFFFFFF80]  }
0xa77: {  	v50 =	vmul.f32 $9.765625000e-04, v58;
	v38 =	vpop (erf);
	v25 =	vadd.f32 v52, v25;
	v27 =	vadd.f32 v27, v62  }
0xa78: {  	v33 =	vmovc v53;
	v26 =	vadd.f32 v26, v56;
	v53 =	vmul.f32 v38, v53;
	v38 =	vmul.f32 v24, v44  }
0xa79: {  	s25 =	simm.s32 $0xCD00;
	v60 =	vperm.xlane v25, v35;
	v27 =	vmul.f32 $1.024000000e+03, v27  }
0xa7a: {  	v37 =	vmov v57;
	v44 =	vld [tilespmem:s25+$0xFFFFFF00];
	v47 =	vperm.xlane v30, v57;
	v57 =	vperm.xlane v26, v57  }
0xa7b: {  	v32 =	vld [tilespmem:s25+$0x30];
	v1 =	vmul.f32 $9.765625000e-04, v46;
	(erf) = vrcp.f32 v27  }
0xa7c: {  	v29 =	vmul.f32 $9.765625000e-04, v29;
	v55 =	vperm.xlane v51, v35;
	v62 =	vld [tilespmem:s25+$0xA0];
	v25 =	vadd.f32 v25, v60  }
0xa7d: {  	v56 =	vmul.f32 v24, v23;
	v58 =	vmul.f32 v24, v40;
	v26 =	vadd.f32 v26, v57;
	v57 =	vld [tilespmem:s25+$0x80];
	[tilespmem:$0x1FDC0] =	vst v1  }
0xa7e: {  	v21 =	vmul.f32 v53, v5;
	v59 =	vperm.xlane v25, v37;
	v60 =	vpop (erf);
	v1 =	vld [tilespmem:s25+$0xFFFFFFA0]  }
0xa7f: {  	v44 =	vmul.f32 $1.442695020e+00, v44;
	v46 =	vmul.f32 v60, v33;
	v40 =	vld [tilespmem:s25+$0x90]  }
0xa80: {  	v23 =	vmul.f32 v53, v45;
	v52 =	vmul.f32 $1.442695020e+00, v32;
	v27 =	vld [tilespmem:s25+$0xFFFFFF90]  }
0xa81: {  	v25 =	vadd.f32 v25, v59;
	(erf) = vpow2.f32 v44;
	v32 =	vld [tilespmem:s25+$0xFFFFFF10];
	v44 =	vmul.f32 v46, v42  }
0xa82: {  	v57 =	vmul.f32 $1.442695020e+00, v57;
	v42 =	vmul.f32 v46, v41;
	v41 =	vld [tilespmem:s25+$0xFFFFFF30]  }
0xa83: {  	v30 =	vadd.f32 v30, v47;
	v47 =	vld [tilespmem:s25+$0xFFFFFF80];
	v4 =	vperm.xlane v25, v34;
	v1 =	vmul.f32 $1.442695020e+00, v1  }
0xa84: {  	(erf) = vpow2.f32 v57;
	v59 =	vmul.f32 $1.442695020e+00, v40;
	v40 =	vpop (erf)  }
0xa85: {  	v31 =	vsub.f32 v44, v31;
	(erf) = vpow2.f32 v1;
	v1 =	vld [tilespmem:s25+$0xFFFFFFB0];
	v44 =	vmul.f32 v40, v33  }
0xa86: {  	v50 =	vsub.f32 v56, v50;
	v28 =	vmul.f32 v46, v0;
	v27 =	vmul.f32 $1.442695020e+00, v27  }
0xa87: {  	v25 =	vadd.f32 v25, v4;
	[tilespmem:s22+$0x0] =	vst v31;
	v31 =	vmul.f32 $1.442695020e+00, v41;
	v41 =	vmul.f32 v44, v48  }
0xa88: {  	[tilespmem:s22+$0xFFFFFF80] =	vst v50;
	v45 =	vmul.f32 $1.442695020e+00, v32;
	v47 =	vmul.f32 $1.442695020e+00, v47;
	v50 =	vld [tilespmem:s1+$0x10]  }
0xa89: {  	s2 =	simm.s32 $0x40;
	v3 =	vld [tilespmem:s25+$0xB0];
	v5 =	vperm.xlane v25, v36;
	(erf) = vpow2.f32 v27;
	v41 =	vsub.f32 v41, v43  }
0xa8a: {  	s0 =	sor.u32 $0x50, s2;
	v0 =	vld [tilespmem:s25+$0x0];
	(erf) = vpow2.f32 v47;
	v1 =	vmul.f32 $1.442695020e+00, v1  }
0xa8b: {  	v21 =	vsub.f32 v21, v29;
	v62 =	vmul.f32 $1.442695020e+00, v62;
	v47 =	vld [tilespmem:s0+$0x8800];
	(erf) = vpow2.f32 v45;
	[tilespmem:s22+$0xFFFFFF00] =	vst v41  }
0xa8c: {  	v4 =	vperm.xlane v30, v34;
	(erf) = vpow2.f32 v1;
	v1 =	vadd.f32 v25, v5;
	v5 =	vld [tilespmem:s1+$0xFFFFFF90]  }
0xa8d: {  	[tilespmem:s22+$0x80] =	vst v21;
	v22 =	vmul.f32 v46, v22;
	v46 =	vld [tilespmem:s25+$0x20];
	v21 =	vmul.f32 $9.765625000e-04, v50  }
0xa8e: {  	v60 =	vperm.xlane v26, v34;
	v57 =	vld [tilespmem:s25+$0xFFFFFF20];
	v3 =	vmul.f32 $1.442695020e+00, v3;
	v4 =	vadd.f32 v30, v4  }
0xa8f: {  	(erf) = vpow2.f32 v31;
	v30 =	vmul.f32 $1.024000000e+03, v1;
	v1 =	vsub.f32 v22, v21  }
0xa90: {  	s0 =	simm.s32 $0xC0;
	(erf) = vpow2.f32 v3;
	v3 =	vmul.f32 $9.765625000e-04, v47  }
0xa91: {  	v27 =	vld [tilespmem:s25+$0x10];
	v48 =	vmul.f32 v44, v54;
	s4 =	sor.u32 $0x50, s0;
	[tilespmem:s22+$0x10] =	vst v1;
	v1 =	vmul.f32 $9.765625000e-04, v5  }
0xa92: {  	v26 =	vadd.f32 v26, v60;
	v0 =	vmul.f32 $1.442695020e+00, v0;
	v25 =	vld [tilespmem:s4+$0x8800];
	v3 =	vsub.f32 v58, v3  }
0xa93: {  	v32 =	vmul.f32 $1.442695020e+00, v46;
	v57 =	vmul.f32 $1.442695020e+00, v57;
	v1 =	vsub.f32 v48, v1  }
0xa94: {  	v47 =	vpop (erf);
	v22 =	vperm.xlane v4, v36;
	(erf) = vpow2.f32 v52;
	[tilespmem:s22+$0xFFFFFF90] =	vst v3  }
0xa95: {  	v21 =	vperm.xlane v26, v36;
	v56 =	vpop (erf);
	(erf) = vpow2.f32 v59;
	v3 =	vld [tilespmem:s1+$0x20];
	[tilespmem:s22+$0xFFFFFF10] =	vst v1  }
0xa96: {  	v27 =	vmul.f32 $1.442695020e+00, v27;
	s4 =	sor.u32 $0x60, s2;
	v41 =	vpop (erf);
	v4 =	vadd.f32 v4, v22;
	(erf) = vpow2.f32 v62;
	v1 =	vld [tilespmem:$0x1FDD0]  }
0xa97: {  	v58 =	vpop (erf);
	v5 =	vadd.f32 v26, v21;
	v21 =	vmul.f32 $9.765625000e-04, v25;
	(erf) = vpow2.f32 v57;
	v22 =	vld [tilespmem:s4+$0x8800]  }
0xa98: {  	v29 =	vmul.f32 v44, v49;
	v52 =	vpop (erf);
	(erf) = vpow2.f32 v32  }
0xa99: {  	v50 =	vpop (erf);
	v5 =	vmul.f32 $1.024000000e+03, v5;
	v21 =	vsub.f32 v23, v21;
	(erf) = vpow2.f32 v27  }
0xa9a: {  	v46 =	vmul.f32 v44, v61;
	v31 =	vpop (erf);
	(erf) = vpow2.f32 v0  }
0xa9b: {  	v25 =	vld [tilespmem:s24+$0x40];
	v44 =	vpop (erf);
	(erf) = vrcp.f32 v5;
	[tilespmem:s22+$0x90] =	vst v21;
	v5 =	vmul.f32 v53, v1  }
0xa9c: {  	v1 =	vmul.f32 $9.765625000e-04, v3;
	v3 =	vmul.f32 $9.765625000e-04, v22;
	v22 =	vld [tilespmem:$0x1FDF0]  }
0xa9d: {  	v4 =	vmul.f32 $1.024000000e+03, v4;
	v23 =	vld [tilespmem:s24+$0xFFFFFFC0]  }
0xa9e: {  	v0 =	vld [tilespmem:s24+$0x0]  }
0xa9f: {  	v27 =	vadd.f32 v51, v55;
	v55 =	vpop (erf);
	(erf) = vrcp.f32 v4;
	v4 =	vld [tilespmem:s1+$0xFFFFFFA0]  }
0xaa0: {  	s4 =	sor.u32 $0x60, s0;
	[tilespmem:$0x1FDE0] =	vst v31;
	v28 =	vsub.f32 v28, v1;
	v1 =	vld [tilespmem:$0x1FE00]  }
0xaa1: {  	v62 =	vmul.f32 v24, v22;
	v22 =	vld [tilespmem:s4+$0x8800]  }
0xaa2: {  	v51 =	vpop (erf)  }
0xaa3: {  	v26 =	vadd.f32 v58, v52;
	v21 =	vadd.f32 v31, v41;
	v59 =	vpop (erf)  }
0xaa4: {  	v45 =	vpop (erf);
	v4 =	vmul.f32 $9.765625000e-04, v4;
	v38 =	vsub.f32 v38, v3;
	v3 =	vmul.f32 $9.765625000e-04, v25  }
0xaa5: {  	v57 =	vmul.f32 v53, v1;
	v1 =	vmul.f32 $9.765625000e-04, v0;
	v0 =	vadd.f32 v55, v45;
	v53 =	vpop (erf)  }
0xaa6: {  	v24 =	vadd.f32 v50, v47;
	v25 =	vadd.f32 v44, v53;
	v22 =	vmul.f32 $9.765625000e-04, v22  }
0xaa7: {  	v31 =	vadd.f32 v59, v56;
	v4 =	vsub.f32 v29, v4;
	[tilespmem:s22+$0xFFFFFFA0] =	vst v38  }
0xaa8: {  	s2 =	sor.u32 $0x70, s2;
	[tilespmem:s22+$0x20] =	vst v28;
	v60 =	vpop (erf);
	v61 =	vadd.f32 v25, v24;
	v25 =	vperm.xlane v27, v37;
	v5 =	vsub.f32 v5, v22  }
0xaa9: {  	(erf) = vrcp.f32 v30;
	v38 =	vld [tilespmem:s2+$0x8800];
	[tilespmem:s22+$0xFFFFFF20] =	vst v4;
	v30 =	vadd.f32 v0, v31;
	v0 =	vpop (erf)  }
0xaaa: {  	v26 =	vadd.f32 v21, v26;
	v4 =	vld [tilespmem:$0x1FE10];
	v21 =	vpop (erf);
	[tilespmem:s22+$0xA0] =	vst v5  }
0xaab: {  	v23 =	vmul.f32 $9.765625000e-04, v23;
	v31 =	vadd.f32 v51, v60;
	v29 =	vadd.f32 v0, v21;
	v40 =	vpop (erf);
	v5 =	vld [tilespmem:$0x1FE20]  }
0xaac: {  	v54 =	vperm.xlane v30, v35;
	v24 =	vadd.f32 v27, v25;
	v43 =	vperm.xlane v61, v35;
	v25 =	vpop (erf)  }
0xaad: {  	v49 =	vmul.f32 v40, v33;
	v28 =	vadd.f32 v31, v29;
	v48 =	vmul.f32 v25, v33  }
0xaae: {  	s31 =	simm.s32 $0x8;
	v22 =	vld [tilespmem:s1+$0x30];
	v61 =	vadd.f32 v61, v43;
	v29 =	vperm.xlane v24, v34;
	v31 =	vperm.xlane v26, v35  }
0xaaf: {  	s30 =	simm.s32 $0x1C0;
	s29 =	simm.s32 $0x140;
	s0 =	sor.u32 $0x70, s0;
	v25 =	vadd.f32 v30, v54;
	v27 =	vmul.f32 v49, v4;
	v4 =	vld [tilespmem:s1+$0xFFFFFFB0];
	v30 =	vperm.xlane v28, v35  }
0xab0: {  	s28 =	simm.s32 $0x1C0;
	s2 =	simm.s32 $0x8B80;
	s1 =	simm.s32 $0xCF00;
	v29 =	vadd.f32 v24, v29;
	v24 =	vmul.f32 $9.765625000e-04, v38;
	v54 =	vmul.f32 v49, v5;
	v5 =	vld [tilespmem:s0+$0x8800]  }
.LBB2_32:
0xab1: {  	v28 =	vadd.f32 v28, v30;
	_ =	sdelay $0x1  }
0xab2: {  	v26 =	vadd.f32 v26, v31;
	v40 =	vld [tilespmem:$0x1FD50];
	v38 =	vperm.xlane v28, v37  }
0xab3: {  	v32 =	vld [tilespmem:s1+$0xFFFFFF00];
	v22 =	vmul.f32 $9.765625000e-04, v22  }
0xab4: {  	v34 =	vld [tilespmem:s2+$0xFFFFFF80];
	v24 =	vsub.f32 v62, v24;
	v62 =	vperm.xlane v26, v37  }
0xab5: {  	v31 =	vperm.xlane v29, v36;
	v35 =	vmul.f32 $9.765625000e-04, v4;
	v4 =	vmovc v55;
	v55 =	vld [tilespmem:s1+$0x30];
	v43 =	vsub.f32 v42, v22  }
0xab6: {  	v28 =	vadd.f32 v28, v38;
	v38 =	vmov v41;
	v41 =	vld [tilespmem:$0x1FF70]  }
0xab7: {  	v26 =	vadd.f32 v26, v62;
	v62 =	vmul.f32 v48, v40;
	v29 =	vadd.f32 v29, v31;
	[tilespmem:s22+$0x30] =	vst v43;
	v43 =	vld [tilespmem:$0x1FFD0]  }
0xab8: {  	[tilespmem:s22+$0xFFFFFFB0] =	vst v24;
	v24 =	vld [tilespmem:s1+$0x90]  }
0xab9: {  	v3 =	vsub.f32 v62, v3;
	v62 =	vld [tilespmem:$0x1FDA0];
	v29 =	vmul.f32 $1.024000000e+03, v29  }
0xaba: {  	v30 =	vmov v58;
	v23 =	vsub.f32 v27, v23;
	v5 =	vmul.f32 $9.765625000e-04, v5;
	[tilespmem:$0x1FCE0] =	vst v4;
	v4 =	vld [tilespmem:$0x1FD00]  }
0xabb: {  	v27 =	vpop (erf);
	v32 =	vmul.f32 $1.442695020e+00, v32;
	v31 =	vld [tilespmem:s1+$0x80];
	v35 =	vsub.f32 v46, v35;
	(erf) = vrcp.f32 v29  }
0xabc: {  	[tilespmem:$0x1FD00] =	vst v30;
	v30 =	vld [tilespmem:s1+$0xA0];
	v22 =	vmov v56;
	v27 =	vmul.f32 v27, v41;
	v56 =	vperm.xlane v28, v43  }
0xabd: {  	[tilespmem:s22+$0xFFFFFF30] =	vst v35;
	v35 =	vld [tilespmem:s1+$0xFFFFFFA0];
	(erf) = vpow2.f32 v32;
	v42 =	vperm.xlane v26, v43  }
0xabe: {  	v40 =	vsub.f32 v57, v5;
	v32 =	vmul.f32 v27, v62;
	v62 =	vld [tilespmem:$0x1FD40]  }
0xabf: {  	v5 =	vmov v21;
	v21 =	vadd.f32 v26, v42;
	v26 =	vadd.f32 v28, v56;
	v28 =	vld [tilespmem:$0x1FD90]  }
0xac0: {  	v31 =	vmul.f32 $1.442695020e+00, v31;
	v56 =	vmov v0;
	v0 =	vld [tilespmem:$0x1FDB0]  }
0xac1: {  	v58 =	vmov v60;
	v60 =	vmul.f32 $1.442695020e+00, v24;
	[tilespmem:$0x1FD50] =	vst v22;
	v22 =	vmul.f32 $9.765625000e-04, v34;
	v24 =	vld [tilespmem:s1+$0x20]  }
0xac2: {  	(erf) = vpow2.f32 v31;
	v57 =	vperm.xlane v26, v36  }
0xac3: {  	v46 =	vld [tilespmem:s1+$0xB0];
	v31 =	vmul.f32 $1.442695020e+00, v35;
	v42 =	vmul.f32 v27, v39  }
0xac4: {  	v34 =	vld [tilespmem:s1+$0xFFFFFF90];
	v26 =	vadd.f32 v26, v57;
	v57 =	vmul.f32 v48, v62;
	v28 =	vmul.f32 v27, v28  }
0xac5: {  	[tilespmem:$0x1FDA0] =	vst v5;
	v5 =	vld [tilespmem:s1+$0xFFFFFF80];
	v0 =	vmul.f32 v27, v0;
	v27 =	vmul.f32 $1.442695020e+00, v30;
	v30 =	vpop (erf)  }
0xac6: {  	[tilespmem:s22+$0xB0] =	vst v40;
	v62 =	vpop (erf);
	(erf) = vpow2.f32 v31;
	v31 =	vmul.f32 $1.442695020e+00, v24;
	v24 =	vld [tilespmem:$0x1FD30]  }
0xac7: {  	s22 =	smov.u32 s23;
	[tilespmem:$0x1FD90] =	vst v56;
	v56 =	vld [tilespmem:s1+$0x0]  }
0xac8: {  	v33 =	vperm.xlane v25, v37;
	[tilespmem:s22+$0xFFFFFF80] =	vst v23;
	v23 =	vmul.f32 $1.442695020e+00, v46;
	v46 =	vmovc v59;
	v59 =	vmovc v47;
	v47 =	vmov v62;
	v62 =	vld [tilespmem:$0x1FCF0]  }
0xac9: {  	v29 =	vld [tilespmem:s1+$0xFFFFFF10];
	v30 =	vmul.f32 v30, v41  }
0xaca: {  	v25 =	vadd.f32 v25, v33;
	[tilespmem:$0x1FD40] =	vst v46;
	v46 =	vld [tilespmem:s1+$0xFFFFFFB0]  }
0xacb: {  	v33 =	vld [tilespmem:s1+$0xFFFFFF20];
	v34 =	vmul.f32 $1.442695020e+00, v34;
	v24 =	vmul.f32 v30, v24  }
0xacc: {  	v55 =	vmul.f32 $1.442695020e+00, v55;
	v1 =	vsub.f32 v32, v1;
	v32 =	vld [tilespmem:s1+$0xFFFFFF30];
	[tilespmem:$0x1FDB0] =	vst v58;
	v58 =	vperm.xlane v25, v43  }
0xacd: {  	v35 =	vmul.f32 $1.442695020e+00, v56;
	v56 =	vld [tilespmem:s1+$0x10];
	(erf) = vpow2.f32 v34;
	v24 =	vsub.f32 v24, v62  }
0xace: {  	v4 =	vmul.f32 v49, v4;
	v5 =	vmul.f32 $1.442695020e+00, v5;
	[tilespmem:$0x1FD30] =	vst v59;
	v34 =	vld [tilespmem:$0x1FDC0]  }
0xacf: {  	v29 =	vmul.f32 $1.442695020e+00, v29;
	v25 =	vadd.f32 v25, v58;
	v58 =	vmul.f32 $1.442695020e+00, v46;
	[tilespmem:s22+$0x0] =	vst v1;
	v59 =	vld [tilespmem:$0x1FD20]  }
0xad0: {  	v1 =	vmul.f32 $1.442695020e+00, v33;
	v33 =	vld [tilespmem:s24+$0x10];
	(erf) = vpow2.f32 v5  }
0xad1: {  	v32 =	vmul.f32 $1.442695020e+00, v32;
	(erf) = vpow2.f32 v29;
	[tilespmem:s22+$0xFFFFFF00] =	vst v24;
	v24 =	vmov v53  }
0xad2: {  	s4 =	sor.u32 $0x50, s29;
	v46 =	vmov v22;
	v5 =	vld [tilespmem:$0x1FD80];
	v22 =	vmul.f32 $1.442695020e+00, v56;
	v56 =	vpop (erf);
	(erf) = vpow2.f32 v58  }
0xad3: {  	v40 =	vmovc v51;
	v51 =	vld [tilespmem:s4+$0x8800];
	[tilespmem:$0x1FDC0] =	vst v46;
	v46 =	vmul.f32 v30, v63;
	v39 =	vmov v34;
	(erf) = vpow2.f32 v32  }
0xad4: {  	v34 =	vmul.f32 v30, v59;
	v29 =	vld [tilespmem:s24+$0xFFFFFF90];
	[tilespmem:$0x1FD80] =	vst v24;
	v24 =	vpop (erf);
	(erf) = vpow2.f32 v23  }
0xad5: {  	[tilespmem:s22+$0x80] =	vst v3;
	v3 =	vmul.f32 $9.765625000e-04, v33;
	(erf) = vpow2.f32 v55  }
0xad6: {  	s4 =	sor.u32 $0x50, s28;
	[tilespmem:$0x1FCF0] =	vst v39;
	v39 =	vmov v44;
	v44 =	vperm.xlane v21, v36;
	v58 =	vpop (erf);
	(erf) = vpow2.f32 v60  }
0xad7: {  	v5 =	vmul.f32 v30, v5;
	v30 =	vld [tilespmem:s4+$0x8800];
	v3 =	vsub.f32 v28, v3;
	(erf) = vpow2.f32 v27  }
0xad8: {  	v23 =	vmul.f32 $9.765625000e-04, v51;
	(erf) = vpow2.f32 v1;
	v1 =	vadd.f32 v21, v44  }
0xad9: {  	v62 =	vmov v50;
	v28 =	vmul.f32 $9.765625000e-04, v29;
	v32 =	vpop (erf);
	(erf) = vpow2.f32 v31  }
0xada: {  	[tilespmem:s22+$0x10] =	vst v3;
	v4 =	vsub.f32 v4, v23;
	v50 =	vpop (erf);
	(erf) = vpow2.f32 v22;
	v1 =	vmul.f32 $1.024000000e+03, v1  }
0xadb: {  	v3 =	vld [tilespmem:s24+$0x20];
	v23 =	vperm.xlane v25, v36;
	v29 =	vpop (erf);
	(erf) = vpow2.f32 v35  }
0xadc: {  	[tilespmem:s22+$0xFFFFFF90] =	vst v4;
	v4 =	vmul.f32 $9.765625000e-04, v30;
	v44 =	vpop (erf);
	(erf) = vrcp.f32 v1;
	v1 =	vld [tilespmem:$0x1FD60]  }
0xadd: {  	s4 =	sor.u32 $0x60, s29  }
0xade: {  	v21 =	vadd.f32 v25, v23;
	v25 =	vld [tilespmem:s4+$0x8800];
	v4 =	vsub.f32 v57, v4  }
0xadf: {  	v22 =	vld [tilespmem:s26+$0x40]  }
0xae0: {  	[tilespmem:s22+$0x90] =	vst v4;
	v4 =	vld [tilespmem:$0x1FD10]  }
0xae1: {  	v23 =	vsub.f32 v34, v28;
	v31 =	vmul.f32 v48, v1;
	v1 =	vmul.f32 $9.765625000e-04, v3;
	v3 =	vmovc v45;
	v45 =	vld [tilespmem:$0x1FDE0]  }
0xae2: {  	v28 =	vld [tilespmem:s26+$0x0];
	v21 =	vmul.f32 $1.024000000e+03, v21  }
0xae3: {  	[tilespmem:s22+$0xFFFFFF10] =	vst v23;
	v55 =	vpop (erf);
	v0 =	vsub.f32 v0, v1;
	v1 =	vld [tilespmem:$0x1FD70]  }
0xae4: {  	(erf) = vrcp.f32 v21;
	v21 =	vld [tilespmem:s24+$0xFFFFFFA0];
	v51 =	vpop (erf)  }
0xae5: {  	[tilespmem:$0x1FD20] =	vst v62;
	v27 =	vadd.f32 v58, v32;
	v30 =	vadd.f32 v29, v24;
	s4 =	sor.u32 $0x60, s28;
	v59 =	vpop (erf)  }
0xae6: {  	v62 =	vmul.f32 v49, v4;
	v4 =	vld [tilespmem:s4+$0x8800];
	[tilespmem:$0x1FD60] =	vst v3;
	v3 =	vmul.f32 $9.765625000e-04, v25;
	v25 =	vmov v45;
	v45 =	vpop (erf)  }
0xae7: {  	v26 =	vmul.f32 $1.024000000e+03, v26;
	[tilespmem:$0x1FD10] =	vst v25;
	v25 =	vadd.f32 v50, v47;
	v49 =	vadd.f32 v55, v45  }
0xae8: {  	v63 =	vld [tilespmem:$0x1FFF0];
	v53 =	vpop (erf);
	v57 =	vmul.f32 v48, v1;
	v1 =	vmul.f32 $9.765625000e-04, v28;
	v28 =	vsub.f32 v54, v3  }
0xae9: {  	v3 =	vmul.f32 $9.765625000e-04, v22;
	v22 =	vadd.f32 v44, v53;
	v60 =	vpop (erf);
	v48 =	vmul.f32 $9.765625000e-04, v21  }
0xaea: {  	v33 =	vadd.f32 v59, v56;
	[tilespmem:s22+$0x20] =	vst v0;
	(erf) = vrcp.f32 v26;
	v26 =	vadd.f32 v30, v27;
	v0 =	vpop (erf)  }
0xaeb: {  	v4 =	vmul.f32 $9.765625000e-04, v4;
	v30 =	vadd.f32 v22, v25;
	v21 =	vpop (erf);
	v5 =	vsub.f32 v5, v48  }
0xaec: {  	v23 =	vld [tilespmem:s26+$0xFFFFFFC0];
	[tilespmem:s22+$0xFFFFFFA0] =	vst v28;
	v22 =	vperm.xlane v61, v37;
	v28 =	vadd.f32 v51, v60;
	v54 =	vadd.f32 v0, v21  }
0xaed: {  	v27 =	vadd.f32 v49, v33;
	v49 =	vpop (erf);
	[tilespmem:s22+$0xFFFFFF20] =	vst v5;
	v5 =	vsub.f32 v31, v4;
	v31 =	vperm.xlane v30, v63  }
0xaee: {  	v36 =	vadd.f32 v61, v22;
	v61 =	vpop (erf);
	v28 =	vadd.f32 v28, v54  }
0xaef: {  	v34 =	vperm.xlane v27, v63;
	v48 =	vmul.f32 v61, v41;
	v61 =	vadd.f32 v30, v31  }
0xaf0: {  	s31 =	sadd.s32 $0x4, s31;
	s4 =	sor.u32 $0x70, s29;
	v31 =	vperm.xlane v26, v63;
	v30 =	vperm.xlane v28, v63;
	v63 =	vmovc v39;
	v39 =	vmov v40;
	v40 =	vld [tilespmem:$0x1FCE0]  }
0xaf1: {  	p0 =	slt.u32 s31, $0xFC;
	v33 =	vld [tilespmem:s4+$0x8800]  }
.Ltmp23:
0xaf2: {  	s30 =	sadd.s32 $0x100, s30;
	(pc) =	sbr.rel @p0 .LBB2_32-.Ltmp23, $4  }
0xaf3: {  	s0 =	sadd.s32 $0xFFFFFF80, s30;
	v49 =	vmul.f32 v49, v41;
	v22 =	vld [tilespmem:s24+$0x30]  }
0xaf4: {  	s23 =	smov.u32 s25;
	s25 =	smov.u32 s1;
	v23 =	vmul.f32 $9.765625000e-04, v23;
	v25 =	vmov v29;
	s4 =	sor.u32 $0x70, s28;
	v4 =	vld [tilespmem:s24+$0xFFFFFFB0];
	v29 =	vperm.xlane v36, v43;
	[tilespmem:s22+$0xA0] =	vst v5  }
0xaf5: {  	s1 =	sadd.s32 $0x200, s1;
	s29 =	smov.u32 s0;
	s28 =	smov.u32 s30;
	[tilespmem:$0x1FDE0] =	vst v25;
	v25 =	vadd.f32 v27, v34;
	v41 =	vmovc v24;
	v27 =	vmul.f32 v49, v52;
	v5 =	vld [tilespmem:s4+$0x8800];
	v43 =	vmov v40  }
0xaf6: {  	s24 =	smov.u32 s26;
	s26 =	smov.u32 s2;
	s2 =	sadd.s32 $0x100, s2;
	v54 =	vmul.f32 v49, v38;
	v52 =	vmovc v32;
	v29 =	vadd.f32 v36, v29;
	v36 =	vld [tilespmem:$0x1FFE0];
	v24 =	vmul.f32 $9.765625000e-04, v33;
	[tilespmem:$0x1FD70] =	vst v43  }
0xaf7: {  	v26 =	vadd.f32 v26, v31  }
0xaf8: {  	v34 =	vld [tilespmem:$0x1FFD0]  }
0xaf9: {  	v40 =	vperm.xlane v26, v37  }
0xafa: {  	v28 =	vadd.f32 v28, v30  }
0xafb: {  	v43 =	vperm.xlane v25, v37;
	v26 =	vadd.f32 v26, v40  }
0xafc: {  	v38 =	vperm.xlane v61, v37;
	v32 =	vperm.xlane v28, v37  }
0xafd: {  	v25 =	vadd.f32 v25, v43;
	v33 =	vperm.xlane v29, v36;
	v40 =	vperm.xlane v26, v34  }
0xafe: {  	v30 =	vadd.f32 v61, v38;
	v28 =	vadd.f32 v28, v32  }
0xaff: {  	v43 =	vperm.xlane v25, v34;
	v29 =	vadd.f32 v29, v33;
	v26 =	vadd.f32 v26, v40  }
0xb00: {  	v38 =	vperm.xlane v30, v34;
	v37 =	vperm.xlane v28, v34  }
0xb01: {  	v29 =	vmul.f32 $1.024000000e+03, v29;
	v40 =	vperm.xlane v26, v36  }
0xb02: {  	v25 =	vadd.f32 v25, v43;
	v30 =	vadd.f32 v30, v38  }
0xb03: {  	v28 =	vadd.f32 v28, v37;
	(erf) = vrcp.f32 v29;
	v26 =	vadd.f32 v26, v40  }
0xb04: {  	v43 =	vperm.xlane v25, v36;
	v34 =	vperm.xlane v30, v36  }
0xb05: {  	v61 =	vperm.xlane v28, v36;
	v26 =	vmul.f32 $1.024000000e+03, v26  }
0xb06: {  	v25 =	vadd.f32 v25, v43  }
0xb07: {  	v35 =	vadd.f32 v30, v34;
	v34 =	vld [tilespmem:$0x1FF70];
	v28 =	vadd.f32 v28, v61;
	(erf) = vrcp.f32 v26  }
0xb08: {  	v25 =	vmul.f32 $1.024000000e+03, v25  }
0xb09: {  	v28 =	vmul.f32 $1.024000000e+03, v28  }
0xb0a: {  	v37 =	vmul.f32 $1.024000000e+03, v35;
	(erf) = vrcp.f32 v25  }
0xb0b: {  	v38 =	vpop (erf);
	v35 =	vld [tilespmem:$0x1FD50];
	(erf) = vrcp.f32 v28  }
0xb0c: {  	v27 =	vsub.f32 v27, v23;
	(erf) = vrcp.f32 v37;
	v40 =	vpop (erf);
	v37 =	vmul.f32 v38, v34;
	v38 =	vld [tilespmem:$0x1FDA0]  }
0xb0d: {  	v61 =	vmul.f32 v40, v34;
	v40 =	vld [tilespmem:$0x1FD30]  }
0xb0e: {  	v29 =	vld [tilespmem:s26+$0xFFFFFFC0];
	[tilespmem:s23+$0xFFFFFF80] =	vst v27  }
0xb0f: {  	v27 =	vld [tilespmem:$0x1FCF0]  }
0xb10: {  	v28 =	vmul.f32 v48, v35;
	v43 =	vpop (erf)  }
0xb11: {  	v30 =	vmul.f32 v37, v38;
	v23 =	vmul.f32 v43, v34  }
0xb12: {  	v31 =	vmul.f32 v61, v40;
	v40 =	vsub.f32 v28, v3  }
0xb13: {  	v29 =	vmul.f32 $9.765625000e-04, v29;
	v26 =	vld [tilespmem:s26+$0x0];
	v32 =	vpop (erf);
	v30 =	vsub.f32 v30, v1;
	v38 =	vmul.f32 v23, v52  }
0xb14: {  	v43 =	vpop (erf);
	v27 =	vsub.f32 v31, v27;
	[tilespmem:s23+$0x80] =	vst v40  }
0xb15: {  	v1 =	vmul.f32 v43, v34;
	[tilespmem:s23+$0x0] =	vst v30;
	v43 =	vsub.f32 v38, v29  }
0xb16: {  	[tilespmem:s23+$0xFFFFFF00] =	vst v27  }
0xb17: {  	v33 =	vld [tilespmem:s26+$0x40];
	[tilespmem:s25+$0xFFFFFF80] =	vst v43  }
0xb18: {  	v26 =	vmul.f32 $9.765625000e-04, v26;
	v35 =	vpop (erf);
	v27 =	vld [tilespmem:$0x1FDC0]  }
0xb19: {  	s0 =	sor.u32 $0x50, s29;
	v35 =	vmul.f32 v35, v34;
	v21 =	vmul.f32 v1, v21  }
0xb1a: {  	s2 =	sor.u32 $0x50, s28;
	v28 =	vld [tilespmem:s0+$0x8800];
	s0 =	sadd.s32 $0x100, s30;
	v3 =	vmul.f32 v32, v34  }
0xb1b: {  	s1 =	sadd.s32 $0xFFFFFF80, s0;
	v40 =	vld [tilespmem:s2+$0x8800];
	v52 =	vmul.f32 v35, v47;
	v21 =	vsub.f32 v21, v26  }
0xb1c: {  	s30 =	sor.u32 $0x50, s1;
	v32 =	vmul.f32 v3, v56;
	v31 =	vld [tilespmem:s24+$0xFFFFFF90];
	v38 =	vmul.f32 $9.765625000e-04, v33  }
0xb1d: {  	v43 =	vld [tilespmem:s30+$0x8800];
	[tilespmem:s25+$0x0] =	vst v21;
	v27 =	vsub.f32 v52, v27  }
0xb1e: {  	v25 =	vsub.f32 v32, v38;
	v21 =	vld [tilespmem:$0x1FD00]  }
0xb1f: {  	v47 =	vld [tilespmem:s26+$0x10];
	[tilespmem:s25+$0xFFFFFF00] =	vst v27  }
0xb20: {  	v27 =	vld [tilespmem:$0x1FD90];
	[tilespmem:s25+$0x80] =	vst v25  }
0xb21: {  	v25 =	vld [tilespmem:$0x1FD20]  }
0xb22: {  	v30 =	vld [tilespmem:s24+$0x10]  }
0xb23: {  	v28 =	vmul.f32 $9.765625000e-04, v28;
	v56 =	vld [tilespmem:$0x1FD40]  }
0xb24: {  	v0 =	vmul.f32 v1, v0;
	v21 =	vmul.f32 v49, v21  }
0xb25: {  	s31 =	sor.u32 $0x50, s0;
	v29 =	vmul.f32 $9.765625000e-04, v43;
	v43 =	vmul.f32 $9.765625000e-04, v47;
	v52 =	vld [tilespmem:s26+$0xFFFFFF90]  }
0xb26: {  	v31 =	vmul.f32 $9.765625000e-04, v31;
	v21 =	vsub.f32 v21, v28;
	v28 =	vld [tilespmem:s31+$0x8800];
	v25 =	vmul.f32 v61, v25  }
0xb27: {  	v30 =	vmul.f32 $9.765625000e-04, v30;
	v0 =	vsub.f32 v0, v43;
	v27 =	vmul.f32 v37, v27  }
0xb28: {  	v26 =	vmul.f32 $9.765625000e-04, v40;
	[tilespmem:s23+$0xFFFFFF90] =	vst v21;
	v34 =	vmul.f32 v48, v56;
	v21 =	vsub.f32 v25, v31  }
0xb29: {  	s4 =	sor.u32 $0x60, s29;
	v38 =	vmul.f32 v23, v58;
	[tilespmem:s25+$0x10] =	vst v0;
	v27 =	vsub.f32 v27, v30  }
0xb2a: {  	v40 =	vld [tilespmem:s4+$0x8800];
	v26 =	vsub.f32 v34, v26;
	[tilespmem:s23+$0xFFFFFF10] =	vst v21;
	v21 =	vmul.f32 v35, v50;
	v50 =	vmul.f32 $9.765625000e-04, v52  }
0xb2b: {  	v33 =	vld [tilespmem:s26+$0x20];
	v56 =	vmul.f32 v3, v59;
	v28 =	vmul.f32 $9.765625000e-04, v28;
	v25 =	vsub.f32 v38, v29;
	[tilespmem:s23+$0x10] =	vst v27  }
0xb2c: {  	v47 =	vld [tilespmem:s24+$0x20];
	[tilespmem:s23+$0x90] =	vst v26;
	v21 =	vsub.f32 v21, v50  }
0xb2d: {  	v22 =	vmul.f32 $9.765625000e-04, v22;
	s31 =	sor.u32 $0x60, s1;
	v59 =	vsub.f32 v56, v28;
	[tilespmem:s25+$0xFFFFFF90] =	vst v25;
	v52 =	vld [tilespmem:s24+$0xFFFFFFA0]  }
0xb2e: {  	v24 =	vsub.f32 v62, v24;
	v0 =	vld [tilespmem:s31+$0x8800];
	[tilespmem:s25+$0xFFFFFF10] =	vst v21  }
0xb2f: {  	s30 =	sor.u32 $0x60, s28;
	v21 =	vsub.f32 v42, v22;
	v22 =	vld [tilespmem:$0x1FDB0];
	[tilespmem:s25+$0x90] =	vst v59  }
0xb30: {  	v58 =	vld [tilespmem:s30+$0x8800];
	[tilespmem:s22+$0xFFFFFFB0] =	vst v24  }
0xb31: {  	v24 =	vld [tilespmem:$0x1FD80];
	[tilespmem:s22+$0x30] =	vst v21  }
0xb32: {  	v62 =	vmul.f32 $9.765625000e-04, v40;
	v21 =	vld [tilespmem:$0x1FD60]  }
0xb33: {  	v43 =	vmul.f32 v1, v60;
	v27 =	vmul.f32 $9.765625000e-04, v33  }
0xb34: {  	v26 =	vsub.f32 v54, v62;
	v42 =	vmul.f32 v23, v41;
	v0 =	vmul.f32 $9.765625000e-04, v0  }
0xb35: {  	v27 =	vsub.f32 v43, v27;
	v34 =	vmul.f32 $9.765625000e-04, v47;
	v22 =	vmul.f32 v37, v22  }
0xb36: {  	v29 =	vmul.f32 $9.765625000e-04, v52;
	[tilespmem:s23+$0xFFFFFFA0] =	vst v26;
	v0 =	vsub.f32 v42, v0;
	v24 =	vmul.f32 v61, v24  }
0xb37: {  	v38 =	vld [tilespmem:s26+$0xFFFFFFA0];
	v40 =	vmul.f32 $9.765625000e-04, v58;
	[tilespmem:s25+$0x20] =	vst v27;
	v21 =	vmul.f32 v48, v21;
	v22 =	vsub.f32 v22, v34  }
0xb38: {  	[tilespmem:s25+$0xFFFFFFA0] =	vst v0;
	v24 =	vsub.f32 v24, v29  }
0xb39: {  	s4 =	sor.u32 $0x60, s0;
	[tilespmem:s23+$0x20] =	vst v22;
	v21 =	vsub.f32 v21, v40  }
0xb3a: {  	s30 =	sor.u32 $0x70, s29;
	v25 =	vld [tilespmem:s4+$0x8800];
	[tilespmem:s23+$0xFFFFFF20] =	vst v24  }
0xb3b: {  	v22 =	vld [tilespmem:s30+$0x8800];
	[tilespmem:s23+$0xA0] =	vst v21  }
0xb3c: {  	v50 =	vmul.f32 v35, v53;
	v52 =	vmul.f32 $9.765625000e-04, v38;
	v58 =	vld [tilespmem:$0x1FD10]  }
0xb3d: {  	v4 =	vmul.f32 $9.765625000e-04, v4  }
0xb3e: {  	v5 =	vmul.f32 $9.765625000e-04, v5;
	v0 =	vsub.f32 v50, v52  }
0xb3f: {  	v4 =	vsub.f32 v46, v4;
	s1 =	sor.u32 $0x70, s1;
	v25 =	vmul.f32 $9.765625000e-04, v25;
	v53 =	vld [tilespmem:s24+$0xFFFFFFB0];
	v21 =	vmul.f32 v3, v45  }
0xb40: {  	v5 =	vsub.f32 v57, v5;
	v56 =	vld [tilespmem:s1+$0x8800];
	[tilespmem:s25+$0xFFFFFF20] =	vst v0  }
0xb41: {  	s31 =	sor.u32 $0x70, s28;
	v47 =	vld [tilespmem:s24+$0x30];
	[tilespmem:s22+$0xFFFFFF30] =	vst v4;
	v21 =	vsub.f32 v21, v25;
	v22 =	vmul.f32 $9.765625000e-04, v22;
	v25 =	vmul.f32 v49, v58  }
0xb42: {  	v54 =	vld [tilespmem:s31+$0x8800];
	[tilespmem:s22+$0xB0] =	vst v5  }
0xb43: {  	v0 =	vld [tilespmem:s26+$0x30];
	[tilespmem:s25+$0xA0] =	vst v21;
	v22 =	vsub.f32 v25, v22  }
0xb44: {  	s0 =	sor.u32 $0x70, s0;
	v4 =	vmul.f32 v61, v63;
	v21 =	vmul.f32 $9.765625000e-04, v53;
	v5 =	vld [tilespmem:$0x1FD70]  }
0xb45: {  	v62 =	vld [tilespmem:s0+$0x8800];
	[tilespmem:s23+$0xFFFFFFB0] =	vst v22  }
0xb46: {  	v59 =	vmul.f32 v37, v39;
	v24 =	vmul.f32 $9.765625000e-04, v47;
	v4 =	vsub.f32 v4, v21;
	v21 =	vld [tilespmem:$0x1FDE0]  }
0xb47: {  	v60 =	vld [tilespmem:s26+$0xFFFFFFB0]  }
0xb48: {  	v1 =	vmul.f32 v1, v51;
	v24 =	vsub.f32 v59, v24;
	v0 =	vmul.f32 $9.765625000e-04, v0  }
0xb49: {  	v63 =	vmul.f32 $9.765625000e-04, v54;
	v5 =	vmul.f32 v48, v5  }
0xb4a: {  	v3 =	vmul.f32 v3, v55;
	v0 =	vsub.f32 v1, v0;
	v1 =	vmul.f32 $9.765625000e-04, v62;
	[tilespmem:s23+$0x30] =	vst v24  }
0xb4b: {  	v22 =	vmul.f32 $9.765625000e-04, v56;
	[tilespmem:s23+$0xFFFFFF30] =	vst v4;
	v5 =	vsub.f32 v5, v63;
	v21 =	vmul.f32 v23, v21  }
0xb4c: {  	v4 =	vmul.f32 v35, v44;
	[tilespmem:s25+$0x30] =	vst v0;
	v0 =	vsub.f32 v3, v1;
	v23 =	vmul.f32 $9.765625000e-04, v60  }
0xb4d: {  	[tilespmem:s23+$0xB0] =	vst v5;
	v21 =	vsub.f32 v21, v22  }
0xb4e: {  	[tilespmem:s25+$0xB0] =	vst v0;
	v4 =	vsub.f32 v4, v23  }
0xb4f: {  	s21 =	sadd.s32 $0x1, s21;
	[tilespmem:s25+$0xFFFFFFB0] =	vst v21  }
0xb50: {  	p0 =	sne.s32 s21, s10;
	[tilespmem:s25+$0xFFFFFF30] =	vst v4  }
.Ltmp24:
0xb51: {  	_ =	strace $0x9000004B;
	(pc) =	sbr.rel @p0 .LBB2_1-.Ltmp24, $4  }
0xb52: {  	[hbm4b:s9+s3] =	stream.linear.scatter [tilespmem:s12], [sflag:$0x4], $0x8000, $0x38;
	[tilespmem:$0x14800] =	vst v63  }
0xb53: {  	_ =	swait.ge [sflag:s11], $0x8000  }
0xb54: {  	[sflag:s11] =	ssyncset.done $0x0  }
0xb55: {  	v4 =	vimm.f32 $0.0e+00;
	[sflag:s11] =	ssyncadd.s32 $0xFFFF8000  }
0xb56: {  	_ =	sfence.sel $0x180000  }
0xb57: {  	[bflag:$0x0] =	sbarrier.arrive $0xFFFF  }
0xb58: {  	_ =	strace $0x90000047  }
0xb59: {  	s0 =	stileid.u32;
	[bflag:$0x2] =	sbarrier.arrive $0xFFFF  }
0xb5a: {  	p0 =	sne.s32 s0, $0x0;
	s0 =	rddreg [dreg:$0x4]  }
0xb5b: {  	s0 =	sadd.s32 @!p0 $0x100000, s0  }
0xb5c: {  	[sflag:s0] =	ssyncadd.tile.s32 @!p0 $0x1;
	_ =	shalt  }
.Lfunc_end2:
_tile_overlayer_lowered:
.L_overlay_start_2:
0xb5d: {  	(tag) =	ssettag $0x2  }
0xb5e: {  	s0 =	rddreg [dreg:$0x0];
	s2 =	stileid.u32  }
0xb5f: {  	s1 =	rddreg [dreg:$0x1];
	p0 =	sne.s32 s2, $0x0  }
0xb60: {  	s3 =	rddreg [dreg:$0x2];
	[bflag:$0x3] =	sbarrier.arrive $0xFFFF;
	s2 =	simm.s32 @!p0 $0x1C04  }
0xb61: {  	[timem:s3], [sflag:s2] =	dma.local @!p0 [hbm:s0], s1  }
0xb62: {  	s0 =	simm.s32 @!p0 $0x4  }
0xb63: {  	_ =	swait.ge @!p0 [sflag:s0], s1  }
0xb64: {  	s1 =	ssub.s32 @!p0 $0x0, s1;
	[sflag:s0] =	ssyncset.done @!p0 $0x0  }
0xb65: {  	[sflag:s0] =	ssyncadd.s32 @!p0 s1  }
0xb66: {  	[bflag:$0x3] =	sbarrier.arrive $0xFFFF  }
0xb67: {  	_ =	shalt  }

</sc_bundles>
